<compile_context>
chip_gen: v7x
topology: tpu7x:2x2x1
jax: 0.10.2.dev20260603
libtpu: 0.0.44.dev20260713+nightly
codegen_flags: <defaults>
</compile_context>

<pallas_src>
import functools

import jax
import jax.numpy as jnp
from jax import lax
from jax.experimental import pallas as pl
from jax.experimental.pallas import tpu as pltpu
from jax.experimental.pallas import tpu_sc as plsc

N = 10000
D = 256
H = 128
NC = 2
NS = 16
NW = NC * NS
CH = 128
N_PAD = N + 16
RPS = 624
HR = 640
BM = 1000
EPS = 1e-5



def _sc_degree(dstp):
    n_chunks = dstp.shape[0]
    cpw = n_chunks // NW
    mesh = plsc.VectorSubcoreMesh(core_axis_name="c", subcore_axis_name="s")

    @functools.partial(
        pl.kernel, mesh=mesh,
        out_type=jax.ShapeDtypeStruct((NW, HR * 16), jnp.float32),
        scratch_types=[
            pltpu.VMEM((CH,), jnp.int32),
            pltpu.VMEM((HR * 16,), jnp.float32),
        ],
        compiler_params=pltpu.CompilerParams(needs_layout_passes=False),
    )
    def k(dst_hbm, out_hbm, idxv, hist):
        c = lax.axis_index("c")
        s = lax.axis_index("s")
        w = s * NC + c
        z = jnp.zeros((16,), jnp.float32)

        def zero_body(r, carry):
            hist[pl.ds(r * 16, 16)] = z
            return carry
        lax.fori_loop(0, HR, zero_body, 0)

        ones = jnp.ones((16,), jnp.float32)

        def body(j, carry):
            pltpu.sync_copy(dst_hbm.at[w * cpw + j], idxv)
            for kk in range(CH // 16):
                ii = idxv[pl.ds(kk * 16, 16)]
                plsc.addupdate_scatter(hist, [ii], ones)
            return carry
        lax.fori_loop(0, cpw, body, 0)
        pltpu.sync_copy(hist, out_hbm.at[w])

    return k(dstp)


def _sc_aggregate(hp, srcp, dstp):
    n_chunks = srcp.shape[0]
    cps = n_chunks // NS
    mesh = plsc.VectorSubcoreMesh(core_axis_name="c", subcore_axis_name="s")

    @functools.partial(
        pl.kernel, mesh=mesh,
        out_type=jax.ShapeDtypeStruct((NC, N, H), jnp.float32),
        scratch_types=[
            pltpu.VMEM((cps // 2, CH), jnp.int32),
            pltpu.VMEM((cps // 2, CH), jnp.int32),
            pltpu.VMEM((2, CH, H), jnp.float32),
            pltpu.VMEM_SHARED((N_PAD, H), jnp.float32),
            pltpu.SemaphoreType.DMA((2,)),
        ],
        compiler_params=pltpu.CompilerParams(needs_layout_passes=False),
    )
    def k(hp_hbm, src_hbm, dst_hbm, out_hbm, sidx, didx, rows, acc, sem):
        c = lax.axis_index("c")
        s = lax.axis_index("s")
        r0 = s * RPS
        pltpu.sync_copy(hp_hbm.at[c, pl.ds(r0, RPS)], acc.at[pl.ds(r0, RPS)])

        @pl.when(s == NS - 1)
        def _():
            pltpu.sync_copy(hp_hbm.at[c, pl.ds(NS * RPS, N - NS * RPS)],
                            acc.at[pl.ds(NS * RPS, N - NS * RPS)])
        plsc.subcore_barrier()

        def start_gather(j):
            b = lax.rem(j, 2)
            pltpu.async_copy(hp_hbm.at[c].at[sidx.at[j]], rows.at[b],
                             sem.at[b])

        def wait_gather(j):
            b = lax.rem(j, 2)
            pltpu.make_async_copy(hp_hbm.at[c].at[sidx.at[j]], rows.at[b],
                                  sem.at[b]).wait()

        hc = cps // 2
        for p in range(2):
            pltpu.sync_copy(src_hbm.at[pl.ds(s * cps + p * hc, hc)], sidx)
            pltpu.sync_copy(dst_hbm.at[pl.ds(s * cps + p * hc, hc)], didx)
            start_gather(0)

            def body(j, carry):
                @pl.when(j + 1 < hc)
                def _():
                    start_gather(j + 1)
                wait_gather(j)
                pltpu.sync_copy(rows.at[lax.rem(j, 2)], acc.at[didx.at[j]],
                                add=True)
                return carry
            lax.fori_loop(0, hc, body, 0)

        plsc.subcore_barrier()
        pltpu.sync_copy(acc.at[pl.ds(r0, RPS)], out_hbm.at[c, pl.ds(r0, RPS)])

        @pl.when(s == NS - 1)
        def _():
            pltpu.sync_copy(acc.at[pl.ds(NS * RPS, N - NS * RPS)],
                            out_hbm.at[c, pl.ds(NS * RPS, N - NS * RPS)])

    return k(hp, srcp, dstp)



def _tc_dinv(parts):
    def body(p_ref, o_ref):
        deg = jnp.sum(p_ref[...], axis=0, keepdims=True) + 1.0
        o_ref[...] = lax.rsqrt(deg)
    return pl.pallas_call(
        body,
        out_shape=jax.ShapeDtypeStruct((1, parts.shape[1]), jnp.float32),
    )(parts)


def _split_store(o_ref, hp):
    o_ref[0] = hp[:, :H]
    o_ref[1] = hp[:, H:]


def _tc_pre(x, W, dinv):
    def body(x_ref, w_ref, dv_ref, o_ref):
        h = jnp.dot(x_ref[...], w_ref[...], preferred_element_type=jnp.float32)
        _split_store(o_ref, dv_ref[...] * h)
    grid = N // BM
    return pl.pallas_call(
        body,
        grid=(grid,),
        in_specs=[
            pl.BlockSpec((BM, D), lambda i: (i, 0)),
            pl.BlockSpec((D, D), lambda i: (0, 0)),
            pl.BlockSpec((BM, 1), lambda i: (i, 0)),
        ],
        out_specs=pl.BlockSpec((NC, BM, H), lambda i: (0, i, 0)),
        out_shape=jax.ShapeDtypeStruct((NC, N, H), jnp.float32),
    )(x, W, dinv)


def _combine(s_ref, dv_ref, b_ref):
    seg = jnp.concatenate([s_ref[0], s_ref[1]], axis=1)
    return dv_ref[...] * seg + b_ref[...]


def _tc_stats(segp, dinv, b):
    def body(s_ref, dv_ref, b_ref, o_ref):
        t = _combine(s_ref, dv_ref, b_ref)
        @pl.when(pl.program_id(0) == 0)
        def _():
            o_ref[...] = jnp.zeros_like(o_ref)
        o_ref[0:1, :] += jnp.sum(t, axis=0, keepdims=True)
        o_ref[1:2, :] += jnp.sum(t * t, axis=0, keepdims=True)
    grid = N // BM
    return pl.pallas_call(
        body,
        grid=(grid,),
        in_specs=[
            pl.BlockSpec((NC, BM, H), lambda i: (0, i, 0)),
            pl.BlockSpec((BM, 1), lambda i: (i, 0)),
            pl.BlockSpec((1, D), lambda i: (0, 0)),
        ],
        out_specs=pl.BlockSpec((8, D), lambda i: (0, 0)),
        out_shape=jax.ShapeDtypeStruct((8, D), jnp.float32),
    )(segp, dinv, b)


def _tc_bn_relu_mm(segp, dinv, b, stats, g, be, W):
    def body(s_ref, dv_ref, b_ref, st_ref, g_ref, be_ref, w_ref, o_ref):
        t = _combine(s_ref, dv_ref, b_ref)
        mu = st_ref[0:1, :] * (1.0 / N)
        var = st_ref[1:2, :] * (1.0 / N) - mu * mu
        u = g_ref[...] * (t - mu) * lax.rsqrt(var + EPS) + be_ref[...]
        u = jnp.maximum(u, 0.0)
        h = jnp.dot(u, w_ref[...], preferred_element_type=jnp.float32)
        _split_store(o_ref, dv_ref[...] * h)
    grid = N // BM
    return pl.pallas_call(
        body,
        grid=(grid,),
        in_specs=[
            pl.BlockSpec((NC, BM, H), lambda i: (0, i, 0)),
            pl.BlockSpec((BM, 1), lambda i: (i, 0)),
            pl.BlockSpec((1, D), lambda i: (0, 0)),
            pl.BlockSpec((8, D), lambda i: (0, 0)),
            pl.BlockSpec((1, D), lambda i: (0, 0)),
            pl.BlockSpec((1, D), lambda i: (0, 0)),
            pl.BlockSpec((D, D), lambda i: (0, 0)),
        ],
        out_specs=pl.BlockSpec((NC, BM, H), lambda i: (0, i, 0)),
        out_shape=jax.ShapeDtypeStruct((NC, N, H), jnp.float32),
    )(segp, dinv, b, stats, g, be, W)


def _tc_relu_mm(segp, dinv, b, W):
    def body(s_ref, dv_ref, b_ref, w_ref, o_ref):
        u = jnp.maximum(_combine(s_ref, dv_ref, b_ref), 0.0)
        h = jnp.dot(u, w_ref[...], preferred_element_type=jnp.float32)
        _split_store(o_ref, dv_ref[...] * h)
    grid = N // BM
    return pl.pallas_call(
        body,
        grid=(grid,),
        in_specs=[
            pl.BlockSpec((NC, BM, H), lambda i: (0, i, 0)),
            pl.BlockSpec((BM, 1), lambda i: (i, 0)),
            pl.BlockSpec((1, D), lambda i: (0, 0)),
            pl.BlockSpec((D, D), lambda i: (0, 0)),
        ],
        out_specs=pl.BlockSpec((NC, BM, H), lambda i: (0, i, 0)),
        out_shape=jax.ShapeDtypeStruct((NC, N, H), jnp.float32),
    )(segp, dinv, b, W)


def _tc_post(segp, dinv, b):
    def body(s_ref, dv_ref, b_ref, o_ref):
        o_ref[...] = _combine(s_ref, dv_ref, b_ref)
    grid = N // BM
    return pl.pallas_call(
        body,
        grid=(grid,),
        in_specs=[
            pl.BlockSpec((NC, BM, H), lambda i: (0, i, 0)),
            pl.BlockSpec((BM, 1), lambda i: (i, 0)),
            pl.BlockSpec((1, D), lambda i: (0, 0)),
        ],
        out_specs=pl.BlockSpec((BM, D), lambda i: (i, 0)),
        out_shape=jax.ShapeDtypeStruct((N, D), jnp.float32),
    )(segp, dinv, b)



def kernel(x, edge_index, W0, b0, g0, be0, W1, b1, g1, be1, W2, b2):
    E = edge_index.shape[1]
    epad = -E % (NW * CH)
    src = edge_index[0]
    dst = edge_index[1]
    if epad:
        src = jnp.concatenate([src, jnp.zeros((epad,), jnp.int32)])
        dst = jnp.concatenate([dst, jnp.full((epad,), N, jnp.int32)])
    srcp = src.reshape(-1, CH)
    dstp = dst.reshape(-1, CH)

    parts = _sc_degree(dstp)
    dinv = _tc_dinv(parts).reshape(HR * 16, 1)[:N]

    b0r, g0r, be0r = b0.reshape(1, D), g0.reshape(1, D), be0.reshape(1, D)
    b1r, g1r, be1r = b1.reshape(1, D), g1.reshape(1, D), be1.reshape(1, D)
    b2r = b2.reshape(1, D)

    hp = _tc_pre(x, W0, dinv)
    s = _sc_aggregate(hp, srcp, dstp)
    st = _tc_stats(s, dinv, b0r)
    hp = _tc_bn_relu_mm(s, dinv, b0r, st, g0r, be0r, W1)

    s = _sc_aggregate(hp, srcp, dstp)
    st = _tc_stats(s, dinv, b1r)
    hp = _tc_bn_relu_mm(s, dinv, b1r, st, g1r, be1r, W2)

    s = _sc_aggregate(hp, srcp, dstp)
    hp = _tc_relu_mm(s, dinv, b2r, W2)

    s = _sc_aggregate(hp, srcp, dstp)
    return _tc_post(s, dinv, b2r)

# --- scband reference (transcript-rebuilt; emitter-appended) ---
"""Pipeline reference for scband-multi-layer-gcn-12335146074239 (READ-ONLY COPY).

The authoritative reference and input builder live on the scoring server;
editing this copy changes nothing except your own understanding.
"""

import jax, jax.numpy as jnp
import numpy as np

N = 10000
E = 160000
D = 256


def setup_inputs(seed: int = 0) -> dict:
    key = jax.random.key(seed)
    ks = jax.random.split(key, 14)
    scale = 1.0 / np.sqrt(D)
    x = jax.random.normal(ks[0], (N, D), dtype=jnp.float32)
    edge_index = jax.random.randint(ks[1], (2, E), 0, N, dtype=jnp.int32)
    W0 = jax.random.normal(ks[2], (D, D), dtype=jnp.float32) * scale
    b0 = jnp.zeros((D,), dtype=jnp.float32)
    g0 = jnp.ones((D,), dtype=jnp.float32)
    be0 = jnp.zeros((D,), dtype=jnp.float32)
    W1 = jax.random.normal(ks[3], (D, D), dtype=jnp.float32) * scale
    b1 = jnp.zeros((D,), dtype=jnp.float32)
    g1 = jnp.ones((D,), dtype=jnp.float32)
    be1 = jnp.zeros((D,), dtype=jnp.float32)
    W2 = jax.random.normal(ks[4], (D, D), dtype=jnp.float32) * scale
    b2 = jnp.zeros((D,), dtype=jnp.float32)
    return {"x": x, "edge_index": edge_index, "W0": W0, "b0": b0, "g0": g0, "be0": be0,
            "W1": W1, "b1": b1, "g1": g1, "be1": be1, "W2": W2, "b2": b2}


def _gcn_conv(x, edge_index, W, b):
    # GCNConv: linear transform, add self-loops, symmetric degree normalization, scatter-add, bias
    h = x @ W
    loop = jnp.arange(N, dtype=edge_index.dtype)
    src = jnp.concatenate([edge_index[0], loop])
    dst = jnp.concatenate([edge_index[1], loop])
    deg = jax.ops.segment_sum(jnp.ones_like(dst, dtype=h.dtype), dst, num_segments=N)
    dinv = jnp.where(deg > 0, 1.0 / jnp.sqrt(deg), 0.0)
    norm = dinv[src] * dinv[dst]
    out = jax.ops.segment_sum(norm[:, None] * jnp.take(h, src, axis=0), dst, num_segments=N)
    return out + b


def _batch_norm(x, g, be, eps=1e-5):
    mu = jnp.mean(x, axis=0)
    var = jnp.var(x, axis=0)
    return g * (x - mu) / jnp.sqrt(var + eps) + be


def reference(x, edge_index, W0, b0, g0, be0, W1, b1, g1, be1, W2, b2):
    # Layer 0: GCN -> BatchNorm -> ReLU (dropout is identity in deterministic eval)
    h = _gcn_conv(x, edge_index, W0, b0)
    h = _batch_norm(h, g0, be0)
    h = jax.nn.relu(h)
    # Layer 1: GCN -> BatchNorm -> ReLU
    h = _gcn_conv(h, edge_index, W1, b1)
    h = _batch_norm(h, g1, be1)
    h = jax.nn.relu(h)
    # Layer 2 (last): GCN -> ReLU, then the original forward re-applies the last GCN once more
    h = _gcn_conv(h, edge_index, W2, b2)
    h = jax.nn.relu(h)
    h = _gcn_conv(h, edge_index, W2, b2)
    return h

if __name__ == "__main__":
    import jax
    _d = setup_inputs()
    print(jax.jit(kernel)(*tuple(_d.values())))

</pallas_src>

<mosaic_0001>
#map = affine_map<(d0, d1) -> (0, 0, 0)>
#map1 = affine_map<(d0, d1) -> (0, 0)>
module attributes {stable_mosaic.version = 14 : i64} {
  func.func @k(%arg0: i32, %arg1: i32, %arg2: memref<2x10000x128xf32, #tpu.memory_space<hbm>>, %arg3: memref<1280x128xi32, #tpu.memory_space<hbm>>, %arg4: memref<1280x128xi32, #tpu.memory_space<hbm>>, %arg5: memref<2x10000x128xf32, #tpu.memory_space<hbm>>, %arg6: memref<40x128xi32, #tpu.memory_space<vmem>>, %arg7: memref<40x128xi32, #tpu.memory_space<vmem>>, %arg8: memref<2x128x128xf32, #tpu.memory_space<vmem>>, %arg9: memref<10016x128xf32, #tpu.memory_space<vmem_shared>>, %arg10: memref<2x!tpu.dma_semaphore, #tpu.memory_space<semaphore_mem>>) attributes {dimension_semantics = [#tpu.dimension_semantics<core_parallel>, #tpu.dimension_semantics<subcore_parallel>], iteration_bounds = array<i64: 2, 16>, scalar_prefetch = 0 : i64, scratch_operands = 5 : i64, tpu.core_type = #tpu.core_type<sc_vector_subcore>, window_params = [{transform_indices = #map}, {transform_indices = #map1}, {transform_indices = #map1}, {transform_indices = #map}]} {
    %mul3A = arith.constant 624 : i32
    %mul3A_0 = arith.muli %arg1, %mul3A : i32
    "tpu.region"() ({
      %run_scoped3A = tpu.sem_alloc : memref<!tpu.dma_semaphore, #tpu.memory_space<semaphore_mem>>
      %dma_start3A_73 = arith.constant 0 : i32
      %dma_start3A_74 = tpu.memref_slice %arg9[%mul3A_0, %dma_start3A_73] : memref<10016x128xf32, #tpu.memory_space<vmem_shared>> -> memref<624x128xf32, #tpu.memory_space<vmem_shared>>
      %dma_start3A_75 = arith.constant 0 : i32
      %dma_start3A_76 = tpu.memref_slice %arg2[%arg0, %mul3A_0, %dma_start3A_75] : memref<2x10000x128xf32, #tpu.memory_space<hbm>> -> memref<1x624x128xf32, #tpu.memory_space<hbm>>
      %dma_start3A_77 = tpu.memref_squeeze %dma_start3A_76 : memref<1x624x128xf32, #tpu.memory_space<hbm>> -> memref<624x128xf32, #tpu.memory_space<hbm>>
      tpu.enqueue_dma source(%dma_start3A_77 : memref<624x128xf32, #tpu.memory_space<hbm>>) target(%dma_start3A_74 : memref<624x128xf32, #tpu.memory_space<vmem_shared>>) target_semaphore(%run_scoped3A : memref<!tpu.dma_semaphore, #tpu.memory_space<semaphore_mem>>)
      %dma_wait3A = arith.constant 0 : i32
      %dma_wait3A_78 = tpu.memref_slice %arg9[%mul3A_0, %dma_wait3A] : memref<10016x128xf32, #tpu.memory_space<vmem_shared>> -> memref<624x128xf32, #tpu.memory_space<vmem_shared>>
      %dma_wait3A_79 = arith.constant 0 : i32
      %dma_wait3A_80 = tpu.memref_slice %arg2[%arg0, %mul3A_0, %dma_wait3A_79] : memref<2x10000x128xf32, #tpu.memory_space<hbm>> -> memref<1x624x128xf32, #tpu.memory_space<hbm>>
      %dma_wait3A_81 = tpu.memref_squeeze %dma_wait3A_80 : memref<1x624x128xf32, #tpu.memory_space<hbm>> -> memref<624x128xf32, #tpu.memory_space<hbm>>
      tpu.wait_dma2 semaphore(%run_scoped3A : memref<!tpu.dma_semaphore, #tpu.memory_space<semaphore_mem>>) src(%dma_wait3A_81 : memref<624x128xf32, #tpu.memory_space<hbm>>) dst(%dma_wait3A_78 : memref<624x128xf32, #tpu.memory_space<vmem_shared>>)
      tpu.yield
    }) : () -> ()
    %eq3A = arith.constant 15 : i32
    %eq3A_1 = arith.cmpi eq, %arg1, %eq3A : i32
    %convert_element_type3A = arith.extui %eq3A_1 : i1 to i32
    %cond3A = arith.constant 0 : i32
    %cond3A_2 = arith.cmpi ne, %convert_element_type3A, %cond3A : i32
    scf.if %cond3A_2 {
      "tpu.region"() ({
        %run_scoped3A = tpu.sem_alloc : memref<!tpu.dma_semaphore, #tpu.memory_space<semaphore_mem>>
        %dma_start3A_73 = arith.constant 9984 : i32
        %dma_start3A_74 = arith.constant 0 : i32
        %dma_start3A_75 = tpu.memref_slice %arg9[%dma_start3A_73, %dma_start3A_74] : memref<10016x128xf32, #tpu.memory_space<vmem_shared>> -> memref<16x128xf32, #tpu.memory_space<vmem_shared>>
        %dma_start3A_76 = arith.constant 9984 : i32
        %dma_start3A_77 = arith.constant 0 : i32
        %dma_start3A_78 = tpu.memref_slice %arg2[%arg0, %dma_start3A_76, %dma_start3A_77] : memref<2x10000x128xf32, #tpu.memory_space<hbm>> -> memref<1x16x128xf32, #tpu.memory_space<hbm>>
        %dma_start3A_79 = tpu.memref_squeeze %dma_start3A_78 : memref<1x16x128xf32, #tpu.memory_space<hbm>> -> memref<16x128xf32, #tpu.memory_space<hbm>>
        tpu.enqueue_dma source(%dma_start3A_79 : memref<16x128xf32, #tpu.memory_space<hbm>>) target(%dma_start3A_75 : memref<16x128xf32, #tpu.memory_space<vmem_shared>>) target_semaphore(%run_scoped3A : memref<!tpu.dma_semaphore, #tpu.memory_space<semaphore_mem>>)
        %dma_wait3A = arith.constant 9984 : i32
        %dma_wait3A_80 = arith.constant 0 : i32
        %dma_wait3A_81 = tpu.memref_slice %arg9[%dma_wait3A, %dma_wait3A_80] : memref<10016x128xf32, #tpu.memory_space<vmem_shared>> -> memref<16x128xf32, #tpu.memory_space<vmem_shared>>
        %dma_wait3A_82 = arith.constant 9984 : i32
        %dma_wait3A_83 = arith.constant 0 : i32
        %dma_wait3A_84 = tpu.memref_slice %arg2[%arg0, %dma_wait3A_82, %dma_wait3A_83] : memref<2x10000x128xf32, #tpu.memory_space<hbm>> -> memref<1x16x128xf32, #tpu.memory_space<hbm>>
        %dma_wait3A_85 = tpu.memref_squeeze %dma_wait3A_84 : memref<1x16x128xf32, #tpu.memory_space<hbm>> -> memref<16x128xf32, #tpu.memory_space<hbm>>
        tpu.wait_dma2 semaphore(%run_scoped3A : memref<!tpu.dma_semaphore, #tpu.memory_space<semaphore_mem>>) src(%dma_wait3A_85 : memref<16x128xf32, #tpu.memory_space<hbm>>) dst(%dma_wait3A_81 : memref<16x128xf32, #tpu.memory_space<vmem_shared>>)
        tpu.yield
      }) : () -> ()
    } else {
    }
    %barrier3A = arith.constant 0 : index
    tpu.barrier barrier_id(%barrier3A)
    %mul3A_3 = arith.constant 80 : i32
    %mul3A_4 = arith.muli %arg1, %mul3A_3 : i32
    %add3A = arith.constant 0 : i32
    %add3A_5 = arith.addi %mul3A_4, %add3A : i32
    "tpu.region"() ({
      %run_scoped3A = tpu.sem_alloc : memref<!tpu.dma_semaphore, #tpu.memory_space<semaphore_mem>>
      %dma_start3A_73 = arith.constant 0 : i32
      %dma_start3A_74 = tpu.memref_slice %arg3[%add3A_5, %dma_start3A_73] : memref<1280x128xi32, #tpu.memory_space<hbm>> -> memref<40x128xi32, #tpu.memory_space<hbm>>
      %dma_start3A_75 = arith.constant 0 : i32
      %dma_start3A_76 = tpu.memref_slice %arg3[%add3A_5, %dma_start3A_75] : memref<1280x128xi32, #tpu.memory_space<hbm>> -> memref<40x128xi32, #tpu.memory_space<hbm>>
      tpu.enqueue_dma source(%dma_start3A_76 : memref<40x128xi32, #tpu.memory_space<hbm>>) target(%arg6 : memref<40x128xi32, #tpu.memory_space<vmem>>) target_semaphore(%run_scoped3A : memref<!tpu.dma_semaphore, #tpu.memory_space<semaphore_mem>>)
      %dma_wait3A = arith.constant 0 : i32
      %dma_wait3A_77 = tpu.memref_slice %arg3[%add3A_5, %dma_wait3A] : memref<1280x128xi32, #tpu.memory_space<hbm>> -> memref<40x128xi32, #tpu.memory_space<hbm>>
      %dma_wait3A_78 = arith.constant 0 : i32
      %dma_wait3A_79 = tpu.memref_slice %arg3[%add3A_5, %dma_wait3A_78] : memref<1280x128xi32, #tpu.memory_space<hbm>> -> memref<40x128xi32, #tpu.memory_space<hbm>>
      tpu.wait_dma2 semaphore(%run_scoped3A : memref<!tpu.dma_semaphore, #tpu.memory_space<semaphore_mem>>) src(%dma_wait3A_79 : memref<40x128xi32, #tpu.memory_space<hbm>>) dst(%arg6 : memref<40x128xi32, #tpu.memory_space<vmem>>)
      tpu.yield
    }) : () -> ()
    %mul3A_6 = arith.constant 80 : i32
    %mul3A_7 = arith.muli %arg1, %mul3A_6 : i32
    %add3A_8 = arith.constant 0 : i32
    %add3A_9 = arith.addi %mul3A_7, %add3A_8 : i32
    "tpu.region"() ({
      %run_scoped3A = tpu.sem_alloc : memref<!tpu.dma_semaphore, #tpu.memory_space<semaphore_mem>>
      %dma_start3A_73 = arith.constant 0 : i32
      %dma_start3A_74 = tpu.memref_slice %arg4[%add3A_9, %dma_start3A_73] : memref<1280x128xi32, #tpu.memory_space<hbm>> -> memref<40x128xi32, #tpu.memory_space<hbm>>
      %dma_start3A_75 = arith.constant 0 : i32
      %dma_start3A_76 = tpu.memref_slice %arg4[%add3A_9, %dma_start3A_75] : memref<1280x128xi32, #tpu.memory_space<hbm>> -> memref<40x128xi32, #tpu.memory_space<hbm>>
      tpu.enqueue_dma source(%dma_start3A_76 : memref<40x128xi32, #tpu.memory_space<hbm>>) target(%arg7 : memref<40x128xi32, #tpu.memory_space<vmem>>) target_semaphore(%run_scoped3A : memref<!tpu.dma_semaphore, #tpu.memory_space<semaphore_mem>>)
      %dma_wait3A = arith.constant 0 : i32
      %dma_wait3A_77 = tpu.memref_slice %arg4[%add3A_9, %dma_wait3A] : memref<1280x128xi32, #tpu.memory_space<hbm>> -> memref<40x128xi32, #tpu.memory_space<hbm>>
      %dma_wait3A_78 = arith.constant 0 : i32
      %dma_wait3A_79 = tpu.memref_slice %arg4[%add3A_9, %dma_wait3A_78] : memref<1280x128xi32, #tpu.memory_space<hbm>> -> memref<40x128xi32, #tpu.memory_space<hbm>>
      tpu.wait_dma2 semaphore(%run_scoped3A : memref<!tpu.dma_semaphore, #tpu.memory_space<semaphore_mem>>) src(%dma_wait3A_79 : memref<40x128xi32, #tpu.memory_space<hbm>>) dst(%arg7 : memref<40x128xi32, #tpu.memory_space<vmem>>)
      tpu.yield
    }) : () -> ()
    %rem3A = arith.constant 0 : i32
    %rem3A_10 = arith.constant 2 : i32
    %rem3A_11 = arith.remsi %rem3A, %rem3A_10 : i32
    %dma_start3A = arith.constant 0 : i32
    %dma_start3A_12 = arith.constant 0 : i32
    %dma_start3A_13 = arith.constant 0 : i32
    %dma_start3A_14 = tpu.memref_slice %arg8[%rem3A_11, %dma_start3A_12, %dma_start3A_13] : memref<2x128x128xf32, #tpu.memory_space<vmem>> -> memref<1x128x128xf32, #tpu.memory_space<vmem>>
    %dma_start3A_15 = tpu.memref_squeeze %dma_start3A_14 : memref<1x128x128xf32, #tpu.memory_space<vmem>> -> memref<128x128xf32, #tpu.memory_space<vmem>>
    %dma_start3A_16 = arith.constant 0 : i32
    %dma_start3A_17 = tpu.memref_slice %arg6[%dma_start3A, %dma_start3A_16] : memref<40x128xi32, #tpu.memory_space<vmem>> -> memref<1x128xi32, #tpu.memory_space<vmem>>
    %dma_start3A_18 = tpu.memref_squeeze %dma_start3A_17 : memref<1x128xi32, #tpu.memory_space<vmem>> -> memref<128xi32, #tpu.memory_space<vmem>>
    %dma_start3A_19 = arith.constant 0 : i32
    %dma_start3A_20 = arith.constant 0 : i32
    %dma_start3A_21 = tpu.memref_slice %arg2[%arg0, %dma_start3A_19, %dma_start3A_20] : memref<2x10000x128xf32, #tpu.memory_space<hbm>> -> memref<1x10000x128xf32, #tpu.memory_space<hbm>>
    %dma_start3A_22 = tpu.memref_squeeze %dma_start3A_21 : memref<1x10000x128xf32, #tpu.memory_space<hbm>> -> memref<10000x128xf32, #tpu.memory_space<hbm>>
    %dma_start3A_23 = arith.constant 0 : i32
    %dma_start3A_24 = arith.constant 0 : i32
    %dma_start3A_25 = tpu.memref_slice %dma_start3A_22[%dma_start3A_23, %dma_start3A_24] : memref<10000x128xf32, #tpu.memory_space<hbm>> -> memref<10000x128xf32, #tpu.memory_space<hbm>>
    %dma_start3A_26 = tpu.memref_slice %arg10[%rem3A_11] : memref<2x!tpu.dma_semaphore, #tpu.memory_space<semaphore_mem>> -> memref<1x!tpu.dma_semaphore, #tpu.memory_space<semaphore_mem>>
    %dma_start3A_27 = tpu.memref_squeeze %dma_start3A_26 : memref<1x!tpu.dma_semaphore, #tpu.memory_space<semaphore_mem>> -> memref<!tpu.dma_semaphore, #tpu.memory_space<semaphore_mem>>
    tpu.enqueue_indirect_dma source(%dma_start3A_25 : memref<10000x128xf32, #tpu.memory_space<hbm>>) target(%dma_start3A_15 : memref<128x128xf32, #tpu.memory_space<vmem>>) offsets(%dma_start3A_18 : memref<128xi32, #tpu.memory_space<vmem>>) semaphore(%dma_start3A_27 : memref<!tpu.dma_semaphore, #tpu.memory_space<semaphore_mem>>)
    %scan3A = arith.constant 0 : i32
    %scan3A_28 = arith.constant 0 : i32
    %scan3A_29 = arith.constant 40 : i32
    %scan3A_30 = arith.addi %scan3A_28, %scan3A_29 : i32
    %scan3A_31 = arith.constant 1 : i32
    scf.for %scan3A_73 = %scan3A_28 to %scan3A_30 step %scan3A_31  : i32 {
      %add3A_74 = arith.constant 1 : i32
      %add3A_75 = arith.addi %scan3A_73, %add3A_74 : i32
      %lt3A = arith.constant 40 : i32
      %lt3A_76 = arith.cmpi slt, %add3A_75, %lt3A : i32
      %convert_element_type3A_77 = arith.extui %lt3A_76 : i1 to i32
      %cond3A_78 = arith.constant 0 : i32
      %cond3A_79 = arith.cmpi ne, %convert_element_type3A_77, %cond3A_78 : i32
      scf.if %cond3A_79 {
        %add3A_99 = arith.constant 1 : i32
        %add3A_100 = arith.addi %scan3A_73, %add3A_99 : i32
        %rem3A_101 = arith.constant 2 : i32
        %rem3A_102 = arith.remsi %add3A_100, %rem3A_101 : i32
        %dma_start3A_103 = arith.constant 0 : i32
        %dma_start3A_104 = arith.constant 0 : i32
        %dma_start3A_105 = tpu.memref_slice %arg8[%rem3A_102, %dma_start3A_103, %dma_start3A_104] : memref<2x128x128xf32, #tpu.memory_space<vmem>> -> memref<1x128x128xf32, #tpu.memory_space<vmem>>
        %dma_start3A_106 = tpu.memref_squeeze %dma_start3A_105 : memref<1x128x128xf32, #tpu.memory_space<vmem>> -> memref<128x128xf32, #tpu.memory_space<vmem>>
        %dma_start3A_107 = arith.constant 0 : i32
        %dma_start3A_108 = tpu.memref_slice %arg6[%add3A_100, %dma_start3A_107] : memref<40x128xi32, #tpu.memory_space<vmem>> -> memref<1x128xi32, #tpu.memory_space<vmem>>
        %dma_start3A_109 = tpu.memref_squeeze %dma_start3A_108 : memref<1x128xi32, #tpu.memory_space<vmem>> -> memref<128xi32, #tpu.memory_space<vmem>>
        %dma_start3A_110 = arith.constant 0 : i32
        %dma_start3A_111 = arith.constant 0 : i32
        %dma_start3A_112 = tpu.memref_slice %arg2[%arg0, %dma_start3A_110, %dma_start3A_111] : memref<2x10000x128xf32, #tpu.memory_space<hbm>> -> memref<1x10000x128xf32, #tpu.memory_space<hbm>>
        %dma_start3A_113 = tpu.memref_squeeze %dma_start3A_112 : memref<1x10000x128xf32, #tpu.memory_space<hbm>> -> memref<10000x128xf32, #tpu.memory_space<hbm>>
        %dma_start3A_114 = arith.constant 0 : i32
        %dma_start3A_115 = arith.constant 0 : i32
        %dma_start3A_116 = tpu.memref_slice %dma_start3A_113[%dma_start3A_114, %dma_start3A_115] : memref<10000x128xf32, #tpu.memory_space<hbm>> -> memref<10000x128xf32, #tpu.memory_space<hbm>>
        %dma_start3A_117 = tpu.memref_slice %arg10[%rem3A_102] : memref<2x!tpu.dma_semaphore, #tpu.memory_space<semaphore_mem>> -> memref<1x!tpu.dma_semaphore, #tpu.memory_space<semaphore_mem>>
        %dma_start3A_118 = tpu.memref_squeeze %dma_start3A_117 : memref<1x!tpu.dma_semaphore, #tpu.memory_space<semaphore_mem>> -> memref<!tpu.dma_semaphore, #tpu.memory_space<semaphore_mem>>
        tpu.enqueue_indirect_dma source(%dma_start3A_116 : memref<10000x128xf32, #tpu.memory_space<hbm>>) target(%dma_start3A_106 : memref<128x128xf32, #tpu.memory_space<vmem>>) offsets(%dma_start3A_109 : memref<128xi32, #tpu.memory_space<vmem>>) semaphore(%dma_start3A_118 : memref<!tpu.dma_semaphore, #tpu.memory_space<semaphore_mem>>)
      } else {
      }
      %rem3A_80 = arith.constant 2 : i32
      %rem3A_81 = arith.remsi %scan3A_73, %rem3A_80 : i32
      %dma_wait3A = arith.constant 0 : i32
      %dma_wait3A_82 = arith.constant 0 : i32
      %dma_wait3A_83 = tpu.memref_slice %arg8[%rem3A_81, %dma_wait3A, %dma_wait3A_82] : memref<2x128x128xf32, #tpu.memory_space<vmem>> -> memref<1x128x128xf32, #tpu.memory_space<vmem>>
      %dma_wait3A_84 = tpu.memref_squeeze %dma_wait3A_83 : memref<1x128x128xf32, #tpu.memory_space<vmem>> -> memref<128x128xf32, #tpu.memory_space<vmem>>
      %dma_wait3A_85 = arith.constant 0 : i32
      %dma_wait3A_86 = tpu.memref_slice %arg6[%scan3A_73, %dma_wait3A_85] : memref<40x128xi32, #tpu.memory_space<vmem>> -> memref<1x128xi32, #tpu.memory_space<vmem>>
      %dma_wait3A_87 = tpu.memref_squeeze %dma_wait3A_86 : memref<1x128xi32, #tpu.memory_space<vmem>> -> memref<128xi32, #tpu.memory_space<vmem>>
      %dma_wait3A_88 = arith.constant 0 : i32
      %dma_wait3A_89 = arith.constant 0 : i32
      %dma_wait3A_90 = tpu.memref_slice %arg2[%arg0, %dma_wait3A_88, %dma_wait3A_89] : memref<2x10000x128xf32, #tpu.memory_space<hbm>> -> memref<1x10000x128xf32, #tpu.memory_space<hbm>>
      %dma_wait3A_91 = tpu.memref_squeeze %dma_wait3A_90 : memref<1x10000x128xf32, #tpu.memory_space<hbm>> -> memref<10000x128xf32, #tpu.memory_space<hbm>>
      %dma_wait3A_92 = arith.constant 0 : i32
      %dma_wait3A_93 = arith.constant 0 : i32
      %dma_wait3A_94 = tpu.memref_slice %dma_wait3A_91[%dma_wait3A_92, %dma_wait3A_93] : memref<10000x128xf32, #tpu.memory_space<hbm>> -> memref<10000x128xf32, #tpu.memory_space<hbm>>
      %dma_wait3A_95 = tpu.memref_slice %arg10[%rem3A_81] : memref<2x!tpu.dma_semaphore, #tpu.memory_space<semaphore_mem>> -> memref<1x!tpu.dma_semaphore, #tpu.memory_space<semaphore_mem>>
      %dma_wait3A_96 = tpu.memref_squeeze %dma_wait3A_95 : memref<1x!tpu.dma_semaphore, #tpu.memory_space<semaphore_mem>> -> memref<!tpu.dma_semaphore, #tpu.memory_space<semaphore_mem>>
      tpu.wait_indirect_dma semaphore(%dma_wait3A_96 : memref<!tpu.dma_semaphore, #tpu.memory_space<semaphore_mem>>) src(%dma_wait3A_94 : memref<10000x128xf32, #tpu.memory_space<hbm>>) dst(%dma_wait3A_84 : memref<128x128xf32, #tpu.memory_space<vmem>>)
      %rem3A_97 = arith.constant 2 : i32
      %rem3A_98 = arith.remsi %scan3A_73, %rem3A_97 : i32
      "tpu.region"() ({
        %run_scoped3A = tpu.sem_alloc : memref<!tpu.dma_semaphore, #tpu.memory_space<semaphore_mem>>
        %dma_start3A_99 = arith.constant 0 : i32
        %dma_start3A_100 = arith.constant 0 : i32
        %dma_start3A_101 = tpu.memref_slice %arg8[%rem3A_98, %dma_start3A_99, %dma_start3A_100] : memref<2x128x128xf32, #tpu.memory_space<vmem>> -> memref<1x128x128xf32, #tpu.memory_space<vmem>>
        %dma_start3A_102 = tpu.memref_squeeze %dma_start3A_101 : memref<1x128x128xf32, #tpu.memory_space<vmem>> -> memref<128x128xf32, #tpu.memory_space<vmem>>
        %dma_start3A_103 = arith.constant 0 : i32
        %dma_start3A_104 = tpu.memref_slice %arg7[%scan3A_73, %dma_start3A_103] : memref<40x128xi32, #tpu.memory_space<vmem>> -> memref<1x128xi32, #tpu.memory_space<vmem>>
        %dma_start3A_105 = tpu.memref_squeeze %dma_start3A_104 : memref<1x128xi32, #tpu.memory_space<vmem>> -> memref<128xi32, #tpu.memory_space<vmem>>
        %dma_start3A_106 = arith.constant 0 : i32
        %dma_start3A_107 = arith.constant 0 : i32
        %dma_start3A_108 = tpu.memref_slice %arg9[%dma_start3A_106, %dma_start3A_107] : memref<10016x128xf32, #tpu.memory_space<vmem_shared>> -> memref<10016x128xf32, #tpu.memory_space<vmem_shared>>
        tpu.enqueue_indirect_dma source(%dma_start3A_102 : memref<128x128xf32, #tpu.memory_space<vmem>>) target(%dma_start3A_108 : memref<10016x128xf32, #tpu.memory_space<vmem_shared>>) offsets(%dma_start3A_105 : memref<128xi32, #tpu.memory_space<vmem>>) semaphore(%run_scoped3A : memref<!tpu.dma_semaphore, #tpu.memory_space<semaphore_mem>>) {add = true}
        %dma_wait3A_109 = arith.constant 0 : i32
        %dma_wait3A_110 = arith.constant 0 : i32
        %dma_wait3A_111 = tpu.memref_slice %arg8[%rem3A_98, %dma_wait3A_109, %dma_wait3A_110] : memref<2x128x128xf32, #tpu.memory_space<vmem>> -> memref<1x128x128xf32, #tpu.memory_space<vmem>>
        %dma_wait3A_112 = tpu.memref_squeeze %dma_wait3A_111 : memref<1x128x128xf32, #tpu.memory_space<vmem>> -> memref<128x128xf32, #tpu.memory_space<vmem>>
        %dma_wait3A_113 = arith.constant 0 : i32
        %dma_wait3A_114 = tpu.memref_slice %arg7[%scan3A_73, %dma_wait3A_113] : memref<40x128xi32, #tpu.memory_space<vmem>> -> memref<1x128xi32, #tpu.memory_space<vmem>>
        %dma_wait3A_115 = tpu.memref_squeeze %dma_wait3A_114 : memref<1x128xi32, #tpu.memory_space<vmem>> -> memref<128xi32, #tpu.memory_space<vmem>>
        %dma_wait3A_116 = arith.constant 0 : i32
        %dma_wait3A_117 = arith.constant 0 : i32
        %dma_wait3A_118 = tpu.memref_slice %arg9[%dma_wait3A_116, %dma_wait3A_117] : memref<10016x128xf32, #tpu.memory_space<vmem_shared>> -> memref<10016x128xf32, #tpu.memory_space<vmem_shared>>
        tpu.wait_indirect_dma semaphore(%run_scoped3A : memref<!tpu.dma_semaphore, #tpu.memory_space<semaphore_mem>>) src(%dma_wait3A_112 : memref<128x128xf32, #tpu.memory_space<vmem>>) dst(%dma_wait3A_118 : memref<10016x128xf32, #tpu.memory_space<vmem_shared>>)
        tpu.yield
      }) : () -> ()
    }
    %scan3A_32 = arith.constant 40 : i32
    %mul3A_33 = arith.constant 80 : i32
    %mul3A_34 = arith.muli %arg1, %mul3A_33 : i32
    %add3A_35 = arith.constant 40 : i32
    %add3A_36 = arith.addi %mul3A_34, %add3A_35 : i32
    "tpu.region"() ({
      %run_scoped3A = tpu.sem_alloc : memref<!tpu.dma_semaphore, #tpu.memory_space<semaphore_mem>>
      %dma_start3A_73 = arith.constant 0 : i32
      %dma_start3A_74 = tpu.memref_slice %arg3[%add3A_36, %dma_start3A_73] : memref<1280x128xi32, #tpu.memory_space<hbm>> -> memref<40x128xi32, #tpu.memory_space<hbm>>
      %dma_start3A_75 = arith.constant 0 : i32
      %dma_start3A_76 = tpu.memref_slice %arg3[%add3A_36, %dma_start3A_75] : memref<1280x128xi32, #tpu.memory_space<hbm>> -> memref<40x128xi32, #tpu.memory_space<hbm>>
      tpu.enqueue_dma source(%dma_start3A_76 : memref<40x128xi32, #tpu.memory_space<hbm>>) target(%arg6 : memref<40x128xi32, #tpu.memory_space<vmem>>) target_semaphore(%run_scoped3A : memref<!tpu.dma_semaphore, #tpu.memory_space<semaphore_mem>>)
      %dma_wait3A = arith.constant 0 : i32
      %dma_wait3A_77 = tpu.memref_slice %arg3[%add3A_36, %dma_wait3A] : memref<1280x128xi32, #tpu.memory_space<hbm>> -> memref<40x128xi32, #tpu.memory_space<hbm>>
      %dma_wait3A_78 = arith.constant 0 : i32
      %dma_wait3A_79 = tpu.memref_slice %arg3[%add3A_36, %dma_wait3A_78] : memref<1280x128xi32, #tpu.memory_space<hbm>> -> memref<40x128xi32, #tpu.memory_space<hbm>>
      tpu.wait_dma2 semaphore(%run_scoped3A : memref<!tpu.dma_semaphore, #tpu.memory_space<semaphore_mem>>) src(%dma_wait3A_79 : memref<40x128xi32, #tpu.memory_space<hbm>>) dst(%arg6 : memref<40x128xi32, #tpu.memory_space<vmem>>)
      tpu.yield
    }) : () -> ()
    %mul3A_37 = arith.constant 80 : i32
    %mul3A_38 = arith.muli %arg1, %mul3A_37 : i32
    %add3A_39 = arith.constant 40 : i32
    %add3A_40 = arith.addi %mul3A_38, %add3A_39 : i32
    "tpu.region"() ({
      %run_scoped3A = tpu.sem_alloc : memref<!tpu.dma_semaphore, #tpu.memory_space<semaphore_mem>>
      %dma_start3A_73 = arith.constant 0 : i32
      %dma_start3A_74 = tpu.memref_slice %arg4[%add3A_40, %dma_start3A_73] : memref<1280x128xi32, #tpu.memory_space<hbm>> -> memref<40x128xi32, #tpu.memory_space<hbm>>
      %dma_start3A_75 = arith.constant 0 : i32
      %dma_start3A_76 = tpu.memref_slice %arg4[%add3A_40, %dma_start3A_75] : memref<1280x128xi32, #tpu.memory_space<hbm>> -> memref<40x128xi32, #tpu.memory_space<hbm>>
      tpu.enqueue_dma source(%dma_start3A_76 : memref<40x128xi32, #tpu.memory_space<hbm>>) target(%arg7 : memref<40x128xi32, #tpu.memory_space<vmem>>) target_semaphore(%run_scoped3A : memref<!tpu.dma_semaphore, #tpu.memory_space<semaphore_mem>>)
      %dma_wait3A = arith.constant 0 : i32
      %dma_wait3A_77 = tpu.memref_slice %arg4[%add3A_40, %dma_wait3A] : memref<1280x128xi32, #tpu.memory_space<hbm>> -> memref<40x128xi32, #tpu.memory_space<hbm>>
      %dma_wait3A_78 = arith.constant 0 : i32
      %dma_wait3A_79 = tpu.memref_slice %arg4[%add3A_40, %dma_wait3A_78] : memref<1280x128xi32, #tpu.memory_space<hbm>> -> memref<40x128xi32, #tpu.memory_space<hbm>>
      tpu.wait_dma2 semaphore(%run_scoped3A : memref<!tpu.dma_semaphore, #tpu.memory_space<semaphore_mem>>) src(%dma_wait3A_79 : memref<40x128xi32, #tpu.memory_space<hbm>>) dst(%arg7 : memref<40x128xi32, #tpu.memory_space<vmem>>)
      tpu.yield
    }) : () -> ()
    %rem3A_41 = arith.constant 0 : i32
    %rem3A_42 = arith.constant 2 : i32
    %rem3A_43 = arith.remsi %rem3A_41, %rem3A_42 : i32
    %dma_start3A_44 = arith.constant 0 : i32
    %dma_start3A_45 = arith.constant 0 : i32
    %dma_start3A_46 = arith.constant 0 : i32
    %dma_start3A_47 = tpu.memref_slice %arg8[%rem3A_43, %dma_start3A_45, %dma_start3A_46] : memref<2x128x128xf32, #tpu.memory_space<vmem>> -> memref<1x128x128xf32, #tpu.memory_space<vmem>>
    %dma_start3A_48 = tpu.memref_squeeze %dma_start3A_47 : memref<1x128x128xf32, #tpu.memory_space<vmem>> -> memref<128x128xf32, #tpu.memory_space<vmem>>
    %dma_start3A_49 = arith.constant 0 : i32
    %dma_start3A_50 = tpu.memref_slice %arg6[%dma_start3A_44, %dma_start3A_49] : memref<40x128xi32, #tpu.memory_space<vmem>> -> memref<1x128xi32, #tpu.memory_space<vmem>>
    %dma_start3A_51 = tpu.memref_squeeze %dma_start3A_50 : memref<1x128xi32, #tpu.memory_space<vmem>> -> memref<128xi32, #tpu.memory_space<vmem>>
    %dma_start3A_52 = arith.constant 0 : i32
    %dma_start3A_53 = arith.constant 0 : i32
    %dma_start3A_54 = tpu.memref_slice %arg2[%arg0, %dma_start3A_52, %dma_start3A_53] : memref<2x10000x128xf32, #tpu.memory_space<hbm>> -> memref<1x10000x128xf32, #tpu.memory_space<hbm>>
    %dma_start3A_55 = tpu.memref_squeeze %dma_start3A_54 : memref<1x10000x128xf32, #tpu.memory_space<hbm>> -> memref<10000x128xf32, #tpu.memory_space<hbm>>
    %dma_start3A_56 = arith.constant 0 : i32
    %dma_start3A_57 = arith.constant 0 : i32
    %dma_start3A_58 = tpu.memref_slice %dma_start3A_55[%dma_start3A_56, %dma_start3A_57] : memref<10000x128xf32, #tpu.memory_space<hbm>> -> memref<10000x128xf32, #tpu.memory_space<hbm>>
    %dma_start3A_59 = tpu.memref_slice %arg10[%rem3A_43] : memref<2x!tpu.dma_semaphore, #tpu.memory_space<semaphore_mem>> -> memref<1x!tpu.dma_semaphore, #tpu.memory_space<semaphore_mem>>
    %dma_start3A_60 = tpu.memref_squeeze %dma_start3A_59 : memref<1x!tpu.dma_semaphore, #tpu.memory_space<semaphore_mem>> -> memref<!tpu.dma_semaphore, #tpu.memory_space<semaphore_mem>>
    tpu.enqueue_indirect_dma source(%dma_start3A_58 : memref<10000x128xf32, #tpu.memory_space<hbm>>) target(%dma_start3A_48 : memref<128x128xf32, #tpu.memory_space<vmem>>) offsets(%dma_start3A_51 : memref<128xi32, #tpu.memory_space<vmem>>) semaphore(%dma_start3A_60 : memref<!tpu.dma_semaphore, #tpu.memory_space<semaphore_mem>>)
    %scan3A_61 = arith.constant 0 : i32
    %scan3A_62 = arith.constant 0 : i32
    %scan3A_63 = arith.constant 40 : i32
    %scan3A_64 = arith.addi %scan3A_62, %scan3A_63 : i32
    %scan3A_65 = arith.constant 1 : i32
    scf.for %scan3A_73 = %scan3A_62 to %scan3A_64 step %scan3A_65  : i32 {
      %add3A_74 = arith.constant 1 : i32
      %add3A_75 = arith.addi %scan3A_73, %add3A_74 : i32
      %lt3A = arith.constant 40 : i32
      %lt3A_76 = arith.cmpi slt, %add3A_75, %lt3A : i32
      %convert_element_type3A_77 = arith.extui %lt3A_76 : i1 to i32
      %cond3A_78 = arith.constant 0 : i32
      %cond3A_79 = arith.cmpi ne, %convert_element_type3A_77, %cond3A_78 : i32
      scf.if %cond3A_79 {
        %add3A_99 = arith.constant 1 : i32
        %add3A_100 = arith.addi %scan3A_73, %add3A_99 : i32
        %rem3A_101 = arith.constant 2 : i32
        %rem3A_102 = arith.remsi %add3A_100, %rem3A_101 : i32
        %dma_start3A_103 = arith.constant 0 : i32
        %dma_start3A_104 = arith.constant 0 : i32
        %dma_start3A_105 = tpu.memref_slice %arg8[%rem3A_102, %dma_start3A_103, %dma_start3A_104] : memref<2x128x128xf32, #tpu.memory_space<vmem>> -> memref<1x128x128xf32, #tpu.memory_space<vmem>>
        %dma_start3A_106 = tpu.memref_squeeze %dma_start3A_105 : memref<1x128x128xf32, #tpu.memory_space<vmem>> -> memref<128x128xf32, #tpu.memory_space<vmem>>
        %dma_start3A_107 = arith.constant 0 : i32
        %dma_start3A_108 = tpu.memref_slice %arg6[%add3A_100, %dma_start3A_107] : memref<40x128xi32, #tpu.memory_space<vmem>> -> memref<1x128xi32, #tpu.memory_space<vmem>>
        %dma_start3A_109 = tpu.memref_squeeze %dma_start3A_108 : memref<1x128xi32, #tpu.memory_space<vmem>> -> memref<128xi32, #tpu.memory_space<vmem>>
        %dma_start3A_110 = arith.constant 0 : i32
        %dma_start3A_111 = arith.constant 0 : i32
        %dma_start3A_112 = tpu.memref_slice %arg2[%arg0, %dma_start3A_110, %dma_start3A_111] : memref<2x10000x128xf32, #tpu.memory_space<hbm>> -> memref<1x10000x128xf32, #tpu.memory_space<hbm>>
        %dma_start3A_113 = tpu.memref_squeeze %dma_start3A_112 : memref<1x10000x128xf32, #tpu.memory_space<hbm>> -> memref<10000x128xf32, #tpu.memory_space<hbm>>
        %dma_start3A_114 = arith.constant 0 : i32
        %dma_start3A_115 = arith.constant 0 : i32
        %dma_start3A_116 = tpu.memref_slice %dma_start3A_113[%dma_start3A_114, %dma_start3A_115] : memref<10000x128xf32, #tpu.memory_space<hbm>> -> memref<10000x128xf32, #tpu.memory_space<hbm>>
        %dma_start3A_117 = tpu.memref_slice %arg10[%rem3A_102] : memref<2x!tpu.dma_semaphore, #tpu.memory_space<semaphore_mem>> -> memref<1x!tpu.dma_semaphore, #tpu.memory_space<semaphore_mem>>
        %dma_start3A_118 = tpu.memref_squeeze %dma_start3A_117 : memref<1x!tpu.dma_semaphore, #tpu.memory_space<semaphore_mem>> -> memref<!tpu.dma_semaphore, #tpu.memory_space<semaphore_mem>>
        tpu.enqueue_indirect_dma source(%dma_start3A_116 : memref<10000x128xf32, #tpu.memory_space<hbm>>) target(%dma_start3A_106 : memref<128x128xf32, #tpu.memory_space<vmem>>) offsets(%dma_start3A_109 : memref<128xi32, #tpu.memory_space<vmem>>) semaphore(%dma_start3A_118 : memref<!tpu.dma_semaphore, #tpu.memory_space<semaphore_mem>>)
      } else {
      }
      %rem3A_80 = arith.constant 2 : i32
      %rem3A_81 = arith.remsi %scan3A_73, %rem3A_80 : i32
      %dma_wait3A = arith.constant 0 : i32
      %dma_wait3A_82 = arith.constant 0 : i32
      %dma_wait3A_83 = tpu.memref_slice %arg8[%rem3A_81, %dma_wait3A, %dma_wait3A_82] : memref<2x128x128xf32, #tpu.memory_space<vmem>> -> memref<1x128x128xf32, #tpu.memory_space<vmem>>
      %dma_wait3A_84 = tpu.memref_squeeze %dma_wait3A_83 : memref<1x128x128xf32, #tpu.memory_space<vmem>> -> memref<128x128xf32, #tpu.memory_space<vmem>>
      %dma_wait3A_85 = arith.constant 0 : i32
      %dma_wait3A_86 = tpu.memref_slice %arg6[%scan3A_73, %dma_wait3A_85] : memref<40x128xi32, #tpu.memory_space<vmem>> -> memref<1x128xi32, #tpu.memory_space<vmem>>
      %dma_wait3A_87 = tpu.memref_squeeze %dma_wait3A_86 : memref<1x128xi32, #tpu.memory_space<vmem>> -> memref<128xi32, #tpu.memory_space<vmem>>
      %dma_wait3A_88 = arith.constant 0 : i32
      %dma_wait3A_89 = arith.constant 0 : i32
      %dma_wait3A_90 = tpu.memref_slice %arg2[%arg0, %dma_wait3A_88, %dma_wait3A_89] : memref<2x10000x128xf32, #tpu.memory_space<hbm>> -> memref<1x10000x128xf32, #tpu.memory_space<hbm>>
      %dma_wait3A_91 = tpu.memref_squeeze %dma_wait3A_90 : memref<1x10000x128xf32, #tpu.memory_space<hbm>> -> memref<10000x128xf32, #tpu.memory_space<hbm>>
      %dma_wait3A_92 = arith.constant 0 : i32
      %dma_wait3A_93 = arith.constant 0 : i32
      %dma_wait3A_94 = tpu.memref_slice %dma_wait3A_91[%dma_wait3A_92, %dma_wait3A_93] : memref<10000x128xf32, #tpu.memory_space<hbm>> -> memref<10000x128xf32, #tpu.memory_space<hbm>>
      %dma_wait3A_95 = tpu.memref_slice %arg10[%rem3A_81] : memref<2x!tpu.dma_semaphore, #tpu.memory_space<semaphore_mem>> -> memref<1x!tpu.dma_semaphore, #tpu.memory_space<semaphore_mem>>
      %dma_wait3A_96 = tpu.memref_squeeze %dma_wait3A_95 : memref<1x!tpu.dma_semaphore, #tpu.memory_space<semaphore_mem>> -> memref<!tpu.dma_semaphore, #tpu.memory_space<semaphore_mem>>
      tpu.wait_indirect_dma semaphore(%dma_wait3A_96 : memref<!tpu.dma_semaphore, #tpu.memory_space<semaphore_mem>>) src(%dma_wait3A_94 : memref<10000x128xf32, #tpu.memory_space<hbm>>) dst(%dma_wait3A_84 : memref<128x128xf32, #tpu.memory_space<vmem>>)
      %rem3A_97 = arith.constant 2 : i32
      %rem3A_98 = arith.remsi %scan3A_73, %rem3A_97 : i32
      "tpu.region"() ({
        %run_scoped3A = tpu.sem_alloc : memref<!tpu.dma_semaphore, #tpu.memory_space<semaphore_mem>>
        %dma_start3A_99 = arith.constant 0 : i32
        %dma_start3A_100 = arith.constant 0 : i32
        %dma_start3A_101 = tpu.memref_slice %arg8[%rem3A_98, %dma_start3A_99, %dma_start3A_100] : memref<2x128x128xf32, #tpu.memory_space<vmem>> -> memref<1x128x128xf32, #tpu.memory_space<vmem>>
        %dma_start3A_102 = tpu.memref_squeeze %dma_start3A_101 : memref<1x128x128xf32, #tpu.memory_space<vmem>> -> memref<128x128xf32, #tpu.memory_space<vmem>>
        %dma_start3A_103 = arith.constant 0 : i32
        %dma_start3A_104 = tpu.memref_slice %arg7[%scan3A_73, %dma_start3A_103] : memref<40x128xi32, #tpu.memory_space<vmem>> -> memref<1x128xi32, #tpu.memory_space<vmem>>
        %dma_start3A_105 = tpu.memref_squeeze %dma_start3A_104 : memref<1x128xi32, #tpu.memory_space<vmem>> -> memref<128xi32, #tpu.memory_space<vmem>>
        %dma_start3A_106 = arith.constant 0 : i32
        %dma_start3A_107 = arith.constant 0 : i32
        %dma_start3A_108 = tpu.memref_slice %arg9[%dma_start3A_106, %dma_start3A_107] : memref<10016x128xf32, #tpu.memory_space<vmem_shared>> -> memref<10016x128xf32, #tpu.memory_space<vmem_shared>>
        tpu.enqueue_indirect_dma source(%dma_start3A_102 : memref<128x128xf32, #tpu.memory_space<vmem>>) target(%dma_start3A_108 : memref<10016x128xf32, #tpu.memory_space<vmem_shared>>) offsets(%dma_start3A_105 : memref<128xi32, #tpu.memory_space<vmem>>) semaphore(%run_scoped3A : memref<!tpu.dma_semaphore, #tpu.memory_space<semaphore_mem>>) {add = true}
        %dma_wait3A_109 = arith.constant 0 : i32
        %dma_wait3A_110 = arith.constant 0 : i32
        %dma_wait3A_111 = tpu.memref_slice %arg8[%rem3A_98, %dma_wait3A_109, %dma_wait3A_110] : memref<2x128x128xf32, #tpu.memory_space<vmem>> -> memref<1x128x128xf32, #tpu.memory_space<vmem>>
        %dma_wait3A_112 = tpu.memref_squeeze %dma_wait3A_111 : memref<1x128x128xf32, #tpu.memory_space<vmem>> -> memref<128x128xf32, #tpu.memory_space<vmem>>
        %dma_wait3A_113 = arith.constant 0 : i32
        %dma_wait3A_114 = tpu.memref_slice %arg7[%scan3A_73, %dma_wait3A_113] : memref<40x128xi32, #tpu.memory_space<vmem>> -> memref<1x128xi32, #tpu.memory_space<vmem>>
        %dma_wait3A_115 = tpu.memref_squeeze %dma_wait3A_114 : memref<1x128xi32, #tpu.memory_space<vmem>> -> memref<128xi32, #tpu.memory_space<vmem>>
        %dma_wait3A_116 = arith.constant 0 : i32
        %dma_wait3A_117 = arith.constant 0 : i32
        %dma_wait3A_118 = tpu.memref_slice %arg9[%dma_wait3A_116, %dma_wait3A_117] : memref<10016x128xf32, #tpu.memory_space<vmem_shared>> -> memref<10016x128xf32, #tpu.memory_space<vmem_shared>>
        tpu.wait_indirect_dma semaphore(%run_scoped3A : memref<!tpu.dma_semaphore, #tpu.memory_space<semaphore_mem>>) src(%dma_wait3A_112 : memref<128x128xf32, #tpu.memory_space<vmem>>) dst(%dma_wait3A_118 : memref<10016x128xf32, #tpu.memory_space<vmem_shared>>)
        tpu.yield
      }) : () -> ()
    }
    %scan3A_66 = arith.constant 40 : i32
    %barrier3A_67 = arith.constant 0 : index
    tpu.barrier barrier_id(%barrier3A_67)
    "tpu.region"() ({
      %run_scoped3A = tpu.sem_alloc : memref<!tpu.dma_semaphore, #tpu.memory_space<semaphore_mem>>
      %dma_start3A_73 = arith.constant 0 : i32
      %dma_start3A_74 = tpu.memref_slice %arg5[%arg0, %mul3A_0, %dma_start3A_73] : memref<2x10000x128xf32, #tpu.memory_space<hbm>> -> memref<1x624x128xf32, #tpu.memory_space<hbm>>
      %dma_start3A_75 = tpu.memref_squeeze %dma_start3A_74 : memref<1x624x128xf32, #tpu.memory_space<hbm>> -> memref<624x128xf32, #tpu.memory_space<hbm>>
      %dma_start3A_76 = arith.constant 0 : i32
      %dma_start3A_77 = tpu.memref_slice %arg9[%mul3A_0, %dma_start3A_76] : memref<10016x128xf32, #tpu.memory_space<vmem_shared>> -> memref<624x128xf32, #tpu.memory_space<vmem_shared>>
      tpu.enqueue_dma source(%dma_start3A_77 : memref<624x128xf32, #tpu.memory_space<vmem_shared>>) target(%dma_start3A_75 : memref<624x128xf32, #tpu.memory_space<hbm>>) target_semaphore(%run_scoped3A : memref<!tpu.dma_semaphore, #tpu.memory_space<semaphore_mem>>)
      %dma_wait3A = arith.constant 0 : i32
      %dma_wait3A_78 = tpu.memref_slice %arg5[%arg0, %mul3A_0, %dma_wait3A] : memref<2x10000x128xf32, #tpu.memory_space<hbm>> -> memref<1x624x128xf32, #tpu.memory_space<hbm>>
      %dma_wait3A_79 = tpu.memref_squeeze %dma_wait3A_78 : memref<1x624x128xf32, #tpu.memory_space<hbm>> -> memref<624x128xf32, #tpu.memory_space<hbm>>
      %dma_wait3A_80 = arith.constant 0 : i32
      %dma_wait3A_81 = tpu.memref_slice %arg9[%mul3A_0, %dma_wait3A_80] : memref<10016x128xf32, #tpu.memory_space<vmem_shared>> -> memref<624x128xf32, #tpu.memory_space<vmem_shared>>
      tpu.wait_dma2 semaphore(%run_scoped3A : memref<!tpu.dma_semaphore, #tpu.memory_space<semaphore_mem>>) src(%dma_wait3A_81 : memref<624x128xf32, #tpu.memory_space<vmem_shared>>) dst(%dma_wait3A_79 : memref<624x128xf32, #tpu.memory_space<hbm>>)
      tpu.yield
    }) : () -> ()
    %eq3A_68 = arith.constant 15 : i32
    %eq3A_69 = arith.cmpi eq, %arg1, %eq3A_68 : i32
    %convert_element_type3A_70 = arith.extui %eq3A_69 : i1 to i32
    %cond3A_71 = arith.constant 0 : i32
    %cond3A_72 = arith.cmpi ne, %convert_element_type3A_70, %cond3A_71 : i32
    scf.if %cond3A_72 {
      "tpu.region"() ({
        %run_scoped3A = tpu.sem_alloc : memref<!tpu.dma_semaphore, #tpu.memory_space<semaphore_mem>>
        %dma_start3A_73 = arith.constant 9984 : i32
        %dma_start3A_74 = arith.constant 0 : i32
        %dma_start3A_75 = tpu.memref_slice %arg5[%arg0, %dma_start3A_73, %dma_start3A_74] : memref<2x10000x128xf32, #tpu.memory_space<hbm>> -> memref<1x16x128xf32, #tpu.memory_space<hbm>>
        %dma_start3A_76 = tpu.memref_squeeze %dma_start3A_75 : memref<1x16x128xf32, #tpu.memory_space<hbm>> -> memref<16x128xf32, #tpu.memory_space<hbm>>
        %dma_start3A_77 = arith.constant 9984 : i32
        %dma_start3A_78 = arith.constant 0 : i32
        %dma_start3A_79 = tpu.memref_slice %arg9[%dma_start3A_77, %dma_start3A_78] : memref<10016x128xf32, #tpu.memory_space<vmem_shared>> -> memref<16x128xf32, #tpu.memory_space<vmem_shared>>
        tpu.enqueue_dma source(%dma_start3A_79 : memref<16x128xf32, #tpu.memory_space<vmem_shared>>) target(%dma_start3A_76 : memref<16x128xf32, #tpu.memory_space<hbm>>) target_semaphore(%run_scoped3A : memref<!tpu.dma_semaphore, #tpu.memory_space<semaphore_mem>>)
        %dma_wait3A = arith.constant 9984 : i32
        %dma_wait3A_80 = arith.constant 0 : i32
        %dma_wait3A_81 = tpu.memref_slice %arg5[%arg0, %dma_wait3A, %dma_wait3A_80] : memref<2x10000x128xf32, #tpu.memory_space<hbm>> -> memref<1x16x128xf32, #tpu.memory_space<hbm>>
        %dma_wait3A_82 = tpu.memref_squeeze %dma_wait3A_81 : memref<1x16x128xf32, #tpu.memory_space<hbm>> -> memref<16x128xf32, #tpu.memory_space<hbm>>
        %dma_wait3A_83 = arith.constant 9984 : i32
        %dma_wait3A_84 = arith.constant 0 : i32
        %dma_wait3A_85 = tpu.memref_slice %arg9[%dma_wait3A_83, %dma_wait3A_84] : memref<10016x128xf32, #tpu.memory_space<vmem_shared>> -> memref<16x128xf32, #tpu.memory_space<vmem_shared>>
        tpu.wait_dma2 semaphore(%run_scoped3A : memref<!tpu.dma_semaphore, #tpu.memory_space<semaphore_mem>>) src(%dma_wait3A_85 : memref<16x128xf32, #tpu.memory_space<vmem_shared>>) dst(%dma_wait3A_82 : memref<16x128xf32, #tpu.memory_space<hbm>>)
        tpu.yield
      }) : () -> ()
    } else {
    }
    return
  }
}

#map = affine_map<(d0, d1) -> (0, 0)>
module attributes {stable_mosaic.version = 14 : i64} {
  func.func @k(%arg0: i32, %arg1: i32, %arg2: memref<1280x128xi32, #tpu.memory_space<hbm>>, %arg3: memref<32x10240xf32, #tpu.memory_space<hbm>>, %arg4: memref<128xi32, #tpu.memory_space<vmem>>, %arg5: memref<10240xf32, #tpu.memory_space<vmem>>) attributes {dimension_semantics = [#tpu.dimension_semantics<core_parallel>, #tpu.dimension_semantics<subcore_parallel>], iteration_bounds = array<i64: 2, 16>, scalar_prefetch = 0 : i64, scratch_operands = 2 : i64, tpu.core_type = #tpu.core_type<sc_vector_subcore>, window_params = [{transform_indices = #map}, {transform_indices = #map}]} {
    %mul3A = arith.constant 2 : i32
    %mul3A_0 = arith.muli %arg1, %mul3A : i32
    %add3A = arith.addi %mul3A_0, %arg0 : i32
    %broadcast_in_dim3A = arith.constant 0.000000e+00 : f32
    %broadcast_in_dim3A_1 = vector.broadcast %broadcast_in_dim3A : f32 to vector<16xf32>
    %scan3A = arith.constant 0 : i32
    %scan3A_2 = arith.constant 0 : i32
    %scan3A_3 = arith.constant 640 : i32
    %scan3A_4 = arith.addi %scan3A_2, %scan3A_3 : i32
    %scan3A_5 = arith.constant 1 : i32
    scf.for %scan3A_15 = %scan3A_2 to %scan3A_4 step %scan3A_5  : i32 {
      %mul3A_16 = arith.constant 16 : i32
      %mul3A_17 = arith.muli %scan3A_15, %mul3A_16 : i32
      %swap3A = arith.index_cast %mul3A_17 : i32 to index
      %swap3A_18 = tpu.vector_load %arg5[%swap3A] {strides = array<i32>} : memref<10240xf32, #tpu.memory_space<vmem>>, vector<16xf32>,
      tpu.vector_store %arg5[%swap3A], %broadcast_in_dim3A_1 {strides = array<i32>} : memref<10240xf32, #tpu.memory_space<vmem>>, vector<16xf32>,
    }
    %scan3A_6 = arith.constant 640 : i32
    %broadcast_in_dim3A_7 = arith.constant 1.000000e+00 : f32
    %broadcast_in_dim3A_8 = vector.broadcast %broadcast_in_dim3A_7 : f32 to vector<16xf32>
    %scan3A_9 = arith.constant 0 : i32
    %scan3A_10 = arith.constant 0 : i32
    %scan3A_11 = arith.constant 40 : i32
    %scan3A_12 = arith.addi %scan3A_10, %scan3A_11 : i32
    %scan3A_13 = arith.constant 1 : i32
    scf.for %scan3A_15 = %scan3A_10 to %scan3A_12 step %scan3A_13  : i32 {
      %mul3A_16 = arith.constant 40 : i32
      %mul3A_17 = arith.muli %add3A, %mul3A_16 : i32
      %add3A_18 = arith.addi %mul3A_17, %scan3A_15 : i32
      "tpu.region"() ({
        %run_scoped3A = tpu.sem_alloc : memref<!tpu.dma_semaphore, #tpu.memory_space<semaphore_mem>>
        %dma_start3A = arith.constant 0 : i32
        %dma_start3A_34 = tpu.memref_slice %arg2[%add3A_18, %dma_start3A] : memref<1280x128xi32, #tpu.memory_space<hbm>> -> memref<1x128xi32, #tpu.memory_space<hbm>>
        %dma_start3A_35 = tpu.memref_squeeze %dma_start3A_34 : memref<1x128xi32, #tpu.memory_space<hbm>> -> memref<128xi32, #tpu.memory_space<hbm>>
        %dma_start3A_36 = arith.constant 0 : i32
        %dma_start3A_37 = tpu.memref_slice %arg2[%add3A_18, %dma_start3A_36] : memref<1280x128xi32, #tpu.memory_space<hbm>> -> memref<1x128xi32, #tpu.memory_space<hbm>>
        %dma_start3A_38 = tpu.memref_squeeze %dma_start3A_37 : memref<1x128xi32, #tpu.memory_space<hbm>> -> memref<128xi32, #tpu.memory_space<hbm>>
        tpu.enqueue_dma source(%dma_start3A_38 : memref<128xi32, #tpu.memory_space<hbm>>) target(%arg4 : memref<128xi32, #tpu.memory_space<vmem>>) target_semaphore(%run_scoped3A : memref<!tpu.dma_semaphore, #tpu.memory_space<semaphore_mem>>)
        %dma_wait3A = arith.constant 0 : i32
        %dma_wait3A_39 = tpu.memref_slice %arg2[%add3A_18, %dma_wait3A] : memref<1280x128xi32, #tpu.memory_space<hbm>> -> memref<1x128xi32, #tpu.memory_space<hbm>>
        %dma_wait3A_40 = tpu.memref_squeeze %dma_wait3A_39 : memref<1x128xi32, #tpu.memory_space<hbm>> -> memref<128xi32, #tpu.memory_space<hbm>>
        %dma_wait3A_41 = arith.constant 0 : i32
        %dma_wait3A_42 = tpu.memref_slice %arg2[%add3A_18, %dma_wait3A_41] : memref<1280x128xi32, #tpu.memory_space<hbm>> -> memref<1x128xi32, #tpu.memory_space<hbm>>
        %dma_wait3A_43 = tpu.memref_squeeze %dma_wait3A_42 : memref<1x128xi32, #tpu.memory_space<hbm>> -> memref<128xi32, #tpu.memory_space<hbm>>
        tpu.wait_dma2 semaphore(%run_scoped3A : memref<!tpu.dma_semaphore, #tpu.memory_space<semaphore_mem>>) src(%dma_wait3A_43 : memref<128xi32, #tpu.memory_space<hbm>>) dst(%arg4 : memref<128xi32, #tpu.memory_space<vmem>>)
        tpu.yield
      }) : () -> ()
      %get3A = arith.constant 0 : index
      %get3A_19 = tpu.vector_load %arg4[%get3A] {strides = array<i32>} : memref<128xi32, #tpu.memory_space<vmem>>, vector<16xi32>,
      tpu.vector_store_idx %arg5[%get3A_19], %broadcast_in_dim3A_8 {add = true} : memref<10240xf32, #tpu.memory_space<vmem>>[vector<16xi32>], vector<16xf32>,
      %get3A_20 = arith.constant 16 : index
      %get3A_21 = tpu.vector_load %arg4[%get3A_20] {strides = array<i32>} : memref<128xi32, #tpu.memory_space<vmem>>, vector<16xi32>,
      tpu.vector_store_idx %arg5[%get3A_21], %broadcast_in_dim3A_8 {add = true} : memref<10240xf32, #tpu.memory_space<vmem>>[vector<16xi32>], vector<16xf32>,
      %get3A_22 = arith.constant 32 : index
      %get3A_23 = tpu.vector_load %arg4[%get3A_22] {strides = array<i32>} : memref<128xi32, #tpu.memory_space<vmem>>, vector<16xi32>,
      tpu.vector_store_idx %arg5[%get3A_23], %broadcast_in_dim3A_8 {add = true} : memref<10240xf32, #tpu.memory_space<vmem>>[vector<16xi32>], vector<16xf32>,
      %get3A_24 = arith.constant 48 : index
      %get3A_25 = tpu.vector_load %arg4[%get3A_24] {strides = array<i32>} : memref<128xi32, #tpu.memory_space<vmem>>, vector<16xi32>,
      tpu.vector_store_idx %arg5[%get3A_25], %broadcast_in_dim3A_8 {add = true} : memref<10240xf32, #tpu.memory_space<vmem>>[vector<16xi32>], vector<16xf32>,
      %get3A_26 = arith.constant 64 : index
      %get3A_27 = tpu.vector_load %arg4[%get3A_26] {strides = array<i32>} : memref<128xi32, #tpu.memory_space<vmem>>, vector<16xi32>,
      tpu.vector_store_idx %arg5[%get3A_27], %broadcast_in_dim3A_8 {add = true} : memref<10240xf32, #tpu.memory_space<vmem>>[vector<16xi32>], vector<16xf32>,
      %get3A_28 = arith.constant 80 : index
      %get3A_29 = tpu.vector_load %arg4[%get3A_28] {strides = array<i32>} : memref<128xi32, #tpu.memory_space<vmem>>, vector<16xi32>,
      tpu.vector_store_idx %arg5[%get3A_29], %broadcast_in_dim3A_8 {add = true} : memref<10240xf32, #tpu.memory_space<vmem>>[vector<16xi32>], vector<16xf32>,
      %get3A_30 = arith.constant 96 : index
      %get3A_31 = tpu.vector_load %arg4[%get3A_30] {strides = array<i32>} : memref<128xi32, #tpu.memory_space<vmem>>, vector<16xi32>,
      tpu.vector_store_idx %arg5[%get3A_31], %broadcast_in_dim3A_8 {add = true} : memref<10240xf32, #tpu.memory_space<vmem>>[vector<16xi32>], vector<16xf32>,
      %get3A_32 = arith.constant 112 : index
      %get3A_33 = tpu.vector_load %arg4[%get3A_32] {strides = array<i32>} : memref<128xi32, #tpu.memory_space<vmem>>, vector<16xi32>,
      tpu.vector_store_idx %arg5[%get3A_33], %broadcast_in_dim3A_8 {add = true} : memref<10240xf32, #tpu.memory_space<vmem>>[vector<16xi32>], vector<16xf32>,
    }
    %scan3A_14 = arith.constant 40 : i32
    "tpu.region"() ({
      %run_scoped3A = tpu.sem_alloc : memref<!tpu.dma_semaphore, #tpu.memory_space<semaphore_mem>>
      %dma_start3A = arith.constant 0 : i32
      %dma_start3A_15 = tpu.memref_slice %arg3[%add3A, %dma_start3A] : memref<32x10240xf32, #tpu.memory_space<hbm>> -> memref<1x10240xf32, #tpu.memory_space<hbm>>
      %dma_start3A_16 = tpu.memref_squeeze %dma_start3A_15 : memref<1x10240xf32, #tpu.memory_space<hbm>> -> memref<10240xf32, #tpu.memory_space<hbm>>
      %dma_start3A_17 = arith.constant 0 : i32
      %dma_start3A_18 = tpu.memref_slice %arg3[%add3A, %dma_start3A_17] : memref<32x10240xf32, #tpu.memory_space<hbm>> -> memref<1x10240xf32, #tpu.memory_space<hbm>>
      %dma_start3A_19 = tpu.memref_squeeze %dma_start3A_18 : memref<1x10240xf32, #tpu.memory_space<hbm>> -> memref<10240xf32, #tpu.memory_space<hbm>>
      tpu.enqueue_dma source(%arg5 : memref<10240xf32, #tpu.memory_space<vmem>>) target(%dma_start3A_19 : memref<10240xf32, #tpu.memory_space<hbm>>) target_semaphore(%run_scoped3A : memref<!tpu.dma_semaphore, #tpu.memory_space<semaphore_mem>>)
      %dma_wait3A = arith.constant 0 : i32
      %dma_wait3A_20 = tpu.memref_slice %arg3[%add3A, %dma_wait3A] : memref<32x10240xf32, #tpu.memory_space<hbm>> -> memref<1x10240xf32, #tpu.memory_space<hbm>>
      %dma_wait3A_21 = tpu.memref_squeeze %dma_wait3A_20 : memref<1x10240xf32, #tpu.memory_space<hbm>> -> memref<10240xf32, #tpu.memory_space<hbm>>
      %dma_wait3A_22 = arith.constant 0 : i32
      %dma_wait3A_23 = tpu.memref_slice %arg3[%add3A, %dma_wait3A_22] : memref<32x10240xf32, #tpu.memory_space<hbm>> -> memref<1x10240xf32, #tpu.memory_space<hbm>>
      %dma_wait3A_24 = tpu.memref_squeeze %dma_wait3A_23 : memref<1x10240xf32, #tpu.memory_space<hbm>> -> memref<10240xf32, #tpu.memory_space<hbm>>
      tpu.wait_dma2 semaphore(%run_scoped3A : memref<!tpu.dma_semaphore, #tpu.memory_space<semaphore_mem>>) src(%arg5 : memref<10240xf32, #tpu.memory_space<vmem>>) dst(%dma_wait3A_24 : memref<10240xf32, #tpu.memory_space<hbm>>)
      tpu.yield
    }) : () -> ()
    return
  }
}

#map = affine_map<(d0, d1) -> (0, 0, 0)>
#map1 = affine_map<(d0, d1) -> (0, 0)>
module attributes {stable_mosaic.version = 14 : i64} {
  func.func @k(%arg0: i32, %arg1: i32, %arg2: memref<2x10000x128xf32, #tpu.memory_space<hbm>>, %arg3: memref<1280x128xi32, #tpu.memory_space<hbm>>, %arg4: memref<1280x128xi32, #tpu.memory_space<hbm>>, %arg5: memref<2x10000x128xf32, #tpu.memory_space<hbm>>, %arg6: memref<40x128xi32, #tpu.memory_space<vmem>>, %arg7: memref<40x128xi32, #tpu.memory_space<vmem>>, %arg8: memref<2x128x128xf32, #tpu.memory_space<vmem>>, %arg9: memref<10016x128xf32, #tpu.memory_space<vmem_shared>>, %arg10: memref<2x!tpu.dma_semaphore, #tpu.memory_space<semaphore_mem>>) attributes {dimension_semantics = [#tpu.dimension_semantics<core_parallel>, #tpu.dimension_semantics<subcore_parallel>], iteration_bounds = array<i64: 2, 16>, scalar_prefetch = 0 : i64, scratch_operands = 5 : i64, tpu.core_type = #tpu.core_type<sc_vector_subcore>, window_params = [{transform_indices = #map}, {transform_indices = #map1}, {transform_indices = #map1}, {transform_indices = #map}]} {
    %mul3A = arith.constant 624 : i32
    %mul3A_0 = arith.muli %arg1, %mul3A : i32
    "tpu.region"() ({
      %run_scoped3A = tpu.sem_alloc : memref<!tpu.dma_semaphore, #tpu.memory_space<semaphore_mem>>
      %dma_start3A_73 = arith.constant 0 : i32
      %dma_start3A_74 = tpu.memref_slice %arg9[%mul3A_0, %dma_start3A_73] : memref<10016x128xf32, #tpu.memory_space<vmem_shared>> -> memref<624x128xf32, #tpu.memory_space<vmem_shared>>
      %dma_start3A_75 = arith.constant 0 : i32
      %dma_start3A_76 = tpu.memref_slice %arg2[%arg0, %mul3A_0, %dma_start3A_75] : memref<2x10000x128xf32, #tpu.memory_space<hbm>> -> memref<1x624x128xf32, #tpu.memory_space<hbm>>
      %dma_start3A_77 = tpu.memref_squeeze %dma_start3A_76 : memref<1x624x128xf32, #tpu.memory_space<hbm>> -> memref<624x128xf32, #tpu.memory_space<hbm>>
      tpu.enqueue_dma source(%dma_start3A_77 : memref<624x128xf32, #tpu.memory_space<hbm>>) target(%dma_start3A_74 : memref<624x128xf32, #tpu.memory_space<vmem_shared>>) target_semaphore(%run_scoped3A : memref<!tpu.dma_semaphore, #tpu.memory_space<semaphore_mem>>)
      %dma_wait3A = arith.constant 0 : i32
      %dma_wait3A_78 = tpu.memref_slice %arg9[%mul3A_0, %dma_wait3A] : memref<10016x128xf32, #tpu.memory_space<vmem_shared>> -> memref<624x128xf32, #tpu.memory_space<vmem_shared>>
      %dma_wait3A_79 = arith.constant 0 : i32
      %dma_wait3A_80 = tpu.memref_slice %arg2[%arg0, %mul3A_0, %dma_wait3A_79] : memref<2x10000x128xf32, #tpu.memory_space<hbm>> -> memref<1x624x128xf32, #tpu.memory_space<hbm>>
      %dma_wait3A_81 = tpu.memref_squeeze %dma_wait3A_80 : memref<1x624x128xf32, #tpu.memory_space<hbm>> -> memref<624x128xf32, #tpu.memory_space<hbm>>
      tpu.wait_dma2 semaphore(%run_scoped3A : memref<!tpu.dma_semaphore, #tpu.memory_space<semaphore_mem>>) src(%dma_wait3A_81 : memref<624x128xf32, #tpu.memory_space<hbm>>) dst(%dma_wait3A_78 : memref<624x128xf32, #tpu.memory_space<vmem_shared>>)
      tpu.yield
    }) : () -> ()
    %eq3A = arith.constant 15 : i32
    %eq3A_1 = arith.cmpi eq, %arg1, %eq3A : i32
    %convert_element_type3A = arith.extui %eq3A_1 : i1 to i32
    %cond3A = arith.constant 0 : i32
    %cond3A_2 = arith.cmpi ne, %convert_element_type3A, %cond3A : i32
    scf.if %cond3A_2 {
      "tpu.region"() ({
        %run_scoped3A = tpu.sem_alloc : memref<!tpu.dma_semaphore, #tpu.memory_space<semaphore_mem>>
        %dma_start3A_73 = arith.constant 9984 : i32
        %dma_start3A_74 = arith.constant 0 : i32
        %dma_start3A_75 = tpu.memref_slice %arg9[%dma_start3A_73, %dma_start3A_74] : memref<10016x128xf32, #tpu.memory_space<vmem_shared>> -> memref<16x128xf32, #tpu.memory_space<vmem_shared>>
        %dma_start3A_76 = arith.constant 9984 : i32
        %dma_start3A_77 = arith.constant 0 : i32
        %dma_start3A_78 = tpu.memref_slice %arg2[%arg0, %dma_start3A_76, %dma_start3A_77] : memref<2x10000x128xf32, #tpu.memory_space<hbm>> -> memref<1x16x128xf32, #tpu.memory_space<hbm>>
        %dma_start3A_79 = tpu.memref_squeeze %dma_start3A_78 : memref<1x16x128xf32, #tpu.memory_space<hbm>> -> memref<16x128xf32, #tpu.memory_space<hbm>>
        tpu.enqueue_dma source(%dma_start3A_79 : memref<16x128xf32, #tpu.memory_space<hbm>>) target(%dma_start3A_75 : memref<16x128xf32, #tpu.memory_space<vmem_shared>>) target_semaphore(%run_scoped3A : memref<!tpu.dma_semaphore, #tpu.memory_space<semaphore_mem>>)
        %dma_wait3A = arith.constant 9984 : i32
        %dma_wait3A_80 = arith.constant 0 : i32
        %dma_wait3A_81 = tpu.memref_slice %arg9[%dma_wait3A, %dma_wait3A_80] : memref<10016x128xf32, #tpu.memory_space<vmem_shared>> -> memref<16x128xf32, #tpu.memory_space<vmem_shared>>
        %dma_wait3A_82 = arith.constant 9984 : i32
        %dma_wait3A_83 = arith.constant 0 : i32
        %dma_wait3A_84 = tpu.memref_slice %arg2[%arg0, %dma_wait3A_82, %dma_wait3A_83] : memref<2x10000x128xf32, #tpu.memory_space<hbm>> -> memref<1x16x128xf32, #tpu.memory_space<hbm>>
        %dma_wait3A_85 = tpu.memref_squeeze %dma_wait3A_84 : memref<1x16x128xf32, #tpu.memory_space<hbm>> -> memref<16x128xf32, #tpu.memory_space<hbm>>
        tpu.wait_dma2 semaphore(%run_scoped3A : memref<!tpu.dma_semaphore, #tpu.memory_space<semaphore_mem>>) src(%dma_wait3A_85 : memref<16x128xf32, #tpu.memory_space<hbm>>) dst(%dma_wait3A_81 : memref<16x128xf32, #tpu.memory_space<vmem_shared>>)
        tpu.yield
      }) : () -> ()
    } else {
    }
    %barrier3A = arith.constant 0 : index
    tpu.barrier barrier_id(%barrier3A)
    %mul3A_3 = arith.constant 80 : i32
    %mul3A_4 = arith.muli %arg1, %mul3A_3 : i32
    %add3A = arith.constant 0 : i32
    %add3A_5 = arith.addi %mul3A_4, %add3A : i32
    "tpu.region"() ({
      %run_scoped3A = tpu.sem_alloc : memref<!tpu.dma_semaphore, #tpu.memory_space<semaphore_mem>>
      %dma_start3A_73 = arith.constant 0 : i32
      %dma_start3A_74 = tpu.memref_slice %arg3[%add3A_5, %dma_start3A_73] : memref<1280x128xi32, #tpu.memory_space<hbm>> -> memref<40x128xi32, #tpu.memory_space<hbm>>
      %dma_start3A_75 = arith.constant 0 : i32
      %dma_start3A_76 = tpu.memref_slice %arg3[%add3A_5, %dma_start3A_75] : memref<1280x128xi32, #tpu.memory_space<hbm>> -> memref<40x128xi32, #tpu.memory_space<hbm>>
      tpu.enqueue_dma source(%dma_start3A_76 : memref<40x128xi32, #tpu.memory_space<hbm>>) target(%arg6 : memref<40x128xi32, #tpu.memory_space<vmem>>) target_semaphore(%run_scoped3A : memref<!tpu.dma_semaphore, #tpu.memory_space<semaphore_mem>>)
      %dma_wait3A = arith.constant 0 : i32
      %dma_wait3A_77 = tpu.memref_slice %arg3[%add3A_5, %dma_wait3A] : memref<1280x128xi32, #tpu.memory_space<hbm>> -> memref<40x128xi32, #tpu.memory_space<hbm>>
      %dma_wait3A_78 = arith.constant 0 : i32
      %dma_wait3A_79 = tpu.memref_slice %arg3[%add3A_5, %dma_wait3A_78] : memref<1280x128xi32, #tpu.memory_space<hbm>> -> memref<40x128xi32, #tpu.memory_space<hbm>>
      tpu.wait_dma2 semaphore(%run_scoped3A : memref<!tpu.dma_semaphore, #tpu.memory_space<semaphore_mem>>) src(%dma_wait3A_79 : memref<40x128xi32, #tpu.memory_space<hbm>>) dst(%arg6 : memref<40x128xi32, #tpu.memory_space<vmem>>)
      tpu.yield
    }) : () -> ()
    %mul3A_6 = arith.constant 80 : i32
    %mul3A_7 = arith.muli %arg1, %mul3A_6 : i32
    %add3A_8 = arith.constant 0 : i32
    %add3A_9 = arith.addi %mul3A_7, %add3A_8 : i32
    "tpu.region"() ({
      %run_scoped3A = tpu.sem_alloc : memref<!tpu.dma_semaphore, #tpu.memory_space<semaphore_mem>>
      %dma_start3A_73 = arith.constant 0 : i32
      %dma_start3A_74 = tpu.memref_slice %arg4[%add3A_9, %dma_start3A_73] : memref<1280x128xi32, #tpu.memory_space<hbm>> -> memref<40x128xi32, #tpu.memory_space<hbm>>
      %dma_start3A_75 = arith.constant 0 : i32
      %dma_start3A_76 = tpu.memref_slice %arg4[%add3A_9, %dma_start3A_75] : memref<1280x128xi32, #tpu.memory_space<hbm>> -> memref<40x128xi32, #tpu.memory_space<hbm>>
      tpu.enqueue_dma source(%dma_start3A_76 : memref<40x128xi32, #tpu.memory_space<hbm>>) target(%arg7 : memref<40x128xi32, #tpu.memory_space<vmem>>) target_semaphore(%run_scoped3A : memref<!tpu.dma_semaphore, #tpu.memory_space<semaphore_mem>>)
      %dma_wait3A = arith.constant 0 : i32
      %dma_wait3A_77 = tpu.memref_slice %arg4[%add3A_9, %dma_wait3A] : memref<1280x128xi32, #tpu.memory_space<hbm>> -> memref<40x128xi32, #tpu.memory_space<hbm>>
      %dma_wait3A_78 = arith.constant 0 : i32
      %dma_wait3A_79 = tpu.memref_slice %arg4[%add3A_9, %dma_wait3A_78] : memref<1280x128xi32, #tpu.memory_space<hbm>> -> memref<40x128xi32, #tpu.memory_space<hbm>>
      tpu.wait_dma2 semaphore(%run_scoped3A : memref<!tpu.dma_semaphore, #tpu.memory_space<semaphore_mem>>) src(%dma_wait3A_79 : memref<40x128xi32, #tpu.memory_space<hbm>>) dst(%arg7 : memref<40x128xi32, #tpu.memory_space<vmem>>)
      tpu.yield
    }) : () -> ()
    %rem3A = arith.constant 0 : i32
    %rem3A_10 = arith.constant 2 : i32
    %rem3A_11 = arith.remsi %rem3A, %rem3A_10 : i32
    %dma_start3A = arith.constant 0 : i32
    %dma_start3A_12 = arith.constant 0 : i32
    %dma_start3A_13 = arith.constant 0 : i32
    %dma_start3A_14 = tpu.memref_slice %arg8[%rem3A_11, %dma_start3A_12, %dma_start3A_13] : memref<2x128x128xf32, #tpu.memory_space<vmem>> -> memref<1x128x128xf32, #tpu.memory_space<vmem>>
    %dma_start3A_15 = tpu.memref_squeeze %dma_start3A_14 : memref<1x128x128xf32, #tpu.memory_space<vmem>> -> memref<128x128xf32, #tpu.memory_space<vmem>>
    %dma_start3A_16 = arith.constant 0 : i32
    %dma_start3A_17 = tpu.memref_slice %arg6[%dma_start3A, %dma_start3A_16] : memref<40x128xi32, #tpu.memory_space<vmem>> -> memref<1x128xi32, #tpu.memory_space<vmem>>
    %dma_start3A_18 = tpu.memref_squeeze %dma_start3A_17 : memref<1x128xi32, #tpu.memory_space<vmem>> -> memref<128xi32, #tpu.memory_space<vmem>>
    %dma_start3A_19 = arith.constant 0 : i32
    %dma_start3A_20 = arith.constant 0 : i32
    %dma_start3A_21 = tpu.memref_slice %arg2[%arg0, %dma_start3A_19, %dma_start3A_20] : memref<2x10000x128xf32, #tpu.memory_space<hbm>> -> memref<1x10000x128xf32, #tpu.memory_space<hbm>>
    %dma_start3A_22 = tpu.memref_squeeze %dma_start3A_21 : memref<1x10000x128xf32, #tpu.memory_space<hbm>> -> memref<10000x128xf32, #tpu.memory_space<hbm>>
    %dma_start3A_23 = arith.constant 0 : i32
    %dma_start3A_24 = arith.constant 0 : i32
    %dma_start3A_25 = tpu.memref_slice %dma_start3A_22[%dma_start3A_23, %dma_start3A_24] : memref<10000x128xf32, #tpu.memory_space<hbm>> -> memref<10000x128xf32, #tpu.memory_space<hbm>>
    %dma_start3A_26 = tpu.memref_slice %arg10[%rem3A_11] : memref<2x!tpu.dma_semaphore, #tpu.memory_space<semaphore_mem>> -> memref<1x!tpu.dma_semaphore, #tpu.memory_space<semaphore_mem>>
    %dma_start3A_27 = tpu.memref_squeeze %dma_start3A_26 : memref<1x!tpu.dma_semaphore, #tpu.memory_space<semaphore_mem>> -> memref<!tpu.dma_semaphore, #tpu.memory_space<semaphore_mem>>
    tpu.enqueue_indirect_dma source(%dma_start3A_25 : memref<10000x128xf32, #tpu.memory_space<hbm>>) target(%dma_start3A_15 : memref<128x128xf32, #tpu.memory_space<vmem>>) offsets(%dma_start3A_18 : memref<128xi32, #tpu.memory_space<vmem>>) semaphore(%dma_start3A_27 : memref<!tpu.dma_semaphore, #tpu.memory_space<semaphore_mem>>)
    %scan3A = arith.constant 0 : i32
    %scan3A_28 = arith.constant 0 : i32
    %scan3A_29 = arith.constant 40 : i32
    %scan3A_30 = arith.addi %scan3A_28, %scan3A_29 : i32
    %scan3A_31 = arith.constant 1 : i32
    scf.for %scan3A_73 = %scan3A_28 to %scan3A_30 step %scan3A_31  : i32 {
      %add3A_74 = arith.constant 1 : i32
      %add3A_75 = arith.addi %scan3A_73, %add3A_74 : i32
      %lt3A = arith.constant 40 : i32
      %lt3A_76 = arith.cmpi slt, %add3A_75, %lt3A : i32
      %convert_element_type3A_77 = arith.extui %lt3A_76 : i1 to i32
      %cond3A_78 = arith.constant 0 : i32
      %cond3A_79 = arith.cmpi ne, %convert_element_type3A_77, %cond3A_78 : i32
      scf.if %cond3A_79 {
        %add3A_99 = arith.constant 1 : i32
        %add3A_100 = arith.addi %scan3A_73, %add3A_99 : i32
        %rem3A_101 = arith.constant 2 : i32
        %rem3A_102 = arith.remsi %add3A_100, %rem3A_101 : i32
        %dma_start3A_103 = arith.constant 0 : i32
        %dma_start3A_104 = arith.constant 0 : i32
        %dma_start3A_105 = tpu.memref_slice %arg8[%rem3A_102, %dma_start3A_103, %dma_start3A_104] : memref<2x128x128xf32, #tpu.memory_space<vmem>> -> memref<1x128x128xf32, #tpu.memory_space<vmem>>
        %dma_start3A_106 = tpu.memref_squeeze %dma_start3A_105 : memref<1x128x128xf32, #tpu.memory_space<vmem>> -> memref<128x128xf32, #tpu.memory_space<vmem>>
        %dma_start3A_107 = arith.constant 0 : i32
        %dma_start3A_108 = tpu.memref_slice %arg6[%add3A_100, %dma_start3A_107] : memref<40x128xi32, #tpu.memory_space<vmem>> -> memref<1x128xi32, #tpu.memory_space<vmem>>
        %dma_start3A_109 = tpu.memref_squeeze %dma_start3A_108 : memref<1x128xi32, #tpu.memory_space<vmem>> -> memref<128xi32, #tpu.memory_space<vmem>>
        %dma_start3A_110 = arith.constant 0 : i32
        %dma_start3A_111 = arith.constant 0 : i32
        %dma_start3A_112 = tpu.memref_slice %arg2[%arg0, %dma_start3A_110, %dma_start3A_111] : memref<2x10000x128xf32, #tpu.memory_space<hbm>> -> memref<1x10000x128xf32, #tpu.memory_space<hbm>>
        %dma_start3A_113 = tpu.memref_squeeze %dma_start3A_112 : memref<1x10000x128xf32, #tpu.memory_space<hbm>> -> memref<10000x128xf32, #tpu.memory_space<hbm>>
        %dma_start3A_114 = arith.constant 0 : i32
        %dma_start3A_115 = arith.constant 0 : i32
        %dma_start3A_116 = tpu.memref_slice %dma_start3A_113[%dma_start3A_114, %dma_start3A_115] : memref<10000x128xf32, #tpu.memory_space<hbm>> -> memref<10000x128xf32, #tpu.memory_space<hbm>>
        %dma_start3A_117 = tpu.memref_slice %arg10[%rem3A_102] : memref<2x!tpu.dma_semaphore, #tpu.memory_space<semaphore_mem>> -> memref<1x!tpu.dma_semaphore, #tpu.memory_space<semaphore_mem>>
        %dma_start3A_118 = tpu.memref_squeeze %dma_start3A_117 : memref<1x!tpu.dma_semaphore, #tpu.memory_space<semaphore_mem>> -> memref<!tpu.dma_semaphore, #tpu.memory_space<semaphore_mem>>
        tpu.enqueue_indirect_dma source(%dma_start3A_116 : memref<10000x128xf32, #tpu.memory_space<hbm>>) target(%dma_start3A_106 : memref<128x128xf32, #tpu.memory_space<vmem>>) offsets(%dma_start3A_109 : memref<128xi32, #tpu.memory_space<vmem>>) semaphore(%dma_start3A_118 : memref<!tpu.dma_semaphore, #tpu.memory_space<semaphore_mem>>)
      } else {
      }
      %rem3A_80 = arith.constant 2 : i32
      %rem3A_81 = arith.remsi %scan3A_73, %rem3A_80 : i32
      %dma_wait3A = arith.constant 0 : i32
      %dma_wait3A_82 = arith.constant 0 : i32
      %dma_wait3A_83 = tpu.memref_slice %arg8[%rem3A_81, %dma_wait3A, %dma_wait3A_82] : memref<2x128x128xf32, #tpu.memory_space<vmem>> -> memref<1x128x128xf32, #tpu.memory_space<vmem>>
      %dma_wait3A_84 = tpu.memref_squeeze %dma_wait3A_83 : memref<1x128x128xf32, #tpu.memory_space<vmem>> -> memref<128x128xf32, #tpu.memory_space<vmem>>
      %dma_wait3A_85 = arith.constant 0 : i32
      %dma_wait3A_86 = tpu.memref_slice %arg6[%scan3A_73, %dma_wait3A_85] : memref<40x128xi32, #tpu.memory_space<vmem>> -> memref<1x128xi32, #tpu.memory_space<vmem>>
      %dma_wait3A_87 = tpu.memref_squeeze %dma_wait3A_86 : memref<1x128xi32, #tpu.memory_space<vmem>> -> memref<128xi32, #tpu.memory_space<vmem>>
      %dma_wait3A_88 = arith.constant 0 : i32
      %dma_wait3A_89 = arith.constant 0 : i32
      %dma_wait3A_90 = tpu.memref_slice %arg2[%arg0, %dma_wait3A_88, %dma_wait3A_89] : memref<2x10000x128xf32, #tpu.memory_space<hbm>> -> memref<1x10000x128xf32, #tpu.memory_space<hbm>>
      %dma_wait3A_91 = tpu.memref_squeeze %dma_wait3A_90 : memref<1x10000x128xf32, #tpu.memory_space<hbm>> -> memref<10000x128xf32, #tpu.memory_space<hbm>>
      %dma_wait3A_92 = arith.constant 0 : i32
      %dma_wait3A_93 = arith.constant 0 : i32
      %dma_wait3A_94 = tpu.memref_slice %dma_wait3A_91[%dma_wait3A_92, %dma_wait3A_93] : memref<10000x128xf32, #tpu.memory_space<hbm>> -> memref<10000x128xf32, #tpu.memory_space<hbm>>
      %dma_wait3A_95 = tpu.memref_slice %arg10[%rem3A_81] : memref<2x!tpu.dma_semaphore, #tpu.memory_space<semaphore_mem>> -> memref<1x!tpu.dma_semaphore, #tpu.memory_space<semaphore_mem>>
      %dma_wait3A_96 = tpu.memref_squeeze %dma_wait3A_95 : memref<1x!tpu.dma_semaphore, #tpu.memory_space<semaphore_mem>> -> memref<!tpu.dma_semaphore, #tpu.memory_space<semaphore_mem>>
      tpu.wait_indirect_dma semaphore(%dma_wait3A_96 : memref<!tpu.dma_semaphore, #tpu.memory_space<semaphore_mem>>) src(%dma_wait3A_94 : memref<10000x128xf32, #tpu.memory_space<hbm>>) dst(%dma_wait3A_84 : memref<128x128xf32, #tpu.memory_space<vmem>>)
      %rem3A_97 = arith.constant 2 : i32
      %rem3A_98 = arith.remsi %scan3A_73, %rem3A_97 : i32
      "tpu.region"() ({
        %run_scoped3A = tpu.sem_alloc : memref<!tpu.dma_semaphore, #tpu.memory_space<semaphore_mem>>
        %dma_start3A_99 = arith.constant 0 : i32
        %dma_start3A_100 = arith.constant 0 : i32
        %dma_start3A_101 = tpu.memref_slice %arg8[%rem3A_98, %dma_start3A_99, %dma_start3A_100] : memref<2x128x128xf32, #tpu.memory_space<vmem>> -> memref<1x128x128xf32, #tpu.memory_space<vmem>>
        %dma_start3A_102 = tpu.memref_squeeze %dma_start3A_101 : memref<1x128x128xf32, #tpu.memory_space<vmem>> -> memref<128x128xf32, #tpu.memory_space<vmem>>
        %dma_start3A_103 = arith.constant 0 : i32
        %dma_start3A_104 = tpu.memref_slice %arg7[%scan3A_73, %dma_start3A_103] : memref<40x128xi32, #tpu.memory_space<vmem>> -> memref<1x128xi32, #tpu.memory_space<vmem>>
        %dma_start3A_105 = tpu.memref_squeeze %dma_start3A_104 : memref<1x128xi32, #tpu.memory_space<vmem>> -> memref<128xi32, #tpu.memory_space<vmem>>
        %dma_start3A_106 = arith.constant 0 : i32
        %dma_start3A_107 = arith.constant 0 : i32
        %dma_start3A_108 = tpu.memref_slice %arg9[%dma_start3A_106, %dma_start3A_107] : memref<10016x128xf32, #tpu.memory_space<vmem_shared>> -> memref<10016x128xf32, #tpu.memory_space<vmem_shared>>
        tpu.enqueue_indirect_dma source(%dma_start3A_102 : memref<128x128xf32, #tpu.memory_space<vmem>>) target(%dma_start3A_108 : memref<10016x128xf32, #tpu.memory_space<vmem_shared>>) offsets(%dma_start3A_105 : memref<128xi32, #tpu.memory_space<vmem>>) semaphore(%run_scoped3A : memref<!tpu.dma_semaphore, #tpu.memory_space<semaphore_mem>>) {add = true}
        %dma_wait3A_109 = arith.constant 0 : i32
        %dma_wait3A_110 = arith.constant 0 : i32
        %dma_wait3A_111 = tpu.memref_slice %arg8[%rem3A_98, %dma_wait3A_109, %dma_wait3A_110] : memref<2x128x128xf32, #tpu.memory_space<vmem>> -> memref<1x128x128xf32, #tpu.memory_space<vmem>>
        %dma_wait3A_112 = tpu.memref_squeeze %dma_wait3A_111 : memref<1x128x128xf32, #tpu.memory_space<vmem>> -> memref<128x128xf32, #tpu.memory_space<vmem>>
        %dma_wait3A_113 = arith.constant 0 : i32
        %dma_wait3A_114 = tpu.memref_slice %arg7[%scan3A_73, %dma_wait3A_113] : memref<40x128xi32, #tpu.memory_space<vmem>> -> memref<1x128xi32, #tpu.memory_space<vmem>>
        %dma_wait3A_115 = tpu.memref_squeeze %dma_wait3A_114 : memref<1x128xi32, #tpu.memory_space<vmem>> -> memref<128xi32, #tpu.memory_space<vmem>>
        %dma_wait3A_116 = arith.constant 0 : i32
        %dma_wait3A_117 = arith.constant 0 : i32
        %dma_wait3A_118 = tpu.memref_slice %arg9[%dma_wait3A_116, %dma_wait3A_117] : memref<10016x128xf32, #tpu.memory_space<vmem_shared>> -> memref<10016x128xf32, #tpu.memory_space<vmem_shared>>
        tpu.wait_indirect_dma semaphore(%run_scoped3A : memref<!tpu.dma_semaphore, #tpu.memory_space<semaphore_mem>>) src(%dma_wait3A_112 : memref<128x128xf32, #tpu.memory_space<vmem>>) dst(%dma_wait3A_118 : memref<10016x128xf32, #tpu.memory_space<vmem_shared>>)
        tpu.yield
      }) : () -> ()
    }
    %scan3A_32 = arith.constant 40 : i32
    %mul3A_33 = arith.constant 80 : i32
    %mul3A_34 = arith.muli %arg1, %mul3A_33 : i32
    %add3A_35 = arith.constant 40 : i32
    %add3A_36 = arith.addi %mul3A_34, %add3A_35 : i32
    "tpu.region"() ({
      %run_scoped3A = tpu.sem_alloc : memref<!tpu.dma_semaphore, #tpu.memory_space<semaphore_mem>>
      %dma_start3A_73 = arith.constant 0 : i32
      %dma_start3A_74 = tpu.memref_slice %arg3[%add3A_36, %dma_start3A_73] : memref<1280x128xi32, #tpu.memory_space<hbm>> -> memref<40x128xi32, #tpu.memory_space<hbm>>
      %dma_start3A_75 = arith.constant 0 : i32
      %dma_start3A_76 = tpu.memref_slice %arg3[%add3A_36, %dma_start3A_75] : memref<1280x128xi32, #tpu.memory_space<hbm>> -> memref<40x128xi32, #tpu.memory_space<hbm>>
      tpu.enqueue_dma source(%dma_start3A_76 : memref<40x128xi32, #tpu.memory_space<hbm>>) target(%arg6 : memref<40x128xi32, #tpu.memory_space<vmem>>) target_semaphore(%run_scoped3A : memref<!tpu.dma_semaphore, #tpu.memory_space<semaphore_mem>>)
      %dma_wait3A = arith.constant 0 : i32
      %dma_wait3A_77 = tpu.memref_slice %arg3[%add3A_36, %dma_wait3A] : memref<1280x128xi32, #tpu.memory_space<hbm>> -> memref<40x128xi32, #tpu.memory_space<hbm>>
      %dma_wait3A_78 = arith.constant 0 : i32
      %dma_wait3A_79 = tpu.memref_slice %arg3[%add3A_36, %dma_wait3A_78] : memref<1280x128xi32, #tpu.memory_space<hbm>> -> memref<40x128xi32, #tpu.memory_space<hbm>>
      tpu.wait_dma2 semaphore(%run_scoped3A : memref<!tpu.dma_semaphore, #tpu.memory_space<semaphore_mem>>) src(%dma_wait3A_79 : memref<40x128xi32, #tpu.memory_space<hbm>>) dst(%arg6 : memref<40x128xi32, #tpu.memory_space<vmem>>)
      tpu.yield
    }) : () -> ()
    %mul3A_37 = arith.constant 80 : i32
    %mul3A_38 = arith.muli %arg1, %mul3A_37 : i32
    %add3A_39 = arith.constant 40 : i32
    %add3A_40 = arith.addi %mul3A_38, %add3A_39 : i32
    "tpu.region"() ({
      %run_scoped3A = tpu.sem_alloc : memref<!tpu.dma_semaphore, #tpu.memory_space<semaphore_mem>>
      %dma_start3A_73 = arith.constant 0 : i32
      %dma_start3A_74 = tpu.memref_slice %arg4[%add3A_40, %dma_start3A_73] : memref<1280x128xi32, #tpu.memory_space<hbm>> -> memref<40x128xi32, #tpu.memory_space<hbm>>
      %dma_start3A_75 = arith.constant 0 : i32
      %dma_start3A_76 = tpu.memref_slice %arg4[%add3A_40, %dma_start3A_75] : memref<1280x128xi32, #tpu.memory_space<hbm>> -> memref<40x128xi32, #tpu.memory_space<hbm>>
      tpu.enqueue_dma source(%dma_start3A_76 : memref<40x128xi32, #tpu.memory_space<hbm>>) target(%arg7 : memref<40x128xi32, #tpu.memory_space<vmem>>) target_semaphore(%run_scoped3A : memref<!tpu.dma_semaphore, #tpu.memory_space<semaphore_mem>>)
      %dma_wait3A = arith.constant 0 : i32
      %dma_wait3A_77 = tpu.memref_slice %arg4[%add3A_40, %dma_wait3A] : memref<1280x128xi32, #tpu.memory_space<hbm>> -> memref<40x128xi32, #tpu.memory_space<hbm>>
      %dma_wait3A_78 = arith.constant 0 : i32
      %dma_wait3A_79 = tpu.memref_slice %arg4[%add3A_40, %dma_wait3A_78] : memref<1280x128xi32, #tpu.memory_space<hbm>> -> memref<40x128xi32, #tpu.memory_space<hbm>>
      tpu.wait_dma2 semaphore(%run_scoped3A : memref<!tpu.dma_semaphore, #tpu.memory_space<semaphore_mem>>) src(%dma_wait3A_79 : memref<40x128xi32, #tpu.memory_space<hbm>>) dst(%arg7 : memref<40x128xi32, #tpu.memory_space<vmem>>)
      tpu.yield
    }) : () -> ()
    %rem3A_41 = arith.constant 0 : i32
    %rem3A_42 = arith.constant 2 : i32
    %rem3A_43 = arith.remsi %rem3A_41, %rem3A_42 : i32
    %dma_start3A_44 = arith.constant 0 : i32
    %dma_start3A_45 = arith.constant 0 : i32
    %dma_start3A_46 = arith.constant 0 : i32
    %dma_start3A_47 = tpu.memref_slice %arg8[%rem3A_43, %dma_start3A_45, %dma_start3A_46] : memref<2x128x128xf32, #tpu.memory_space<vmem>> -> memref<1x128x128xf32, #tpu.memory_space<vmem>>
    %dma_start3A_48 = tpu.memref_squeeze %dma_start3A_47 : memref<1x128x128xf32, #tpu.memory_space<vmem>> -> memref<128x128xf32, #tpu.memory_space<vmem>>
    %dma_start3A_49 = arith.constant 0 : i32
    %dma_start3A_50 = tpu.memref_slice %arg6[%dma_start3A_44, %dma_start3A_49] : memref<40x128xi32, #tpu.memory_space<vmem>> -> memref<1x128xi32, #tpu.memory_space<vmem>>
    %dma_start3A_51 = tpu.memref_squeeze %dma_start3A_50 : memref<1x128xi32, #tpu.memory_space<vmem>> -> memref<128xi32, #tpu.memory_space<vmem>>
    %dma_start3A_52 = arith.constant 0 : i32
    %dma_start3A_53 = arith.constant 0 : i32
    %dma_start3A_54 = tpu.memref_slice %arg2[%arg0, %dma_start3A_52, %dma_start3A_53] : memref<2x10000x128xf32, #tpu.memory_space<hbm>> -> memref<1x10000x128xf32, #tpu.memory_space<hbm>>
    %dma_start3A_55 = tpu.memref_squeeze %dma_start3A_54 : memref<1x10000x128xf32, #tpu.memory_space<hbm>> -> memref<10000x128xf32, #tpu.memory_space<hbm>>
    %dma_start3A_56 = arith.constant 0 : i32
    %dma_start3A_57 = arith.constant 0 : i32
    %dma_start3A_58 = tpu.memref_slice %dma_start3A_55[%dma_start3A_56, %dma_start3A_57] : memref<10000x128xf32, #tpu.memory_space<hbm>> -> memref<10000x128xf32, #tpu.memory_space<hbm>>
    %dma_start3A_59 = tpu.memref_slice %arg10[%rem3A_43] : memref<2x!tpu.dma_semaphore, #tpu.memory_space<semaphore_mem>> -> memref<1x!tpu.dma_semaphore, #tpu.memory_space<semaphore_mem>>
    %dma_start3A_60 = tpu.memref_squeeze %dma_start3A_59 : memref<1x!tpu.dma_semaphore, #tpu.memory_space<semaphore_mem>> -> memref<!tpu.dma_semaphore, #tpu.memory_space<semaphore_mem>>
    tpu.enqueue_indirect_dma source(%dma_start3A_58 : memref<10000x128xf32, #tpu.memory_space<hbm>>) target(%dma_start3A_48 : memref<128x128xf32, #tpu.memory_space<vmem>>) offsets(%dma_start3A_51 : memref<128xi32, #tpu.memory_space<vmem>>) semaphore(%dma_start3A_60 : memref<!tpu.dma_semaphore, #tpu.memory_space<semaphore_mem>>)
    %scan3A_61 = arith.constant 0 : i32
    %scan3A_62 = arith.constant 0 : i32
    %scan3A_63 = arith.constant 40 : i32
    %scan3A_64 = arith.addi %scan3A_62, %scan3A_63 : i32
    %scan3A_65 = arith.constant 1 : i32
    scf.for %scan3A_73 = %scan3A_62 to %scan3A_64 step %scan3A_65  : i32 {
      %add3A_74 = arith.constant 1 : i32
      %add3A_75 = arith.addi %scan3A_73, %add3A_74 : i32
      %lt3A = arith.constant 40 : i32
      %lt3A_76 = arith.cmpi slt, %add3A_75, %lt3A : i32
      %convert_element_type3A_77 = arith.extui %lt3A_76 : i1 to i32
      %cond3A_78 = arith.constant 0 : i32
      %cond3A_79 = arith.cmpi ne, %convert_element_type3A_77, %cond3A_78 : i32
      scf.if %cond3A_79 {
        %add3A_99 = arith.constant 1 : i32
        %add3A_100 = arith.addi %scan3A_73, %add3A_99 : i32
        %rem3A_101 = arith.constant 2 : i32
        %rem3A_102 = arith.remsi %add3A_100, %rem3A_101 : i32
        %dma_start3A_103 = arith.constant 0 : i32
        %dma_start3A_104 = arith.constant 0 : i32
        %dma_start3A_105 = tpu.memref_slice %arg8[%rem3A_102, %dma_start3A_103, %dma_start3A_104] : memref<2x128x128xf32, #tpu.memory_space<vmem>> -> memref<1x128x128xf32, #tpu.memory_space<vmem>>
        %dma_start3A_106 = tpu.memref_squeeze %dma_start3A_105 : memref<1x128x128xf32, #tpu.memory_space<vmem>> -> memref<128x128xf32, #tpu.memory_space<vmem>>
        %dma_start3A_107 = arith.constant 0 : i32
        %dma_start3A_108 = tpu.memref_slice %arg6[%add3A_100, %dma_start3A_107] : memref<40x128xi32, #tpu.memory_space<vmem>> -> memref<1x128xi32, #tpu.memory_space<vmem>>
        %dma_start3A_109 = tpu.memref_squeeze %dma_start3A_108 : memref<1x128xi32, #tpu.memory_space<vmem>> -> memref<128xi32, #tpu.memory_space<vmem>>
        %dma_start3A_110 = arith.constant 0 : i32
        %dma_start3A_111 = arith.constant 0 : i32
        %dma_start3A_112 = tpu.memref_slice %arg2[%arg0, %dma_start3A_110, %dma_start3A_111] : memref<2x10000x128xf32, #tpu.memory_space<hbm>> -> memref<1x10000x128xf32, #tpu.memory_space<hbm>>
        %dma_start3A_113 = tpu.memref_squeeze %dma_start3A_112 : memref<1x10000x128xf32, #tpu.memory_space<hbm>> -> memref<10000x128xf32, #tpu.memory_space<hbm>>
        %dma_start3A_114 = arith.constant 0 : i32
        %dma_start3A_115 = arith.constant 0 : i32
        %dma_start3A_116 = tpu.memref_slice %dma_start3A_113[%dma_start3A_114, %dma_start3A_115] : memref<10000x128xf32, #tpu.memory_space<hbm>> -> memref<10000x128xf32, #tpu.memory_space<hbm>>
        %dma_start3A_117 = tpu.memref_slice %arg10[%rem3A_102] : memref<2x!tpu.dma_semaphore, #tpu.memory_space<semaphore_mem>> -> memref<1x!tpu.dma_semaphore, #tpu.memory_space<semaphore_mem>>
        %dma_start3A_118 = tpu.memref_squeeze %dma_start3A_117 : memref<1x!tpu.dma_semaphore, #tpu.memory_space<semaphore_mem>> -> memref<!tpu.dma_semaphore, #tpu.memory_space<semaphore_mem>>
        tpu.enqueue_indirect_dma source(%dma_start3A_116 : memref<10000x128xf32, #tpu.memory_space<hbm>>) target(%dma_start3A_106 : memref<128x128xf32, #tpu.memory_space<vmem>>) offsets(%dma_start3A_109 : memref<128xi32, #tpu.memory_space<vmem>>) semaphore(%dma_start3A_118 : memref<!tpu.dma_semaphore, #tpu.memory_space<semaphore_mem>>)
      } else {
      }
      %rem3A_80 = arith.constant 2 : i32
      %rem3A_81 = arith.remsi %scan3A_73, %rem3A_80 : i32
      %dma_wait3A = arith.constant 0 : i32
      %dma_wait3A_82 = arith.constant 0 : i32
      %dma_wait3A_83 = tpu.memref_slice %arg8[%rem3A_81, %dma_wait3A, %dma_wait3A_82] : memref<2x128x128xf32, #tpu.memory_space<vmem>> -> memref<1x128x128xf32, #tpu.memory_space<vmem>>
      %dma_wait3A_84 = tpu.memref_squeeze %dma_wait3A_83 : memref<1x128x128xf32, #tpu.memory_space<vmem>> -> memref<128x128xf32, #tpu.memory_space<vmem>>
      %dma_wait3A_85 = arith.constant 0 : i32
      %dma_wait3A_86 = tpu.memref_slice %arg6[%scan3A_73, %dma_wait3A_85] : memref<40x128xi32, #tpu.memory_space<vmem>> -> memref<1x128xi32, #tpu.memory_space<vmem>>
      %dma_wait3A_87 = tpu.memref_squeeze %dma_wait3A_86 : memref<1x128xi32, #tpu.memory_space<vmem>> -> memref<128xi32, #tpu.memory_space<vmem>>
      %dma_wait3A_88 = arith.constant 0 : i32
      %dma_wait3A_89 = arith.constant 0 : i32
      %dma_wait3A_90 = tpu.memref_slice %arg2[%arg0, %dma_wait3A_88, %dma_wait3A_89] : memref<2x10000x128xf32, #tpu.memory_space<hbm>> -> memref<1x10000x128xf32, #tpu.memory_space<hbm>>
      %dma_wait3A_91 = tpu.memref_squeeze %dma_wait3A_90 : memref<1x10000x128xf32, #tpu.memory_space<hbm>> -> memref<10000x128xf32, #tpu.memory_space<hbm>>
      %dma_wait3A_92 = arith.constant 0 : i32
      %dma_wait3A_93 = arith.constant 0 : i32
      %dma_wait3A_94 = tpu.memref_slice %dma_wait3A_91[%dma_wait3A_92, %dma_wait3A_93] : memref<10000x128xf32, #tpu.memory_space<hbm>> -> memref<10000x128xf32, #tpu.memory_space<hbm>>
      %dma_wait3A_95 = tpu.memref_slice %arg10[%rem3A_81] : memref<2x!tpu.dma_semaphore, #tpu.memory_space<semaphore_mem>> -> memref<1x!tpu.dma_semaphore, #tpu.memory_space<semaphore_mem>>
      %dma_wait3A_96 = tpu.memref_squeeze %dma_wait3A_95 : memref<1x!tpu.dma_semaphore, #tpu.memory_space<semaphore_mem>> -> memref<!tpu.dma_semaphore, #tpu.memory_space<semaphore_mem>>
      tpu.wait_indirect_dma semaphore(%dma_wait3A_96 : memref<!tpu.dma_semaphore, #tpu.memory_space<semaphore_mem>>) src(%dma_wait3A_94 : memref<10000x128xf32, #tpu.memory_space<hbm>>) dst(%dma_wait3A_84 : memref<128x128xf32, #tpu.memory_space<vmem>>)
      %rem3A_97 = arith.constant 2 : i32
      %rem3A_98 = arith.remsi %scan3A_73, %rem3A_97 : i32
      "tpu.region"() ({
        %run_scoped3A = tpu.sem_alloc : memref<!tpu.dma_semaphore, #tpu.memory_space<semaphore_mem>>
        %dma_start3A_99 = arith.constant 0 : i32
        %dma_start3A_100 = arith.constant 0 : i32
        %dma_start3A_101 = tpu.memref_slice %arg8[%rem3A_98, %dma_start3A_99, %dma_start3A_100] : memref<2x128x128xf32, #tpu.memory_space<vmem>> -> memref<1x128x128xf32, #tpu.memory_space<vmem>>
        %dma_start3A_102 = tpu.memref_squeeze %dma_start3A_101 : memref<1x128x128xf32, #tpu.memory_space<vmem>> -> memref<128x128xf32, #tpu.memory_space<vmem>>
        %dma_start3A_103 = arith.constant 0 : i32
        %dma_start3A_104 = tpu.memref_slice %arg7[%scan3A_73, %dma_start3A_103] : memref<40x128xi32, #tpu.memory_space<vmem>> -> memref<1x128xi32, #tpu.memory_space<vmem>>
        %dma_start3A_105 = tpu.memref_squeeze %dma_start3A_104 : memref<1x128xi32, #tpu.memory_space<vmem>> -> memref<128xi32, #tpu.memory_space<vmem>>
        %dma_start3A_106 = arith.constant 0 : i32
        %dma_start3A_107 = arith.constant 0 : i32
        %dma_start3A_108 = tpu.memref_slice %arg9[%dma_start3A_106, %dma_start3A_107] : memref<10016x128xf32, #tpu.memory_space<vmem_shared>> -> memref<10016x128xf32, #tpu.memory_space<vmem_shared>>
        tpu.enqueue_indirect_dma source(%dma_start3A_102 : memref<128x128xf32, #tpu.memory_space<vmem>>) target(%dma_start3A_108 : memref<10016x128xf32, #tpu.memory_space<vmem_shared>>) offsets(%dma_start3A_105 : memref<128xi32, #tpu.memory_space<vmem>>) semaphore(%run_scoped3A : memref<!tpu.dma_semaphore, #tpu.memory_space<semaphore_mem>>) {add = true}
        %dma_wait3A_109 = arith.constant 0 : i32
        %dma_wait3A_110 = arith.constant 0 : i32
        %dma_wait3A_111 = tpu.memref_slice %arg8[%rem3A_98, %dma_wait3A_109, %dma_wait3A_110] : memref<2x128x128xf32, #tpu.memory_space<vmem>> -> memref<1x128x128xf32, #tpu.memory_space<vmem>>
        %dma_wait3A_112 = tpu.memref_squeeze %dma_wait3A_111 : memref<1x128x128xf32, #tpu.memory_space<vmem>> -> memref<128x128xf32, #tpu.memory_space<vmem>>
        %dma_wait3A_113 = arith.constant 0 : i32
        %dma_wait3A_114 = tpu.memref_slice %arg7[%scan3A_73, %dma_wait3A_113] : memref<40x128xi32, #tpu.memory_space<vmem>> -> memref<1x128xi32, #tpu.memory_space<vmem>>
        %dma_wait3A_115 = tpu.memref_squeeze %dma_wait3A_114 : memref<1x128xi32, #tpu.memory_space<vmem>> -> memref<128xi32, #tpu.memory_space<vmem>>
        %dma_wait3A_116 = arith.constant 0 : i32
        %dma_wait3A_117 = arith.constant 0 : i32
        %dma_wait3A_118 = tpu.memref_slice %arg9[%dma_wait3A_116, %dma_wait3A_117] : memref<10016x128xf32, #tpu.memory_space<vmem_shared>> -> memref<10016x128xf32, #tpu.memory_space<vmem_shared>>
        tpu.wait_indirect_dma semaphore(%run_scoped3A : memref<!tpu.dma_semaphore, #tpu.memory_space<semaphore_mem>>) src(%dma_wait3A_112 : memref<128x128xf32, #tpu.memory_space<vmem>>) dst(%dma_wait3A_118 : memref<10016x128xf32, #tpu.memory_space<vmem_shared>>)
        tpu.yield
      }) : () -> ()
    }
    %scan3A_66 = arith.constant 40 : i32
    %barrier3A_67 = arith.constant 0 : index
    tpu.barrier barrier_id(%barrier3A_67)
    "tpu.region"() ({
      %run_scoped3A = tpu.sem_alloc : memref<!tpu.dma_semaphore, #tpu.memory_space<semaphore_mem>>
      %dma_start3A_73 = arith.constant 0 : i32
      %dma_start3A_74 = tpu.memref_slice %arg5[%arg0, %mul3A_0, %dma_start3A_73] : memref<2x10000x128xf32, #tpu.memory_space<hbm>> -> memref<1x624x128xf32, #tpu.memory_space<hbm>>
      %dma_start3A_75 = tpu.memref_squeeze %dma_start3A_74 : memref<1x624x128xf32, #tpu.memory_space<hbm>> -> memref<624x128xf32, #tpu.memory_space<hbm>>
      %dma_start3A_76 = arith.constant 0 : i32
      %dma_start3A_77 = tpu.memref_slice %arg9[%mul3A_0, %dma_start3A_76] : memref<10016x128xf32, #tpu.memory_space<vmem_shared>> -> memref<624x128xf32, #tpu.memory_space<vmem_shared>>
      tpu.enqueue_dma source(%dma_start3A_77 : memref<624x128xf32, #tpu.memory_space<vmem_shared>>) target(%dma_start3A_75 : memref<624x128xf32, #tpu.memory_space<hbm>>) target_semaphore(%run_scoped3A : memref<!tpu.dma_semaphore, #tpu.memory_space<semaphore_mem>>)
      %dma_wait3A = arith.constant 0 : i32
      %dma_wait3A_78 = tpu.memref_slice %arg5[%arg0, %mul3A_0, %dma_wait3A] : memref<2x10000x128xf32, #tpu.memory_space<hbm>> -> memref<1x624x128xf32, #tpu.memory_space<hbm>>
      %dma_wait3A_79 = tpu.memref_squeeze %dma_wait3A_78 : memref<1x624x128xf32, #tpu.memory_space<hbm>> -> memref<624x128xf32, #tpu.memory_space<hbm>>
      %dma_wait3A_80 = arith.constant 0 : i32
      %dma_wait3A_81 = tpu.memref_slice %arg9[%mul3A_0, %dma_wait3A_80] : memref<10016x128xf32, #tpu.memory_space<vmem_shared>> -> memref<624x128xf32, #tpu.memory_space<vmem_shared>>
      tpu.wait_dma2 semaphore(%run_scoped3A : memref<!tpu.dma_semaphore, #tpu.memory_space<semaphore_mem>>) src(%dma_wait3A_81 : memref<624x128xf32, #tpu.memory_space<vmem_shared>>) dst(%dma_wait3A_79 : memref<624x128xf32, #tpu.memory_space<hbm>>)
      tpu.yield
    }) : () -> ()
    %eq3A_68 = arith.constant 15 : i32
    %eq3A_69 = arith.cmpi eq, %arg1, %eq3A_68 : i32
    %convert_element_type3A_70 = arith.extui %eq3A_69 : i1 to i32
    %cond3A_71 = arith.constant 0 : i32
    %cond3A_72 = arith.cmpi ne, %convert_element_type3A_70, %cond3A_71 : i32
    scf.if %cond3A_72 {
      "tpu.region"() ({
        %run_scoped3A = tpu.sem_alloc : memref<!tpu.dma_semaphore, #tpu.memory_space<semaphore_mem>>
        %dma_start3A_73 = arith.constant 9984 : i32
        %dma_start3A_74 = arith.constant 0 : i32
        %dma_start3A_75 = tpu.memref_slice %arg5[%arg0, %dma_start3A_73, %dma_start3A_74] : memref<2x10000x128xf32, #tpu.memory_space<hbm>> -> memref<1x16x128xf32, #tpu.memory_space<hbm>>
        %dma_start3A_76 = tpu.memref_squeeze %dma_start3A_75 : memref<1x16x128xf32, #tpu.memory_space<hbm>> -> memref<16x128xf32, #tpu.memory_space<hbm>>
        %dma_start3A_77 = arith.constant 9984 : i32
        %dma_start3A_78 = arith.constant 0 : i32
        %dma_start3A_79 = tpu.memref_slice %arg9[%dma_start3A_77, %dma_start3A_78] : memref<10016x128xf32, #tpu.memory_space<vmem_shared>> -> memref<16x128xf32, #tpu.memory_space<vmem_shared>>
        tpu.enqueue_dma source(%dma_start3A_79 : memref<16x128xf32, #tpu.memory_space<vmem_shared>>) target(%dma_start3A_76 : memref<16x128xf32, #tpu.memory_space<hbm>>) target_semaphore(%run_scoped3A : memref<!tpu.dma_semaphore, #tpu.memory_space<semaphore_mem>>)
        %dma_wait3A = arith.constant 9984 : i32
        %dma_wait3A_80 = arith.constant 0 : i32
        %dma_wait3A_81 = tpu.memref_slice %arg5[%arg0, %dma_wait3A, %dma_wait3A_80] : memref<2x10000x128xf32, #tpu.memory_space<hbm>> -> memref<1x16x128xf32, #tpu.memory_space<hbm>>
        %dma_wait3A_82 = tpu.memref_squeeze %dma_wait3A_81 : memref<1x16x128xf32, #tpu.memory_space<hbm>> -> memref<16x128xf32, #tpu.memory_space<hbm>>
        %dma_wait3A_83 = arith.constant 9984 : i32
        %dma_wait3A_84 = arith.constant 0 : i32
        %dma_wait3A_85 = tpu.memref_slice %arg9[%dma_wait3A_83, %dma_wait3A_84] : memref<10016x128xf32, #tpu.memory_space<vmem_shared>> -> memref<16x128xf32, #tpu.memory_space<vmem_shared>>
        tpu.wait_dma2 semaphore(%run_scoped3A : memref<!tpu.dma_semaphore, #tpu.memory_space<semaphore_mem>>) src(%dma_wait3A_85 : memref<16x128xf32, #tpu.memory_space<vmem_shared>>) dst(%dma_wait3A_82 : memref<16x128xf32, #tpu.memory_space<hbm>>)
        tpu.yield
      }) : () -> ()
    } else {
    }
    return
  }
}

#map = affine_map<(d0, d1) -> (0, 0, 0)>
#map1 = affine_map<(d0, d1) -> (0, 0)>
module attributes {stable_mosaic.version = 14 : i64} {
  func.func @k(%arg0: i32, %arg1: i32, %arg2: memref<2x10000x128xf32, #tpu.memory_space<hbm>>, %arg3: memref<1280x128xi32, #tpu.memory_space<hbm>>, %arg4: memref<1280x128xi32, #tpu.memory_space<hbm>>, %arg5: memref<2x10000x128xf32, #tpu.memory_space<hbm>>, %arg6: memref<40x128xi32, #tpu.memory_space<vmem>>, %arg7: memref<40x128xi32, #tpu.memory_space<vmem>>, %arg8: memref<2x128x128xf32, #tpu.memory_space<vmem>>, %arg9: memref<10016x128xf32, #tpu.memory_space<vmem_shared>>, %arg10: memref<2x!tpu.dma_semaphore, #tpu.memory_space<semaphore_mem>>) attributes {dimension_semantics = [#tpu.dimension_semantics<core_parallel>, #tpu.dimension_semantics<subcore_parallel>], iteration_bounds = array<i64: 2, 16>, scalar_prefetch = 0 : i64, scratch_operands = 5 : i64, tpu.core_type = #tpu.core_type<sc_vector_subcore>, window_params = [{transform_indices = #map}, {transform_indices = #map1}, {transform_indices = #map1}, {transform_indices = #map}]} {
    %mul3A = arith.constant 624 : i32
    %mul3A_0 = arith.muli %arg1, %mul3A : i32
    "tpu.region"() ({
      %run_scoped3A = tpu.sem_alloc : memref<!tpu.dma_semaphore, #tpu.memory_space<semaphore_mem>>
      %dma_start3A_73 = arith.constant 0 : i32
      %dma_start3A_74 = tpu.memref_slice %arg9[%mul3A_0, %dma_start3A_73] : memref<10016x128xf32, #tpu.memory_space<vmem_shared>> -> memref<624x128xf32, #tpu.memory_space<vmem_shared>>
      %dma_start3A_75 = arith.constant 0 : i32
      %dma_start3A_76 = tpu.memref_slice %arg2[%arg0, %mul3A_0, %dma_start3A_75] : memref<2x10000x128xf32, #tpu.memory_space<hbm>> -> memref<1x624x128xf32, #tpu.memory_space<hbm>>
      %dma_start3A_77 = tpu.memref_squeeze %dma_start3A_76 : memref<1x624x128xf32, #tpu.memory_space<hbm>> -> memref<624x128xf32, #tpu.memory_space<hbm>>
      tpu.enqueue_dma source(%dma_start3A_77 : memref<624x128xf32, #tpu.memory_space<hbm>>) target(%dma_start3A_74 : memref<624x128xf32, #tpu.memory_space<vmem_shared>>) target_semaphore(%run_scoped3A : memref<!tpu.dma_semaphore, #tpu.memory_space<semaphore_mem>>)
      %dma_wait3A = arith.constant 0 : i32
      %dma_wait3A_78 = tpu.memref_slice %arg9[%mul3A_0, %dma_wait3A] : memref<10016x128xf32, #tpu.memory_space<vmem_shared>> -> memref<624x128xf32, #tpu.memory_space<vmem_shared>>
      %dma_wait3A_79 = arith.constant 0 : i32
      %dma_wait3A_80 = tpu.memref_slice %arg2[%arg0, %mul3A_0, %dma_wait3A_79] : memref<2x10000x128xf32, #tpu.memory_space<hbm>> -> memref<1x624x128xf32, #tpu.memory_space<hbm>>
      %dma_wait3A_81 = tpu.memref_squeeze %dma_wait3A_80 : memref<1x624x128xf32, #tpu.memory_space<hbm>> -> memref<624x128xf32, #tpu.memory_space<hbm>>
      tpu.wait_dma2 semaphore(%run_scoped3A : memref<!tpu.dma_semaphore, #tpu.memory_space<semaphore_mem>>) src(%dma_wait3A_81 : memref<624x128xf32, #tpu.memory_space<hbm>>) dst(%dma_wait3A_78 : memref<624x128xf32, #tpu.memory_space<vmem_shared>>)
      tpu.yield
    }) : () -> ()
    %eq3A = arith.constant 15 : i32
    %eq3A_1 = arith.cmpi eq, %arg1, %eq3A : i32
    %convert_element_type3A = arith.extui %eq3A_1 : i1 to i32
    %cond3A = arith.constant 0 : i32
    %cond3A_2 = arith.cmpi ne, %convert_element_type3A, %cond3A : i32
    scf.if %cond3A_2 {
      "tpu.region"() ({
        %run_scoped3A = tpu.sem_alloc : memref<!tpu.dma_semaphore, #tpu.memory_space<semaphore_mem>>
        %dma_start3A_73 = arith.constant 9984 : i32
        %dma_start3A_74 = arith.constant 0 : i32
        %dma_start3A_75 = tpu.memref_slice %arg9[%dma_start3A_73, %dma_start3A_74] : memref<10016x128xf32, #tpu.memory_space<vmem_shared>> -> memref<16x128xf32, #tpu.memory_space<vmem_shared>>
        %dma_start3A_76 = arith.constant 9984 : i32
        %dma_start3A_77 = arith.constant 0 : i32
        %dma_start3A_78 = tpu.memref_slice %arg2[%arg0, %dma_start3A_76, %dma_start3A_77] : memref<2x10000x128xf32, #tpu.memory_space<hbm>> -> memref<1x16x128xf32, #tpu.memory_space<hbm>>
        %dma_start3A_79 = tpu.memref_squeeze %dma_start3A_78 : memref<1x16x128xf32, #tpu.memory_space<hbm>> -> memref<16x128xf32, #tpu.memory_space<hbm>>
        tpu.enqueue_dma source(%dma_start3A_79 : memref<16x128xf32, #tpu.memory_space<hbm>>) target(%dma_start3A_75 : memref<16x128xf32, #tpu.memory_space<vmem_shared>>) target_semaphore(%run_scoped3A : memref<!tpu.dma_semaphore, #tpu.memory_space<semaphore_mem>>)
        %dma_wait3A = arith.constant 9984 : i32
        %dma_wait3A_80 = arith.constant 0 : i32
        %dma_wait3A_81 = tpu.memref_slice %arg9[%dma_wait3A, %dma_wait3A_80] : memref<10016x128xf32, #tpu.memory_space<vmem_shared>> -> memref<16x128xf32, #tpu.memory_space<vmem_shared>>
        %dma_wait3A_82 = arith.constant 9984 : i32
        %dma_wait3A_83 = arith.constant 0 : i32
        %dma_wait3A_84 = tpu.memref_slice %arg2[%arg0, %dma_wait3A_82, %dma_wait3A_83] : memref<2x10000x128xf32, #tpu.memory_space<hbm>> -> memref<1x16x128xf32, #tpu.memory_space<hbm>>
        %dma_wait3A_85 = tpu.memref_squeeze %dma_wait3A_84 : memref<1x16x128xf32, #tpu.memory_space<hbm>> -> memref<16x128xf32, #tpu.memory_space<hbm>>
        tpu.wait_dma2 semaphore(%run_scoped3A : memref<!tpu.dma_semaphore, #tpu.memory_space<semaphore_mem>>) src(%dma_wait3A_85 : memref<16x128xf32, #tpu.memory_space<hbm>>) dst(%dma_wait3A_81 : memref<16x128xf32, #tpu.memory_space<vmem_shared>>)
        tpu.yield
      }) : () -> ()
    } else {
    }
    %barrier3A = arith.constant 0 : index
    tpu.barrier barrier_id(%barrier3A)
    %mul3A_3 = arith.constant 80 : i32
    %mul3A_4 = arith.muli %arg1, %mul3A_3 : i32
    %add3A = arith.constant 0 : i32
    %add3A_5 = arith.addi %mul3A_4, %add3A : i32
    "tpu.region"() ({
      %run_scoped3A = tpu.sem_alloc : memref<!tpu.dma_semaphore, #tpu.memory_space<semaphore_mem>>
      %dma_start3A_73 = arith.constant 0 : i32
      %dma_start3A_74 = tpu.memref_slice %arg3[%add3A_5, %dma_start3A_73] : memref<1280x128xi32, #tpu.memory_space<hbm>> -> memref<40x128xi32, #tpu.memory_space<hbm>>
      %dma_start3A_75 = arith.constant 0 : i32
      %dma_start3A_76 = tpu.memref_slice %arg3[%add3A_5, %dma_start3A_75] : memref<1280x128xi32, #tpu.memory_space<hbm>> -> memref<40x128xi32, #tpu.memory_space<hbm>>
      tpu.enqueue_dma source(%dma_start3A_76 : memref<40x128xi32, #tpu.memory_space<hbm>>) target(%arg6 : memref<40x128xi32, #tpu.memory_space<vmem>>) target_semaphore(%run_scoped3A : memref<!tpu.dma_semaphore, #tpu.memory_space<semaphore_mem>>)
      %dma_wait3A = arith.constant 0 : i32
      %dma_wait3A_77 = tpu.memref_slice %arg3[%add3A_5, %dma_wait3A] : memref<1280x128xi32, #tpu.memory_space<hbm>> -> memref<40x128xi32, #tpu.memory_space<hbm>>
      %dma_wait3A_78 = arith.constant 0 : i32
      %dma_wait3A_79 = tpu.memref_slice %arg3[%add3A_5, %dma_wait3A_78] : memref<1280x128xi32, #tpu.memory_space<hbm>> -> memref<40x128xi32, #tpu.memory_space<hbm>>
      tpu.wait_dma2 semaphore(%run_scoped3A : memref<!tpu.dma_semaphore, #tpu.memory_space<semaphore_mem>>) src(%dma_wait3A_79 : memref<40x128xi32, #tpu.memory_space<hbm>>) dst(%arg6 : memref<40x128xi32, #tpu.memory_space<vmem>>)
      tpu.yield
    }) : () -> ()
    %mul3A_6 = arith.constant 80 : i32
    %mul3A_7 = arith.muli %arg1, %mul3A_6 : i32
    %add3A_8 = arith.constant 0 : i32
    %add3A_9 = arith.addi %mul3A_7, %add3A_8 : i32
    "tpu.region"() ({
      %run_scoped3A = tpu.sem_alloc : memref<!tpu.dma_semaphore, #tpu.memory_space<semaphore_mem>>
      %dma_start3A_73 = arith.constant 0 : i32
      %dma_start3A_74 = tpu.memref_slice %arg4[%add3A_9, %dma_start3A_73] : memref<1280x128xi32, #tpu.memory_space<hbm>> -> memref<40x128xi32, #tpu.memory_space<hbm>>
      %dma_start3A_75 = arith.constant 0 : i32
      %dma_start3A_76 = tpu.memref_slice %arg4[%add3A_9, %dma_start3A_75] : memref<1280x128xi32, #tpu.memory_space<hbm>> -> memref<40x128xi32, #tpu.memory_space<hbm>>
      tpu.enqueue_dma source(%dma_start3A_76 : memref<40x128xi32, #tpu.memory_space<hbm>>) target(%arg7 : memref<40x128xi32, #tpu.memory_space<vmem>>) target_semaphore(%run_scoped3A : memref<!tpu.dma_semaphore, #tpu.memory_space<semaphore_mem>>)
      %dma_wait3A = arith.constant 0 : i32
      %dma_wait3A_77 = tpu.memref_slice %arg4[%add3A_9, %dma_wait3A] : memref<1280x128xi32, #tpu.memory_space<hbm>> -> memref<40x128xi32, #tpu.memory_space<hbm>>
      %dma_wait3A_78 = arith.constant 0 : i32
      %dma_wait3A_79 = tpu.memref_slice %arg4[%add3A_9, %dma_wait3A_78] : memref<1280x128xi32, #tpu.memory_space<hbm>> -> memref<40x128xi32, #tpu.memory_space<hbm>>
      tpu.wait_dma2 semaphore(%run_scoped3A : memref<!tpu.dma_semaphore, #tpu.memory_space<semaphore_mem>>) src(%dma_wait3A_79 : memref<40x128xi32, #tpu.memory_space<hbm>>) dst(%arg7 : memref<40x128xi32, #tpu.memory_space<vmem>>)
      tpu.yield
    }) : () -> ()
    %rem3A = arith.constant 0 : i32
    %rem3A_10 = arith.constant 2 : i32
    %rem3A_11 = arith.remsi %rem3A, %rem3A_10 : i32
    %dma_start3A = arith.constant 0 : i32
    %dma_start3A_12 = arith.constant 0 : i32
    %dma_start3A_13 = arith.constant 0 : i32
    %dma_start3A_14 = tpu.memref_slice %arg8[%rem3A_11, %dma_start3A_12, %dma_start3A_13] : memref<2x128x128xf32, #tpu.memory_space<vmem>> -> memref<1x128x128xf32, #tpu.memory_space<vmem>>
    %dma_start3A_15 = tpu.memref_squeeze %dma_start3A_14 : memref<1x128x128xf32, #tpu.memory_space<vmem>> -> memref<128x128xf32, #tpu.memory_space<vmem>>
    %dma_start3A_16 = arith.constant 0 : i32
    %dma_start3A_17 = tpu.memref_slice %arg6[%dma_start3A, %dma_start3A_16] : memref<40x128xi32, #tpu.memory_space<vmem>> -> memref<1x128xi32, #tpu.memory_space<vmem>>
    %dma_start3A_18 = tpu.memref_squeeze %dma_start3A_17 : memref<1x128xi32, #tpu.memory_space<vmem>> -> memref<128xi32, #tpu.memory_space<vmem>>
    %dma_start3A_19 = arith.constant 0 : i32
    %dma_start3A_20 = arith.constant 0 : i32
    %dma_start3A_21 = tpu.memref_slice %arg2[%arg0, %dma_start3A_19, %dma_start3A_20] : memref<2x10000x128xf32, #tpu.memory_space<hbm>> -> memref<1x10000x128xf32, #tpu.memory_space<hbm>>
    %dma_start3A_22 = tpu.memref_squeeze %dma_start3A_21 : memref<1x10000x128xf32, #tpu.memory_space<hbm>> -> memref<10000x128xf32, #tpu.memory_space<hbm>>
    %dma_start3A_23 = arith.constant 0 : i32
    %dma_start3A_24 = arith.constant 0 : i32
    %dma_start3A_25 = tpu.memref_slice %dma_start3A_22[%dma_start3A_23, %dma_start3A_24] : memref<10000x128xf32, #tpu.memory_space<hbm>> -> memref<10000x128xf32, #tpu.memory_space<hbm>>
    %dma_start3A_26 = tpu.memref_slice %arg10[%rem3A_11] : memref<2x!tpu.dma_semaphore, #tpu.memory_space<semaphore_mem>> -> memref<1x!tpu.dma_semaphore, #tpu.memory_space<semaphore_mem>>
    %dma_start3A_27 = tpu.memref_squeeze %dma_start3A_26 : memref<1x!tpu.dma_semaphore, #tpu.memory_space<semaphore_mem>> -> memref<!tpu.dma_semaphore, #tpu.memory_space<semaphore_mem>>
    tpu.enqueue_indirect_dma source(%dma_start3A_25 : memref<10000x128xf32, #tpu.memory_space<hbm>>) target(%dma_start3A_15 : memref<128x128xf32, #tpu.memory_space<vmem>>) offsets(%dma_start3A_18 : memref<128xi32, #tpu.memory_space<vmem>>) semaphore(%dma_start3A_27 : memref<!tpu.dma_semaphore, #tpu.memory_space<semaphore_mem>>)
    %scan3A = arith.constant 0 : i32
    %scan3A_28 = arith.constant 0 : i32
    %scan3A_29 = arith.constant 40 : i32
    %scan3A_30 = arith.addi %scan3A_28, %scan3A_29 : i32
    %scan3A_31 = arith.constant 1 : i32
    scf.for %scan3A_73 = %scan3A_28 to %scan3A_30 step %scan3A_31  : i32 {
      %add3A_74 = arith.constant 1 : i32
      %add3A_75 = arith.addi %scan3A_73, %add3A_74 : i32
      %lt3A = arith.constant 40 : i32
      %lt3A_76 = arith.cmpi slt, %add3A_75, %lt3A : i32
      %convert_element_type3A_77 = arith.extui %lt3A_76 : i1 to i32
      %cond3A_78 = arith.constant 0 : i32
      %cond3A_79 = arith.cmpi ne, %convert_element_type3A_77, %cond3A_78 : i32
      scf.if %cond3A_79 {
        %add3A_99 = arith.constant 1 : i32
        %add3A_100 = arith.addi %scan3A_73, %add3A_99 : i32
        %rem3A_101 = arith.constant 2 : i32
        %rem3A_102 = arith.remsi %add3A_100, %rem3A_101 : i32
        %dma_start3A_103 = arith.constant 0 : i32
        %dma_start3A_104 = arith.constant 0 : i32
        %dma_start3A_105 = tpu.memref_slice %arg8[%rem3A_102, %dma_start3A_103, %dma_start3A_104] : memref<2x128x128xf32, #tpu.memory_space<vmem>> -> memref<1x128x128xf32, #tpu.memory_space<vmem>>
        %dma_start3A_106 = tpu.memref_squeeze %dma_start3A_105 : memref<1x128x128xf32, #tpu.memory_space<vmem>> -> memref<128x128xf32, #tpu.memory_space<vmem>>
        %dma_start3A_107 = arith.constant 0 : i32
        %dma_start3A_108 = tpu.memref_slice %arg6[%add3A_100, %dma_start3A_107] : memref<40x128xi32, #tpu.memory_space<vmem>> -> memref<1x128xi32, #tpu.memory_space<vmem>>
        %dma_start3A_109 = tpu.memref_squeeze %dma_start3A_108 : memref<1x128xi32, #tpu.memory_space<vmem>> -> memref<128xi32, #tpu.memory_space<vmem>>
        %dma_start3A_110 = arith.constant 0 : i32
        %dma_start3A_111 = arith.constant 0 : i32
        %dma_start3A_112 = tpu.memref_slice %arg2[%arg0, %dma_start3A_110, %dma_start3A_111] : memref<2x10000x128xf32, #tpu.memory_space<hbm>> -> memref<1x10000x128xf32, #tpu.memory_space<hbm>>
        %dma_start3A_113 = tpu.memref_squeeze %dma_start3A_112 : memref<1x10000x128xf32, #tpu.memory_space<hbm>> -> memref<10000x128xf32, #tpu.memory_space<hbm>>
        %dma_start3A_114 = arith.constant 0 : i32
        %dma_start3A_115 = arith.constant 0 : i32
        %dma_start3A_116 = tpu.memref_slice %dma_start3A_113[%dma_start3A_114, %dma_start3A_115] : memref<10000x128xf32, #tpu.memory_space<hbm>> -> memref<10000x128xf32, #tpu.memory_space<hbm>>
        %dma_start3A_117 = tpu.memref_slice %arg10[%rem3A_102] : memref<2x!tpu.dma_semaphore, #tpu.memory_space<semaphore_mem>> -> memref<1x!tpu.dma_semaphore, #tpu.memory_space<semaphore_mem>>
        %dma_start3A_118 = tpu.memref_squeeze %dma_start3A_117 : memref<1x!tpu.dma_semaphore, #tpu.memory_space<semaphore_mem>> -> memref<!tpu.dma_semaphore, #tpu.memory_space<semaphore_mem>>
        tpu.enqueue_indirect_dma source(%dma_start3A_116 : memref<10000x128xf32, #tpu.memory_space<hbm>>) target(%dma_start3A_106 : memref<128x128xf32, #tpu.memory_space<vmem>>) offsets(%dma_start3A_109 : memref<128xi32, #tpu.memory_space<vmem>>) semaphore(%dma_start3A_118 : memref<!tpu.dma_semaphore, #tpu.memory_space<semaphore_mem>>)
      } else {
      }
      %rem3A_80 = arith.constant 2 : i32
      %rem3A_81 = arith.remsi %scan3A_73, %rem3A_80 : i32
      %dma_wait3A = arith.constant 0 : i32
      %dma_wait3A_82 = arith.constant 0 : i32
      %dma_wait3A_83 = tpu.memref_slice %arg8[%rem3A_81, %dma_wait3A, %dma_wait3A_82] : memref<2x128x128xf32, #tpu.memory_space<vmem>> -> memref<1x128x128xf32, #tpu.memory_space<vmem>>
      %dma_wait3A_84 = tpu.memref_squeeze %dma_wait3A_83 : memref<1x128x128xf32, #tpu.memory_space<vmem>> -> memref<128x128xf32, #tpu.memory_space<vmem>>
      %dma_wait3A_85 = arith.constant 0 : i32
      %dma_wait3A_86 = tpu.memref_slice %arg6[%scan3A_73, %dma_wait3A_85] : memref<40x128xi32, #tpu.memory_space<vmem>> -> memref<1x128xi32, #tpu.memory_space<vmem>>
      %dma_wait3A_87 = tpu.memref_squeeze %dma_wait3A_86 : memref<1x128xi32, #tpu.memory_space<vmem>> -> memref<128xi32, #tpu.memory_space<vmem>>
      %dma_wait3A_88 = arith.constant 0 : i32
      %dma_wait3A_89 = arith.constant 0 : i32
      %dma_wait3A_90 = tpu.memref_slice %arg2[%arg0, %dma_wait3A_88, %dma_wait3A_89] : memref<2x10000x128xf32, #tpu.memory_space<hbm>> -> memref<1x10000x128xf32, #tpu.memory_space<hbm>>
      %dma_wait3A_91 = tpu.memref_squeeze %dma_wait3A_90 : memref<1x10000x128xf32, #tpu.memory_space<hbm>> -> memref<10000x128xf32, #tpu.memory_space<hbm>>
      %dma_wait3A_92 = arith.constant 0 : i32
      %dma_wait3A_93 = arith.constant 0 : i32
      %dma_wait3A_94 = tpu.memref_slice %dma_wait3A_91[%dma_wait3A_92, %dma_wait3A_93] : memref<10000x128xf32, #tpu.memory_space<hbm>> -> memref<10000x128xf32, #tpu.memory_space<hbm>>
      %dma_wait3A_95 = tpu.memref_slice %arg10[%rem3A_81] : memref<2x!tpu.dma_semaphore, #tpu.memory_space<semaphore_mem>> -> memref<1x!tpu.dma_semaphore, #tpu.memory_space<semaphore_mem>>
      %dma_wait3A_96 = tpu.memref_squeeze %dma_wait3A_95 : memref<1x!tpu.dma_semaphore, #tpu.memory_space<semaphore_mem>> -> memref<!tpu.dma_semaphore, #tpu.memory_space<semaphore_mem>>
      tpu.wait_indirect_dma semaphore(%dma_wait3A_96 : memref<!tpu.dma_semaphore, #tpu.memory_space<semaphore_mem>>) src(%dma_wait3A_94 : memref<10000x128xf32, #tpu.memory_space<hbm>>) dst(%dma_wait3A_84 : memref<128x128xf32, #tpu.memory_space<vmem>>)
      %rem3A_97 = arith.constant 2 : i32
      %rem3A_98 = arith.remsi %scan3A_73, %rem3A_97 : i32
      "tpu.region"() ({
        %run_scoped3A = tpu.sem_alloc : memref<!tpu.dma_semaphore, #tpu.memory_space<semaphore_mem>>
        %dma_start3A_99 = arith.constant 0 : i32
        %dma_start3A_100 = arith.constant 0 : i32
        %dma_start3A_101 = tpu.memref_slice %arg8[%rem3A_98, %dma_start3A_99, %dma_start3A_100] : memref<2x128x128xf32, #tpu.memory_space<vmem>> -> memref<1x128x128xf32, #tpu.memory_space<vmem>>
        %dma_start3A_102 = tpu.memref_squeeze %dma_start3A_101 : memref<1x128x128xf32, #tpu.memory_space<vmem>> -> memref<128x128xf32, #tpu.memory_space<vmem>>
        %dma_start3A_103 = arith.constant 0 : i32
        %dma_start3A_104 = tpu.memref_slice %arg7[%scan3A_73, %dma_start3A_103] : memref<40x128xi32, #tpu.memory_space<vmem>> -> memref<1x128xi32, #tpu.memory_space<vmem>>
        %dma_start3A_105 = tpu.memref_squeeze %dma_start3A_104 : memref<1x128xi32, #tpu.memory_space<vmem>> -> memref<128xi32, #tpu.memory_space<vmem>>
        %dma_start3A_106 = arith.constant 0 : i32
        %dma_start3A_107 = arith.constant 0 : i32
        %dma_start3A_108 = tpu.memref_slice %arg9[%dma_start3A_106, %dma_start3A_107] : memref<10016x128xf32, #tpu.memory_space<vmem_shared>> -> memref<10016x128xf32, #tpu.memory_space<vmem_shared>>
        tpu.enqueue_indirect_dma source(%dma_start3A_102 : memref<128x128xf32, #tpu.memory_space<vmem>>) target(%dma_start3A_108 : memref<10016x128xf32, #tpu.memory_space<vmem_shared>>) offsets(%dma_start3A_105 : memref<128xi32, #tpu.memory_space<vmem>>) semaphore(%run_scoped3A : memref<!tpu.dma_semaphore, #tpu.memory_space<semaphore_mem>>) {add = true}
        %dma_wait3A_109 = arith.constant 0 : i32
        %dma_wait3A_110 = arith.constant 0 : i32
        %dma_wait3A_111 = tpu.memref_slice %arg8[%rem3A_98, %dma_wait3A_109, %dma_wait3A_110] : memref<2x128x128xf32, #tpu.memory_space<vmem>> -> memref<1x128x128xf32, #tpu.memory_space<vmem>>
        %dma_wait3A_112 = tpu.memref_squeeze %dma_wait3A_111 : memref<1x128x128xf32, #tpu.memory_space<vmem>> -> memref<128x128xf32, #tpu.memory_space<vmem>>
        %dma_wait3A_113 = arith.constant 0 : i32
        %dma_wait3A_114 = tpu.memref_slice %arg7[%scan3A_73, %dma_wait3A_113] : memref<40x128xi32, #tpu.memory_space<vmem>> -> memref<1x128xi32, #tpu.memory_space<vmem>>
        %dma_wait3A_115 = tpu.memref_squeeze %dma_wait3A_114 : memref<1x128xi32, #tpu.memory_space<vmem>> -> memref<128xi32, #tpu.memory_space<vmem>>
        %dma_wait3A_116 = arith.constant 0 : i32
        %dma_wait3A_117 = arith.constant 0 : i32
        %dma_wait3A_118 = tpu.memref_slice %arg9[%dma_wait3A_116, %dma_wait3A_117] : memref<10016x128xf32, #tpu.memory_space<vmem_shared>> -> memref<10016x128xf32, #tpu.memory_space<vmem_shared>>
        tpu.wait_indirect_dma semaphore(%run_scoped3A : memref<!tpu.dma_semaphore, #tpu.memory_space<semaphore_mem>>) src(%dma_wait3A_112 : memref<128x128xf32, #tpu.memory_space<vmem>>) dst(%dma_wait3A_118 : memref<10016x128xf32, #tpu.memory_space<vmem_shared>>)
        tpu.yield
      }) : () -> ()
    }
    %scan3A_32 = arith.constant 40 : i32
    %mul3A_33 = arith.constant 80 : i32
    %mul3A_34 = arith.muli %arg1, %mul3A_33 : i32
    %add3A_35 = arith.constant 40 : i32
    %add3A_36 = arith.addi %mul3A_34, %add3A_35 : i32
    "tpu.region"() ({
      %run_scoped3A = tpu.sem_alloc : memref<!tpu.dma_semaphore, #tpu.memory_space<semaphore_mem>>
      %dma_start3A_73 = arith.constant 0 : i32
      %dma_start3A_74 = tpu.memref_slice %arg3[%add3A_36, %dma_start3A_73] : memref<1280x128xi32, #tpu.memory_space<hbm>> -> memref<40x128xi32, #tpu.memory_space<hbm>>
      %dma_start3A_75 = arith.constant 0 : i32
      %dma_start3A_76 = tpu.memref_slice %arg3[%add3A_36, %dma_start3A_75] : memref<1280x128xi32, #tpu.memory_space<hbm>> -> memref<40x128xi32, #tpu.memory_space<hbm>>
      tpu.enqueue_dma source(%dma_start3A_76 : memref<40x128xi32, #tpu.memory_space<hbm>>) target(%arg6 : memref<40x128xi32, #tpu.memory_space<vmem>>) target_semaphore(%run_scoped3A : memref<!tpu.dma_semaphore, #tpu.memory_space<semaphore_mem>>)
      %dma_wait3A = arith.constant 0 : i32
      %dma_wait3A_77 = tpu.memref_slice %arg3[%add3A_36, %dma_wait3A] : memref<1280x128xi32, #tpu.memory_space<hbm>> -> memref<40x128xi32, #tpu.memory_space<hbm>>
      %dma_wait3A_78 = arith.constant 0 : i32
      %dma_wait3A_79 = tpu.memref_slice %arg3[%add3A_36, %dma_wait3A_78] : memref<1280x128xi32, #tpu.memory_space<hbm>> -> memref<40x128xi32, #tpu.memory_space<hbm>>
      tpu.wait_dma2 semaphore(%run_scoped3A : memref<!tpu.dma_semaphore, #tpu.memory_space<semaphore_mem>>) src(%dma_wait3A_79 : memref<40x128xi32, #tpu.memory_space<hbm>>) dst(%arg6 : memref<40x128xi32, #tpu.memory_space<vmem>>)
      tpu.yield
    }) : () -> ()
    %mul3A_37 = arith.constant 80 : i32
    %mul3A_38 = arith.muli %arg1, %mul3A_37 : i32
    %add3A_39 = arith.constant 40 : i32
    %add3A_40 = arith.addi %mul3A_38, %add3A_39 : i32
    "tpu.region"() ({
      %run_scoped3A = tpu.sem_alloc : memref<!tpu.dma_semaphore, #tpu.memory_space<semaphore_mem>>
      %dma_start3A_73 = arith.constant 0 : i32
      %dma_start3A_74 = tpu.memref_slice %arg4[%add3A_40, %dma_start3A_73] : memref<1280x128xi32, #tpu.memory_space<hbm>> -> memref<40x128xi32, #tpu.memory_space<hbm>>
      %dma_start3A_75 = arith.constant 0 : i32
      %dma_start3A_76 = tpu.memref_slice %arg4[%add3A_40, %dma_start3A_75] : memref<1280x128xi32, #tpu.memory_space<hbm>> -> memref<40x128xi32, #tpu.memory_space<hbm>>
      tpu.enqueue_dma source(%dma_start3A_76 : memref<40x128xi32, #tpu.memory_space<hbm>>) target(%arg7 : memref<40x128xi32, #tpu.memory_space<vmem>>) target_semaphore(%run_scoped3A : memref<!tpu.dma_semaphore, #tpu.memory_space<semaphore_mem>>)
      %dma_wait3A = arith.constant 0 : i32
      %dma_wait3A_77 = tpu.memref_slice %arg4[%add3A_40, %dma_wait3A] : memref<1280x128xi32, #tpu.memory_space<hbm>> -> memref<40x128xi32, #tpu.memory_space<hbm>>
      %dma_wait3A_78 = arith.constant 0 : i32
      %dma_wait3A_79 = tpu.memref_slice %arg4[%add3A_40, %dma_wait3A_78] : memref<1280x128xi32, #tpu.memory_space<hbm>> -> memref<40x128xi32, #tpu.memory_space<hbm>>
      tpu.wait_dma2 semaphore(%run_scoped3A : memref<!tpu.dma_semaphore, #tpu.memory_space<semaphore_mem>>) src(%dma_wait3A_79 : memref<40x128xi32, #tpu.memory_space<hbm>>) dst(%arg7 : memref<40x128xi32, #tpu.memory_space<vmem>>)
      tpu.yield
    }) : () -> ()
    %rem3A_41 = arith.constant 0 : i32
    %rem3A_42 = arith.constant 2 : i32
    %rem3A_43 = arith.remsi %rem3A_41, %rem3A_42 : i32
    %dma_start3A_44 = arith.constant 0 : i32
    %dma_start3A_45 = arith.constant 0 : i32
    %dma_start3A_46 = arith.constant 0 : i32
    %dma_start3A_47 = tpu.memref_slice %arg8[%rem3A_43, %dma_start3A_45, %dma_start3A_46] : memref<2x128x128xf32, #tpu.memory_space<vmem>> -> memref<1x128x128xf32, #tpu.memory_space<vmem>>
    %dma_start3A_48 = tpu.memref_squeeze %dma_start3A_47 : memref<1x128x128xf32, #tpu.memory_space<vmem>> -> memref<128x128xf32, #tpu.memory_space<vmem>>
    %dma_start3A_49 = arith.constant 0 : i32
    %dma_start3A_50 = tpu.memref_slice %arg6[%dma_start3A_44, %dma_start3A_49] : memref<40x128xi32, #tpu.memory_space<vmem>> -> memref<1x128xi32, #tpu.memory_space<vmem>>
    %dma_start3A_51 = tpu.memref_squeeze %dma_start3A_50 : memref<1x128xi32, #tpu.memory_space<vmem>> -> memref<128xi32, #tpu.memory_space<vmem>>
    %dma_start3A_52 = arith.constant 0 : i32
    %dma_start3A_53 = arith.constant 0 : i32
    %dma_start3A_54 = tpu.memref_slice %arg2[%arg0, %dma_start3A_52, %dma_start3A_53] : memref<2x10000x128xf32, #tpu.memory_space<hbm>> -> memref<1x10000x128xf32, #tpu.memory_space<hbm>>
    %dma_start3A_55 = tpu.memref_squeeze %dma_start3A_54 : memref<1x10000x128xf32, #tpu.memory_space<hbm>> -> memref<10000x128xf32, #tpu.memory_space<hbm>>
    %dma_start3A_56 = arith.constant 0 : i32
    %dma_start3A_57 = arith.constant 0 : i32
    %dma_start3A_58 = tpu.memref_slice %dma_start3A_55[%dma_start3A_56, %dma_start3A_57] : memref<10000x128xf32, #tpu.memory_space<hbm>> -> memref<10000x128xf32, #tpu.memory_space<hbm>>
    %dma_start3A_59 = tpu.memref_slice %arg10[%rem3A_43] : memref<2x!tpu.dma_semaphore, #tpu.memory_space<semaphore_mem>> -> memref<1x!tpu.dma_semaphore, #tpu.memory_space<semaphore_mem>>
    %dma_start3A_60 = tpu.memref_squeeze %dma_start3A_59 : memref<1x!tpu.dma_semaphore, #tpu.memory_space<semaphore_mem>> -> memref<!tpu.dma_semaphore, #tpu.memory_space<semaphore_mem>>
    tpu.enqueue_indirect_dma source(%dma_start3A_58 : memref<10000x128xf32, #tpu.memory_space<hbm>>) target(%dma_start3A_48 : memref<128x128xf32, #tpu.memory_space<vmem>>) offsets(%dma_start3A_51 : memref<128xi32, #tpu.memory_space<vmem>>) semaphore(%dma_start3A_60 : memref<!tpu.dma_semaphore, #tpu.memory_space<semaphore_mem>>)
    %scan3A_61 = arith.constant 0 : i32
    %scan3A_62 = arith.constant 0 : i32
    %scan3A_63 = arith.constant 40 : i32
    %scan3A_64 = arith.addi %scan3A_62, %scan3A_63 : i32
    %scan3A_65 = arith.constant 1 : i32
    scf.for %scan3A_73 = %scan3A_62 to %scan3A_64 step %scan3A_65  : i32 {
      %add3A_74 = arith.constant 1 : i32
      %add3A_75 = arith.addi %scan3A_73, %add3A_74 : i32
      %lt3A = arith.constant 40 : i32
      %lt3A_76 = arith.cmpi slt, %add3A_75, %lt3A : i32
      %convert_element_type3A_77 = arith.extui %lt3A_76 : i1 to i32
      %cond3A_78 = arith.constant 0 : i32
      %cond3A_79 = arith.cmpi ne, %convert_element_type3A_77, %cond3A_78 : i32
      scf.if %cond3A_79 {
        %add3A_99 = arith.constant 1 : i32
        %add3A_100 = arith.addi %scan3A_73, %add3A_99 : i32
        %rem3A_101 = arith.constant 2 : i32
        %rem3A_102 = arith.remsi %add3A_100, %rem3A_101 : i32
        %dma_start3A_103 = arith.constant 0 : i32
        %dma_start3A_104 = arith.constant 0 : i32
        %dma_start3A_105 = tpu.memref_slice %arg8[%rem3A_102, %dma_start3A_103, %dma_start3A_104] : memref<2x128x128xf32, #tpu.memory_space<vmem>> -> memref<1x128x128xf32, #tpu.memory_space<vmem>>
        %dma_start3A_106 = tpu.memref_squeeze %dma_start3A_105 : memref<1x128x128xf32, #tpu.memory_space<vmem>> -> memref<128x128xf32, #tpu.memory_space<vmem>>
        %dma_start3A_107 = arith.constant 0 : i32
        %dma_start3A_108 = tpu.memref_slice %arg6[%add3A_100, %dma_start3A_107] : memref<40x128xi32, #tpu.memory_space<vmem>> -> memref<1x128xi32, #tpu.memory_space<vmem>>
        %dma_start3A_109 = tpu.memref_squeeze %dma_start3A_108 : memref<1x128xi32, #tpu.memory_space<vmem>> -> memref<128xi32, #tpu.memory_space<vmem>>
        %dma_start3A_110 = arith.constant 0 : i32
        %dma_start3A_111 = arith.constant 0 : i32
        %dma_start3A_112 = tpu.memref_slice %arg2[%arg0, %dma_start3A_110, %dma_start3A_111] : memref<2x10000x128xf32, #tpu.memory_space<hbm>> -> memref<1x10000x128xf32, #tpu.memory_space<hbm>>
        %dma_start3A_113 = tpu.memref_squeeze %dma_start3A_112 : memref<1x10000x128xf32, #tpu.memory_space<hbm>> -> memref<10000x128xf32, #tpu.memory_space<hbm>>
        %dma_start3A_114 = arith.constant 0 : i32
        %dma_start3A_115 = arith.constant 0 : i32
        %dma_start3A_116 = tpu.memref_slice %dma_start3A_113[%dma_start3A_114, %dma_start3A_115] : memref<10000x128xf32, #tpu.memory_space<hbm>> -> memref<10000x128xf32, #tpu.memory_space<hbm>>
        %dma_start3A_117 = tpu.memref_slice %arg10[%rem3A_102] : memref<2x!tpu.dma_semaphore, #tpu.memory_space<semaphore_mem>> -> memref<1x!tpu.dma_semaphore, #tpu.memory_space<semaphore_mem>>
        %dma_start3A_118 = tpu.memref_squeeze %dma_start3A_117 : memref<1x!tpu.dma_semaphore, #tpu.memory_space<semaphore_mem>> -> memref<!tpu.dma_semaphore, #tpu.memory_space<semaphore_mem>>
        tpu.enqueue_indirect_dma source(%dma_start3A_116 : memref<10000x128xf32, #tpu.memory_space<hbm>>) target(%dma_start3A_106 : memref<128x128xf32, #tpu.memory_space<vmem>>) offsets(%dma_start3A_109 : memref<128xi32, #tpu.memory_space<vmem>>) semaphore(%dma_start3A_118 : memref<!tpu.dma_semaphore, #tpu.memory_space<semaphore_mem>>)
      } else {
      }
      %rem3A_80 = arith.constant 2 : i32
      %rem3A_81 = arith.remsi %scan3A_73, %rem3A_80 : i32
      %dma_wait3A = arith.constant 0 : i32
      %dma_wait3A_82 = arith.constant 0 : i32
      %dma_wait3A_83 = tpu.memref_slice %arg8[%rem3A_81, %dma_wait3A, %dma_wait3A_82] : memref<2x128x128xf32, #tpu.memory_space<vmem>> -> memref<1x128x128xf32, #tpu.memory_space<vmem>>
      %dma_wait3A_84 = tpu.memref_squeeze %dma_wait3A_83 : memref<1x128x128xf32, #tpu.memory_space<vmem>> -> memref<128x128xf32, #tpu.memory_space<vmem>>
      %dma_wait3A_85 = arith.constant 0 : i32
      %dma_wait3A_86 = tpu.memref_slice %arg6[%scan3A_73, %dma_wait3A_85] : memref<40x128xi32, #tpu.memory_space<vmem>> -> memref<1x128xi32, #tpu.memory_space<vmem>>
      %dma_wait3A_87 = tpu.memref_squeeze %dma_wait3A_86 : memref<1x128xi32, #tpu.memory_space<vmem>> -> memref<128xi32, #tpu.memory_space<vmem>>
      %dma_wait3A_88 = arith.constant 0 : i32
      %dma_wait3A_89 = arith.constant 0 : i32
      %dma_wait3A_90 = tpu.memref_slice %arg2[%arg0, %dma_wait3A_88, %dma_wait3A_89] : memref<2x10000x128xf32, #tpu.memory_space<hbm>> -> memref<1x10000x128xf32, #tpu.memory_space<hbm>>
      %dma_wait3A_91 = tpu.memref_squeeze %dma_wait3A_90 : memref<1x10000x128xf32, #tpu.memory_space<hbm>> -> memref<10000x128xf32, #tpu.memory_space<hbm>>
      %dma_wait3A_92 = arith.constant 0 : i32
      %dma_wait3A_93 = arith.constant 0 : i32
      %dma_wait3A_94 = tpu.memref_slice %dma_wait3A_91[%dma_wait3A_92, %dma_wait3A_93] : memref<10000x128xf32, #tpu.memory_space<hbm>> -> memref<10000x128xf32, #tpu.memory_space<hbm>>
      %dma_wait3A_95 = tpu.memref_slice %arg10[%rem3A_81] : memref<2x!tpu.dma_semaphore, #tpu.memory_space<semaphore_mem>> -> memref<1x!tpu.dma_semaphore, #tpu.memory_space<semaphore_mem>>
      %dma_wait3A_96 = tpu.memref_squeeze %dma_wait3A_95 : memref<1x!tpu.dma_semaphore, #tpu.memory_space<semaphore_mem>> -> memref<!tpu.dma_semaphore, #tpu.memory_space<semaphore_mem>>
      tpu.wait_indirect_dma semaphore(%dma_wait3A_96 : memref<!tpu.dma_semaphore, #tpu.memory_space<semaphore_mem>>) src(%dma_wait3A_94 : memref<10000x128xf32, #tpu.memory_space<hbm>>) dst(%dma_wait3A_84 : memref<128x128xf32, #tpu.memory_space<vmem>>)
      %rem3A_97 = arith.constant 2 : i32
      %rem3A_98 = arith.remsi %scan3A_73, %rem3A_97 : i32
      "tpu.region"() ({
        %run_scoped3A = tpu.sem_alloc : memref<!tpu.dma_semaphore, #tpu.memory_space<semaphore_mem>>
        %dma_start3A_99 = arith.constant 0 : i32
        %dma_start3A_100 = arith.constant 0 : i32
        %dma_start3A_101 = tpu.memref_slice %arg8[%rem3A_98, %dma_start3A_99, %dma_start3A_100] : memref<2x128x128xf32, #tpu.memory_space<vmem>> -> memref<1x128x128xf32, #tpu.memory_space<vmem>>
        %dma_start3A_102 = tpu.memref_squeeze %dma_start3A_101 : memref<1x128x128xf32, #tpu.memory_space<vmem>> -> memref<128x128xf32, #tpu.memory_space<vmem>>
        %dma_start3A_103 = arith.constant 0 : i32
        %dma_start3A_104 = tpu.memref_slice %arg7[%scan3A_73, %dma_start3A_103] : memref<40x128xi32, #tpu.memory_space<vmem>> -> memref<1x128xi32, #tpu.memory_space<vmem>>
        %dma_start3A_105 = tpu.memref_squeeze %dma_start3A_104 : memref<1x128xi32, #tpu.memory_space<vmem>> -> memref<128xi32, #tpu.memory_space<vmem>>
        %dma_start3A_106 = arith.constant 0 : i32
        %dma_start3A_107 = arith.constant 0 : i32
        %dma_start3A_108 = tpu.memref_slice %arg9[%dma_start3A_106, %dma_start3A_107] : memref<10016x128xf32, #tpu.memory_space<vmem_shared>> -> memref<10016x128xf32, #tpu.memory_space<vmem_shared>>
        tpu.enqueue_indirect_dma source(%dma_start3A_102 : memref<128x128xf32, #tpu.memory_space<vmem>>) target(%dma_start3A_108 : memref<10016x128xf32, #tpu.memory_space<vmem_shared>>) offsets(%dma_start3A_105 : memref<128xi32, #tpu.memory_space<vmem>>) semaphore(%run_scoped3A : memref<!tpu.dma_semaphore, #tpu.memory_space<semaphore_mem>>) {add = true}
        %dma_wait3A_109 = arith.constant 0 : i32
        %dma_wait3A_110 = arith.constant 0 : i32
        %dma_wait3A_111 = tpu.memref_slice %arg8[%rem3A_98, %dma_wait3A_109, %dma_wait3A_110] : memref<2x128x128xf32, #tpu.memory_space<vmem>> -> memref<1x128x128xf32, #tpu.memory_space<vmem>>
        %dma_wait3A_112 = tpu.memref_squeeze %dma_wait3A_111 : memref<1x128x128xf32, #tpu.memory_space<vmem>> -> memref<128x128xf32, #tpu.memory_space<vmem>>
        %dma_wait3A_113 = arith.constant 0 : i32
        %dma_wait3A_114 = tpu.memref_slice %arg7[%scan3A_73, %dma_wait3A_113] : memref<40x128xi32, #tpu.memory_space<vmem>> -> memref<1x128xi32, #tpu.memory_space<vmem>>
        %dma_wait3A_115 = tpu.memref_squeeze %dma_wait3A_114 : memref<1x128xi32, #tpu.memory_space<vmem>> -> memref<128xi32, #tpu.memory_space<vmem>>
        %dma_wait3A_116 = arith.constant 0 : i32
        %dma_wait3A_117 = arith.constant 0 : i32
        %dma_wait3A_118 = tpu.memref_slice %arg9[%dma_wait3A_116, %dma_wait3A_117] : memref<10016x128xf32, #tpu.memory_space<vmem_shared>> -> memref<10016x128xf32, #tpu.memory_space<vmem_shared>>
        tpu.wait_indirect_dma semaphore(%run_scoped3A : memref<!tpu.dma_semaphore, #tpu.memory_space<semaphore_mem>>) src(%dma_wait3A_112 : memref<128x128xf32, #tpu.memory_space<vmem>>) dst(%dma_wait3A_118 : memref<10016x128xf32, #tpu.memory_space<vmem_shared>>)
        tpu.yield
      }) : () -> ()
    }
    %scan3A_66 = arith.constant 40 : i32
    %barrier3A_67 = arith.constant 0 : index
    tpu.barrier barrier_id(%barrier3A_67)
    "tpu.region"() ({
      %run_scoped3A = tpu.sem_alloc : memref<!tpu.dma_semaphore, #tpu.memory_space<semaphore_mem>>
      %dma_start3A_73 = arith.constant 0 : i32
      %dma_start3A_74 = tpu.memref_slice %arg5[%arg0, %mul3A_0, %dma_start3A_73] : memref<2x10000x128xf32, #tpu.memory_space<hbm>> -> memref<1x624x128xf32, #tpu.memory_space<hbm>>
      %dma_start3A_75 = tpu.memref_squeeze %dma_start3A_74 : memref<1x624x128xf32, #tpu.memory_space<hbm>> -> memref<624x128xf32, #tpu.memory_space<hbm>>
      %dma_start3A_76 = arith.constant 0 : i32
      %dma_start3A_77 = tpu.memref_slice %arg9[%mul3A_0, %dma_start3A_76] : memref<10016x128xf32, #tpu.memory_space<vmem_shared>> -> memref<624x128xf32, #tpu.memory_space<vmem_shared>>
      tpu.enqueue_dma source(%dma_start3A_77 : memref<624x128xf32, #tpu.memory_space<vmem_shared>>) target(%dma_start3A_75 : memref<624x128xf32, #tpu.memory_space<hbm>>) target_semaphore(%run_scoped3A : memref<!tpu.dma_semaphore, #tpu.memory_space<semaphore_mem>>)
      %dma_wait3A = arith.constant 0 : i32
      %dma_wait3A_78 = tpu.memref_slice %arg5[%arg0, %mul3A_0, %dma_wait3A] : memref<2x10000x128xf32, #tpu.memory_space<hbm>> -> memref<1x624x128xf32, #tpu.memory_space<hbm>>
      %dma_wait3A_79 = tpu.memref_squeeze %dma_wait3A_78 : memref<1x624x128xf32, #tpu.memory_space<hbm>> -> memref<624x128xf32, #tpu.memory_space<hbm>>
      %dma_wait3A_80 = arith.constant 0 : i32
      %dma_wait3A_81 = tpu.memref_slice %arg9[%mul3A_0, %dma_wait3A_80] : memref<10016x128xf32, #tpu.memory_space<vmem_shared>> -> memref<624x128xf32, #tpu.memory_space<vmem_shared>>
      tpu.wait_dma2 semaphore(%run_scoped3A : memref<!tpu.dma_semaphore, #tpu.memory_space<semaphore_mem>>) src(%dma_wait3A_81 : memref<624x128xf32, #tpu.memory_space<vmem_shared>>) dst(%dma_wait3A_79 : memref<624x128xf32, #tpu.memory_space<hbm>>)
      tpu.yield
    }) : () -> ()
    %eq3A_68 = arith.constant 15 : i32
    %eq3A_69 = arith.cmpi eq, %arg1, %eq3A_68 : i32
    %convert_element_type3A_70 = arith.extui %eq3A_69 : i1 to i32
    %cond3A_71 = arith.constant 0 : i32
    %cond3A_72 = arith.cmpi ne, %convert_element_type3A_70, %cond3A_71 : i32
    scf.if %cond3A_72 {
      "tpu.region"() ({
        %run_scoped3A = tpu.sem_alloc : memref<!tpu.dma_semaphore, #tpu.memory_space<semaphore_mem>>
        %dma_start3A_73 = arith.constant 9984 : i32
        %dma_start3A_74 = arith.constant 0 : i32
        %dma_start3A_75 = tpu.memref_slice %arg5[%arg0, %dma_start3A_73, %dma_start3A_74] : memref<2x10000x128xf32, #tpu.memory_space<hbm>> -> memref<1x16x128xf32, #tpu.memory_space<hbm>>
        %dma_start3A_76 = tpu.memref_squeeze %dma_start3A_75 : memref<1x16x128xf32, #tpu.memory_space<hbm>> -> memref<16x128xf32, #tpu.memory_space<hbm>>
        %dma_start3A_77 = arith.constant 9984 : i32
        %dma_start3A_78 = arith.constant 0 : i32
        %dma_start3A_79 = tpu.memref_slice %arg9[%dma_start3A_77, %dma_start3A_78] : memref<10016x128xf32, #tpu.memory_space<vmem_shared>> -> memref<16x128xf32, #tpu.memory_space<vmem_shared>>
        tpu.enqueue_dma source(%dma_start3A_79 : memref<16x128xf32, #tpu.memory_space<vmem_shared>>) target(%dma_start3A_76 : memref<16x128xf32, #tpu.memory_space<hbm>>) target_semaphore(%run_scoped3A : memref<!tpu.dma_semaphore, #tpu.memory_space<semaphore_mem>>)
        %dma_wait3A = arith.constant 9984 : i32
        %dma_wait3A_80 = arith.constant 0 : i32
        %dma_wait3A_81 = tpu.memref_slice %arg5[%arg0, %dma_wait3A, %dma_wait3A_80] : memref<2x10000x128xf32, #tpu.memory_space<hbm>> -> memref<1x16x128xf32, #tpu.memory_space<hbm>>
        %dma_wait3A_82 = tpu.memref_squeeze %dma_wait3A_81 : memref<1x16x128xf32, #tpu.memory_space<hbm>> -> memref<16x128xf32, #tpu.memory_space<hbm>>
        %dma_wait3A_83 = arith.constant 9984 : i32
        %dma_wait3A_84 = arith.constant 0 : i32
        %dma_wait3A_85 = tpu.memref_slice %arg9[%dma_wait3A_83, %dma_wait3A_84] : memref<10016x128xf32, #tpu.memory_space<vmem_shared>> -> memref<16x128xf32, #tpu.memory_space<vmem_shared>>
        tpu.wait_dma2 semaphore(%run_scoped3A : memref<!tpu.dma_semaphore, #tpu.memory_space<semaphore_mem>>) src(%dma_wait3A_85 : memref<16x128xf32, #tpu.memory_space<vmem_shared>>) dst(%dma_wait3A_82 : memref<16x128xf32, #tpu.memory_space<hbm>>)
        tpu.yield
      }) : () -> ()
    } else {
    }
    return
  }
}

#map = affine_map<(d0, d1) -> (0, 0, 0)>
#map1 = affine_map<(d0, d1) -> (0, 0)>
module attributes {stable_mosaic.version = 14 : i64} {
  func.func @k(%arg0: i32, %arg1: i32, %arg2: memref<2x10000x128xf32, #tpu.memory_space<hbm>>, %arg3: memref<1280x128xi32, #tpu.memory_space<hbm>>, %arg4: memref<1280x128xi32, #tpu.memory_space<hbm>>, %arg5: memref<2x10000x128xf32, #tpu.memory_space<hbm>>, %arg6: memref<40x128xi32, #tpu.memory_space<vmem>>, %arg7: memref<40x128xi32, #tpu.memory_space<vmem>>, %arg8: memref<2x128x128xf32, #tpu.memory_space<vmem>>, %arg9: memref<10016x128xf32, #tpu.memory_space<vmem_shared>>, %arg10: memref<2x!tpu.dma_semaphore, #tpu.memory_space<semaphore_mem>>) attributes {dimension_semantics = [#tpu.dimension_semantics<core_parallel>, #tpu.dimension_semantics<subcore_parallel>], iteration_bounds = array<i64: 2, 16>, scalar_prefetch = 0 : i64, scratch_operands = 5 : i64, tpu.core_type = #tpu.core_type<sc_vector_subcore>, window_params = [{transform_indices = #map}, {transform_indices = #map1}, {transform_indices = #map1}, {transform_indices = #map}]} {
    %mul3A = arith.constant 624 : i32
    %mul3A_0 = arith.muli %arg1, %mul3A : i32
    "tpu.region"() ({
      %run_scoped3A = tpu.sem_alloc : memref<!tpu.dma_semaphore, #tpu.memory_space<semaphore_mem>>
      %dma_start3A_73 = arith.constant 0 : i32
      %dma_start3A_74 = tpu.memref_slice %arg9[%mul3A_0, %dma_start3A_73] : memref<10016x128xf32, #tpu.memory_space<vmem_shared>> -> memref<624x128xf32, #tpu.memory_space<vmem_shared>>
      %dma_start3A_75 = arith.constant 0 : i32
      %dma_start3A_76 = tpu.memref_slice %arg2[%arg0, %mul3A_0, %dma_start3A_75] : memref<2x10000x128xf32, #tpu.memory_space<hbm>> -> memref<1x624x128xf32, #tpu.memory_space<hbm>>
      %dma_start3A_77 = tpu.memref_squeeze %dma_start3A_76 : memref<1x624x128xf32, #tpu.memory_space<hbm>> -> memref<624x128xf32, #tpu.memory_space<hbm>>
      tpu.enqueue_dma source(%dma_start3A_77 : memref<624x128xf32, #tpu.memory_space<hbm>>) target(%dma_start3A_74 : memref<624x128xf32, #tpu.memory_space<vmem_shared>>) target_semaphore(%run_scoped3A : memref<!tpu.dma_semaphore, #tpu.memory_space<semaphore_mem>>)
      %dma_wait3A = arith.constant 0 : i32
      %dma_wait3A_78 = tpu.memref_slice %arg9[%mul3A_0, %dma_wait3A] : memref<10016x128xf32, #tpu.memory_space<vmem_shared>> -> memref<624x128xf32, #tpu.memory_space<vmem_shared>>
      %dma_wait3A_79 = arith.constant 0 : i32
      %dma_wait3A_80 = tpu.memref_slice %arg2[%arg0, %mul3A_0, %dma_wait3A_79] : memref<2x10000x128xf32, #tpu.memory_space<hbm>> -> memref<1x624x128xf32, #tpu.memory_space<hbm>>
      %dma_wait3A_81 = tpu.memref_squeeze %dma_wait3A_80 : memref<1x624x128xf32, #tpu.memory_space<hbm>> -> memref<624x128xf32, #tpu.memory_space<hbm>>
      tpu.wait_dma2 semaphore(%run_scoped3A : memref<!tpu.dma_semaphore, #tpu.memory_space<semaphore_mem>>) src(%dma_wait3A_81 : memref<624x128xf32, #tpu.memory_space<hbm>>) dst(%dma_wait3A_78 : memref<624x128xf32, #tpu.memory_space<vmem_shared>>)
      tpu.yield
    }) : () -> ()
    %eq3A = arith.constant 15 : i32
    %eq3A_1 = arith.cmpi eq, %arg1, %eq3A : i32
    %convert_element_type3A = arith.extui %eq3A_1 : i1 to i32
    %cond3A = arith.constant 0 : i32
    %cond3A_2 = arith.cmpi ne, %convert_element_type3A, %cond3A : i32
    scf.if %cond3A_2 {
      "tpu.region"() ({
        %run_scoped3A = tpu.sem_alloc : memref<!tpu.dma_semaphore, #tpu.memory_space<semaphore_mem>>
        %dma_start3A_73 = arith.constant 9984 : i32
        %dma_start3A_74 = arith.constant 0 : i32
        %dma_start3A_75 = tpu.memref_slice %arg9[%dma_start3A_73, %dma_start3A_74] : memref<10016x128xf32, #tpu.memory_space<vmem_shared>> -> memref<16x128xf32, #tpu.memory_space<vmem_shared>>
        %dma_start3A_76 = arith.constant 9984 : i32
        %dma_start3A_77 = arith.constant 0 : i32
        %dma_start3A_78 = tpu.memref_slice %arg2[%arg0, %dma_start3A_76, %dma_start3A_77] : memref<2x10000x128xf32, #tpu.memory_space<hbm>> -> memref<1x16x128xf32, #tpu.memory_space<hbm>>
        %dma_start3A_79 = tpu.memref_squeeze %dma_start3A_78 : memref<1x16x128xf32, #tpu.memory_space<hbm>> -> memref<16x128xf32, #tpu.memory_space<hbm>>
        tpu.enqueue_dma source(%dma_start3A_79 : memref<16x128xf32, #tpu.memory_space<hbm>>) target(%dma_start3A_75 : memref<16x128xf32, #tpu.memory_space<vmem_shared>>) target_semaphore(%run_scoped3A : memref<!tpu.dma_semaphore, #tpu.memory_space<semaphore_mem>>)
        %dma_wait3A = arith.constant 9984 : i32
        %dma_wait3A_80 = arith.constant 0 : i32
        %dma_wait3A_81 = tpu.memref_slice %arg9[%dma_wait3A, %dma_wait3A_80] : memref<10016x128xf32, #tpu.memory_space<vmem_shared>> -> memref<16x128xf32, #tpu.memory_space<vmem_shared>>
        %dma_wait3A_82 = arith.constant 9984 : i32
        %dma_wait3A_83 = arith.constant 0 : i32
        %dma_wait3A_84 = tpu.memref_slice %arg2[%arg0, %dma_wait3A_82, %dma_wait3A_83] : memref<2x10000x128xf32, #tpu.memory_space<hbm>> -> memref<1x16x128xf32, #tpu.memory_space<hbm>>
        %dma_wait3A_85 = tpu.memref_squeeze %dma_wait3A_84 : memref<1x16x128xf32, #tpu.memory_space<hbm>> -> memref<16x128xf32, #tpu.memory_space<hbm>>
        tpu.wait_dma2 semaphore(%run_scoped3A : memref<!tpu.dma_semaphore, #tpu.memory_space<semaphore_mem>>) src(%dma_wait3A_85 : memref<16x128xf32, #tpu.memory_space<hbm>>) dst(%dma_wait3A_81 : memref<16x128xf32, #tpu.memory_space<vmem_shared>>)
        tpu.yield
      }) : () -> ()
    } else {
    }
    %barrier3A = arith.constant 0 : index
    tpu.barrier barrier_id(%barrier3A)
    %mul3A_3 = arith.constant 80 : i32
    %mul3A_4 = arith.muli %arg1, %mul3A_3 : i32
    %add3A = arith.constant 0 : i32
    %add3A_5 = arith.addi %mul3A_4, %add3A : i32
    "tpu.region"() ({
      %run_scoped3A = tpu.sem_alloc : memref<!tpu.dma_semaphore, #tpu.memory_space<semaphore_mem>>
      %dma_start3A_73 = arith.constant 0 : i32
      %dma_start3A_74 = tpu.memref_slice %arg3[%add3A_5, %dma_start3A_73] : memref<1280x128xi32, #tpu.memory_space<hbm>> -> memref<40x128xi32, #tpu.memory_space<hbm>>
      %dma_start3A_75 = arith.constant 0 : i32
      %dma_start3A_76 = tpu.memref_slice %arg3[%add3A_5, %dma_start3A_75] : memref<1280x128xi32, #tpu.memory_space<hbm>> -> memref<40x128xi32, #tpu.memory_space<hbm>>
      tpu.enqueue_dma source(%dma_start3A_76 : memref<40x128xi32, #tpu.memory_space<hbm>>) target(%arg6 : memref<40x128xi32, #tpu.memory_space<vmem>>) target_semaphore(%run_scoped3A : memref<!tpu.dma_semaphore, #tpu.memory_space<semaphore_mem>>)
      %dma_wait3A = arith.constant 0 : i32
      %dma_wait3A_77 = tpu.memref_slice %arg3[%add3A_5, %dma_wait3A] : memref<1280x128xi32, #tpu.memory_space<hbm>> -> memref<40x128xi32, #tpu.memory_space<hbm>>
      %dma_wait3A_78 = arith.constant 0 : i32
      %dma_wait3A_79 = tpu.memref_slice %arg3[%add3A_5, %dma_wait3A_78] : memref<1280x128xi32, #tpu.memory_space<hbm>> -> memref<40x128xi32, #tpu.memory_space<hbm>>
      tpu.wait_dma2 semaphore(%run_scoped3A : memref<!tpu.dma_semaphore, #tpu.memory_space<semaphore_mem>>) src(%dma_wait3A_79 : memref<40x128xi32, #tpu.memory_space<hbm>>) dst(%arg6 : memref<40x128xi32, #tpu.memory_space<vmem>>)
      tpu.yield
    }) : () -> ()
    %mul3A_6 = arith.constant 80 : i32
    %mul3A_7 = arith.muli %arg1, %mul3A_6 : i32
    %add3A_8 = arith.constant 0 : i32
    %add3A_9 = arith.addi %mul3A_7, %add3A_8 : i32
    "tpu.region"() ({
      %run_scoped3A = tpu.sem_alloc : memref<!tpu.dma_semaphore, #tpu.memory_space<semaphore_mem>>
      %dma_start3A_73 = arith.constant 0 : i32
      %dma_start3A_74 = tpu.memref_slice %arg4[%add3A_9, %dma_start3A_73] : memref<1280x128xi32, #tpu.memory_space<hbm>> -> memref<40x128xi32, #tpu.memory_space<hbm>>
      %dma_start3A_75 = arith.constant 0 : i32
      %dma_start3A_76 = tpu.memref_slice %arg4[%add3A_9, %dma_start3A_75] : memref<1280x128xi32, #tpu.memory_space<hbm>> -> memref<40x128xi32, #tpu.memory_space<hbm>>
      tpu.enqueue_dma source(%dma_start3A_76 : memref<40x128xi32, #tpu.memory_space<hbm>>) target(%arg7 : memref<40x128xi32, #tpu.memory_space<vmem>>) target_semaphore(%run_scoped3A : memref<!tpu.dma_semaphore, #tpu.memory_space<semaphore_mem>>)
      %dma_wait3A = arith.constant 0 : i32
      %dma_wait3A_77 = tpu.memref_slice %arg4[%add3A_9, %dma_wait3A] : memref<1280x128xi32, #tpu.memory_space<hbm>> -> memref<40x128xi32, #tpu.memory_space<hbm>>
      %dma_wait3A_78 = arith.constant 0 : i32
      %dma_wait3A_79 = tpu.memref_slice %arg4[%add3A_9, %dma_wait3A_78] : memref<1280x128xi32, #tpu.memory_space<hbm>> -> memref<40x128xi32, #tpu.memory_space<hbm>>
      tpu.wait_dma2 semaphore(%run_scoped3A : memref<!tpu.dma_semaphore, #tpu.memory_space<semaphore_mem>>) src(%dma_wait3A_79 : memref<40x128xi32, #tpu.memory_space<hbm>>) dst(%arg7 : memref<40x128xi32, #tpu.memory_space<vmem>>)
      tpu.yield
    }) : () -> ()
    %rem3A = arith.constant 0 : i32
    %rem3A_10 = arith.constant 2 : i32
    %rem3A_11 = arith.remsi %rem3A, %rem3A_10 : i32
    %dma_start3A = arith.constant 0 : i32
    %dma_start3A_12 = arith.constant 0 : i32
    %dma_start3A_13 = arith.constant 0 : i32
    %dma_start3A_14 = tpu.memref_slice %arg8[%rem3A_11, %dma_start3A_12, %dma_start3A_13] : memref<2x128x128xf32, #tpu.memory_space<vmem>> -> memref<1x128x128xf32, #tpu.memory_space<vmem>>
    %dma_start3A_15 = tpu.memref_squeeze %dma_start3A_14 : memref<1x128x128xf32, #tpu.memory_space<vmem>> -> memref<128x128xf32, #tpu.memory_space<vmem>>
    %dma_start3A_16 = arith.constant 0 : i32
    %dma_start3A_17 = tpu.memref_slice %arg6[%dma_start3A, %dma_start3A_16] : memref<40x128xi32, #tpu.memory_space<vmem>> -> memref<1x128xi32, #tpu.memory_space<vmem>>
    %dma_start3A_18 = tpu.memref_squeeze %dma_start3A_17 : memref<1x128xi32, #tpu.memory_space<vmem>> -> memref<128xi32, #tpu.memory_space<vmem>>
    %dma_start3A_19 = arith.constant 0 : i32
    %dma_start3A_20 = arith.constant 0 : i32
    %dma_start3A_21 = tpu.memref_slice %arg2[%arg0, %dma_start3A_19, %dma_start3A_20] : memref<2x10000x128xf32, #tpu.memory_space<hbm>> -> memref<1x10000x128xf32, #tpu.memory_space<hbm>>
    %dma_start3A_22 = tpu.memref_squeeze %dma_start3A_21 : memref<1x10000x128xf32, #tpu.memory_space<hbm>> -> memref<10000x128xf32, #tpu.memory_space<hbm>>
    %dma_start3A_23 = arith.constant 0 : i32
    %dma_start3A_24 = arith.constant 0 : i32
    %dma_start3A_25 = tpu.memref_slice %dma_start3A_22[%dma_start3A_23, %dma_start3A_24] : memref<10000x128xf32, #tpu.memory_space<hbm>> -> memref<10000x128xf32, #tpu.memory_space<hbm>>
    %dma_start3A_26 = tpu.memref_slice %arg10[%rem3A_11] : memref<2x!tpu.dma_semaphore, #tpu.memory_space<semaphore_mem>> -> memref<1x!tpu.dma_semaphore, #tpu.memory_space<semaphore_mem>>
    %dma_start3A_27 = tpu.memref_squeeze %dma_start3A_26 : memref<1x!tpu.dma_semaphore, #tpu.memory_space<semaphore_mem>> -> memref<!tpu.dma_semaphore, #tpu.memory_space<semaphore_mem>>
    tpu.enqueue_indirect_dma source(%dma_start3A_25 : memref<10000x128xf32, #tpu.memory_space<hbm>>) target(%dma_start3A_15 : memref<128x128xf32, #tpu.memory_space<vmem>>) offsets(%dma_start3A_18 : memref<128xi32, #tpu.memory_space<vmem>>) semaphore(%dma_start3A_27 : memref<!tpu.dma_semaphore, #tpu.memory_space<semaphore_mem>>)
    %scan3A = arith.constant 0 : i32
    %scan3A_28 = arith.constant 0 : i32
    %scan3A_29 = arith.constant 40 : i32
    %scan3A_30 = arith.addi %scan3A_28, %scan3A_29 : i32
    %scan3A_31 = arith.constant 1 : i32
    scf.for %scan3A_73 = %scan3A_28 to %scan3A_30 step %scan3A_31  : i32 {
      %add3A_74 = arith.constant 1 : i32
      %add3A_75 = arith.addi %scan3A_73, %add3A_74 : i32
      %lt3A = arith.constant 40 : i32
      %lt3A_76 = arith.cmpi slt, %add3A_75, %lt3A : i32
      %convert_element_type3A_77 = arith.extui %lt3A_76 : i1 to i32
      %cond3A_78 = arith.constant 0 : i32
      %cond3A_79 = arith.cmpi ne, %convert_element_type3A_77, %cond3A_78 : i32
      scf.if %cond3A_79 {
        %add3A_99 = arith.constant 1 : i32
        %add3A_100 = arith.addi %scan3A_73, %add3A_99 : i32
        %rem3A_101 = arith.constant 2 : i32
        %rem3A_102 = arith.remsi %add3A_100, %rem3A_101 : i32
        %dma_start3A_103 = arith.constant 0 : i32
        %dma_start3A_104 = arith.constant 0 : i32
        %dma_start3A_105 = tpu.memref_slice %arg8[%rem3A_102, %dma_start3A_103, %dma_start3A_104] : memref<2x128x128xf32, #tpu.memory_space<vmem>> -> memref<1x128x128xf32, #tpu.memory_space<vmem>>
        %dma_start3A_106 = tpu.memref_squeeze %dma_start3A_105 : memref<1x128x128xf32, #tpu.memory_space<vmem>> -> memref<128x128xf32, #tpu.memory_space<vmem>>
        %dma_start3A_107 = arith.constant 0 : i32
        %dma_start3A_108 = tpu.memref_slice %arg6[%add3A_100, %dma_start3A_107] : memref<40x128xi32, #tpu.memory_space<vmem>> -> memref<1x128xi32, #tpu.memory_space<vmem>>
        %dma_start3A_109 = tpu.memref_squeeze %dma_start3A_108 : memref<1x128xi32, #tpu.memory_space<vmem>> -> memref<128xi32, #tpu.memory_space<vmem>>
        %dma_start3A_110 = arith.constant 0 : i32
        %dma_start3A_111 = arith.constant 0 : i32
        %dma_start3A_112 = tpu.memref_slice %arg2[%arg0, %dma_start3A_110, %dma_start3A_111] : memref<2x10000x128xf32, #tpu.memory_space<hbm>> -> memref<1x10000x128xf32, #tpu.memory_space<hbm>>
        %dma_start3A_113 = tpu.memref_squeeze %dma_start3A_112 : memref<1x10000x128xf32, #tpu.memory_space<hbm>> -> memref<10000x128xf32, #tpu.memory_space<hbm>>
        %dma_start3A_114 = arith.constant 0 : i32
        %dma_start3A_115 = arith.constant 0 : i32
        %dma_start3A_116 = tpu.memref_slice %dma_start3A_113[%dma_start3A_114, %dma_start3A_115] : memref<10000x128xf32, #tpu.memory_space<hbm>> -> memref<10000x128xf32, #tpu.memory_space<hbm>>
        %dma_start3A_117 = tpu.memref_slice %arg10[%rem3A_102] : memref<2x!tpu.dma_semaphore, #tpu.memory_space<semaphore_mem>> -> memref<1x!tpu.dma_semaphore, #tpu.memory_space<semaphore_mem>>
        %dma_start3A_118 = tpu.memref_squeeze %dma_start3A_117 : memref<1x!tpu.dma_semaphore, #tpu.memory_space<semaphore_mem>> -> memref<!tpu.dma_semaphore, #tpu.memory_space<semaphore_mem>>
        tpu.enqueue_indirect_dma source(%dma_start3A_116 : memref<10000x128xf32, #tpu.memory_space<hbm>>) target(%dma_start3A_106 : memref<128x128xf32, #tpu.memory_space<vmem>>) offsets(%dma_start3A_109 : memref<128xi32, #tpu.memory_space<vmem>>) semaphore(%dma_start3A_118 : memref<!tpu.dma_semaphore, #tpu.memory_space<semaphore_mem>>)
      } else {
      }
      %rem3A_80 = arith.constant 2 : i32
      %rem3A_81 = arith.remsi %scan3A_73, %rem3A_80 : i32
      %dma_wait3A = arith.constant 0 : i32
      %dma_wait3A_82 = arith.constant 0 : i32
      %dma_wait3A_83 = tpu.memref_slice %arg8[%rem3A_81, %dma_wait3A, %dma_wait3A_82] : memref<2x128x128xf32, #tpu.memory_space<vmem>> -> memref<1x128x128xf32, #tpu.memory_space<vmem>>
      %dma_wait3A_84 = tpu.memref_squeeze %dma_wait3A_83 : memref<1x128x128xf32, #tpu.memory_space<vmem>> -> memref<128x128xf32, #tpu.memory_space<vmem>>
      %dma_wait3A_85 = arith.constant 0 : i32
      %dma_wait3A_86 = tpu.memref_slice %arg6[%scan3A_73, %dma_wait3A_85] : memref<40x128xi32, #tpu.memory_space<vmem>> -> memref<1x128xi32, #tpu.memory_space<vmem>>
      %dma_wait3A_87 = tpu.memref_squeeze %dma_wait3A_86 : memref<1x128xi32, #tpu.memory_space<vmem>> -> memref<128xi32, #tpu.memory_space<vmem>>
      %dma_wait3A_88 = arith.constant 0 : i32
      %dma_wait3A_89 = arith.constant 0 : i32
      %dma_wait3A_90 = tpu.memref_slice %arg2[%arg0, %dma_wait3A_88, %dma_wait3A_89] : memref<2x10000x128xf32, #tpu.memory_space<hbm>> -> memref<1x10000x128xf32, #tpu.memory_space<hbm>>
      %dma_wait3A_91 = tpu.memref_squeeze %dma_wait3A_90 : memref<1x10000x128xf32, #tpu.memory_space<hbm>> -> memref<10000x128xf32, #tpu.memory_space<hbm>>
      %dma_wait3A_92 = arith.constant 0 : i32
      %dma_wait3A_93 = arith.constant 0 : i32
      %dma_wait3A_94 = tpu.memref_slice %dma_wait3A_91[%dma_wait3A_92, %dma_wait3A_93] : memref<10000x128xf32, #tpu.memory_space<hbm>> -> memref<10000x128xf32, #tpu.memory_space<hbm>>
      %dma_wait3A_95 = tpu.memref_slice %arg10[%rem3A_81] : memref<2x!tpu.dma_semaphore, #tpu.memory_space<semaphore_mem>> -> memref<1x!tpu.dma_semaphore, #tpu.memory_space<semaphore_mem>>
      %dma_wait3A_96 = tpu.memref_squeeze %dma_wait3A_95 : memref<1x!tpu.dma_semaphore, #tpu.memory_space<semaphore_mem>> -> memref<!tpu.dma_semaphore, #tpu.memory_space<semaphore_mem>>
      tpu.wait_indirect_dma semaphore(%dma_wait3A_96 : memref<!tpu.dma_semaphore, #tpu.memory_space<semaphore_mem>>) src(%dma_wait3A_94 : memref<10000x128xf32, #tpu.memory_space<hbm>>) dst(%dma_wait3A_84 : memref<128x128xf32, #tpu.memory_space<vmem>>)
      %rem3A_97 = arith.constant 2 : i32
      %rem3A_98 = arith.remsi %scan3A_73, %rem3A_97 : i32
      "tpu.region"() ({
        %run_scoped3A = tpu.sem_alloc : memref<!tpu.dma_semaphore, #tpu.memory_space<semaphore_mem>>
        %dma_start3A_99 = arith.constant 0 : i32
        %dma_start3A_100 = arith.constant 0 : i32
        %dma_start3A_101 = tpu.memref_slice %arg8[%rem3A_98, %dma_start3A_99, %dma_start3A_100] : memref<2x128x128xf32, #tpu.memory_space<vmem>> -> memref<1x128x128xf32, #tpu.memory_space<vmem>>
        %dma_start3A_102 = tpu.memref_squeeze %dma_start3A_101 : memref<1x128x128xf32, #tpu.memory_space<vmem>> -> memref<128x128xf32, #tpu.memory_space<vmem>>
        %dma_start3A_103 = arith.constant 0 : i32
        %dma_start3A_104 = tpu.memref_slice %arg7[%scan3A_73, %dma_start3A_103] : memref<40x128xi32, #tpu.memory_space<vmem>> -> memref<1x128xi32, #tpu.memory_space<vmem>>
        %dma_start3A_105 = tpu.memref_squeeze %dma_start3A_104 : memref<1x128xi32, #tpu.memory_space<vmem>> -> memref<128xi32, #tpu.memory_space<vmem>>
        %dma_start3A_106 = arith.constant 0 : i32
        %dma_start3A_107 = arith.constant 0 : i32
        %dma_start3A_108 = tpu.memref_slice %arg9[%dma_start3A_106, %dma_start3A_107] : memref<10016x128xf32, #tpu.memory_space<vmem_shared>> -> memref<10016x128xf32, #tpu.memory_space<vmem_shared>>
        tpu.enqueue_indirect_dma source(%dma_start3A_102 : memref<128x128xf32, #tpu.memory_space<vmem>>) target(%dma_start3A_108 : memref<10016x128xf32, #tpu.memory_space<vmem_shared>>) offsets(%dma_start3A_105 : memref<128xi32, #tpu.memory_space<vmem>>) semaphore(%run_scoped3A : memref<!tpu.dma_semaphore, #tpu.memory_space<semaphore_mem>>) {add = true}
        %dma_wait3A_109 = arith.constant 0 : i32
        %dma_wait3A_110 = arith.constant 0 : i32
        %dma_wait3A_111 = tpu.memref_slice %arg8[%rem3A_98, %dma_wait3A_109, %dma_wait3A_110] : memref<2x128x128xf32, #tpu.memory_space<vmem>> -> memref<1x128x128xf32, #tpu.memory_space<vmem>>
        %dma_wait3A_112 = tpu.memref_squeeze %dma_wait3A_111 : memref<1x128x128xf32, #tpu.memory_space<vmem>> -> memref<128x128xf32, #tpu.memory_space<vmem>>
        %dma_wait3A_113 = arith.constant 0 : i32
        %dma_wait3A_114 = tpu.memref_slice %arg7[%scan3A_73, %dma_wait3A_113] : memref<40x128xi32, #tpu.memory_space<vmem>> -> memref<1x128xi32, #tpu.memory_space<vmem>>
        %dma_wait3A_115 = tpu.memref_squeeze %dma_wait3A_114 : memref<1x128xi32, #tpu.memory_space<vmem>> -> memref<128xi32, #tpu.memory_space<vmem>>
        %dma_wait3A_116 = arith.constant 0 : i32
        %dma_wait3A_117 = arith.constant 0 : i32
        %dma_wait3A_118 = tpu.memref_slice %arg9[%dma_wait3A_116, %dma_wait3A_117] : memref<10016x128xf32, #tpu.memory_space<vmem_shared>> -> memref<10016x128xf32, #tpu.memory_space<vmem_shared>>
        tpu.wait_indirect_dma semaphore(%run_scoped3A : memref<!tpu.dma_semaphore, #tpu.memory_space<semaphore_mem>>) src(%dma_wait3A_112 : memref<128x128xf32, #tpu.memory_space<vmem>>) dst(%dma_wait3A_118 : memref<10016x128xf32, #tpu.memory_space<vmem_shared>>)
        tpu.yield
      }) : () -> ()
    }
    %scan3A_32 = arith.constant 40 : i32
    %mul3A_33 = arith.constant 80 : i32
    %mul3A_34 = arith.muli %arg1, %mul3A_33 : i32
    %add3A_35 = arith.constant 40 : i32
    %add3A_36 = arith.addi %mul3A_34, %add3A_35 : i32
    "tpu.region"() ({
      %run_scoped3A = tpu.sem_alloc : memref<!tpu.dma_semaphore, #tpu.memory_space<semaphore_mem>>
      %dma_start3A_73 = arith.constant 0 : i32
      %dma_start3A_74 = tpu.memref_slice %arg3[%add3A_36, %dma_start3A_73] : memref<1280x128xi32, #tpu.memory_space<hbm>> -> memref<40x128xi32, #tpu.memory_space<hbm>>
      %dma_start3A_75 = arith.constant 0 : i32
      %dma_start3A_76 = tpu.memref_slice %arg3[%add3A_36, %dma_start3A_75] : memref<1280x128xi32, #tpu.memory_space<hbm>> -> memref<40x128xi32, #tpu.memory_space<hbm>>
      tpu.enqueue_dma source(%dma_start3A_76 : memref<40x128xi32, #tpu.memory_space<hbm>>) target(%arg6 : memref<40x128xi32, #tpu.memory_space<vmem>>) target_semaphore(%run_scoped3A : memref<!tpu.dma_semaphore, #tpu.memory_space<semaphore_mem>>)
      %dma_wait3A = arith.constant 0 : i32
      %dma_wait3A_77 = tpu.memref_slice %arg3[%add3A_36, %dma_wait3A] : memref<1280x128xi32, #tpu.memory_space<hbm>> -> memref<40x128xi32, #tpu.memory_space<hbm>>
      %dma_wait3A_78 = arith.constant 0 : i32
      %dma_wait3A_79 = tpu.memref_slice %arg3[%add3A_36, %dma_wait3A_78] : memref<1280x128xi32, #tpu.memory_space<hbm>> -> memref<40x128xi32, #tpu.memory_space<hbm>>
      tpu.wait_dma2 semaphore(%run_scoped3A : memref<!tpu.dma_semaphore, #tpu.memory_space<semaphore_mem>>) src(%dma_wait3A_79 : memref<40x128xi32, #tpu.memory_space<hbm>>) dst(%arg6 : memref<40x128xi32, #tpu.memory_space<vmem>>)
      tpu.yield
    }) : () -> ()
    %mul3A_37 = arith.constant 80 : i32
    %mul3A_38 = arith.muli %arg1, %mul3A_37 : i32
    %add3A_39 = arith.constant 40 : i32
    %add3A_40 = arith.addi %mul3A_38, %add3A_39 : i32
    "tpu.region"() ({
      %run_scoped3A = tpu.sem_alloc : memref<!tpu.dma_semaphore, #tpu.memory_space<semaphore_mem>>
      %dma_start3A_73 = arith.constant 0 : i32
      %dma_start3A_74 = tpu.memref_slice %arg4[%add3A_40, %dma_start3A_73] : memref<1280x128xi32, #tpu.memory_space<hbm>> -> memref<40x128xi32, #tpu.memory_space<hbm>>
      %dma_start3A_75 = arith.constant 0 : i32
      %dma_start3A_76 = tpu.memref_slice %arg4[%add3A_40, %dma_start3A_75] : memref<1280x128xi32, #tpu.memory_space<hbm>> -> memref<40x128xi32, #tpu.memory_space<hbm>>
      tpu.enqueue_dma source(%dma_start3A_76 : memref<40x128xi32, #tpu.memory_space<hbm>>) target(%arg7 : memref<40x128xi32, #tpu.memory_space<vmem>>) target_semaphore(%run_scoped3A : memref<!tpu.dma_semaphore, #tpu.memory_space<semaphore_mem>>)
      %dma_wait3A = arith.constant 0 : i32
      %dma_wait3A_77 = tpu.memref_slice %arg4[%add3A_40, %dma_wait3A] : memref<1280x128xi32, #tpu.memory_space<hbm>> -> memref<40x128xi32, #tpu.memory_space<hbm>>
      %dma_wait3A_78 = arith.constant 0 : i32
      %dma_wait3A_79 = tpu.memref_slice %arg4[%add3A_40, %dma_wait3A_78] : memref<1280x128xi32, #tpu.memory_space<hbm>> -> memref<40x128xi32, #tpu.memory_space<hbm>>
      tpu.wait_dma2 semaphore(%run_scoped3A : memref<!tpu.dma_semaphore, #tpu.memory_space<semaphore_mem>>) src(%dma_wait3A_79 : memref<40x128xi32, #tpu.memory_space<hbm>>) dst(%arg7 : memref<40x128xi32, #tpu.memory_space<vmem>>)
      tpu.yield
    }) : () -> ()
    %rem3A_41 = arith.constant 0 : i32
    %rem3A_42 = arith.constant 2 : i32
    %rem3A_43 = arith.remsi %rem3A_41, %rem3A_42 : i32
    %dma_start3A_44 = arith.constant 0 : i32
    %dma_start3A_45 = arith.constant 0 : i32
    %dma_start3A_46 = arith.constant 0 : i32
    %dma_start3A_47 = tpu.memref_slice %arg8[%rem3A_43, %dma_start3A_45, %dma_start3A_46] : memref<2x128x128xf32, #tpu.memory_space<vmem>> -> memref<1x128x128xf32, #tpu.memory_space<vmem>>
    %dma_start3A_48 = tpu.memref_squeeze %dma_start3A_47 : memref<1x128x128xf32, #tpu.memory_space<vmem>> -> memref<128x128xf32, #tpu.memory_space<vmem>>
    %dma_start3A_49 = arith.constant 0 : i32
    %dma_start3A_50 = tpu.memref_slice %arg6[%dma_start3A_44, %dma_start3A_49] : memref<40x128xi32, #tpu.memory_space<vmem>> -> memref<1x128xi32, #tpu.memory_space<vmem>>
    %dma_start3A_51 = tpu.memref_squeeze %dma_start3A_50 : memref<1x128xi32, #tpu.memory_space<vmem>> -> memref<128xi32, #tpu.memory_space<vmem>>
    %dma_start3A_52 = arith.constant 0 : i32
    %dma_start3A_53 = arith.constant 0 : i32
    %dma_start3A_54 = tpu.memref_slice %arg2[%arg0, %dma_start3A_52, %dma_start3A_53] : memref<2x10000x128xf32, #tpu.memory_space<hbm>> -> memref<1x10000x128xf32, #tpu.memory_space<hbm>>
    %dma_start3A_55 = tpu.memref_squeeze %dma_start3A_54 : memref<1x10000x128xf32, #tpu.memory_space<hbm>> -> memref<10000x128xf32, #tpu.memory_space<hbm>>
    %dma_start3A_56 = arith.constant 0 : i32
    %dma_start3A_57 = arith.constant 0 : i32
    %dma_start3A_58 = tpu.memref_slice %dma_start3A_55[%dma_start3A_56, %dma_start3A_57] : memref<10000x128xf32, #tpu.memory_space<hbm>> -> memref<10000x128xf32, #tpu.memory_space<hbm>>
    %dma_start3A_59 = tpu.memref_slice %arg10[%rem3A_43] : memref<2x!tpu.dma_semaphore, #tpu.memory_space<semaphore_mem>> -> memref<1x!tpu.dma_semaphore, #tpu.memory_space<semaphore_mem>>
    %dma_start3A_60 = tpu.memref_squeeze %dma_start3A_59 : memref<1x!tpu.dma_semaphore, #tpu.memory_space<semaphore_mem>> -> memref<!tpu.dma_semaphore, #tpu.memory_space<semaphore_mem>>
    tpu.enqueue_indirect_dma source(%dma_start3A_58 : memref<10000x128xf32, #tpu.memory_space<hbm>>) target(%dma_start3A_48 : memref<128x128xf32, #tpu.memory_space<vmem>>) offsets(%dma_start3A_51 : memref<128xi32, #tpu.memory_space<vmem>>) semaphore(%dma_start3A_60 : memref<!tpu.dma_semaphore, #tpu.memory_space<semaphore_mem>>)
    %scan3A_61 = arith.constant 0 : i32
    %scan3A_62 = arith.constant 0 : i32
    %scan3A_63 = arith.constant 40 : i32
    %scan3A_64 = arith.addi %scan3A_62, %scan3A_63 : i32
    %scan3A_65 = arith.constant 1 : i32
    scf.for %scan3A_73 = %scan3A_62 to %scan3A_64 step %scan3A_65  : i32 {
      %add3A_74 = arith.constant 1 : i32
      %add3A_75 = arith.addi %scan3A_73, %add3A_74 : i32
      %lt3A = arith.constant 40 : i32
      %lt3A_76 = arith.cmpi slt, %add3A_75, %lt3A : i32
      %convert_element_type3A_77 = arith.extui %lt3A_76 : i1 to i32
      %cond3A_78 = arith.constant 0 : i32
      %cond3A_79 = arith.cmpi ne, %convert_element_type3A_77, %cond3A_78 : i32
      scf.if %cond3A_79 {
        %add3A_99 = arith.constant 1 : i32
        %add3A_100 = arith.addi %scan3A_73, %add3A_99 : i32
        %rem3A_101 = arith.constant 2 : i32
        %rem3A_102 = arith.remsi %add3A_100, %rem3A_101 : i32
        %dma_start3A_103 = arith.constant 0 : i32
        %dma_start3A_104 = arith.constant 0 : i32
        %dma_start3A_105 = tpu.memref_slice %arg8[%rem3A_102, %dma_start3A_103, %dma_start3A_104] : memref<2x128x128xf32, #tpu.memory_space<vmem>> -> memref<1x128x128xf32, #tpu.memory_space<vmem>>
        %dma_start3A_106 = tpu.memref_squeeze %dma_start3A_105 : memref<1x128x128xf32, #tpu.memory_space<vmem>> -> memref<128x128xf32, #tpu.memory_space<vmem>>
        %dma_start3A_107 = arith.constant 0 : i32
        %dma_start3A_108 = tpu.memref_slice %arg6[%add3A_100, %dma_start3A_107] : memref<40x128xi32, #tpu.memory_space<vmem>> -> memref<1x128xi32, #tpu.memory_space<vmem>>
        %dma_start3A_109 = tpu.memref_squeeze %dma_start3A_108 : memref<1x128xi32, #tpu.memory_space<vmem>> -> memref<128xi32, #tpu.memory_space<vmem>>
        %dma_start3A_110 = arith.constant 0 : i32
        %dma_start3A_111 = arith.constant 0 : i32
        %dma_start3A_112 = tpu.memref_slice %arg2[%arg0, %dma_start3A_110, %dma_start3A_111] : memref<2x10000x128xf32, #tpu.memory_space<hbm>> -> memref<1x10000x128xf32, #tpu.memory_space<hbm>>
        %dma_start3A_113 = tpu.memref_squeeze %dma_start3A_112 : memref<1x10000x128xf32, #tpu.memory_space<hbm>> -> memref<10000x128xf32, #tpu.memory_space<hbm>>
        %dma_start3A_114 = arith.constant 0 : i32
        %dma_start3A_115 = arith.constant 0 : i32
        %dma_start3A_116 = tpu.memref_slice %dma_start3A_113[%dma_start3A_114, %dma_start3A_115] : memref<10000x128xf32, #tpu.memory_space<hbm>> -> memref<10000x128xf32, #tpu.memory_space<hbm>>
        %dma_start3A_117 = tpu.memref_slice %arg10[%rem3A_102] : memref<2x!tpu.dma_semaphore, #tpu.memory_space<semaphore_mem>> -> memref<1x!tpu.dma_semaphore, #tpu.memory_space<semaphore_mem>>
        %dma_start3A_118 = tpu.memref_squeeze %dma_start3A_117 : memref<1x!tpu.dma_semaphore, #tpu.memory_space<semaphore_mem>> -> memref<!tpu.dma_semaphore, #tpu.memory_space<semaphore_mem>>
        tpu.enqueue_indirect_dma source(%dma_start3A_116 : memref<10000x128xf32, #tpu.memory_space<hbm>>) target(%dma_start3A_106 : memref<128x128xf32, #tpu.memory_space<vmem>>) offsets(%dma_start3A_109 : memref<128xi32, #tpu.memory_space<vmem>>) semaphore(%dma_start3A_118 : memref<!tpu.dma_semaphore, #tpu.memory_space<semaphore_mem>>)
      } else {
      }
      %rem3A_80 = arith.constant 2 : i32
      %rem3A_81 = arith.remsi %scan3A_73, %rem3A_80 : i32
      %dma_wait3A = arith.constant 0 : i32
      %dma_wait3A_82 = arith.constant 0 : i32
      %dma_wait3A_83 = tpu.memref_slice %arg8[%rem3A_81, %dma_wait3A, %dma_wait3A_82] : memref<2x128x128xf32, #tpu.memory_space<vmem>> -> memref<1x128x128xf32, #tpu.memory_space<vmem>>
      %dma_wait3A_84 = tpu.memref_squeeze %dma_wait3A_83 : memref<1x128x128xf32, #tpu.memory_space<vmem>> -> memref<128x128xf32, #tpu.memory_space<vmem>>
      %dma_wait3A_85 = arith.constant 0 : i32
      %dma_wait3A_86 = tpu.memref_slice %arg6[%scan3A_73, %dma_wait3A_85] : memref<40x128xi32, #tpu.memory_space<vmem>> -> memref<1x128xi32, #tpu.memory_space<vmem>>
      %dma_wait3A_87 = tpu.memref_squeeze %dma_wait3A_86 : memref<1x128xi32, #tpu.memory_space<vmem>> -> memref<128xi32, #tpu.memory_space<vmem>>
      %dma_wait3A_88 = arith.constant 0 : i32
      %dma_wait3A_89 = arith.constant 0 : i32
      %dma_wait3A_90 = tpu.memref_slice %arg2[%arg0, %dma_wait3A_88, %dma_wait3A_89] : memref<2x10000x128xf32, #tpu.memory_space<hbm>> -> memref<1x10000x128xf32, #tpu.memory_space<hbm>>
      %dma_wait3A_91 = tpu.memref_squeeze %dma_wait3A_90 : memref<1x10000x128xf32, #tpu.memory_space<hbm>> -> memref<10000x128xf32, #tpu.memory_space<hbm>>
      %dma_wait3A_92 = arith.constant 0 : i32
      %dma_wait3A_93 = arith.constant 0 : i32
      %dma_wait3A_94 = tpu.memref_slice %dma_wait3A_91[%dma_wait3A_92, %dma_wait3A_93] : memref<10000x128xf32, #tpu.memory_space<hbm>> -> memref<10000x128xf32, #tpu.memory_space<hbm>>
      %dma_wait3A_95 = tpu.memref_slice %arg10[%rem3A_81] : memref<2x!tpu.dma_semaphore, #tpu.memory_space<semaphore_mem>> -> memref<1x!tpu.dma_semaphore, #tpu.memory_space<semaphore_mem>>
      %dma_wait3A_96 = tpu.memref_squeeze %dma_wait3A_95 : memref<1x!tpu.dma_semaphore, #tpu.memory_space<semaphore_mem>> -> memref<!tpu.dma_semaphore, #tpu.memory_space<semaphore_mem>>
      tpu.wait_indirect_dma semaphore(%dma_wait3A_96 : memref<!tpu.dma_semaphore, #tpu.memory_space<semaphore_mem>>) src(%dma_wait3A_94 : memref<10000x128xf32, #tpu.memory_space<hbm>>) dst(%dma_wait3A_84 : memref<128x128xf32, #tpu.memory_space<vmem>>)
      %rem3A_97 = arith.constant 2 : i32
      %rem3A_98 = arith.remsi %scan3A_73, %rem3A_97 : i32
      "tpu.region"() ({
        %run_scoped3A = tpu.sem_alloc : memref<!tpu.dma_semaphore, #tpu.memory_space<semaphore_mem>>
        %dma_start3A_99 = arith.constant 0 : i32
        %dma_start3A_100 = arith.constant 0 : i32
        %dma_start3A_101 = tpu.memref_slice %arg8[%rem3A_98, %dma_start3A_99, %dma_start3A_100] : memref<2x128x128xf32, #tpu.memory_space<vmem>> -> memref<1x128x128xf32, #tpu.memory_space<vmem>>
        %dma_start3A_102 = tpu.memref_squeeze %dma_start3A_101 : memref<1x128x128xf32, #tpu.memory_space<vmem>> -> memref<128x128xf32, #tpu.memory_space<vmem>>
        %dma_start3A_103 = arith.constant 0 : i32
        %dma_start3A_104 = tpu.memref_slice %arg7[%scan3A_73, %dma_start3A_103] : memref<40x128xi32, #tpu.memory_space<vmem>> -> memref<1x128xi32, #tpu.memory_space<vmem>>
        %dma_start3A_105 = tpu.memref_squeeze %dma_start3A_104 : memref<1x128xi32, #tpu.memory_space<vmem>> -> memref<128xi32, #tpu.memory_space<vmem>>
        %dma_start3A_106 = arith.constant 0 : i32
        %dma_start3A_107 = arith.constant 0 : i32
        %dma_start3A_108 = tpu.memref_slice %arg9[%dma_start3A_106, %dma_start3A_107] : memref<10016x128xf32, #tpu.memory_space<vmem_shared>> -> memref<10016x128xf32, #tpu.memory_space<vmem_shared>>
        tpu.enqueue_indirect_dma source(%dma_start3A_102 : memref<128x128xf32, #tpu.memory_space<vmem>>) target(%dma_start3A_108 : memref<10016x128xf32, #tpu.memory_space<vmem_shared>>) offsets(%dma_start3A_105 : memref<128xi32, #tpu.memory_space<vmem>>) semaphore(%run_scoped3A : memref<!tpu.dma_semaphore, #tpu.memory_space<semaphore_mem>>) {add = true}
        %dma_wait3A_109 = arith.constant 0 : i32
        %dma_wait3A_110 = arith.constant 0 : i32
        %dma_wait3A_111 = tpu.memref_slice %arg8[%rem3A_98, %dma_wait3A_109, %dma_wait3A_110] : memref<2x128x128xf32, #tpu.memory_space<vmem>> -> memref<1x128x128xf32, #tpu.memory_space<vmem>>
        %dma_wait3A_112 = tpu.memref_squeeze %dma_wait3A_111 : memref<1x128x128xf32, #tpu.memory_space<vmem>> -> memref<128x128xf32, #tpu.memory_space<vmem>>
        %dma_wait3A_113 = arith.constant 0 : i32
        %dma_wait3A_114 = tpu.memref_slice %arg7[%scan3A_73, %dma_wait3A_113] : memref<40x128xi32, #tpu.memory_space<vmem>> -> memref<1x128xi32, #tpu.memory_space<vmem>>
        %dma_wait3A_115 = tpu.memref_squeeze %dma_wait3A_114 : memref<1x128xi32, #tpu.memory_space<vmem>> -> memref<128xi32, #tpu.memory_space<vmem>>
        %dma_wait3A_116 = arith.constant 0 : i32
        %dma_wait3A_117 = arith.constant 0 : i32
        %dma_wait3A_118 = tpu.memref_slice %arg9[%dma_wait3A_116, %dma_wait3A_117] : memref<10016x128xf32, #tpu.memory_space<vmem_shared>> -> memref<10016x128xf32, #tpu.memory_space<vmem_shared>>
        tpu.wait_indirect_dma semaphore(%run_scoped3A : memref<!tpu.dma_semaphore, #tpu.memory_space<semaphore_mem>>) src(%dma_wait3A_112 : memref<128x128xf32, #tpu.memory_space<vmem>>) dst(%dma_wait3A_118 : memref<10016x128xf32, #tpu.memory_space<vmem_shared>>)
        tpu.yield
      }) : () -> ()
    }
    %scan3A_66 = arith.constant 40 : i32
    %barrier3A_67 = arith.constant 0 : index
    tpu.barrier barrier_id(%barrier3A_67)
    "tpu.region"() ({
      %run_scoped3A = tpu.sem_alloc : memref<!tpu.dma_semaphore, #tpu.memory_space<semaphore_mem>>
      %dma_start3A_73 = arith.constant 0 : i32
      %dma_start3A_74 = tpu.memref_slice %arg5[%arg0, %mul3A_0, %dma_start3A_73] : memref<2x10000x128xf32, #tpu.memory_space<hbm>> -> memref<1x624x128xf32, #tpu.memory_space<hbm>>
      %dma_start3A_75 = tpu.memref_squeeze %dma_start3A_74 : memref<1x624x128xf32, #tpu.memory_space<hbm>> -> memref<624x128xf32, #tpu.memory_space<hbm>>
      %dma_start3A_76 = arith.constant 0 : i32
      %dma_start3A_77 = tpu.memref_slice %arg9[%mul3A_0, %dma_start3A_76] : memref<10016x128xf32, #tpu.memory_space<vmem_shared>> -> memref<624x128xf32, #tpu.memory_space<vmem_shared>>
      tpu.enqueue_dma source(%dma_start3A_77 : memref<624x128xf32, #tpu.memory_space<vmem_shared>>) target(%dma_start3A_75 : memref<624x128xf32, #tpu.memory_space<hbm>>) target_semaphore(%run_scoped3A : memref<!tpu.dma_semaphore, #tpu.memory_space<semaphore_mem>>)
      %dma_wait3A = arith.constant 0 : i32
      %dma_wait3A_78 = tpu.memref_slice %arg5[%arg0, %mul3A_0, %dma_wait3A] : memref<2x10000x128xf32, #tpu.memory_space<hbm>> -> memref<1x624x128xf32, #tpu.memory_space<hbm>>
      %dma_wait3A_79 = tpu.memref_squeeze %dma_wait3A_78 : memref<1x624x128xf32, #tpu.memory_space<hbm>> -> memref<624x128xf32, #tpu.memory_space<hbm>>
      %dma_wait3A_80 = arith.constant 0 : i32
      %dma_wait3A_81 = tpu.memref_slice %arg9[%mul3A_0, %dma_wait3A_80] : memref<10016x128xf32, #tpu.memory_space<vmem_shared>> -> memref<624x128xf32, #tpu.memory_space<vmem_shared>>
      tpu.wait_dma2 semaphore(%run_scoped3A : memref<!tpu.dma_semaphore, #tpu.memory_space<semaphore_mem>>) src(%dma_wait3A_81 : memref<624x128xf32, #tpu.memory_space<vmem_shared>>) dst(%dma_wait3A_79 : memref<624x128xf32, #tpu.memory_space<hbm>>)
      tpu.yield
    }) : () -> ()
    %eq3A_68 = arith.constant 15 : i32
    %eq3A_69 = arith.cmpi eq, %arg1, %eq3A_68 : i32
    %convert_element_type3A_70 = arith.extui %eq3A_69 : i1 to i32
    %cond3A_71 = arith.constant 0 : i32
    %cond3A_72 = arith.cmpi ne, %convert_element_type3A_70, %cond3A_71 : i32
    scf.if %cond3A_72 {
      "tpu.region"() ({
        %run_scoped3A = tpu.sem_alloc : memref<!tpu.dma_semaphore, #tpu.memory_space<semaphore_mem>>
        %dma_start3A_73 = arith.constant 9984 : i32
        %dma_start3A_74 = arith.constant 0 : i32
        %dma_start3A_75 = tpu.memref_slice %arg5[%arg0, %dma_start3A_73, %dma_start3A_74] : memref<2x10000x128xf32, #tpu.memory_space<hbm>> -> memref<1x16x128xf32, #tpu.memory_space<hbm>>
        %dma_start3A_76 = tpu.memref_squeeze %dma_start3A_75 : memref<1x16x128xf32, #tpu.memory_space<hbm>> -> memref<16x128xf32, #tpu.memory_space<hbm>>
        %dma_start3A_77 = arith.constant 9984 : i32
        %dma_start3A_78 = arith.constant 0 : i32
        %dma_start3A_79 = tpu.memref_slice %arg9[%dma_start3A_77, %dma_start3A_78] : memref<10016x128xf32, #tpu.memory_space<vmem_shared>> -> memref<16x128xf32, #tpu.memory_space<vmem_shared>>
        tpu.enqueue_dma source(%dma_start3A_79 : memref<16x128xf32, #tpu.memory_space<vmem_shared>>) target(%dma_start3A_76 : memref<16x128xf32, #tpu.memory_space<hbm>>) target_semaphore(%run_scoped3A : memref<!tpu.dma_semaphore, #tpu.memory_space<semaphore_mem>>)
        %dma_wait3A = arith.constant 9984 : i32
        %dma_wait3A_80 = arith.constant 0 : i32
        %dma_wait3A_81 = tpu.memref_slice %arg5[%arg0, %dma_wait3A, %dma_wait3A_80] : memref<2x10000x128xf32, #tpu.memory_space<hbm>> -> memref<1x16x128xf32, #tpu.memory_space<hbm>>
        %dma_wait3A_82 = tpu.memref_squeeze %dma_wait3A_81 : memref<1x16x128xf32, #tpu.memory_space<hbm>> -> memref<16x128xf32, #tpu.memory_space<hbm>>
        %dma_wait3A_83 = arith.constant 9984 : i32
        %dma_wait3A_84 = arith.constant 0 : i32
        %dma_wait3A_85 = tpu.memref_slice %arg9[%dma_wait3A_83, %dma_wait3A_84] : memref<10016x128xf32, #tpu.memory_space<vmem_shared>> -> memref<16x128xf32, #tpu.memory_space<vmem_shared>>
        tpu.wait_dma2 semaphore(%run_scoped3A : memref<!tpu.dma_semaphore, #tpu.memory_space<semaphore_mem>>) src(%dma_wait3A_85 : memref<16x128xf32, #tpu.memory_space<vmem_shared>>) dst(%dma_wait3A_82 : memref<16x128xf32, #tpu.memory_space<hbm>>)
        tpu.yield
      }) : () -> ()
    } else {
    }
    return
  }
}

module attributes {stable_mosaic.version = 14 : i64} {
  func.func @body(%arg0: memref<32x10240xf32, #tpu.memory_space<vmem>>, %arg1: memref<1x10240xf32, #tpu.memory_space<vmem>>) attributes {dimension_semantics = [], scalar_prefetch = 0 : i64, scratch_operands = 0 : i64, tpu.core_type = #tpu.core_type<tc>} {
    %get3A = arith.constant 0 : index
    %get3A_0 = arith.constant 0 : index
    %get3A_1 = vector.load %arg0[%get3A, %get3A_0] : memref<32x10240xf32, #tpu.memory_space<vmem>>, vector<32x10240xf32>
    %reduce_sum3A = arith.constant dense<0.000000e+00> : vector<10240xf32>
    %reduce_sum3A_2 = vector.multi_reduction <add>, %get3A_1, %reduce_sum3A [0] : vector<32x10240xf32> to vector<10240xf32>
    %broadcast_in_dim3A = vector.shape_cast %reduce_sum3A_2 : vector<10240xf32> to vector<1x10240xf32>
    %add3A = arith.constant 1.000000e+00 : f32
    %add3A_3 = vector.broadcast %add3A : f32 to vector<1x10240xf32>
    %add3A_4 = arith.addf %broadcast_in_dim3A, %add3A_3 : vector<1x10240xf32>
    %rsqrt3A = math.rsqrt %add3A_4 : vector<1x10240xf32>
    %swap3A = arith.constant 0 : index
    %swap3A_5 = arith.constant 0 : index
    %swap3A_6 = vector.load %arg1[%swap3A, %swap3A_5] : memref<1x10240xf32, #tpu.memory_space<vmem>>, vector<1x10240xf32>
    tpu.vector_store %arg1[%swap3A, %swap3A_5], %rsqrt3A {strides = array<i32>} : memref<1x10240xf32, #tpu.memory_space<vmem>>, vector<1x10240xf32>,
    return
  }
}

module attributes {stable_mosaic.version = 14 : i64} {
  func.func @body(%arg0: i32, %arg1: memref<1000x256xf32, #tpu.memory_space<vmem>>, %arg2: memref<256x256xf32, #tpu.memory_space<vmem>>, %arg3: memref<1000x1xf32, #tpu.memory_space<vmem>>, %arg4: memref<2x1000x128xf32, #tpu.memory_space<vmem>>) attributes {dimension_semantics = [#tpu.dimension_semantics<arbitrary>], iteration_bounds = array<i64: 10>, scalar_prefetch = 0 : i64, scratch_operands = 0 : i64, tpu.core_type = #tpu.core_type<tc>, window_params = [{transform_indices = @transform_0, window_bounds = array<i64: 1000, 256>}, {pipeline_mode = #tpu.pipeline_mode<synchronous>, transform_indices = @transform_1, window_bounds = array<i64: 256, 256>}, {transform_indices = @transform_2, window_bounds = array<i64: 1000, 1>}, {transform_indices = @transform_3, window_bounds = array<i64: 2, 1000, 128>}]} {
    %get3A = arith.constant 0 : index
    %get3A_0 = arith.constant 0 : index
    %get3A_1 = vector.load %arg1[%get3A, %get3A_0] : memref<1000x256xf32, #tpu.memory_space<vmem>>, vector<1000x256xf32>
    %get3A_2 = arith.constant 0 : index
    %get3A_3 = arith.constant 0 : index
    %get3A_4 = vector.load %arg2[%get3A_2, %get3A_3] : memref<256x256xf32, #tpu.memory_space<vmem>>, vector<256x256xf32>
    %dot_general3A = arith.constant dense<0.000000e+00> : vector<1000x256xf32>
    %dot_general3A_5 = tpu.matmul %get3A_1, %get3A_4, %dot_general3A {dimension_numbers = #tpu.dot_dimension_numbers<[1], [0], [0], [1], [0, 0, 1, 1], [], []>, transpose_lhs_hint = false} : vector<1000x256xf32>, vector<256x256xf32>, vector<1000x256xf32> -> vector<1000x256xf32>
    %get3A_6 = arith.constant 0 : index
    %get3A_7 = arith.constant 0 : index
    %get3A_8 = vector.load %arg3[%get3A_6, %get3A_7] : memref<1000x1xf32, #tpu.memory_space<vmem>>, vector<1000x1xf32>
    %mul3A = vector.broadcast %get3A_8 : vector<1000x1xf32> to vector<1000x256xf32>
    %mul3A_9 = arith.mulf %mul3A, %dot_general3A_5 : vector<1000x256xf32>
    %slice3A = vector.extract_strided_slice %mul3A_9 {offsets = [0, 0], sizes = [1000, 128], strides = [1, 1]} : vector<1000x256xf32> to vector<1000x128xf32>
    %swap3A = arith.constant 0 : index
    %swap3A_10 = arith.constant 0 : index
    %swap3A_11 = arith.constant 0 : index
    %swap3A_12 = vector.load %arg4[%swap3A, %swap3A_10, %swap3A_11] : memref<2x1000x128xf32, #tpu.memory_space<vmem>>, vector<1x1000x128xf32>
    %swap3A_13 = vector.shape_cast %swap3A_12 : vector<1x1000x128xf32> to vector<1000x128xf32>
    %swap3A_14 = vector.shape_cast %slice3A : vector<1000x128xf32> to vector<1x1000x128xf32>
    tpu.vector_store %arg4[%swap3A, %swap3A_10, %swap3A_11], %swap3A_14 {strides = array<i32>} : memref<2x1000x128xf32, #tpu.memory_space<vmem>>, vector<1x1000x128xf32>,
    %slice3A_15 = vector.extract_strided_slice %mul3A_9 {offsets = [0, 128], sizes = [1000, 128], strides = [1, 1]} : vector<1000x256xf32> to vector<1000x128xf32>
    %swap3A_16 = arith.constant 1 : index
    %swap3A_17 = arith.constant 0 : index
    %swap3A_18 = arith.constant 0 : index
    %swap3A_19 = vector.load %arg4[%swap3A_16, %swap3A_17, %swap3A_18] : memref<2x1000x128xf32, #tpu.memory_space<vmem>>, vector<1x1000x128xf32>
    %swap3A_20 = vector.shape_cast %swap3A_19 : vector<1x1000x128xf32> to vector<1000x128xf32>
    %swap3A_21 = vector.shape_cast %slice3A_15 : vector<1000x128xf32> to vector<1x1000x128xf32>
    tpu.vector_store %arg4[%swap3A_16, %swap3A_17, %swap3A_18], %swap3A_21 {strides = array<i32>} : memref<2x1000x128xf32, #tpu.memory_space<vmem>>, vector<1x1000x128xf32>,
    return
  }
  func.func @transform_0(%arg0: i32) -> (i32, i32) {
    %c0_i32 = arith.constant 0 : i32
    %c0_i32_0 = arith.constant 0 : i32
    return %arg0, %c0_i32 : i32, i32
  }
  func.func @transform_1(%arg0: i32) -> (i32, i32) {
    %c0_i32 = arith.constant 0 : i32
    %c0_i32_0 = arith.constant 0 : i32
    %c0_i32_1 = arith.constant 0 : i32
    return %c0_i32, %c0_i32_0 : i32, i32
  }
  func.func @transform_2(%arg0: i32) -> (i32, i32) {
    %c0_i32 = arith.constant 0 : i32
    %c0_i32_0 = arith.constant 0 : i32
    return %arg0, %c0_i32 : i32, i32
  }
  func.func @transform_3(%arg0: i32) -> (i32, i32, i32) {
    %c0_i32 = arith.constant 0 : i32
    %c0_i32_0 = arith.constant 0 : i32
    %c0_i32_1 = arith.constant 0 : i32
    return %c0_i32, %arg0, %c0_i32_0 : i32, i32, i32
  }
}

module attributes {stable_mosaic.version = 14 : i64} {
  func.func @body(%arg0: i32, %arg1: memref<2x1000x128xf32, #tpu.memory_space<vmem>>, %arg2: memref<1000x1xf32, #tpu.memory_space<vmem>>, %arg3: memref<1x256xf32, #tpu.memory_space<vmem>>, %arg4: memref<8x256xf32, #tpu.memory_space<vmem>>) attributes {dimension_semantics = [#tpu.dimension_semantics<arbitrary>], iteration_bounds = array<i64: 10>, scalar_prefetch = 0 : i64, scratch_operands = 0 : i64, tpu.core_type = #tpu.core_type<tc>, window_params = [{transform_indices = @transform_0, window_bounds = array<i64: 2, 1000, 128>}, {transform_indices = @transform_1, window_bounds = array<i64: 1000, 1>}, {pipeline_mode = #tpu.pipeline_mode<synchronous>, transform_indices = @transform_2, window_bounds = array<i64: 1, 256>}, {pipeline_mode = #tpu.pipeline_mode<synchronous>, transform_indices = @transform_3, window_bounds = array<i64: 8, 256>}]} {
    %get3A = arith.constant 0 : index
    %get3A_0 = arith.constant 0 : index
    %get3A_1 = arith.constant 0 : index
    %get3A_2 = vector.load %arg1[%get3A, %get3A_0, %get3A_1] : memref<2x1000x128xf32, #tpu.memory_space<vmem>>, vector<1x1000x128xf32>
    %get3A_3 = vector.shape_cast %get3A_2 : vector<1x1000x128xf32> to vector<1000x128xf32>
    %get3A_4 = arith.constant 1 : index
    %get3A_5 = arith.constant 0 : index
    %get3A_6 = arith.constant 0 : index
    %get3A_7 = vector.load %arg1[%get3A_4, %get3A_5, %get3A_6] : memref<2x1000x128xf32, #tpu.memory_space<vmem>>, vector<1x1000x128xf32>
    %get3A_8 = vector.shape_cast %get3A_7 : vector<1x1000x128xf32> to vector<1000x128xf32>
    %concatenate3A = tpu.concatenate %get3A_3, %get3A_8 in 1 : vector<1000x128xf32>, vector<1000x128xf32> -> vector<1000x256xf32>
    %get3A_9 = arith.constant 0 : index
    %get3A_10 = arith.constant 0 : index
    %get3A_11 = vector.load %arg2[%get3A_9, %get3A_10] : memref<1000x1xf32, #tpu.memory_space<vmem>>, vector<1000x1xf32>
    %mul3A = vector.broadcast %get3A_11 : vector<1000x1xf32> to vector<1000x256xf32>
    %mul3A_12 = arith.mulf %mul3A, %concatenate3A : vector<1000x256xf32>
    %get3A_13 = arith.constant 0 : index
    %get3A_14 = arith.constant 0 : index
    %get3A_15 = vector.load %arg3[%get3A_13, %get3A_14] : memref<1x256xf32, #tpu.memory_space<vmem>>, vector<1x256xf32>
    %add3A = vector.broadcast %get3A_15 : vector<1x256xf32> to vector<1000x256xf32>
    %add3A_16 = arith.addf %mul3A_12, %add3A : vector<1000x256xf32>
    %eq3A = arith.constant 0 : i32
    %eq3A_17 = arith.cmpi eq, %arg0, %eq3A : i32
    %convert_element_type3A = arith.extui %eq3A_17 : i1 to i32
    %cond3A = arith.constant 0 : i32
    %cond3A_18 = arith.cmpi ne, %convert_element_type3A, %cond3A : i32
    scf.if %cond3A_18 {
      %broadcast_in_dim3A_37 = arith.constant 0.000000e+00 : f32
      %broadcast_in_dim3A_38 = vector.broadcast %broadcast_in_dim3A_37 : f32 to vector<8x256xf32>
      %swap3A_39 = arith.constant 0 : index
      %swap3A_40 = arith.constant 0 : index
      %swap3A_41 = vector.load %arg4[%swap3A_39, %swap3A_40] : memref<8x256xf32, #tpu.memory_space<vmem>>, vector<8x256xf32>
      tpu.vector_store %arg4[%swap3A_39, %swap3A_40], %broadcast_in_dim3A_38 {strides = array<i32>} : memref<8x256xf32, #tpu.memory_space<vmem>>, vector<8x256xf32>,
    } else {
    }
    %get3A_19 = arith.constant 0 : index
    %get3A_20 = arith.constant 0 : index
    %get3A_21 = vector.load %arg4[%get3A_19, %get3A_20] : memref<8x256xf32, #tpu.memory_space<vmem>>, vector<1x256xf32>
    %reduce_sum3A = arith.constant dense<0.000000e+00> : vector<256xf32>
    %reduce_sum3A_22 = vector.multi_reduction <add>, %add3A_16, %reduce_sum3A [0] : vector<1000x256xf32> to vector<256xf32>
    %broadcast_in_dim3A = vector.shape_cast %reduce_sum3A_22 : vector<256xf32> to vector<1x256xf32>
    %add3A_23 = arith.addf %get3A_21, %broadcast_in_dim3A : vector<1x256xf32>
    %swap3A = arith.constant 0 : index
    %swap3A_24 = arith.constant 0 : index
    %swap3A_25 = vector.load %arg4[%swap3A, %swap3A_24] : memref<8x256xf32, #tpu.memory_space<vmem>>, vector<1x256xf32>
    tpu.vector_store %arg4[%swap3A, %swap3A_24], %add3A_23 {strides = array<i32>} : memref<8x256xf32, #tpu.memory_space<vmem>>, vector<1x256xf32>,
    %get3A_26 = arith.constant 1 : index
    %get3A_27 = arith.constant 0 : index
    %get3A_28 = vector.load %arg4[%get3A_26, %get3A_27] : memref<8x256xf32, #tpu.memory_space<vmem>>, vector<1x256xf32>
    %mul3A_29 = arith.mulf %add3A_16, %add3A_16 : vector<1000x256xf32>
    %reduce_sum3A_30 = arith.constant dense<0.000000e+00> : vector<256xf32>
    %reduce_sum3A_31 = vector.multi_reduction <add>, %mul3A_29, %reduce_sum3A_30 [0] : vector<1000x256xf32> to vector<256xf32>
    %broadcast_in_dim3A_32 = vector.shape_cast %reduce_sum3A_31 : vector<256xf32> to vector<1x256xf32>
    %add3A_33 = arith.addf %get3A_28, %broadcast_in_dim3A_32 : vector<1x256xf32>
    %swap3A_34 = arith.constant 1 : index
    %swap3A_35 = arith.constant 0 : index
    %swap3A_36 = vector.load %arg4[%swap3A_34, %swap3A_35] : memref<8x256xf32, #tpu.memory_space<vmem>>, vector<1x256xf32>
    tpu.vector_store %arg4[%swap3A_34, %swap3A_35], %add3A_33 {strides = array<i32>} : memref<8x256xf32, #tpu.memory_space<vmem>>, vector<1x256xf32>,
    return
  }
  func.func @transform_0(%arg0: i32) -> (i32, i32, i32) {
    %c0_i32 = arith.constant 0 : i32
    %c0_i32_0 = arith.constant 0 : i32
    %c0_i32_1 = arith.constant 0 : i32
    return %c0_i32, %arg0, %c0_i32_0 : i32, i32, i32
  }
  func.func @transform_1(%arg0: i32) -> (i32, i32) {
    %c0_i32 = arith.constant 0 : i32
    %c0_i32_0 = arith.constant 0 : i32
    return %arg0, %c0_i32 : i32, i32
  }
  func.func @transform_2(%arg0: i32) -> (i32, i32) {
    %c0_i32 = arith.constant 0 : i32
    %c0_i32_0 = arith.constant 0 : i32
    %c0_i32_1 = arith.constant 0 : i32
    return %c0_i32, %c0_i32_0 : i32, i32
  }
  func.func @transform_3(%arg0: i32) -> (i32, i32) {
    %c0_i32 = arith.constant 0 : i32
    %c0_i32_0 = arith.constant 0 : i32
    %c0_i32_1 = arith.constant 0 : i32
    return %c0_i32, %c0_i32_0 : i32, i32
  }
}

module attributes {stable_mosaic.version = 14 : i64} {
  func.func @body(%arg0: i32, %arg1: memref<2x1000x128xf32, #tpu.memory_space<vmem>>, %arg2: memref<1000x1xf32, #tpu.memory_space<vmem>>, %arg3: memref<1x256xf32, #tpu.memory_space<vmem>>, %arg4: memref<8x256xf32, #tpu.memory_space<vmem>>, %arg5: memref<1x256xf32, #tpu.memory_space<vmem>>, %arg6: memref<1x256xf32, #tpu.memory_space<vmem>>, %arg7: memref<256x256xf32, #tpu.memory_space<vmem>>, %arg8: memref<2x1000x128xf32, #tpu.memory_space<vmem>>) attributes {dimension_semantics = [#tpu.dimension_semantics<arbitrary>], iteration_bounds = array<i64: 10>, scalar_prefetch = 0 : i64, scratch_operands = 0 : i64, tpu.core_type = #tpu.core_type<tc>, window_params = [{transform_indices = @transform_0, window_bounds = array<i64: 2, 1000, 128>}, {transform_indices = @transform_1, window_bounds = array<i64: 1000, 1>}, {pipeline_mode = #tpu.pipeline_mode<synchronous>, transform_indices = @transform_2, window_bounds = array<i64: 1, 256>}, {pipeline_mode = #tpu.pipeline_mode<synchronous>, transform_indices = @transform_3, window_bounds = array<i64: 8, 256>}, {pipeline_mode = #tpu.pipeline_mode<synchronous>, transform_indices = @transform_4, window_bounds = array<i64: 1, 256>}, {pipeline_mode = #tpu.pipeline_mode<synchronous>, transform_indices = @transform_5, window_bounds = array<i64: 1, 256>}, {pipeline_mode = #tpu.pipeline_mode<synchronous>, transform_indices = @transform_6, window_bounds = array<i64: 256, 256>}, {transform_indices = @transform_7, window_bounds = array<i64: 2, 1000, 128>}]} {
    %get3A = arith.constant 0 : index
    %get3A_0 = arith.constant 0 : index
    %get3A_1 = arith.constant 0 : index
    %get3A_2 = vector.load %arg1[%get3A, %get3A_0, %get3A_1] : memref<2x1000x128xf32, #tpu.memory_space<vmem>>, vector<1x1000x128xf32>
    %get3A_3 = vector.shape_cast %get3A_2 : vector<1x1000x128xf32> to vector<1000x128xf32>
    %get3A_4 = arith.constant 1 : index
    %get3A_5 = arith.constant 0 : index
    %get3A_6 = arith.constant 0 : index
    %get3A_7 = vector.load %arg1[%get3A_4, %get3A_5, %get3A_6] : memref<2x1000x128xf32, #tpu.memory_space<vmem>>, vector<1x1000x128xf32>
    %get3A_8 = vector.shape_cast %get3A_7 : vector<1x1000x128xf32> to vector<1000x128xf32>
    %concatenate3A = tpu.concatenate %get3A_3, %get3A_8 in 1 : vector<1000x128xf32>, vector<1000x128xf32> -> vector<1000x256xf32>
    %get3A_9 = arith.constant 0 : index
    %get3A_10 = arith.constant 0 : index
    %get3A_11 = vector.load %arg2[%get3A_9, %get3A_10] : memref<1000x1xf32, #tpu.memory_space<vmem>>, vector<1000x1xf32>
    %mul3A = vector.broadcast %get3A_11 : vector<1000x1xf32> to vector<1000x256xf32>
    %mul3A_12 = arith.mulf %mul3A, %concatenate3A : vector<1000x256xf32>
    %get3A_13 = arith.constant 0 : index
    %get3A_14 = arith.constant 0 : index
    %get3A_15 = vector.load %arg3[%get3A_13, %get3A_14] : memref<1x256xf32, #tpu.memory_space<vmem>>, vector<1x256xf32>
    %add3A = vector.broadcast %get3A_15 : vector<1x256xf32> to vector<1000x256xf32>
    %add3A_16 = arith.addf %mul3A_12, %add3A : vector<1000x256xf32>
    %get3A_17 = arith.constant 0 : index
    %get3A_18 = arith.constant 0 : index
    %get3A_19 = vector.load %arg4[%get3A_17, %get3A_18] : memref<8x256xf32, #tpu.memory_space<vmem>>, vector<1x256xf32>
    %mul3A_20 = arith.constant 9.99999974E-5 : f32
    %mul3A_21 = vector.broadcast %mul3A_20 : f32 to vector<1x256xf32>
    %mul3A_22 = arith.mulf %get3A_19, %mul3A_21 : vector<1x256xf32>
    %get3A_23 = arith.constant 1 : index
    %get3A_24 = arith.constant 0 : index
    %get3A_25 = vector.load %arg4[%get3A_23, %get3A_24] : memref<8x256xf32, #tpu.memory_space<vmem>>, vector<1x256xf32>
    %mul3A_26 = arith.constant 9.99999974E-5 : f32
    %mul3A_27 = vector.broadcast %mul3A_26 : f32 to vector<1x256xf32>
    %mul3A_28 = arith.mulf %get3A_25, %mul3A_27 : vector<1x256xf32>
    %mul3A_29 = arith.mulf %mul3A_22, %mul3A_22 : vector<1x256xf32>
    %sub3A = arith.subf %mul3A_28, %mul3A_29 : vector<1x256xf32>
    %get3A_30 = arith.constant 0 : index
    %get3A_31 = arith.constant 0 : index
    %get3A_32 = vector.load %arg5[%get3A_30, %get3A_31] : memref<1x256xf32, #tpu.memory_space<vmem>>, vector<1x256xf32>
    %sub3A_33 = vector.broadcast %mul3A_22 : vector<1x256xf32> to vector<1000x256xf32>
    %sub3A_34 = arith.subf %add3A_16, %sub3A_33 : vector<1000x256xf32>
    %mul3A_35 = vector.broadcast %get3A_32 : vector<1x256xf32> to vector<1000x256xf32>
    %mul3A_36 = arith.mulf %mul3A_35, %sub3A_34 : vector<1000x256xf32>
    %add3A_37 = arith.constant 9.99999974E-6 : f32
    %add3A_38 = vector.broadcast %add3A_37 : f32 to vector<1x256xf32>
    %add3A_39 = arith.addf %sub3A, %add3A_38 : vector<1x256xf32>
    %rsqrt3A = math.rsqrt %add3A_39 : vector<1x256xf32>
    %mul3A_40 = vector.broadcast %rsqrt3A : vector<1x256xf32> to vector<1000x256xf32>
    %mul3A_41 = arith.mulf %mul3A_36, %mul3A_40 : vector<1000x256xf32>
    %get3A_42 = arith.constant 0 : index
    %get3A_43 = arith.constant 0 : index
    %get3A_44 = vector.load %arg6[%get3A_42, %get3A_43] : memref<1x256xf32, #tpu.memory_space<vmem>>, vector<1x256xf32>
    %add3A_45 = vector.broadcast %get3A_44 : vector<1x256xf32> to vector<1000x256xf32>
    %add3A_46 = arith.addf %mul3A_41, %add3A_45 : vector<1000x256xf32>
    %max3A = arith.constant 0.000000e+00 : f32
    %max3A_47 = vector.broadcast %max3A : f32 to vector<1000x256xf32>
    %max3A_48 = arith.maximumf %add3A_46, %max3A_47 : vector<1000x256xf32>
    %get3A_49 = arith.constant 0 : index
    %get3A_50 = arith.constant 0 : index
    %get3A_51 = vector.load %arg7[%get3A_49, %get3A_50] : memref<256x256xf32, #tpu.memory_space<vmem>>, vector<256x256xf32>
    %dot_general3A = arith.constant dense<0.000000e+00> : vector<1000x256xf32>
    %dot_general3A_52 = tpu.matmul %max3A_48, %get3A_51, %dot_general3A {dimension_numbers = #tpu.dot_dimension_numbers<[1], [0], [0], [1], [0, 0, 1, 1], [], []>, transpose_lhs_hint = false} : vector<1000x256xf32>, vector<256x256xf32>, vector<1000x256xf32> -> vector<1000x256xf32>
    %get3A_53 = arith.constant 0 : index
    %get3A_54 = arith.constant 0 : index
    %get3A_55 = vector.load %arg2[%get3A_53, %get3A_54] : memref<1000x1xf32, #tpu.memory_space<vmem>>, vector<1000x1xf32>
    %mul3A_56 = vector.broadcast %get3A_55 : vector<1000x1xf32> to vector<1000x256xf32>
    %mul3A_57 = arith.mulf %mul3A_56, %dot_general3A_52 : vector<1000x256xf32>
    %slice3A = vector.extract_strided_slice %mul3A_57 {offsets = [0, 0], sizes = [1000, 128], strides = [1, 1]} : vector<1000x256xf32> to vector<1000x128xf32>
    %swap3A = arith.constant 0 : index
    %swap3A_58 = arith.constant 0 : index
    %swap3A_59 = arith.constant 0 : index
    %swap3A_60 = vector.load %arg8[%swap3A, %swap3A_58, %swap3A_59] : memref<2x1000x128xf32, #tpu.memory_space<vmem>>, vector<1x1000x128xf32>
    %swap3A_61 = vector.shape_cast %swap3A_60 : vector<1x1000x128xf32> to vector<1000x128xf32>
    %swap3A_62 = vector.shape_cast %slice3A : vector<1000x128xf32> to vector<1x1000x128xf32>
    tpu.vector_store %arg8[%swap3A, %swap3A_58, %swap3A_59], %swap3A_62 {strides = array<i32>} : memref<2x1000x128xf32, #tpu.memory_space<vmem>>, vector<1x1000x128xf32>,
    %slice3A_63 = vector.extract_strided_slice %mul3A_57 {offsets = [0, 128], sizes = [1000, 128], strides = [1, 1]} : vector<1000x256xf32> to vector<1000x128xf32>
    %swap3A_64 = arith.constant 1 : index
    %swap3A_65 = arith.constant 0 : index
    %swap3A_66 = arith.constant 0 : index
    %swap3A_67 = vector.load %arg8[%swap3A_64, %swap3A_65, %swap3A_66] : memref<2x1000x128xf32, #tpu.memory_space<vmem>>, vector<1x1000x128xf32>
    %swap3A_68 = vector.shape_cast %swap3A_67 : vector<1x1000x128xf32> to vector<1000x128xf32>
    %swap3A_69 = vector.shape_cast %slice3A_63 : vector<1000x128xf32> to vector<1x1000x128xf32>
    tpu.vector_store %arg8[%swap3A_64, %swap3A_65, %swap3A_66], %swap3A_69 {strides = array<i32>} : memref<2x1000x128xf32, #tpu.memory_space<vmem>>, vector<1x1000x128xf32>,
    return
  }
  func.func @transform_0(%arg0: i32) -> (i32, i32, i32) {
    %c0_i32 = arith.constant 0 : i32
    %c0_i32_0 = arith.constant 0 : i32
    %c0_i32_1 = arith.constant 0 : i32
    return %c0_i32, %arg0, %c0_i32_0 : i32, i32, i32
  }
  func.func @transform_1(%arg0: i32) -> (i32, i32) {
    %c0_i32 = arith.constant 0 : i32
    %c0_i32_0 = arith.constant 0 : i32
    return %arg0, %c0_i32 : i32, i32
  }
  func.func @transform_2(%arg0: i32) -> (i32, i32) {
    %c0_i32 = arith.constant 0 : i32
    %c0_i32_0 = arith.constant 0 : i32
    %c0_i32_1 = arith.constant 0 : i32
    return %c0_i32, %c0_i32_0 : i32, i32
  }
  func.func @transform_3(%arg0: i32) -> (i32, i32) {
    %c0_i32 = arith.constant 0 : i32
    %c0_i32_0 = arith.constant 0 : i32
    %c0_i32_1 = arith.constant 0 : i32
    return %c0_i32, %c0_i32_0 : i32, i32
  }
  func.func @transform_4(%arg0: i32) -> (i32, i32) {
    %c0_i32 = arith.constant 0 : i32
    %c0_i32_0 = arith.constant 0 : i32
    %c0_i32_1 = arith.constant 0 : i32
    return %c0_i32, %c0_i32_0 : i32, i32
  }
  func.func @transform_5(%arg0: i32) -> (i32, i32) {
    %c0_i32 = arith.constant 0 : i32
    %c0_i32_0 = arith.constant 0 : i32
    %c0_i32_1 = arith.constant 0 : i32
    return %c0_i32, %c0_i32_0 : i32, i32
  }
  func.func @transform_6(%arg0: i32) -> (i32, i32) {
    %c0_i32 = arith.constant 0 : i32
    %c0_i32_0 = arith.constant 0 : i32
    %c0_i32_1 = arith.constant 0 : i32
    return %c0_i32, %c0_i32_0 : i32, i32
  }
  func.func @transform_7(%arg0: i32) -> (i32, i32, i32) {
    %c0_i32 = arith.constant 0 : i32
    %c0_i32_0 = arith.constant 0 : i32
    %c0_i32_1 = arith.constant 0 : i32
    return %c0_i32, %arg0, %c0_i32_0 : i32, i32, i32
  }
}

module attributes {stable_mosaic.version = 14 : i64} {
  func.func @body(%arg0: i32, %arg1: memref<2x1000x128xf32, #tpu.memory_space<vmem>>, %arg2: memref<1000x1xf32, #tpu.memory_space<vmem>>, %arg3: memref<1x256xf32, #tpu.memory_space<vmem>>, %arg4: memref<256x256xf32, #tpu.memory_space<vmem>>, %arg5: memref<2x1000x128xf32, #tpu.memory_space<vmem>>) attributes {dimension_semantics = [#tpu.dimension_semantics<arbitrary>], iteration_bounds = array<i64: 10>, scalar_prefetch = 0 : i64, scratch_operands = 0 : i64, tpu.core_type = #tpu.core_type<tc>, window_params = [{transform_indices = @transform_0, window_bounds = array<i64: 2, 1000, 128>}, {transform_indices = @transform_1, window_bounds = array<i64: 1000, 1>}, {pipeline_mode = #tpu.pipeline_mode<synchronous>, transform_indices = @transform_2, window_bounds = array<i64: 1, 256>}, {pipeline_mode = #tpu.pipeline_mode<synchronous>, transform_indices = @transform_3, window_bounds = array<i64: 256, 256>}, {transform_indices = @transform_4, window_bounds = array<i64: 2, 1000, 128>}]} {
    %get3A = arith.constant 0 : index
    %get3A_0 = arith.constant 0 : index
    %get3A_1 = arith.constant 0 : index
    %get3A_2 = vector.load %arg1[%get3A, %get3A_0, %get3A_1] : memref<2x1000x128xf32, #tpu.memory_space<vmem>>, vector<1x1000x128xf32>
    %get3A_3 = vector.shape_cast %get3A_2 : vector<1x1000x128xf32> to vector<1000x128xf32>
    %get3A_4 = arith.constant 1 : index
    %get3A_5 = arith.constant 0 : index
    %get3A_6 = arith.constant 0 : index
    %get3A_7 = vector.load %arg1[%get3A_4, %get3A_5, %get3A_6] : memref<2x1000x128xf32, #tpu.memory_space<vmem>>, vector<1x1000x128xf32>
    %get3A_8 = vector.shape_cast %get3A_7 : vector<1x1000x128xf32> to vector<1000x128xf32>
    %concatenate3A = tpu.concatenate %get3A_3, %get3A_8 in 1 : vector<1000x128xf32>, vector<1000x128xf32> -> vector<1000x256xf32>
    %get3A_9 = arith.constant 0 : index
    %get3A_10 = arith.constant 0 : index
    %get3A_11 = vector.load %arg2[%get3A_9, %get3A_10] : memref<1000x1xf32, #tpu.memory_space<vmem>>, vector<1000x1xf32>
    %mul3A = vector.broadcast %get3A_11 : vector<1000x1xf32> to vector<1000x256xf32>
    %mul3A_12 = arith.mulf %mul3A, %concatenate3A : vector<1000x256xf32>
    %get3A_13 = arith.constant 0 : index
    %get3A_14 = arith.constant 0 : index
    %get3A_15 = vector.load %arg3[%get3A_13, %get3A_14] : memref<1x256xf32, #tpu.memory_space<vmem>>, vector<1x256xf32>
    %add3A = vector.broadcast %get3A_15 : vector<1x256xf32> to vector<1000x256xf32>
    %add3A_16 = arith.addf %mul3A_12, %add3A : vector<1000x256xf32>
    %max3A = arith.constant 0.000000e+00 : f32
    %max3A_17 = vector.broadcast %max3A : f32 to vector<1000x256xf32>
    %max3A_18 = arith.maximumf %add3A_16, %max3A_17 : vector<1000x256xf32>
    %get3A_19 = arith.constant 0 : index
    %get3A_20 = arith.constant 0 : index
    %get3A_21 = vector.load %arg4[%get3A_19, %get3A_20] : memref<256x256xf32, #tpu.memory_space<vmem>>, vector<256x256xf32>
    %dot_general3A = arith.constant dense<0.000000e+00> : vector<1000x256xf32>
    %dot_general3A_22 = tpu.matmul %max3A_18, %get3A_21, %dot_general3A {dimension_numbers = #tpu.dot_dimension_numbers<[1], [0], [0], [1], [0, 0, 1, 1], [], []>, transpose_lhs_hint = false} : vector<1000x256xf32>, vector<256x256xf32>, vector<1000x256xf32> -> vector<1000x256xf32>
    %get3A_23 = arith.constant 0 : index
    %get3A_24 = arith.constant 0 : index
    %get3A_25 = vector.load %arg2[%get3A_23, %get3A_24] : memref<1000x1xf32, #tpu.memory_space<vmem>>, vector<1000x1xf32>
    %mul3A_26 = vector.broadcast %get3A_25 : vector<1000x1xf32> to vector<1000x256xf32>
    %mul3A_27 = arith.mulf %mul3A_26, %dot_general3A_22 : vector<1000x256xf32>
    %slice3A = vector.extract_strided_slice %mul3A_27 {offsets = [0, 0], sizes = [1000, 128], strides = [1, 1]} : vector<1000x256xf32> to vector<1000x128xf32>
    %swap3A = arith.constant 0 : index
    %swap3A_28 = arith.constant 0 : index
    %swap3A_29 = arith.constant 0 : index
    %swap3A_30 = vector.load %arg5[%swap3A, %swap3A_28, %swap3A_29] : memref<2x1000x128xf32, #tpu.memory_space<vmem>>, vector<1x1000x128xf32>
    %swap3A_31 = vector.shape_cast %swap3A_30 : vector<1x1000x128xf32> to vector<1000x128xf32>
    %swap3A_32 = vector.shape_cast %slice3A : vector<1000x128xf32> to vector<1x1000x128xf32>
    tpu.vector_store %arg5[%swap3A, %swap3A_28, %swap3A_29], %swap3A_32 {strides = array<i32>} : memref<2x1000x128xf32, #tpu.memory_space<vmem>>, vector<1x1000x128xf32>,
    %slice3A_33 = vector.extract_strided_slice %mul3A_27 {offsets = [0, 128], sizes = [1000, 128], strides = [1, 1]} : vector<1000x256xf32> to vector<1000x128xf32>
    %swap3A_34 = arith.constant 1 : index
    %swap3A_35 = arith.constant 0 : index
    %swap3A_36 = arith.constant 0 : index
    %swap3A_37 = vector.load %arg5[%swap3A_34, %swap3A_35, %swap3A_36] : memref<2x1000x128xf32, #tpu.memory_space<vmem>>, vector<1x1000x128xf32>
    %swap3A_38 = vector.shape_cast %swap3A_37 : vector<1x1000x128xf32> to vector<1000x128xf32>
    %swap3A_39 = vector.shape_cast %slice3A_33 : vector<1000x128xf32> to vector<1x1000x128xf32>
    tpu.vector_store %arg5[%swap3A_34, %swap3A_35, %swap3A_36], %swap3A_39 {strides = array<i32>} : memref<2x1000x128xf32, #tpu.memory_space<vmem>>, vector<1x1000x128xf32>,
    return
  }
  func.func @transform_0(%arg0: i32) -> (i32, i32, i32) {
    %c0_i32 = arith.constant 0 : i32
    %c0_i32_0 = arith.constant 0 : i32
    %c0_i32_1 = arith.constant 0 : i32
    return %c0_i32, %arg0, %c0_i32_0 : i32, i32, i32
  }
  func.func @transform_1(%arg0: i32) -> (i32, i32) {
    %c0_i32 = arith.constant 0 : i32
    %c0_i32_0 = arith.constant 0 : i32
    return %arg0, %c0_i32 : i32, i32
  }
  func.func @transform_2(%arg0: i32) -> (i32, i32) {
    %c0_i32 = arith.constant 0 : i32
    %c0_i32_0 = arith.constant 0 : i32
    %c0_i32_1 = arith.constant 0 : i32
    return %c0_i32, %c0_i32_0 : i32, i32
  }
  func.func @transform_3(%arg0: i32) -> (i32, i32) {
    %c0_i32 = arith.constant 0 : i32
    %c0_i32_0 = arith.constant 0 : i32
    %c0_i32_1 = arith.constant 0 : i32
    return %c0_i32, %c0_i32_0 : i32, i32
  }
  func.func @transform_4(%arg0: i32) -> (i32, i32, i32) {
    %c0_i32 = arith.constant 0 : i32
    %c0_i32_0 = arith.constant 0 : i32
    %c0_i32_1 = arith.constant 0 : i32
    return %c0_i32, %arg0, %c0_i32_0 : i32, i32, i32
  }
}

module attributes {stable_mosaic.version = 14 : i64} {
  func.func @body(%arg0: i32, %arg1: memref<2x1000x128xf32, #tpu.memory_space<vmem>>, %arg2: memref<1000x1xf32, #tpu.memory_space<vmem>>, %arg3: memref<1x256xf32, #tpu.memory_space<vmem>>, %arg4: memref<1000x256xf32, #tpu.memory_space<vmem>>) attributes {dimension_semantics = [#tpu.dimension_semantics<arbitrary>], iteration_bounds = array<i64: 10>, scalar_prefetch = 0 : i64, scratch_operands = 0 : i64, tpu.core_type = #tpu.core_type<tc>, window_params = [{transform_indices = @transform_0, window_bounds = array<i64: 2, 1000, 128>}, {transform_indices = @transform_1, window_bounds = array<i64: 1000, 1>}, {pipeline_mode = #tpu.pipeline_mode<synchronous>, transform_indices = @transform_2, window_bounds = array<i64: 1, 256>}, {transform_indices = @transform_3, window_bounds = array<i64: 1000, 256>}]} {
    %get3A = arith.constant 0 : index
    %get3A_0 = arith.constant 0 : index
    %get3A_1 = arith.constant 0 : index
    %get3A_2 = vector.load %arg1[%get3A, %get3A_0, %get3A_1] : memref<2x1000x128xf32, #tpu.memory_space<vmem>>, vector<1x1000x128xf32>
    %get3A_3 = vector.shape_cast %get3A_2 : vector<1x1000x128xf32> to vector<1000x128xf32>
    %get3A_4 = arith.constant 1 : index
    %get3A_5 = arith.constant 0 : index
    %get3A_6 = arith.constant 0 : index
    %get3A_7 = vector.load %arg1[%get3A_4, %get3A_5, %get3A_6] : memref<2x1000x128xf32, #tpu.memory_space<vmem>>, vector<1x1000x128xf32>
    %get3A_8 = vector.shape_cast %get3A_7 : vector<1x1000x128xf32> to vector<1000x128xf32>
    %concatenate3A = tpu.concatenate %get3A_3, %get3A_8 in 1 : vector<1000x128xf32>, vector<1000x128xf32> -> vector<1000x256xf32>
    %get3A_9 = arith.constant 0 : index
    %get3A_10 = arith.constant 0 : index
    %get3A_11 = vector.load %arg2[%get3A_9, %get3A_10] : memref<1000x1xf32, #tpu.memory_space<vmem>>, vector<1000x1xf32>
    %mul3A = vector.broadcast %get3A_11 : vector<1000x1xf32> to vector<1000x256xf32>
    %mul3A_12 = arith.mulf %mul3A, %concatenate3A : vector<1000x256xf32>
    %get3A_13 = arith.constant 0 : index
    %get3A_14 = arith.constant 0 : index
    %get3A_15 = vector.load %arg3[%get3A_13, %get3A_14] : memref<1x256xf32, #tpu.memory_space<vmem>>, vector<1x256xf32>
    %add3A = vector.broadcast %get3A_15 : vector<1x256xf32> to vector<1000x256xf32>
    %add3A_16 = arith.addf %mul3A_12, %add3A : vector<1000x256xf32>
    %swap3A = arith.constant 0 : index
    %swap3A_17 = arith.constant 0 : index
    %swap3A_18 = vector.load %arg4[%swap3A, %swap3A_17] : memref<1000x256xf32, #tpu.memory_space<vmem>>, vector<1000x256xf32>
    tpu.vector_store %arg4[%swap3A, %swap3A_17], %add3A_16 {strides = array<i32>} : memref<1000x256xf32, #tpu.memory_space<vmem>>, vector<1000x256xf32>,
    return
  }
  func.func @transform_0(%arg0: i32) -> (i32, i32, i32) {
    %c0_i32 = arith.constant 0 : i32
    %c0_i32_0 = arith.constant 0 : i32
    %c0_i32_1 = arith.constant 0 : i32
    return %c0_i32, %arg0, %c0_i32_0 : i32, i32, i32
  }
  func.func @transform_1(%arg0: i32) -> (i32, i32) {
    %c0_i32 = arith.constant 0 : i32
    %c0_i32_0 = arith.constant 0 : i32
    return %arg0, %c0_i32 : i32, i32
  }
  func.func @transform_2(%arg0: i32) -> (i32, i32) {
    %c0_i32 = arith.constant 0 : i32
    %c0_i32_0 = arith.constant 0 : i32
    %c0_i32_1 = arith.constant 0 : i32
    return %c0_i32, %c0_i32_0 : i32, i32
  }
  func.func @transform_3(%arg0: i32) -> (i32, i32) {
    %c0_i32 = arith.constant 0 : i32
    %c0_i32_0 = arith.constant 0 : i32
    return %arg0, %c0_i32 : i32, i32
  }
}

</mosaic_0001>

<sc_bundles>
// kernel: kernel.15.cloned.1.call-start
scs
__scs_entry_jumppad:
0x0: {  	(pc) =	sbr.rel $0x88, $3  }
0x1: {  	(tag) =	ssettag $0x0;
	lr =	simm.s32 $0x1  }
0x2: {  	[smem:$0x3F95] =	sst lr;
	_ =	strace $0xD0000000  }
0x3: {  	_ = 	snop  }
0x4: {  	_ = 	snop  }
0x5: {  	_ = 	snop  }
0x6: {  	_ = 	snop  }
0x7: {  	_ = 	snop  }
__scs_overlays_trampoline_lowered:
0x8: {  	[smem:$0x3FA4] =	sst s0  }
0x9: {  	[smem:$0x3FA5] =	sst s1  }
0xa: {  	[smem:$0x3FA6] =	sst s2  }
0xb: {  	[smem:$0x3FA7] =	sst s3  }
0xc: {  	[smem:$0x3FA8] =	sst s4  }
0xd: {  	[smem:$0x3FA9] =	sst s5  }
0xe: {  	[smem:$0x3FAA] =	sst s6  }
0xf: {  	[smem:$0x3FAB] =	sst s7  }
0x10: {  	[smem:$0x3FAC] =	sst s8  }
0x11: {  	[smem:$0x3FAD] =	sst s9;
	s0 =	simm.s32 @!p0 $0x0  }
0x12: {  	s1 =	sld [smem:$0x3F93];
	s0 =	simm.s32 @p0 $0x1  }
0x13: {  	[smem:$0x3FAE] =	sst s0;
	s0 =	simm.s32 @!p1 $0x0  }
0x14: {  	s2 =	sld [smem:$0x3F92];
	s0 =	simm.s32 @p1 $0x1  }
0x15: {  	[smem:$0x3FAF] =	sst s0;
	s0 =	simm.s32 @!p2 $0x0  }
0x16: {  	s3 =	sld [smem:$0x3FDB];
	s0 =	simm.s32 @p2 $0x1  }
0x17: {  	s4 =	simm.s32 $0x1BF5;
	[smem:$0x3FB1] =	sst s0  }
0x18: {  	s0 =	sld [smem:$0x3F94];
	_ =	swait.ge [sflag:s4], $0x0  }
0x19: {  	s7 =	sld [smem:$0x3F95]  }
0x1a: {  	s8 =	sadd.s32 $0xFFFFE003, lr  }
0x1b: {  	s9 =	sadd.s32 $0xFFFFFEF7, lr;
	s5 =	simm.s32 $0xFFFFFFFF;
	p2 =	slt.u32 s8, $0xFFFFF086  }
0x1c: {  	p1 =	slt.u32 s9, $0xF7A;
	s5 =	simm.s32 @!p2 $0x0  }
0x1d: {  	s5 =	simm.s32 @p1 $0x1;
	p0 =	seq.s32 s7, s2  }
0x1e: {  	s7 =	smul.u32 @!p0 $0xF7A, s2;
	p2 =	seq.s32 @!p0 s5, $0x0  }
0x1f: {  	s9 =	smul.u32 $0xF7A, s1;
	s8 =	simm.s32 @!p0 $0x1BF5;
	p2 =	por !p2, p0  }
0x20: {  	[sflag:s8] =	ssyncset.s32 @!p0 $0xFFFFF086;
	s6 =	sadd.s32 @!p0 s3, s7;
	s7 =	simm.s32 @!p0 $0x108  }
0x21: {  	s3 =	sadd.s32 s3, s9;
	s6 =	sadd.s32 @!p0 $0x88, s6;
	s7 =	simm.s32 @p2 $0x1082  }
0x22: {  	[simem:s7], [sflag:s8] =	dma.local @!p0 [hbm:s6], $0xF7A  }
0x23: {  	s9 =	sor.u32 $0xD0000000, s2;
	s6 =	simm.s32 $0x108;
	_ =	swait.ge @!p0 [sflag:s8], $0x0  }
0x24: {  	s3 =	sadd.s32 $0x88, s3;
	s6 =	simm.s32 @!p1 $0x1082;
	[sflag:s4] =	ssyncset.s32 $0xFFFFF086  }
0x25: {  	[simem:s6], [sflag:s4] =	dma.local [hbm:s3], $0xF7A  }
0x26: {  	[smem:$0x3F95] =	sst s1;
	(tag) =	ssettag s2;
	_ =	strace s9  }
0x27: {  	s1 =	sld [smem:$0x3FA5]  }
0x28: {  	s2 =	sld [smem:$0x3FA6]  }
0x29: {  	s4 =	sld [smem:$0x3FA8]  }
0x2a: {  	p0 =	seq.s32 s5, $0x0;
	s5 =	sld [smem:$0x3FA9]  }
0x2b: {  	s6 =	sld [smem:$0x3FAA]  }
0x2c: {  	s7 =	sld [smem:$0x3FAB]  }
0x2d: {  	s3 =	simm.s32 $0x108;
	s8 =	sld [smem:$0x3FAC]  }
0x2e: {  	s3 =	simm.s32 @!p0 $0x1082;
	s9 =	sld [smem:$0x3FAD]  }
0x2f: {  	lr =	sadd.s32 s0, s3;
	s0 =	sld [smem:$0x3FA4]  }
0x30: {  	s3 =	sld [smem:$0x3FA7]  }
0x31: {  	[smem:$0x3FB0] =	sst s10  }
0x32: {  	s10 =	sld [smem:$0x3FAE];
	_ =	sdelay $0x3  }
0x33: {  	p0 =	seq.s32 s10, $0x1;
	s10 =	sld [smem:$0x3FB0];
	_ =	sdelay $0x3  }
0x34: {  	[smem:$0x3FB0] =	sst s10  }
0x35: {  	s10 =	sld [smem:$0x3FAF];
	_ =	sdelay $0x3  }
0x36: {  	p1 =	seq.s32 s10, $0x1;
	s10 =	sld [smem:$0x3FB0];
	_ =	sdelay $0x3  }
0x37: {  	[smem:$0x3FB0] =	sst s10  }
0x38: {  	s10 =	sld [smem:$0x3FB1]  }
0x39: {  	_ = 	snop;
	(pc) =	sbr.ind lr, $3  }
0x3a: {  	_ = 	snop  }
0x3b: {  	_ = 	snop  }
0x3c: {  	p2 =	seq.s32 s10, $0x1;
	s10 =	sld [smem:$0x3FB0]  }
0x3d: {  	_ =	shalt  }
0x3e: {  	_ =	shalt  }
0x3f: {  	_ =	shalt  }
0x40: {  	_ =	shalt  }
0x41: {  	_ =	shalt  }
0x42: {  	_ =	shalt  }
0x43: {  	_ =	shalt  }
0x44: {  	_ =	shalt  }
0x45: {  	_ =	shalt  }
0x46: {  	_ =	shalt  }
0x47: {  	_ =	shalt  }
0x48: {  	_ =	shalt  }
0x49: {  	_ =	shalt  }
0x4a: {  	_ =	shalt  }
0x4b: {  	_ =	shalt  }
0x4c: {  	_ =	shalt  }
0x4d: {  	_ =	shalt  }
0x4e: {  	_ =	shalt  }
0x4f: {  	_ =	shalt  }
0x50: {  	_ =	shalt  }
0x51: {  	_ =	shalt  }
0x52: {  	_ =	shalt  }
0x53: {  	_ =	shalt  }
0x54: {  	_ =	shalt  }
0x55: {  	_ =	shalt  }
0x56: {  	_ =	shalt  }
0x57: {  	_ =	shalt  }
0x58: {  	_ =	shalt  }
0x59: {  	_ =	shalt  }
0x5a: {  	_ =	shalt  }
0x5b: {  	_ =	shalt  }
0x5c: {  	_ =	shalt  }
0x5d: {  	_ =	shalt  }
0x5e: {  	_ =	shalt  }
0x5f: {  	_ =	shalt  }
0x60: {  	_ =	shalt  }
0x61: {  	_ =	shalt  }
0x62: {  	_ =	shalt  }
0x63: {  	_ =	shalt  }
0x64: {  	_ =	shalt  }
0x65: {  	_ =	shalt  }
0x66: {  	_ =	shalt  }
0x67: {  	_ =	shalt  }
0x68: {  	_ =	shalt  }
0x69: {  	_ =	shalt  }
0x6a: {  	_ =	shalt  }
0x6b: {  	_ =	shalt  }
0x6c: {  	_ =	shalt  }
0x6d: {  	_ =	shalt  }
0x6e: {  	_ =	shalt  }
0x6f: {  	_ =	shalt  }
0x70: {  	_ =	shalt  }
0x71: {  	_ =	shalt  }
0x72: {  	_ =	shalt  }
0x73: {  	_ =	shalt  }
0x74: {  	_ =	shalt  }
0x75: {  	_ =	shalt  }
0x76: {  	_ =	shalt  }
0x77: {  	_ =	shalt  }
0x78: {  	_ =	shalt  }
0x79: {  	_ =	shalt  }
0x7a: {  	_ =	shalt  }
0x7b: {  	_ =	shalt  }
0x7c: {  	_ =	shalt  }
0x7d: {  	_ =	shalt  }
0x7e: {  	_ =	shalt  }
0x7f: {  	_ =	shalt  }
0x80: {  	_ =	shalt  }
0x81: {  	_ =	shalt  }
0x82: {  	_ =	shalt  }
0x83: {  	_ =	shalt  }
0x84: {  	_ =	shalt  }
0x85: {  	_ =	shalt  }
0x86: {  	_ =	shalt  }
0x87: {  	_ =	shalt  }
.Lfunc_end0:
.L_simem_size_0:
called_computation_lowered:
.L_overlay_start_0:
0x88: {  	s2 =	sld [smem:$0x3FD9]  }
0x89: {  	s3 =	sld [smem:$0x3FFE];
	_ =	sdelay $0x1  }
0x8a: {  	s1 =	srdreg.scid  }
0x8b: {  	s0 =	sand.u32 $0x1, s1  }
0x8c: {  	s17 =	sshll.u32 s0, $0xA;
	s2 =	sadd.s32 s3, s2  }
0x8d: {  	s2 =	sadd.s32 s2, s17  }
0x8e: {  	[smem:$0x3FBC] =	sst s2  }
0x8f: {  	_ = 	snop  }
0x90: {  	s2 =	sld [smem:$0x3FD0];
	(tm) =	ssettm $0x1  }
0x91: {  	s18 =	sld [smem:$0x3FFB];
	_ =	sdelay $0x3  }
0x92: {  	_ =	strace s18  }
0x93: {  	s3 =	sld [smem:$0x3FFC];
	_ =	sdelay $0x3  }
0x94: {  	_ =	strace s3  }
0x95: {  	s3 =	sld [smem:$0x3FFD];
	_ =	sdelay $0x3  }
0x96: {  	_ =	strace s3  }
0x97: {  	_ =	strace $0x8FFFFFFF  }
0x98: {  	s19 =	sld [smem:$0x3FDB];
	_ =	sdelay $0x1  }
0x99: {  	s4 =	simm.s32 $_scs_section_size  }
0x9a: {  	s5 =	simm.s32 $_size__tile_overlayer_lowered;
	s6 =	simm.s32 $_tile_overlayer_lowered  }
0x9b: {  	s22 =	simm.s32 $0x1BFF;
	s21 =	sshll.u32 s6, $0x1;
	s3 =	sadd.s32 s4, s19  }
0x9c: {  	s7 =	simm.s32 $0x0;
	s20 =	sshll.u32 s5, $0x1;
	s5 =	sadd.s32 s21, s3  }
0x9d: {  	[timem:s7], [sflag:s22] =	dma.local [hbm:s5], s20  }
0x9e: {  	_ =	swait.ge [sflag:s22], s20  }
0x9f: {  	s4 =	ssub.s32 $0x0, s20;
	[sflag:s22] =	ssyncset.done $0x0  }
0xa0: {  	[sflag:s22] =	ssyncadd.s32 s4;
	_ =	sdelay $0x1  }
0xa1: {  	s23 =	simm.s32 $0x1B8B  }
0xa2: {  	_ =	swait.ge [sflag:s23], $0x1  }
0xa3: {  	[sflag:s23] =	ssyncset.done $0x0  }
0xa4: {  	s25 =	simm.s32 $0x1B8E;
	s24 =	sld [smem:$0x3FFE];
	[sflag:s23] =	ssyncadd.s32 $0xFFFFFFFF  }
0xa5: {  	s26 =	simm.s32 $execute0_lowered;
	[smem:$0x3FD2] =	sst s25  }
0xa6: {  	s5 =	sshll.u32 s26, $0x1;
	_ =	strace $0x80000046;
	[dreg:$0x1] =	wrdreg $0xFFFFFFFF  }
0xa7: {  	s28 =	simm.s32 $_size_execute0_lowered;
	s3 =	sadd.s32 s3, s5;
	[dreg:$0x0] =	wrdreg $0x0  }
0xa8: {  	s5 =	sshll.u32 s28, $0x1;
	[dreg:$0x2] =	wrdreg s3  }
0xa9: {  	[dreg:$0x3] =	wrdreg s5  }
0xaa: {  	[dreg:$0x4] =	wrdreg $0xC0  }
0xab: {  	_ =	task [dreg:s7], $0x5FFFF  }
0xac: {  	[dreg:$0x1] =	wrdreg $0xFFFFFFFF  }
0xad: {  	[dreg:$0x0] =	wrdreg $0x60  }
0xae: {  	[dreg:$0x2] =	wrdreg s24  }
0xaf: {  	[dreg:$0x3] =	wrdreg s2  }
0xb0: {  	[dreg:$0x4] =	wrdreg $0x9  }
0xb1: {  	_ =	task.clear_ibuf [dreg:s7], $0x5FFFF;
	_ =	strace $0x90000046  }
0xb2: {  	s29 =	simm.s32 $0x9;
	_ =	strace $0x80000048  }
0xb3: {  	_ =	swait.ge [sflag:s29], $0x1  }
0xb4: {  	[sflag:s29] =	ssyncadd.s32 $0xFFFFFFFF  }
0xb5: {  	_ =	strace $0x90000048  }
0xb6: {  	_ =	sfence  }
0xb7: {  	s30 =	sld [smem:$0x0];
	_ =	sdelay $0x2  }
0xb8: {  	s31 =	sshll.u32 s1, $0xD;
	s1 =	sshrl.u32 s1, $0x2  }
0xb9: {  	s3 =	sand.u32 $0x4000, s31;
	s1 =	sadd.s32 s1, s30  }
0xba: {  	s0 =	sor.u32 s3, s0;
	s1 =	sshll.u32 s1, $0x11  }
0xbb: {  	s0 =	sor.u32 s1, s0  }
0xbc: {  	s0 =	sadd.s32 $0x8F2B, s0  }
0xbd: {  	[sflag:s0] =	ssyncadd.remote.s32 $0x1  }
0xbe: {  	_ =	sfence.sel $0xFFFF  }
0xbf: {  	[dreg:$0x0] =	wrdreg $0xFFFFFFFF;
	(pc) =	sbr.abs _section_cstart, $3  }
0xc0: {  	[dreg:$0x1] =	wrdreg $0xFFFFFFFF  }
0xc1: {  	_ =	task.clear_ibuf [dreg:s7], $0x2FFFF;
	_ =	strace $0x9FFFFFFF  }
0xc2: {  	(tm) =	ssettm $0x7FFFFFFF  }
0xc3: {  	_ =	shalt  }
tec
execute0_lowered:
.L_overlay_start_1:
0x0: {  	(tag) =	ssettag $0x1  }
0x1: {  	s3 =	rddreg [dreg:$0x0]  }
0x2: {  	s4 =	rddreg [dreg:$0x1]  }
0x3: {  	s0 =	rddreg [dreg:$0x2]  }
0x4: {  	s5 =	srdreg.scid;
	s2 =	simm.s32 $0x0;
	s1 =	stileid.u32  }
0x5: {  	s5 =	sand.u32 $0x1, s5;
	s6 =	sshrl.u32 s1, $0x2;
	s7 =	sshll.u32 s1, $0x8  }
0x6: {  	[smem:$0x7FF] =	sst s2;
	s30 =	smul.u32 $0x500, s1;
	s3 =	sadd.s32 $0x8200, s3  }
0x7: {  	s8 =	sshll.u32 s5, $0x7;
	s6 =	smul.u32 $0x14000, s6;
	_ =	strace $0x80000047  }
0x8: {  	s29 =	ssub.s32 $0x2, s5;
	s10 =	smul.u32 $0x280, s5;
	s7 =	sor.u32 s8, s7  }
0x9: {  	s9 =	sshrl.u32 s29, $0x1;
	s8 =	simm.s32 $0x80;
	s7 =	sand.u32 $0x380, s7  }
0xa: {  	s31 =	ssub.s32 s29, s9;
	s9 =	simm.s32 $0x400;
	s6 =	sor.u32 s6, s7  }
0xb: {  	s5 =	smax.u32 s31, $0x1;
	s7 =	simm.s32 $0x1;
	s6 =	sshrl.u32 s6, $0x3  }
0xc: {  	v0 =	vimm.f32 $0.0e+00;
	v1 =	vimm.f32 $1.000000000e+00;
	s4 =	sadd.s32 s4, s6;
	s6 =	sadd.s32 s10, s30;
	s10 =	simm.s32 $0x0  }
.LBB2_1:
0xd: {  	s11 =	simm.s32 $0x0  }
.LBB2_2:
0xe: {  	p0 =	sne.s32 s11, $0x9FC0  }
.Ltmp0:
0xf: {  	_ = 	snop;
	(pc) =	sbr.rel @p0 .LBB2_2-.Ltmp0, $3  }
0x10: {  	_ =	sdelay $0x1  }
0x11: {  	s12 =	sshra.s32 s11, $0x2  }
0x12: {  	s11 =	sadd.s32 $0x40, s11;
	[tilespmem:s12+$0x80] =	vst v0  }
0x13: {  	s11 =	simm.s32 $0x0  }
.LBB2_4:
0x14: {  	s12 =	sadd.s32 s11, s6;
	s13 =	sand.u32 $0x70, s11  }
0x15: {  	s12 =	sand.u32 $0xFFFFF80, s12;
	s13 =	sadd.s32 s3, s13  }
0x16: {  	s12 =	sadd.s32 s12, s13  }
0x17: {  	[tilespmem:s2], [sflag:$0x1] =	stream.linear.gather [hbm4b:s12+s2], $0x80, $0x38;
	[tilespmem:$0x2880] =	vst v63  }
0x18: {  	_ =	swait.ge [sflag:s7], $0x80  }
0x19: {  	[sflag:s7] =	ssyncset.done $0x0  }
0x1a: {  	[sflag:s7] =	ssyncadd.s32 $0xFFFFFF80  }
0x1b: {  	v2 =	vld [tilespmem:$0x0];
	_ =	sdelay $0x7  }
0x1c: {  	[tilespmem:v2+s8+$0x0] =	vst.idx.add.f32.msk $0xffff, v1  }
0x1d: {  	v2 =	vld [tilespmem:$0x10];
	_ =	sdelay $0x7  }
0x1e: {  	[tilespmem:v2+s8+$0x0] =	vst.idx.add.f32.msk $0xffff, v1  }
0x1f: {  	v2 =	vld [tilespmem:$0x20];
	_ =	sdelay $0x7  }
0x20: {  	[tilespmem:v2+s8+$0x0] =	vst.idx.add.f32.msk $0xffff, v1  }
0x21: {  	v2 =	vld [tilespmem:$0x30];
	_ =	sdelay $0x7  }
0x22: {  	[tilespmem:v2+s8+$0x0] =	vst.idx.add.f32.msk $0xffff, v1  }
0x23: {  	v2 =	vld [tilespmem:$0x40];
	_ =	sdelay $0x7  }
0x24: {  	[tilespmem:v2+s8+$0x0] =	vst.idx.add.f32.msk $0xffff, v1  }
0x25: {  	v2 =	vld [tilespmem:$0x50];
	_ =	sdelay $0x7  }
0x26: {  	[tilespmem:v2+s8+$0x0] =	vst.idx.add.f32.msk $0xffff, v1  }
0x27: {  	v2 =	vld [tilespmem:$0x60];
	_ =	sdelay $0x7  }
0x28: {  	[tilespmem:v2+s8+$0x0] =	vst.idx.add.f32.msk $0xffff, v1  }
0x29: {  	v2 =	vld [tilespmem:$0x70];
	_ =	sdelay $0x2  }
0x2a: {  	p0 =	sne.s32 s11, $0x270  }
.Ltmp1:
0x2b: {  	_ = 	snop;
	(pc) =	sbr.rel @p0 .LBB2_4-.Ltmp1, $2  }
0x2c: {  	_ =	sdelay $0x2  }
0x2d: {  	s11 =	sadd.s32 $0x10, s11;
	[tilespmem:v2+s8+$0x0] =	vst.idx.add.f32.msk $0xffff, v1  }
0x2e: {  	s10 =	sadd.s32 $0x1, s10  }
0x2f: {  	p0 =	sne.s32 s10, s5  }
.Ltmp2:
0x30: {  	_ = 	snop;
	(pc) =	sbr.rel @p0 .LBB2_1-.Ltmp2, $4  }
0x31: {  	[hbm4b:s4+s8] =	stream.strided.scatter [tilespmem:s8], [sflag:$0x1], $0x2800, s9, s8, $0x38;
	[tilespmem:$0x2880] =	vst v63  }
0x32: {  	_ =	swait.ge [sflag:s7], $0x2800  }
0x33: {  	[sflag:s7] =	ssyncset.done $0x0  }
0x34: {  	[sflag:s7] =	ssyncadd.s32 $0xFFFFD800  }
0x35: {  	_ =	sfence.sel $0x180000  }
0x36: {  	[bflag:$0x0] =	sbarrier.arrive $0xFFFF  }
0x37: {  	p0 =	sne.s32 s1, $0x0;
	_ =	strace $0x90000047  }
0x38: {  	s0 =	sadd.s32 @!p0 $0x100000, s0;
	[bflag:$0x2] =	sbarrier.arrive $0xFFFF  }
0x39: {  	[sflag:s0] =	ssyncadd.tile.s32 @!p0 $0x1;
	_ =	shalt  }
.Lfunc_end2:
_tile_overlayer_lowered:
.L_overlay_start_2:
0x3a: {  	(tag) =	ssettag $0x2  }
0x3b: {  	s0 =	rddreg [dreg:$0x0];
	s2 =	stileid.u32  }
0x3c: {  	s1 =	rddreg [dreg:$0x1];
	p0 =	sne.s32 s2, $0x0  }
0x3d: {  	s3 =	rddreg [dreg:$0x2];
	[bflag:$0x3] =	sbarrier.arrive $0xFFFF;
	s2 =	simm.s32 @!p0 $0x1C01  }
0x3e: {  	[timem:s3], [sflag:s2] =	dma.local @!p0 [hbm:s0], s1  }
0x3f: {  	s0 =	simm.s32 @!p0 $0x1  }
0x40: {  	_ =	swait.ge @!p0 [sflag:s0], s1  }
0x41: {  	s1 =	ssub.s32 @!p0 $0x0, s1;
	[sflag:s0] =	ssyncset.done @!p0 $0x0  }
0x42: {  	[sflag:s0] =	ssyncadd.s32 @!p0 s1  }
0x43: {  	[bflag:$0x3] =	sbarrier.arrive $0xFFFF  }
0x44: {  	_ =	shalt  }

// kernel: kernel.18.cloned.1.call-start
scs
__scs_entry_jumppad:
0x0: {  	(pc) =	sbr.rel $0x88, $3  }
0x1: {  	(tag) =	ssettag $0x0;
	lr =	simm.s32 $0x1  }
0x2: {  	[smem:$0x3F95] =	sst lr;
	_ =	strace $0xD0000000  }
0x3: {  	_ = 	snop  }
0x4: {  	_ = 	snop  }
0x5: {  	_ = 	snop  }
0x6: {  	_ = 	snop  }
0x7: {  	_ = 	snop  }
__scs_overlays_trampoline_lowered:
0x8: {  	[smem:$0x3FA4] =	sst s0  }
0x9: {  	[smem:$0x3FA5] =	sst s1  }
0xa: {  	[smem:$0x3FA6] =	sst s2  }
0xb: {  	[smem:$0x3FA7] =	sst s3  }
0xc: {  	[smem:$0x3FA8] =	sst s4  }
0xd: {  	[smem:$0x3FA9] =	sst s5  }
0xe: {  	[smem:$0x3FAA] =	sst s6  }
0xf: {  	[smem:$0x3FAB] =	sst s7  }
0x10: {  	[smem:$0x3FAC] =	sst s8  }
0x11: {  	[smem:$0x3FAD] =	sst s9;
	s0 =	simm.s32 @!p0 $0x0  }
0x12: {  	s1 =	sld [smem:$0x3F93];
	s0 =	simm.s32 @p0 $0x1  }
0x13: {  	[smem:$0x3FAE] =	sst s0;
	s0 =	simm.s32 @!p1 $0x0  }
0x14: {  	s2 =	sld [smem:$0x3F92];
	s0 =	simm.s32 @p1 $0x1  }
0x15: {  	[smem:$0x3FAF] =	sst s0;
	s0 =	simm.s32 @!p2 $0x0  }
0x16: {  	s3 =	sld [smem:$0x3FDB];
	s0 =	simm.s32 @p2 $0x1  }
0x17: {  	s4 =	simm.s32 $0x1BF5;
	[smem:$0x3FB1] =	sst s0  }
0x18: {  	s0 =	sld [smem:$0x3F94];
	_ =	swait.ge [sflag:s4], $0x0  }
0x19: {  	s7 =	sld [smem:$0x3F95]  }
0x1a: {  	s8 =	sadd.s32 $0xFFFFE003, lr  }
0x1b: {  	s9 =	sadd.s32 $0xFFFFFEF7, lr;
	s5 =	simm.s32 $0xFFFFFFFF;
	p2 =	slt.u32 s8, $0xFFFFF086  }
0x1c: {  	p1 =	slt.u32 s9, $0xF7A;
	s5 =	simm.s32 @!p2 $0x0  }
0x1d: {  	s5 =	simm.s32 @p1 $0x1;
	p0 =	seq.s32 s7, s2  }
0x1e: {  	s7 =	smul.u32 @!p0 $0xF7A, s2;
	p2 =	seq.s32 @!p0 s5, $0x0  }
0x1f: {  	s9 =	smul.u32 $0xF7A, s1;
	s8 =	simm.s32 @!p0 $0x1BF5;
	p2 =	por !p2, p0  }
0x20: {  	[sflag:s8] =	ssyncset.s32 @!p0 $0xFFFFF086;
	s6 =	sadd.s32 @!p0 s3, s7;
	s7 =	simm.s32 @!p0 $0x108  }
0x21: {  	s3 =	sadd.s32 s3, s9;
	s6 =	sadd.s32 @!p0 $0x88, s6;
	s7 =	simm.s32 @p2 $0x1082  }
0x22: {  	[simem:s7], [sflag:s8] =	dma.local @!p0 [hbm:s6], $0xF7A  }
0x23: {  	s9 =	sor.u32 $0xD0000000, s2;
	s6 =	simm.s32 $0x108;
	_ =	swait.ge @!p0 [sflag:s8], $0x0  }
0x24: {  	s3 =	sadd.s32 $0x88, s3;
	s6 =	simm.s32 @!p1 $0x1082;
	[sflag:s4] =	ssyncset.s32 $0xFFFFF086  }
0x25: {  	[simem:s6], [sflag:s4] =	dma.local [hbm:s3], $0xF7A  }
0x26: {  	[smem:$0x3F95] =	sst s1;
	(tag) =	ssettag s2;
	_ =	strace s9  }
0x27: {  	s1 =	sld [smem:$0x3FA5]  }
0x28: {  	s2 =	sld [smem:$0x3FA6]  }
0x29: {  	s4 =	sld [smem:$0x3FA8]  }
0x2a: {  	p0 =	seq.s32 s5, $0x0;
	s5 =	sld [smem:$0x3FA9]  }
0x2b: {  	s6 =	sld [smem:$0x3FAA]  }
0x2c: {  	s7 =	sld [smem:$0x3FAB]  }
0x2d: {  	s3 =	simm.s32 $0x108;
	s8 =	sld [smem:$0x3FAC]  }
0x2e: {  	s3 =	simm.s32 @!p0 $0x1082;
	s9 =	sld [smem:$0x3FAD]  }
0x2f: {  	lr =	sadd.s32 s0, s3;
	s0 =	sld [smem:$0x3FA4]  }
0x30: {  	s3 =	sld [smem:$0x3FA7]  }
0x31: {  	[smem:$0x3FB0] =	sst s10  }
0x32: {  	s10 =	sld [smem:$0x3FAE];
	_ =	sdelay $0x3  }
0x33: {  	p0 =	seq.s32 s10, $0x1;
	s10 =	sld [smem:$0x3FB0];
	_ =	sdelay $0x3  }
0x34: {  	[smem:$0x3FB0] =	sst s10  }
0x35: {  	s10 =	sld [smem:$0x3FAF];
	_ =	sdelay $0x3  }
0x36: {  	p1 =	seq.s32 s10, $0x1;
	s10 =	sld [smem:$0x3FB0];
	_ =	sdelay $0x3  }
0x37: {  	[smem:$0x3FB0] =	sst s10  }
0x38: {  	s10 =	sld [smem:$0x3FB1]  }
0x39: {  	_ = 	snop;
	(pc) =	sbr.ind lr, $3  }
0x3a: {  	_ = 	snop  }
0x3b: {  	_ = 	snop  }
0x3c: {  	p2 =	seq.s32 s10, $0x1;
	s10 =	sld [smem:$0x3FB0]  }
0x3d: {  	_ =	shalt  }
0x3e: {  	_ =	shalt  }
0x3f: {  	_ =	shalt  }
0x40: {  	_ =	shalt  }
0x41: {  	_ =	shalt  }
0x42: {  	_ =	shalt  }
0x43: {  	_ =	shalt  }
0x44: {  	_ =	shalt  }
0x45: {  	_ =	shalt  }
0x46: {  	_ =	shalt  }
0x47: {  	_ =	shalt  }
0x48: {  	_ =	shalt  }
0x49: {  	_ =	shalt  }
0x4a: {  	_ =	shalt  }
0x4b: {  	_ =	shalt  }
0x4c: {  	_ =	shalt  }
0x4d: {  	_ =	shalt  }
0x4e: {  	_ =	shalt  }
0x4f: {  	_ =	shalt  }
0x50: {  	_ =	shalt  }
0x51: {  	_ =	shalt  }
0x52: {  	_ =	shalt  }
0x53: {  	_ =	shalt  }
0x54: {  	_ =	shalt  }
0x55: {  	_ =	shalt  }
0x56: {  	_ =	shalt  }
0x57: {  	_ =	shalt  }
0x58: {  	_ =	shalt  }
0x59: {  	_ =	shalt  }
0x5a: {  	_ =	shalt  }
0x5b: {  	_ =	shalt  }
0x5c: {  	_ =	shalt  }
0x5d: {  	_ =	shalt  }
0x5e: {  	_ =	shalt  }
0x5f: {  	_ =	shalt  }
0x60: {  	_ =	shalt  }
0x61: {  	_ =	shalt  }
0x62: {  	_ =	shalt  }
0x63: {  	_ =	shalt  }
0x64: {  	_ =	shalt  }
0x65: {  	_ =	shalt  }
0x66: {  	_ =	shalt  }
0x67: {  	_ =	shalt  }
0x68: {  	_ =	shalt  }
0x69: {  	_ =	shalt  }
0x6a: {  	_ =	shalt  }
0x6b: {  	_ =	shalt  }
0x6c: {  	_ =	shalt  }
0x6d: {  	_ =	shalt  }
0x6e: {  	_ =	shalt  }
0x6f: {  	_ =	shalt  }
0x70: {  	_ =	shalt  }
0x71: {  	_ =	shalt  }
0x72: {  	_ =	shalt  }
0x73: {  	_ =	shalt  }
0x74: {  	_ =	shalt  }
0x75: {  	_ =	shalt  }
0x76: {  	_ =	shalt  }
0x77: {  	_ =	shalt  }
0x78: {  	_ =	shalt  }
0x79: {  	_ =	shalt  }
0x7a: {  	_ =	shalt  }
0x7b: {  	_ =	shalt  }
0x7c: {  	_ =	shalt  }
0x7d: {  	_ =	shalt  }
0x7e: {  	_ =	shalt  }
0x7f: {  	_ =	shalt  }
0x80: {  	_ =	shalt  }
0x81: {  	_ =	shalt  }
0x82: {  	_ =	shalt  }
0x83: {  	_ =	shalt  }
0x84: {  	_ =	shalt  }
0x85: {  	_ =	shalt  }
0x86: {  	_ =	shalt  }
0x87: {  	_ =	shalt  }
.Lfunc_end0:
.L_simem_size_0:
called_computation.1_lowered:
.L_overlay_start_0:
0x88: {  	s2 =	sld [smem:$0x3FD9]  }
0x89: {  	s3 =	sld [smem:$0x3FFE];
	_ =	sdelay $0x1  }
0x8a: {  	s1 =	srdreg.scid  }
0x8b: {  	s0 =	sand.u32 $0x1, s1  }
0x8c: {  	s17 =	sshll.u32 s0, $0xA;
	s2 =	sadd.s32 s3, s2  }
0x8d: {  	s2 =	sadd.s32 s2, s17  }
0x8e: {  	[smem:$0x3FBC] =	sst s2  }
0x8f: {  	_ = 	snop  }
0x90: {  	s2 =	sld [smem:$0x3FD0];
	(tm) =	ssettm $0x1  }
0x91: {  	s18 =	sld [smem:$0x3FFB];
	_ =	sdelay $0x3  }
0x92: {  	_ =	strace s18  }
0x93: {  	s3 =	sld [smem:$0x3FFC];
	_ =	sdelay $0x3  }
0x94: {  	_ =	strace s3  }
0x95: {  	s3 =	sld [smem:$0x3FFD];
	_ =	sdelay $0x3  }
0x96: {  	_ =	strace s3  }
0x97: {  	_ =	strace $0x8FFFFFFF  }
0x98: {  	s19 =	sld [smem:$0x3FDB];
	_ =	sdelay $0x1  }
0x99: {  	s4 =	simm.s32 $_scs_section_size  }
0x9a: {  	s5 =	simm.s32 $_size__tile_overlayer_lowered;
	s6 =	simm.s32 $_tile_overlayer_lowered  }
0x9b: {  	s22 =	simm.s32 $0x1BFF;
	s21 =	sshll.u32 s6, $0x1;
	s3 =	sadd.s32 s4, s19  }
0x9c: {  	s7 =	simm.s32 $0x0;
	s20 =	sshll.u32 s5, $0x1;
	s5 =	sadd.s32 s21, s3  }
0x9d: {  	[timem:s7], [sflag:s22] =	dma.local [hbm:s5], s20  }
0x9e: {  	_ =	swait.ge [sflag:s22], s20  }
0x9f: {  	s4 =	ssub.s32 $0x0, s20;
	[sflag:s22] =	ssyncset.done $0x0  }
0xa0: {  	[sflag:s22] =	ssyncadd.s32 s4;
	_ =	sdelay $0x1  }
0xa1: {  	s23 =	simm.s32 $0x1B8B  }
0xa2: {  	_ =	swait.ge [sflag:s23], $0x1  }
0xa3: {  	[sflag:s23] =	ssyncset.done $0x0  }
0xa4: {  	s25 =	simm.s32 $0x1B8E;
	s24 =	sld [smem:$0x3FFE];
	[sflag:s23] =	ssyncadd.s32 $0xFFFFFFFF  }
0xa5: {  	s26 =	simm.s32 $execute0_lowered;
	[smem:$0x3FD2] =	sst s25  }
0xa6: {  	s5 =	sshll.u32 s26, $0x1;
	_ =	strace $0x80000049;
	[dreg:$0x1] =	wrdreg $0xFFFFFFFF  }
0xa7: {  	s28 =	simm.s32 $_size_execute0_lowered;
	s3 =	sadd.s32 s3, s5;
	[dreg:$0x0] =	wrdreg $0x0  }
0xa8: {  	s5 =	sshll.u32 s28, $0x1;
	[dreg:$0x2] =	wrdreg s3  }
0xa9: {  	[dreg:$0x3] =	wrdreg s5  }
0xaa: {  	[dreg:$0x4] =	wrdreg $0xC0  }
0xab: {  	_ =	task [dreg:s7], $0x5FFFF  }
0xac: {  	[dreg:$0x1] =	wrdreg $0xFFFFFFFF  }
0xad: {  	[dreg:$0x0] =	wrdreg $0x60  }
0xae: {  	[dreg:$0x2] =	wrdreg s2  }
0xaf: {  	[dreg:$0x3] =	wrdreg s24  }
0xb0: {  	[dreg:$0x4] =	wrdreg $0xA8000  }
0xb1: {  	[dreg:$0x5] =	wrdreg $0x9  }
0xb2: {  	_ =	task.clear_ibuf [dreg:s7], $0x6FFFF;
	_ =	strace $0x90000049  }
0xb3: {  	s29 =	simm.s32 $0x9;
	_ =	strace $0x8000004B  }
0xb4: {  	_ =	swait.ge [sflag:s29], $0x1  }
0xb5: {  	[sflag:s29] =	ssyncadd.s32 $0xFFFFFFFF  }
0xb6: {  	_ =	strace $0x9000004B  }
0xb7: {  	_ =	sfence  }
0xb8: {  	s30 =	sld [smem:$0x0];
	_ =	sdelay $0x2  }
0xb9: {  	s31 =	sshll.u32 s1, $0xD;
	s1 =	sshrl.u32 s1, $0x2  }
0xba: {  	s3 =	sand.u32 $0x4000, s31;
	s1 =	sadd.s32 s1, s30  }
0xbb: {  	s0 =	sor.u32 s3, s0;
	s1 =	sshll.u32 s1, $0x11  }
0xbc: {  	s0 =	sor.u32 s1, s0  }
0xbd: {  	s0 =	sadd.s32 $0x8F2B, s0  }
0xbe: {  	[sflag:s0] =	ssyncadd.remote.s32 $0x1  }
0xbf: {  	_ =	sfence.sel $0xFFFF  }
0xc0: {  	[dreg:$0x0] =	wrdreg $0xFFFFFFFF;
	(pc) =	sbr.abs _section_cstart, $3  }
0xc1: {  	[dreg:$0x1] =	wrdreg $0xFFFFFFFF  }
0xc2: {  	_ =	task.clear_ibuf [dreg:s7], $0x2FFFF;
	_ =	strace $0x9FFFFFFF  }
0xc3: {  	(tm) =	ssettm $0x7FFFFFFF  }
tec
execute0_lowered:
.L_overlay_start_1:
0x0: {  	(tag) =	ssettag $0x1  }
0x1: {  	s10 =	rddreg [dreg:$0x0]  }
0x2: {  	s4 =	rddreg [dreg:$0x1]  }
0x3: {  	s1 =	rddreg [dreg:$0x2];
	s3 =	simm.s32 $0x0;
	s2 =	srdreg.scid  }
0x4: {  	s0 =	stileid.u32;
	s20 =	simm.s32 $0x2;
	s21 =	simm.s32 $0x2780  }
0x5: {  	s22 =	simm.s32 $0x6800;
	s23 =	simm.s32 $0x0;
	s7 =	smul.u32 $0x13800, s0  }
0x6: {  	[smem:$0x7FF] =	sst s3;
	s5 =	sand.u32 $0x1, s2;
	s8 =	smul.u32 $0x4E000, s0  }
0x7: {  	s11 =	sadd.s32 $0x3200, s4;
	s12 =	sadd.s32 $0x8200, s4;
	s31 =	smul.u32 $0x2800, s0  }
0x8: {  	s14 =	sadd.s32 $0xD200, s4;
	s30 =	sshll.u32 s0, $0x6;
	s9 =	smul.u32 $0x500, s0  }
0x9: {  	p0 =	sne.s32 s0, $0xF;
	s6 =	smul.u32 $0x138800, s5;
	s26 =	ssub.s32 $0x2, s5  }
0xa: {  	_ =	strace $0x8000004A;
	s5 =	sor.u32 $0x1C03, s30;
	s29 =	sshrl.u32 s26, $0x1  }
0xb: {  	s8 =	sshrl.u32 s8, $0x2;
	s19 =	sshrl.u32 s31, $0x3;
	s28 =	sadd.s32 s7, s6  }
0xc: {  	s15 =	ssub.s32 s26, s29;
	s16 =	sadd.s32 s8, s1;
	s17 =	sshrl.u32 s6, $0x3  }
0xd: {  	s6 =	sadd.s32 $0x138000, s1;
	s8 =	sadd.s32 s11, s9;
	s9 =	sadd.s32 s12, s9  }
0xe: {  	s19 =	sadd.s32 $0x280, s19;
	s13 =	sshrl.u32 s28, $0x3;
	s18 =	sadd.s32 $0x27000, s17  }
0xf: {  	s11 =	sadd.s32 s11, s19;
	s12 =	sadd.s32 s12, s19;
	s15 =	smax.u32 s15, $0x1  }
0x10: {  	s16 =	sshrl.u32 s16, $0x3;
	s19 =	simm.s32 $0x80;
	s4 =	sadd.s32 s10, s13  }
0x11: {  	s7 =	sadd.s32 s10, s18;
	s10 =	sadd.s32 s10, s17;
	s13 =	sadd.s32 s14, s13  }
0x12: {  	s14 =	sadd.s32 s14, s18;
	s17 =	simm.s32 $0x3;
	s18 =	simm.s32 $0x2800  }
.LBB2_1:
0x13: {  	[spmem:s16], [sflag:s5] =	dma.local [hbm:s4], $0x2700  }
0x14: {  	_ =	swait.ge [sflag:s17], $0x2700  }
0x15: {  	[sflag:s17] =	ssyncset.done $0x0  }
0x16: {  	s24 =	sshrl.u32 @!p0 s6, $0x3;
	s25 =	simm.s32 @!p0 $0x3;
	[sflag:s17] =	ssyncadd.s32 $0xFFFFD900  }
0x17: {  	[spmem:s24], [sflag:s5] =	dma.local @!p0 [hbm:s7], $0x100  }
0x18: {  	_ =	swait.ge @!p0 [sflag:s25], $0x100  }
0x19: {  	[sflag:s25] =	ssyncset.done @!p0 $0x0  }
0x1a: {  	[sflag:s25] =	ssyncadd.s32 @!p0 $0xFFFFFF00  }
0x1b: {  	[bflag:$0x0] =	sbarrier.arrive $0xFFFF  }
0x1c: {  	[tilespmem:s3], [sflag:$0x3] =	stream.linear.gather [hbm4b:s8+s3], $0x1400, $0x38;
	[tilespmem:$0x1E100] =	vst v63  }
0x1d: {  	_ =	swait.ge [sflag:s17], $0x1400  }
0x1e: {  	[sflag:s17] =	ssyncset.done $0x0  }
0x1f: {  	s2 =	simm.s32 $0x1400;
	[sflag:s17] =	ssyncadd.s32 $0xFFFFEC00  }
0x20: {  	[tilespmem:s2], [sflag:$0x3] =	stream.linear.gather [hbm4b:s9+s3], $0x1400, $0x38;
	[tilespmem:$0x1E100] =	vst v63  }
0x21: {  	s26 =	simm.s32 $0x1;
	_ =	swait.ge [sflag:s17], $0x1400  }
0x22: {  	s28 =	simm.s32 $0x0;
	s26 =	sand.u32 $0x1, s26;
	[sflag:s17] =	ssyncset.done $0x0  }
0x23: {  	s28 =	sand.u32 $0x1, s28;
	s29 =	sshll.u32 s26, $0xE;
	[sflag:s17] =	ssyncadd.s32 $0xFFFFEC00  }
0x24: {  	[tilespmem:s18], [sflag:$0x1] =	stream.indirect.gather [hbm4b:s10+s19], $0x80, s3, s19, $0xb8;
	[tilespmem:$0x1E100] =	vst v63  }
0x25: {  	s26 =	sadd.s32 $0x1, s26;
	s30 =	sadd.s32 $0x1, s28;
	s29 =	sor.u32 $0x2800, s29  }
0x26: {  	[tilespmem:s29], [sflag:s26] =	stream.indirect.gather [hbm4b:s10+s19], $0x80, s19, s19, $0xb8;
	[tilespmem:$0x1E100] =	vst v63  }
0x27: {  	s31 =	sshll.u32 s28, $0xE;
	_ =	swait.ge [sflag:s30], $0x4000  }
0x28: {  	s28 =	simm.s32 $0x2;
	s25 =	simm.s32 $0x1480;
	[sflag:s30] =	ssyncset.done $0x0  }
0x29: {  	s26 =	sor.u32 $0x2800, s31;
	s29 =	simm.s32 $0x3;
	[sflag:s30] =	ssyncadd.s32 $0xFFFFC000  }
0x2a: {  	[spmem:s1] =	stream.indirect.scatter.add.f32 [tilespmem:s26], [sflag:$0x3], $0x80, s2, s19, $0xb8;
	[tilespmem:$0x1E100] =	vst v63  }
0x2b: {  	s30 =	sand.u32 $0x1, s28;
	s26 =	simm.s32 $0x100;
	_ =	swait.ge [sflag:s17], $0x4000  }
.LBB2_2:
0x2c: {  	s31 =	sadd.s32 $0xFFFFFFFF, s28;
	s0 =	sshll.u32 s30, $0xE  }
0x2d: {  	[sflag:s17] =	ssyncset.done $0x0;
	s28 =	smov.u32 s29;
	s30 =	sadd.s32 $0x1, s30  }
0x2e: {  	p1 =	sne.s32 s29, $0x27;
	s0 =	sor.u32 $0x2800, s0;
	s31 =	sand.u32 $0x1, s31  }
0x2f: {  	s2 =	sadd.s32 $0x1, s31;
	s31 =	sshll.u32 s31, $0xE;
	[sflag:s17] =	ssyncadd.s32 $0xFFFFC000  }
0x30: {  	[tilespmem:s0], [sflag:s30] =	stream.indirect.gather [hbm4b:s10+s19], $0x80, s26, s19, $0xb8;
	[tilespmem:$0x1E100] =	vst v63  }
.Ltmp0:
0x31: {  	s0 =	sadd.s32 $0x1, s29;
	_ =	swait.ge [sflag:s2], $0x4000;
	(pc) =	sbr.rel @p1 .LBB2_2-.Ltmp0, $4  }
0x32: {  	s29 =	sor.u32 $0x2800, s31;
	[sflag:s2] =	ssyncset.done $0x0  }
0x33: {  	s26 =	sadd.s32 $0x80, s26;
	s30 =	sand.u32 $0x1, s28;
	[sflag:s2] =	ssyncadd.s32 $0xFFFFC000  }
0x34: {  	[spmem:s1] =	stream.indirect.scatter.add.f32 [tilespmem:s29], [sflag:$0x3], $0x80, s25, s19, $0xb8;
	[tilespmem:$0x1E100] =	vst v63  }
0x35: {  	s25 =	sadd.s32 $0x80, s25;
	s29 =	smov.u32 s0;
	_ =	swait.ge [sflag:s17], $0x4000  }
0x36: {  	s0 =	sadd.s32 $0xFFFFFFFF, s28;
	s2 =	sshll.u32 s30, $0xE  }
0x37: {  	[sflag:s17] =	ssyncset.done $0x0;
	s28 =	sadd.s32 $0x1, s30;
	s0 =	sand.u32 $0x1, s0  }
0x38: {  	s2 =	sor.u32 $0x2800, s2;
	[sflag:s17] =	ssyncadd.s32 $0xFFFFC000;
	s29 =	sadd.s32 $0x1, s0  }
0x39: {  	[tilespmem:s2], [sflag:s28] =	stream.indirect.gather [hbm4b:s10+s19], $0x80, s26, s19, $0xb8;
	[tilespmem:$0x1E100] =	vst v63  }
0x3a: {  	_ =	swait.ge [sflag:s29], $0x4000  }
0x3b: {  	s0 =	sshll.u32 s0, $0xE;
	[sflag:s29] =	ssyncset.done $0x0  }
0x3c: {  	s0 =	sor.u32 $0x2800, s0;
	[sflag:s29] =	ssyncadd.s32 $0xFFFFC000  }
0x3d: {  	[spmem:s1] =	stream.indirect.scatter.add.f32 [tilespmem:s0], [sflag:$0x3], $0x80, s25, s19, $0xb8;
	[tilespmem:$0x1E100] =	vst v63  }
0x3e: {  	_ =	swait.ge [sflag:s17], $0x4000  }
0x3f: {  	[sflag:s17] =	ssyncset.done $0x0  }
0x40: {  	[sflag:s17] =	ssyncadd.s32 $0xFFFFC000  }
0x41: {  	_ =	swait.ge [sflag:s20], $0x4000  }
0x42: {  	[sflag:s20] =	ssyncset.done $0x0  }
0x43: {  	s0 =	simm.s32 $0x80;
	[sflag:s20] =	ssyncadd.s32 $0xFFFFC000  }
0x44: {  	[spmem:s1] =	stream.indirect.scatter.add.f32 [tilespmem:s22], [sflag:$0x3], $0x80, s21, s0, $0xb8;
	[tilespmem:$0x1E100] =	vst v63  }
0x45: {  	_ =	swait.ge [sflag:s17], $0x4000  }
0x46: {  	[sflag:s17] =	ssyncset.done $0x0  }
0x47: {  	[sflag:s17] =	ssyncadd.s32 $0xFFFFC000  }
0x48: {  	[tilespmem:s3], [sflag:$0x3] =	stream.linear.gather [hbm4b:s11+s3], $0x1400, $0x38;
	[tilespmem:$0x1E100] =	vst v63  }
0x49: {  	_ =	swait.ge [sflag:s17], $0x1400  }
0x4a: {  	[sflag:s17] =	ssyncset.done $0x0  }
0x4b: {  	s2 =	simm.s32 $0x1400;
	[sflag:s17] =	ssyncadd.s32 $0xFFFFEC00  }
0x4c: {  	[tilespmem:s2], [sflag:$0x3] =	stream.linear.gather [hbm4b:s12+s3], $0x1400, $0x38;
	[tilespmem:$0x1E100] =	vst v63  }
0x4d: {  	s26 =	simm.s32 $0x1;
	_ =	swait.ge [sflag:s17], $0x1400  }
0x4e: {  	s31 =	simm.s32 $0x0;
	s25 =	sand.u32 $0x1, s26;
	[sflag:s17] =	ssyncset.done $0x0  }
0x4f: {  	s26 =	sand.u32 $0x1, s31;
	s28 =	sshll.u32 s25, $0xE;
	[sflag:s17] =	ssyncadd.s32 $0xFFFFEC00  }
0x50: {  	[tilespmem:s18], [sflag:$0x1] =	stream.indirect.gather [hbm4b:s10+s0], $0x80, s3, s0, $0xb8;
	[tilespmem:$0x1E100] =	vst v63  }
0x51: {  	s25 =	sadd.s32 $0x1, s25;
	s29 =	sadd.s32 $0x1, s26;
	s28 =	sor.u32 $0x2800, s28  }
0x52: {  	[tilespmem:s28], [sflag:s25] =	stream.indirect.gather [hbm4b:s10+s19], $0x80, s0, s19, $0xb8;
	[tilespmem:$0x1E100] =	vst v63  }
0x53: {  	s31 =	sshll.u32 s26, $0xE;
	_ =	swait.ge [sflag:s29], $0x4000  }
0x54: {  	s26 =	simm.s32 $0x100;
	s0 =	sor.u32 $0x2800, s31;
	[sflag:s29] =	ssyncset.done $0x0  }
0x55: {  	s28 =	simm.s32 $0x2;
	s25 =	simm.s32 $0x1480;
	[sflag:s29] =	ssyncadd.s32 $0xFFFFC000  }
0x56: {  	[spmem:s1] =	stream.indirect.scatter.add.f32 [tilespmem:s0], [sflag:$0x3], $0x80, s2, s19, $0xb8;
	[tilespmem:$0x1E100] =	vst v63  }
0x57: {  	s30 =	sand.u32 $0x1, s28;
	s29 =	simm.s32 $0x3;
	_ =	swait.ge [sflag:s17], $0x4000  }
.LBB2_4:
0x58: {  	s0 =	sadd.s32 $0xFFFFFFFF, s28;
	s2 =	sshll.u32 s30, $0xE  }
0x59: {  	[sflag:s17] =	ssyncset.done $0x0;
	s28 =	smov.u32 s29;
	s30 =	sadd.s32 $0x1, s30  }
0x5a: {  	p1 =	sne.s32 s29, $0x27;
	s2 =	sor.u32 $0x2800, s2;
	s0 =	sand.u32 $0x1, s0  }
0x5b: {  	s31 =	sadd.s32 $0x1, s0;
	s0 =	sshll.u32 s0, $0xE;
	[sflag:s17] =	ssyncadd.s32 $0xFFFFC000  }
0x5c: {  	[tilespmem:s2], [sflag:s30] =	stream.indirect.gather [hbm4b:s10+s19], $0x80, s26, s19, $0xb8;
	[tilespmem:$0x1E100] =	vst v63  }
.Ltmp1:
0x5d: {  	s2 =	sadd.s32 $0x1, s29;
	_ =	swait.ge [sflag:s31], $0x4000;
	(pc) =	sbr.rel @p1 .LBB2_4-.Ltmp1, $4  }
0x5e: {  	s0 =	sor.u32 $0x2800, s0;
	[sflag:s31] =	ssyncset.done $0x0  }
0x5f: {  	s26 =	sadd.s32 $0x80, s26;
	s30 =	sand.u32 $0x1, s28;
	[sflag:s31] =	ssyncadd.s32 $0xFFFFC000  }
0x60: {  	[spmem:s1] =	stream.indirect.scatter.add.f32 [tilespmem:s0], [sflag:$0x3], $0x80, s25, s19, $0xb8;
	[tilespmem:$0x1E100] =	vst v63  }
0x61: {  	s29 =	smov.u32 s2;
	s25 =	sadd.s32 $0x80, s25;
	_ =	swait.ge [sflag:s17], $0x4000  }
0x62: {  	s0 =	sadd.s32 $0xFFFFFFFF, s28;
	s2 =	sshll.u32 s30, $0xE  }
0x63: {  	[sflag:s17] =	ssyncset.done $0x0;
	s31 =	sadd.s32 $0x1, s30;
	s0 =	sand.u32 $0x1, s0  }
0x64: {  	s2 =	sor.u32 $0x2800, s2;
	[sflag:s17] =	ssyncadd.s32 $0xFFFFC000;
	s29 =	sadd.s32 $0x1, s0  }
0x65: {  	[tilespmem:s2], [sflag:s31] =	stream.indirect.gather [hbm4b:s10+s19], $0x80, s26, s19, $0xb8;
	[tilespmem:$0x1E100] =	vst v63  }
0x66: {  	_ =	swait.ge [sflag:s29], $0x4000  }
0x67: {  	s0 =	sshll.u32 s0, $0xE;
	[sflag:s29] =	ssyncset.done $0x0  }
0x68: {  	s0 =	sor.u32 $0x2800, s0;
	[sflag:s29] =	ssyncadd.s32 $0xFFFFC000  }
0x69: {  	[spmem:s1] =	stream.indirect.scatter.add.f32 [tilespmem:s0], [sflag:$0x3], $0x80, s25, s19, $0xb8;
	[tilespmem:$0x1E100] =	vst v63  }
0x6a: {  	_ =	swait.ge [sflag:s17], $0x4000  }
0x6b: {  	[sflag:s17] =	ssyncset.done $0x0  }
0x6c: {  	[sflag:s17] =	ssyncadd.s32 $0xFFFFC000  }
0x6d: {  	_ =	swait.ge [sflag:s20], $0x4000  }
0x6e: {  	[sflag:s20] =	ssyncset.done $0x0  }
0x6f: {  	[sflag:s20] =	ssyncadd.s32 $0xFFFFC000  }
0x70: {  	[spmem:s1] =	stream.indirect.scatter.add.f32 [tilespmem:s22], [sflag:$0x3], $0x80, s21, s19, $0xb8;
	[tilespmem:$0x1E100] =	vst v63  }
0x71: {  	_ =	swait.ge [sflag:s17], $0x4000  }
0x72: {  	[sflag:s17] =	ssyncset.done $0x0  }
0x73: {  	[sflag:s17] =	ssyncadd.s32 $0xFFFFC000  }
0x74: {  	[bflag:$0x0] =	sbarrier.arrive $0xFFFF  }
0x75: {  	[hbm:s13], [sflag:s5] =	dma.local [spmem:s16], $0x2700  }
0x76: {  	s23 =	sadd.s32 $0x1, s23;
	_ =	swait.ge [sflag:s17], $0x2700  }
0x77: {  	p1 =	sne.s32 s23, s15;
	[sflag:s17] =	ssyncset.done $0x0  }
.Ltmp2:
0x78: {  	s0 =	simm.s32 @!p0 $0x3;
	[sflag:s17] =	ssyncadd.s32 $0xFFFFD900;
	(pc) =	sbr.rel @p1 .LBB2_1-.Ltmp2, $4  }
0x79: {  	[hbm:s14], [sflag:s5] =	dma.local @!p0 [spmem:s24], $0x100  }
0x7a: {  	_ =	swait.ge @!p0 [sflag:s0], $0x100  }
0x7b: {  	[sflag:s0] =	ssyncset.done @!p0 $0x0  }
0x7c: {  	[sflag:s0] =	ssyncadd.s32 @!p0 $0xFFFFFF00  }
0x7d: {  	_ =	sfence.sel $0x180000  }
0x7e: {  	[bflag:$0x0] =	sbarrier.arrive $0xFFFF  }
0x7f: {  	_ =	strace $0x9000004A  }
0x80: {  	s0 =	stileid.u32;
	[bflag:$0x2] =	sbarrier.arrive $0xFFFF  }
0x81: {  	p0 =	sne.s32 s0, $0x0;
	s0 =	rddreg [dreg:$0x3]  }
0x82: {  	s0 =	sadd.s32 @!p0 $0x100000, s0  }
0x83: {  	[sflag:s0] =	ssyncadd.tile.s32 @!p0 $0x1;
	_ =	shalt  }
.Lfunc_end2:
_tile_overlayer_lowered:
.L_overlay_start_2:
0x84: {  	(tag) =	ssettag $0x2  }
0x85: {  	s0 =	rddreg [dreg:$0x0];
	s2 =	stileid.u32  }
0x86: {  	s1 =	rddreg [dreg:$0x1];
	p0 =	sne.s32 s2, $0x0  }
0x87: {  	s3 =	rddreg [dreg:$0x2];
	[bflag:$0x3] =	sbarrier.arrive $0xFFFF;
	s2 =	simm.s32 @!p0 $0x1C03  }
0x88: {  	[timem:s3], [sflag:s2] =	dma.local @!p0 [hbm:s0], s1  }
0x89: {  	s0 =	simm.s32 @!p0 $0x3  }
0x8a: {  	_ =	swait.ge @!p0 [sflag:s0], s1  }
0x8b: {  	s1 =	ssub.s32 @!p0 $0x0, s1;
	[sflag:s0] =	ssyncset.done @!p0 $0x0  }
0x8c: {  	[sflag:s0] =	ssyncadd.s32 @!p0 s1  }
0x8d: {  	[bflag:$0x3] =	sbarrier.arrive $0xFFFF  }
0x8e: {  	_ =	shalt  }

// kernel: kernel.21.cloned.1.call-start
scs
__scs_entry_jumppad:
0x0: {  	(pc) =	sbr.rel $0x88, $3  }
0x1: {  	(tag) =	ssettag $0x0;
	lr =	simm.s32 $0x1  }
0x2: {  	[smem:$0x3F95] =	sst lr;
	_ =	strace $0xD0000000  }
0x3: {  	_ = 	snop  }
0x4: {  	_ = 	snop  }
0x5: {  	_ = 	snop  }
0x6: {  	_ = 	snop  }
0x7: {  	_ = 	snop  }
__scs_overlays_trampoline_lowered:
0x8: {  	[smem:$0x3FA4] =	sst s0  }
0x9: {  	[smem:$0x3FA5] =	sst s1  }
0xa: {  	[smem:$0x3FA6] =	sst s2  }
0xb: {  	[smem:$0x3FA7] =	sst s3  }
0xc: {  	[smem:$0x3FA8] =	sst s4  }
0xd: {  	[smem:$0x3FA9] =	sst s5  }
0xe: {  	[smem:$0x3FAA] =	sst s6  }
0xf: {  	[smem:$0x3FAB] =	sst s7  }
0x10: {  	[smem:$0x3FAC] =	sst s8  }
0x11: {  	[smem:$0x3FAD] =	sst s9;
	s0 =	simm.s32 @!p0 $0x0  }
0x12: {  	s1 =	sld [smem:$0x3F93];
	s0 =	simm.s32 @p0 $0x1  }
0x13: {  	[smem:$0x3FAE] =	sst s0;
	s0 =	simm.s32 @!p1 $0x0  }
0x14: {  	s2 =	sld [smem:$0x3F92];
	s0 =	simm.s32 @p1 $0x1  }
0x15: {  	[smem:$0x3FAF] =	sst s0;
	s0 =	simm.s32 @!p2 $0x0  }
0x16: {  	s3 =	sld [smem:$0x3FDB];
	s0 =	simm.s32 @p2 $0x1  }
0x17: {  	s4 =	simm.s32 $0x1BF5;
	[smem:$0x3FB1] =	sst s0  }
0x18: {  	s0 =	sld [smem:$0x3F94];
	_ =	swait.ge [sflag:s4], $0x0  }
0x19: {  	s7 =	sld [smem:$0x3F95]  }
0x1a: {  	s8 =	sadd.s32 $0xFFFFE003, lr  }
0x1b: {  	s9 =	sadd.s32 $0xFFFFFEF7, lr;
	s5 =	simm.s32 $0xFFFFFFFF;
	p2 =	slt.u32 s8, $0xFFFFF086  }
0x1c: {  	p1 =	slt.u32 s9, $0xF7A;
	s5 =	simm.s32 @!p2 $0x0  }
0x1d: {  	s5 =	simm.s32 @p1 $0x1;
	p0 =	seq.s32 s7, s2  }
0x1e: {  	s7 =	smul.u32 @!p0 $0xF7A, s2;
	p2 =	seq.s32 @!p0 s5, $0x0  }
0x1f: {  	s9 =	smul.u32 $0xF7A, s1;
	s8 =	simm.s32 @!p0 $0x1BF5;
	p2 =	por !p2, p0  }
0x20: {  	[sflag:s8] =	ssyncset.s32 @!p0 $0xFFFFF086;
	s6 =	sadd.s32 @!p0 s3, s7;
	s7 =	simm.s32 @!p0 $0x108  }
0x21: {  	s3 =	sadd.s32 s3, s9;
	s6 =	sadd.s32 @!p0 $0x88, s6;
	s7 =	simm.s32 @p2 $0x1082  }
0x22: {  	[simem:s7], [sflag:s8] =	dma.local @!p0 [hbm:s6], $0xF7A  }
0x23: {  	s9 =	sor.u32 $0xD0000000, s2;
	s6 =	simm.s32 $0x108;
	_ =	swait.ge @!p0 [sflag:s8], $0x0  }
0x24: {  	s3 =	sadd.s32 $0x88, s3;
	s6 =	simm.s32 @!p1 $0x1082;
	[sflag:s4] =	ssyncset.s32 $0xFFFFF086  }
0x25: {  	[simem:s6], [sflag:s4] =	dma.local [hbm:s3], $0xF7A  }
0x26: {  	[smem:$0x3F95] =	sst s1;
	(tag) =	ssettag s2;
	_ =	strace s9  }
0x27: {  	s1 =	sld [smem:$0x3FA5]  }
0x28: {  	s2 =	sld [smem:$0x3FA6]  }
0x29: {  	s4 =	sld [smem:$0x3FA8]  }
0x2a: {  	p0 =	seq.s32 s5, $0x0;
	s5 =	sld [smem:$0x3FA9]  }
0x2b: {  	s6 =	sld [smem:$0x3FAA]  }
0x2c: {  	s7 =	sld [smem:$0x3FAB]  }
0x2d: {  	s3 =	simm.s32 $0x108;
	s8 =	sld [smem:$0x3FAC]  }
0x2e: {  	s3 =	simm.s32 @!p0 $0x1082;
	s9 =	sld [smem:$0x3FAD]  }
0x2f: {  	lr =	sadd.s32 s0, s3;
	s0 =	sld [smem:$0x3FA4]  }
0x30: {  	s3 =	sld [smem:$0x3FA7]  }
0x31: {  	[smem:$0x3FB0] =	sst s10  }
0x32: {  	s10 =	sld [smem:$0x3FAE];
	_ =	sdelay $0x3  }
0x33: {  	p0 =	seq.s32 s10, $0x1;
	s10 =	sld [smem:$0x3FB0];
	_ =	sdelay $0x3  }
0x34: {  	[smem:$0x3FB0] =	sst s10  }
0x35: {  	s10 =	sld [smem:$0x3FAF];
	_ =	sdelay $0x3  }
0x36: {  	p1 =	seq.s32 s10, $0x1;
	s10 =	sld [smem:$0x3FB0];
	_ =	sdelay $0x3  }
0x37: {  	[smem:$0x3FB0] =	sst s10  }
0x38: {  	s10 =	sld [smem:$0x3FB1]  }
0x39: {  	_ = 	snop;
	(pc) =	sbr.ind lr, $3  }
0x3a: {  	_ = 	snop  }
0x3b: {  	_ = 	snop  }
0x3c: {  	p2 =	seq.s32 s10, $0x1;
	s10 =	sld [smem:$0x3FB0]  }
0x3d: {  	_ =	shalt  }
0x3e: {  	_ =	shalt  }
0x3f: {  	_ =	shalt  }
0x40: {  	_ =	shalt  }
0x41: {  	_ =	shalt  }
0x42: {  	_ =	shalt  }
0x43: {  	_ =	shalt  }
0x44: {  	_ =	shalt  }
0x45: {  	_ =	shalt  }
0x46: {  	_ =	shalt  }
0x47: {  	_ =	shalt  }
0x48: {  	_ =	shalt  }
0x49: {  	_ =	shalt  }
0x4a: {  	_ =	shalt  }
0x4b: {  	_ =	shalt  }
0x4c: {  	_ =	shalt  }
0x4d: {  	_ =	shalt  }
0x4e: {  	_ =	shalt  }
0x4f: {  	_ =	shalt  }
0x50: {  	_ =	shalt  }
0x51: {  	_ =	shalt  }
0x52: {  	_ =	shalt  }
0x53: {  	_ =	shalt  }
0x54: {  	_ =	shalt  }
0x55: {  	_ =	shalt  }
0x56: {  	_ =	shalt  }
0x57: {  	_ =	shalt  }
0x58: {  	_ =	shalt  }
0x59: {  	_ =	shalt  }
0x5a: {  	_ =	shalt  }
0x5b: {  	_ =	shalt  }
0x5c: {  	_ =	shalt  }
0x5d: {  	_ =	shalt  }
0x5e: {  	_ =	shalt  }
0x5f: {  	_ =	shalt  }
0x60: {  	_ =	shalt  }
0x61: {  	_ =	shalt  }
0x62: {  	_ =	shalt  }
0x63: {  	_ =	shalt  }
0x64: {  	_ =	shalt  }
0x65: {  	_ =	shalt  }
0x66: {  	_ =	shalt  }
0x67: {  	_ =	shalt  }
0x68: {  	_ =	shalt  }
0x69: {  	_ =	shalt  }
0x6a: {  	_ =	shalt  }
0x6b: {  	_ =	shalt  }
0x6c: {  	_ =	shalt  }
0x6d: {  	_ =	shalt  }
0x6e: {  	_ =	shalt  }
0x6f: {  	_ =	shalt  }
0x70: {  	_ =	shalt  }
0x71: {  	_ =	shalt  }
0x72: {  	_ =	shalt  }
0x73: {  	_ =	shalt  }
0x74: {  	_ =	shalt  }
0x75: {  	_ =	shalt  }
0x76: {  	_ =	shalt  }
0x77: {  	_ =	shalt  }
0x78: {  	_ =	shalt  }
0x79: {  	_ =	shalt  }
0x7a: {  	_ =	shalt  }
0x7b: {  	_ =	shalt  }
0x7c: {  	_ =	shalt  }
0x7d: {  	_ =	shalt  }
0x7e: {  	_ =	shalt  }
0x7f: {  	_ =	shalt  }
0x80: {  	_ =	shalt  }
0x81: {  	_ =	shalt  }
0x82: {  	_ =	shalt  }
0x83: {  	_ =	shalt  }
0x84: {  	_ =	shalt  }
0x85: {  	_ =	shalt  }
0x86: {  	_ =	shalt  }
0x87: {  	_ =	shalt  }
.Lfunc_end0:
.L_simem_size_0:
called_computation.2_lowered:
.L_overlay_start_0:
0x88: {  	s2 =	sld [smem:$0x3FD9]  }
0x89: {  	s3 =	sld [smem:$0x3FFE];
	_ =	sdelay $0x1  }
0x8a: {  	s1 =	srdreg.scid  }
0x8b: {  	s0 =	sand.u32 $0x1, s1  }
0x8c: {  	s17 =	sshll.u32 s0, $0xA;
	s2 =	sadd.s32 s3, s2  }
0x8d: {  	s2 =	sadd.s32 s2, s17  }
0x8e: {  	[smem:$0x3FBC] =	sst s2  }
0x8f: {  	_ = 	snop  }
0x90: {  	s2 =	sld [smem:$0x3FD0];
	(tm) =	ssettm $0x1  }
0x91: {  	s18 =	sld [smem:$0x3FFB];
	_ =	sdelay $0x3  }
0x92: {  	_ =	strace s18  }
0x93: {  	s3 =	sld [smem:$0x3FFC];
	_ =	sdelay $0x3  }
0x94: {  	_ =	strace s3  }
0x95: {  	s3 =	sld [smem:$0x3FFD];
	_ =	sdelay $0x3  }
0x96: {  	_ =	strace s3  }
0x97: {  	_ =	strace $0x8FFFFFFF  }
0x98: {  	s19 =	sld [smem:$0x3FDB];
	_ =	sdelay $0x1  }
0x99: {  	s4 =	simm.s32 $_scs_section_size  }
0x9a: {  	s5 =	simm.s32 $_size__tile_overlayer_lowered;
	s6 =	simm.s32 $_tile_overlayer_lowered  }
0x9b: {  	s22 =	simm.s32 $0x1BFF;
	s21 =	sshll.u32 s6, $0x1;
	s3 =	sadd.s32 s4, s19  }
0x9c: {  	s7 =	simm.s32 $0x0;
	s20 =	sshll.u32 s5, $0x1;
	s5 =	sadd.s32 s21, s3  }
0x9d: {  	[timem:s7], [sflag:s22] =	dma.local [hbm:s5], s20  }
0x9e: {  	_ =	swait.ge [sflag:s22], s20  }
0x9f: {  	s4 =	ssub.s32 $0x0, s20;
	[sflag:s22] =	ssyncset.done $0x0  }
0xa0: {  	[sflag:s22] =	ssyncadd.s32 s4;
	_ =	sdelay $0x1  }
0xa1: {  	s23 =	simm.s32 $0x1B8B  }
0xa2: {  	_ =	swait.ge [sflag:s23], $0x1  }
0xa3: {  	[sflag:s23] =	ssyncset.done $0x0  }
0xa4: {  	s25 =	simm.s32 $0x1B8E;
	s24 =	sld [smem:$0x3FFE];
	[sflag:s23] =	ssyncadd.s32 $0xFFFFFFFF  }
0xa5: {  	s26 =	simm.s32 $execute0_lowered;
	[smem:$0x3FD2] =	sst s25  }
0xa6: {  	s5 =	sshll.u32 s26, $0x1;
	_ =	strace $0x8000004C;
	[dreg:$0x1] =	wrdreg $0xFFFFFFFF  }
0xa7: {  	s28 =	simm.s32 $_size_execute0_lowered;
	s3 =	sadd.s32 s3, s5;
	[dreg:$0x0] =	wrdreg $0x0  }
0xa8: {  	s5 =	sshll.u32 s28, $0x1;
	[dreg:$0x2] =	wrdreg s3  }
0xa9: {  	[dreg:$0x3] =	wrdreg s5  }
0xaa: {  	[dreg:$0x4] =	wrdreg $0xC0  }
0xab: {  	_ =	task [dreg:s7], $0x5FFFF  }
0xac: {  	[dreg:$0x1] =	wrdreg $0xFFFFFFFF  }
0xad: {  	[dreg:$0x0] =	wrdreg $0x60  }
0xae: {  	[dreg:$0x2] =	wrdreg s2  }
0xaf: {  	[dreg:$0x3] =	wrdreg s24  }
0xb0: {  	[dreg:$0x4] =	wrdreg $0xA8000  }
0xb1: {  	[dreg:$0x5] =	wrdreg $0x9  }
0xb2: {  	_ =	task.clear_ibuf [dreg:s7], $0x6FFFF;
	_ =	strace $0x9000004C  }
0xb3: {  	s29 =	simm.s32 $0x9;
	_ =	strace $0x8000004E  }
0xb4: {  	_ =	swait.ge [sflag:s29], $0x1  }
0xb5: {  	[sflag:s29] =	ssyncadd.s32 $0xFFFFFFFF  }
0xb6: {  	_ =	strace $0x9000004E  }
0xb7: {  	_ =	sfence  }
0xb8: {  	s30 =	sld [smem:$0x0];
	_ =	sdelay $0x2  }
0xb9: {  	s31 =	sshll.u32 s1, $0xD;
	s1 =	sshrl.u32 s1, $0x2  }
0xba: {  	s3 =	sand.u32 $0x4000, s31;
	s1 =	sadd.s32 s1, s30  }
0xbb: {  	s0 =	sor.u32 s3, s0;
	s1 =	sshll.u32 s1, $0x11  }
0xbc: {  	s0 =	sor.u32 s1, s0  }
0xbd: {  	s0 =	sadd.s32 $0x8F2B, s0  }
0xbe: {  	[sflag:s0] =	ssyncadd.remote.s32 $0x1  }
0xbf: {  	_ =	sfence.sel $0xFFFF  }
0xc0: {  	[dreg:$0x0] =	wrdreg $0xFFFFFFFF;
	(pc) =	sbr.abs _section_cstart, $3  }
0xc1: {  	[dreg:$0x1] =	wrdreg $0xFFFFFFFF  }
0xc2: {  	_ =	task.clear_ibuf [dreg:s7], $0x2FFFF;
	_ =	strace $0x9FFFFFFF  }
0xc3: {  	(tm) =	ssettm $0x7FFFFFFF  }
tec
execute0_lowered:
.L_overlay_start_1:
0x0: {  	(tag) =	ssettag $0x1  }
0x1: {  	s10 =	rddreg [dreg:$0x0]  }
0x2: {  	s4 =	rddreg [dreg:$0x1]  }
0x3: {  	s1 =	rddreg [dreg:$0x2];
	s3 =	simm.s32 $0x0;
	s2 =	srdreg.scid  }
0x4: {  	s0 =	stileid.u32;
	s20 =	simm.s32 $0x2;
	s21 =	simm.s32 $0x2780  }
0x5: {  	s22 =	simm.s32 $0x6800;
	s23 =	simm.s32 $0x0;
	s7 =	smul.u32 $0x13800, s0  }
0x6: {  	[smem:$0x7FF] =	sst s3;
	s5 =	sand.u32 $0x1, s2;
	s8 =	smul.u32 $0x4E000, s0  }
0x7: {  	s11 =	sadd.s32 $0x3200, s4;
	s12 =	sadd.s32 $0x8200, s4;
	s31 =	smul.u32 $0x2800, s0  }
0x8: {  	s14 =	sadd.s32 $0xD200, s4;
	s30 =	sshll.u32 s0, $0x6;
	s9 =	smul.u32 $0x500, s0  }
0x9: {  	p0 =	sne.s32 s0, $0xF;
	s6 =	smul.u32 $0x138800, s5;
	s26 =	ssub.s32 $0x2, s5  }
0xa: {  	_ =	strace $0x8000004D;
	s5 =	sor.u32 $0x1C03, s30;
	s29 =	sshrl.u32 s26, $0x1  }
0xb: {  	s8 =	sshrl.u32 s8, $0x2;
	s19 =	sshrl.u32 s31, $0x3;
	s28 =	sadd.s32 s7, s6  }
0xc: {  	s15 =	ssub.s32 s26, s29;
	s16 =	sadd.s32 s8, s1;
	s17 =	sshrl.u32 s6, $0x3  }
0xd: {  	s6 =	sadd.s32 $0x138000, s1;
	s8 =	sadd.s32 s11, s9;
	s9 =	sadd.s32 s12, s9  }
0xe: {  	s19 =	sadd.s32 $0x280, s19;
	s13 =	sshrl.u32 s28, $0x3;
	s18 =	sadd.s32 $0x27000, s17  }
0xf: {  	s11 =	sadd.s32 s11, s19;
	s12 =	sadd.s32 s12, s19;
	s15 =	smax.u32 s15, $0x1  }
0x10: {  	s16 =	sshrl.u32 s16, $0x3;
	s19 =	simm.s32 $0x80;
	s4 =	sadd.s32 s10, s13  }
0x11: {  	s7 =	sadd.s32 s10, s18;
	s10 =	sadd.s32 s10, s17;
	s13 =	sadd.s32 s14, s13  }
0x12: {  	s14 =	sadd.s32 s14, s18;
	s17 =	simm.s32 $0x3;
	s18 =	simm.s32 $0x2800  }
.LBB2_1:
0x13: {  	[spmem:s16], [sflag:s5] =	dma.local [hbm:s4], $0x2700  }
0x14: {  	_ =	swait.ge [sflag:s17], $0x2700  }
0x15: {  	[sflag:s17] =	ssyncset.done $0x0  }
0x16: {  	s24 =	sshrl.u32 @!p0 s6, $0x3;
	s25 =	simm.s32 @!p0 $0x3;
	[sflag:s17] =	ssyncadd.s32 $0xFFFFD900  }
0x17: {  	[spmem:s24], [sflag:s5] =	dma.local @!p0 [hbm:s7], $0x100  }
0x18: {  	_ =	swait.ge @!p0 [sflag:s25], $0x100  }
0x19: {  	[sflag:s25] =	ssyncset.done @!p0 $0x0  }
0x1a: {  	[sflag:s25] =	ssyncadd.s32 @!p0 $0xFFFFFF00  }
0x1b: {  	[bflag:$0x0] =	sbarrier.arrive $0xFFFF  }
0x1c: {  	[tilespmem:s3], [sflag:$0x3] =	stream.linear.gather [hbm4b:s8+s3], $0x1400, $0x38;
	[tilespmem:$0x1E100] =	vst v63  }
0x1d: {  	_ =	swait.ge [sflag:s17], $0x1400  }
0x1e: {  	[sflag:s17] =	ssyncset.done $0x0  }
0x1f: {  	s2 =	simm.s32 $0x1400;
	[sflag:s17] =	ssyncadd.s32 $0xFFFFEC00  }
0x20: {  	[tilespmem:s2], [sflag:$0x3] =	stream.linear.gather [hbm4b:s9+s3], $0x1400, $0x38;
	[tilespmem:$0x1E100] =	vst v63  }
0x21: {  	s26 =	simm.s32 $0x1;
	_ =	swait.ge [sflag:s17], $0x1400  }
0x22: {  	s28 =	simm.s32 $0x0;
	s26 =	sand.u32 $0x1, s26;
	[sflag:s17] =	ssyncset.done $0x0  }
0x23: {  	s28 =	sand.u32 $0x1, s28;
	s29 =	sshll.u32 s26, $0xE;
	[sflag:s17] =	ssyncadd.s32 $0xFFFFEC00  }
0x24: {  	[tilespmem:s18], [sflag:$0x1] =	stream.indirect.gather [hbm4b:s10+s19], $0x80, s3, s19, $0xb8;
	[tilespmem:$0x1E100] =	vst v63  }
0x25: {  	s26 =	sadd.s32 $0x1, s26;
	s30 =	sadd.s32 $0x1, s28;
	s29 =	sor.u32 $0x2800, s29  }
0x26: {  	[tilespmem:s29], [sflag:s26] =	stream.indirect.gather [hbm4b:s10+s19], $0x80, s19, s19, $0xb8;
	[tilespmem:$0x1E100] =	vst v63  }
0x27: {  	s31 =	sshll.u32 s28, $0xE;
	_ =	swait.ge [sflag:s30], $0x4000  }
0x28: {  	s28 =	simm.s32 $0x2;
	s25 =	simm.s32 $0x1480;
	[sflag:s30] =	ssyncset.done $0x0  }
0x29: {  	s26 =	sor.u32 $0x2800, s31;
	s29 =	simm.s32 $0x3;
	[sflag:s30] =	ssyncadd.s32 $0xFFFFC000  }
0x2a: {  	[spmem:s1] =	stream.indirect.scatter.add.f32 [tilespmem:s26], [sflag:$0x3], $0x80, s2, s19, $0xb8;
	[tilespmem:$0x1E100] =	vst v63  }
0x2b: {  	s30 =	sand.u32 $0x1, s28;
	s26 =	simm.s32 $0x100;
	_ =	swait.ge [sflag:s17], $0x4000  }
.LBB2_2:
0x2c: {  	s31 =	sadd.s32 $0xFFFFFFFF, s28;
	s0 =	sshll.u32 s30, $0xE  }
0x2d: {  	[sflag:s17] =	ssyncset.done $0x0;
	s28 =	smov.u32 s29;
	s30 =	sadd.s32 $0x1, s30  }
0x2e: {  	p1 =	sne.s32 s29, $0x27;
	s0 =	sor.u32 $0x2800, s0;
	s31 =	sand.u32 $0x1, s31  }
0x2f: {  	s2 =	sadd.s32 $0x1, s31;
	s31 =	sshll.u32 s31, $0xE;
	[sflag:s17] =	ssyncadd.s32 $0xFFFFC000  }
0x30: {  	[tilespmem:s0], [sflag:s30] =	stream.indirect.gather [hbm4b:s10+s19], $0x80, s26, s19, $0xb8;
	[tilespmem:$0x1E100] =	vst v63  }
.Ltmp0:
0x31: {  	s0 =	sadd.s32 $0x1, s29;
	_ =	swait.ge [sflag:s2], $0x4000;
	(pc) =	sbr.rel @p1 .LBB2_2-.Ltmp0, $4  }
0x32: {  	s29 =	sor.u32 $0x2800, s31;
	[sflag:s2] =	ssyncset.done $0x0  }
0x33: {  	s26 =	sadd.s32 $0x80, s26;
	s30 =	sand.u32 $0x1, s28;
	[sflag:s2] =	ssyncadd.s32 $0xFFFFC000  }
0x34: {  	[spmem:s1] =	stream.indirect.scatter.add.f32 [tilespmem:s29], [sflag:$0x3], $0x80, s25, s19, $0xb8;
	[tilespmem:$0x1E100] =	vst v63  }
0x35: {  	s25 =	sadd.s32 $0x80, s25;
	s29 =	smov.u32 s0;
	_ =	swait.ge [sflag:s17], $0x4000  }
0x36: {  	s0 =	sadd.s32 $0xFFFFFFFF, s28;
	s2 =	sshll.u32 s30, $0xE  }
0x37: {  	[sflag:s17] =	ssyncset.done $0x0;
	s28 =	sadd.s32 $0x1, s30;
	s0 =	sand.u32 $0x1, s0  }
0x38: {  	s2 =	sor.u32 $0x2800, s2;
	[sflag:s17] =	ssyncadd.s32 $0xFFFFC000;
	s29 =	sadd.s32 $0x1, s0  }
0x39: {  	[tilespmem:s2], [sflag:s28] =	stream.indirect.gather [hbm4b:s10+s19], $0x80, s26, s19, $0xb8;
	[tilespmem:$0x1E100] =	vst v63  }
0x3a: {  	_ =	swait.ge [sflag:s29], $0x4000  }
0x3b: {  	s0 =	sshll.u32 s0, $0xE;
	[sflag:s29] =	ssyncset.done $0x0  }
0x3c: {  	s0 =	sor.u32 $0x2800, s0;
	[sflag:s29] =	ssyncadd.s32 $0xFFFFC000  }
0x3d: {  	[spmem:s1] =	stream.indirect.scatter.add.f32 [tilespmem:s0], [sflag:$0x3], $0x80, s25, s19, $0xb8;
	[tilespmem:$0x1E100] =	vst v63  }
0x3e: {  	_ =	swait.ge [sflag:s17], $0x4000  }
0x3f: {  	[sflag:s17] =	ssyncset.done $0x0  }
0x40: {  	[sflag:s17] =	ssyncadd.s32 $0xFFFFC000  }
0x41: {  	_ =	swait.ge [sflag:s20], $0x4000  }
0x42: {  	[sflag:s20] =	ssyncset.done $0x0  }
0x43: {  	s0 =	simm.s32 $0x80;
	[sflag:s20] =	ssyncadd.s32 $0xFFFFC000  }
0x44: {  	[spmem:s1] =	stream.indirect.scatter.add.f32 [tilespmem:s22], [sflag:$0x3], $0x80, s21, s0, $0xb8;
	[tilespmem:$0x1E100] =	vst v63  }
0x45: {  	_ =	swait.ge [sflag:s17], $0x4000  }
0x46: {  	[sflag:s17] =	ssyncset.done $0x0  }
0x47: {  	[sflag:s17] =	ssyncadd.s32 $0xFFFFC000  }
0x48: {  	[tilespmem:s3], [sflag:$0x3] =	stream.linear.gather [hbm4b:s11+s3], $0x1400, $0x38;
	[tilespmem:$0x1E100] =	vst v63  }
0x49: {  	_ =	swait.ge [sflag:s17], $0x1400  }
0x4a: {  	[sflag:s17] =	ssyncset.done $0x0  }
0x4b: {  	s2 =	simm.s32 $0x1400;
	[sflag:s17] =	ssyncadd.s32 $0xFFFFEC00  }
0x4c: {  	[tilespmem:s2], [sflag:$0x3] =	stream.linear.gather [hbm4b:s12+s3], $0x1400, $0x38;
	[tilespmem:$0x1E100] =	vst v63  }
0x4d: {  	s26 =	simm.s32 $0x1;
	_ =	swait.ge [sflag:s17], $0x1400  }
0x4e: {  	s31 =	simm.s32 $0x0;
	s25 =	sand.u32 $0x1, s26;
	[sflag:s17] =	ssyncset.done $0x0  }
0x4f: {  	s26 =	sand.u32 $0x1, s31;
	s28 =	sshll.u32 s25, $0xE;
	[sflag:s17] =	ssyncadd.s32 $0xFFFFEC00  }
0x50: {  	[tilespmem:s18], [sflag:$0x1] =	stream.indirect.gather [hbm4b:s10+s0], $0x80, s3, s0, $0xb8;
	[tilespmem:$0x1E100] =	vst v63  }
0x51: {  	s25 =	sadd.s32 $0x1, s25;
	s29 =	sadd.s32 $0x1, s26;
	s28 =	sor.u32 $0x2800, s28  }
0x52: {  	[tilespmem:s28], [sflag:s25] =	stream.indirect.gather [hbm4b:s10+s19], $0x80, s0, s19, $0xb8;
	[tilespmem:$0x1E100] =	vst v63  }
0x53: {  	s31 =	sshll.u32 s26, $0xE;
	_ =	swait.ge [sflag:s29], $0x4000  }
0x54: {  	s26 =	simm.s32 $0x100;
	s0 =	sor.u32 $0x2800, s31;
	[sflag:s29] =	ssyncset.done $0x0  }
0x55: {  	s28 =	simm.s32 $0x2;
	s25 =	simm.s32 $0x1480;
	[sflag:s29] =	ssyncadd.s32 $0xFFFFC000  }
0x56: {  	[spmem:s1] =	stream.indirect.scatter.add.f32 [tilespmem:s0], [sflag:$0x3], $0x80, s2, s19, $0xb8;
	[tilespmem:$0x1E100] =	vst v63  }
0x57: {  	s30 =	sand.u32 $0x1, s28;
	s29 =	simm.s32 $0x3;
	_ =	swait.ge [sflag:s17], $0x4000  }
.LBB2_4:
0x58: {  	s0 =	sadd.s32 $0xFFFFFFFF, s28;
	s2 =	sshll.u32 s30, $0xE  }
0x59: {  	[sflag:s17] =	ssyncset.done $0x0;
	s28 =	smov.u32 s29;
	s30 =	sadd.s32 $0x1, s30  }
0x5a: {  	p1 =	sne.s32 s29, $0x27;
	s2 =	sor.u32 $0x2800, s2;
	s0 =	sand.u32 $0x1, s0  }
0x5b: {  	s31 =	sadd.s32 $0x1, s0;
	s0 =	sshll.u32 s0, $0xE;
	[sflag:s17] =	ssyncadd.s32 $0xFFFFC000  }
0x5c: {  	[tilespmem:s2], [sflag:s30] =	stream.indirect.gather [hbm4b:s10+s19], $0x80, s26, s19, $0xb8;
	[tilespmem:$0x1E100] =	vst v63  }
.Ltmp1:
0x5d: {  	s2 =	sadd.s32 $0x1, s29;
	_ =	swait.ge [sflag:s31], $0x4000;
	(pc) =	sbr.rel @p1 .LBB2_4-.Ltmp1, $4  }
0x5e: {  	s0 =	sor.u32 $0x2800, s0;
	[sflag:s31] =	ssyncset.done $0x0  }
0x5f: {  	s26 =	sadd.s32 $0x80, s26;
	s30 =	sand.u32 $0x1, s28;
	[sflag:s31] =	ssyncadd.s32 $0xFFFFC000  }
0x60: {  	[spmem:s1] =	stream.indirect.scatter.add.f32 [tilespmem:s0], [sflag:$0x3], $0x80, s25, s19, $0xb8;
	[tilespmem:$0x1E100] =	vst v63  }
0x61: {  	s29 =	smov.u32 s2;
	s25 =	sadd.s32 $0x80, s25;
	_ =	swait.ge [sflag:s17], $0x4000  }
0x62: {  	s0 =	sadd.s32 $0xFFFFFFFF, s28;
	s2 =	sshll.u32 s30, $0xE  }
0x63: {  	[sflag:s17] =	ssyncset.done $0x0;
	s31 =	sadd.s32 $0x1, s30;
	s0 =	sand.u32 $0x1, s0  }
0x64: {  	s2 =	sor.u32 $0x2800, s2;
	[sflag:s17] =	ssyncadd.s32 $0xFFFFC000;
	s29 =	sadd.s32 $0x1, s0  }
0x65: {  	[tilespmem:s2], [sflag:s31] =	stream.indirect.gather [hbm4b:s10+s19], $0x80, s26, s19, $0xb8;
	[tilespmem:$0x1E100] =	vst v63  }
0x66: {  	_ =	swait.ge [sflag:s29], $0x4000  }
0x67: {  	s0 =	sshll.u32 s0, $0xE;
	[sflag:s29] =	ssyncset.done $0x0  }
0x68: {  	s0 =	sor.u32 $0x2800, s0;
	[sflag:s29] =	ssyncadd.s32 $0xFFFFC000  }
0x69: {  	[spmem:s1] =	stream.indirect.scatter.add.f32 [tilespmem:s0], [sflag:$0x3], $0x80, s25, s19, $0xb8;
	[tilespmem:$0x1E100] =	vst v63  }
0x6a: {  	_ =	swait.ge [sflag:s17], $0x4000  }
0x6b: {  	[sflag:s17] =	ssyncset.done $0x0  }
0x6c: {  	[sflag:s17] =	ssyncadd.s32 $0xFFFFC000  }
0x6d: {  	_ =	swait.ge [sflag:s20], $0x4000  }
0x6e: {  	[sflag:s20] =	ssyncset.done $0x0  }
0x6f: {  	[sflag:s20] =	ssyncadd.s32 $0xFFFFC000  }
0x70: {  	[spmem:s1] =	stream.indirect.scatter.add.f32 [tilespmem:s22], [sflag:$0x3], $0x80, s21, s19, $0xb8;
	[tilespmem:$0x1E100] =	vst v63  }
0x71: {  	_ =	swait.ge [sflag:s17], $0x4000  }
0x72: {  	[sflag:s17] =	ssyncset.done $0x0  }
0x73: {  	[sflag:s17] =	ssyncadd.s32 $0xFFFFC000  }
0x74: {  	[bflag:$0x0] =	sbarrier.arrive $0xFFFF  }
0x75: {  	[hbm:s13], [sflag:s5] =	dma.local [spmem:s16], $0x2700  }
0x76: {  	s23 =	sadd.s32 $0x1, s23;
	_ =	swait.ge [sflag:s17], $0x2700  }
0x77: {  	p1 =	sne.s32 s23, s15;
	[sflag:s17] =	ssyncset.done $0x0  }
.Ltmp2:
0x78: {  	s0 =	simm.s32 @!p0 $0x3;
	[sflag:s17] =	ssyncadd.s32 $0xFFFFD900;
	(pc) =	sbr.rel @p1 .LBB2_1-.Ltmp2, $4  }
0x79: {  	[hbm:s14], [sflag:s5] =	dma.local @!p0 [spmem:s24], $0x100  }
0x7a: {  	_ =	swait.ge @!p0 [sflag:s0], $0x100  }
0x7b: {  	[sflag:s0] =	ssyncset.done @!p0 $0x0  }
0x7c: {  	[sflag:s0] =	ssyncadd.s32 @!p0 $0xFFFFFF00  }
0x7d: {  	_ =	sfence.sel $0x180000  }
0x7e: {  	[bflag:$0x0] =	sbarrier.arrive $0xFFFF  }
0x7f: {  	_ =	strace $0x9000004D  }
0x80: {  	s0 =	stileid.u32;
	[bflag:$0x2] =	sbarrier.arrive $0xFFFF  }
0x81: {  	p0 =	sne.s32 s0, $0x0;
	s0 =	rddreg [dreg:$0x3]  }
0x82: {  	s0 =	sadd.s32 @!p0 $0x100000, s0  }
0x83: {  	[sflag:s0] =	ssyncadd.tile.s32 @!p0 $0x1;
	_ =	shalt  }
.Lfunc_end2:
_tile_overlayer_lowered:
.L_overlay_start_2:
0x84: {  	(tag) =	ssettag $0x2  }
0x85: {  	s0 =	rddreg [dreg:$0x0];
	s2 =	stileid.u32  }
0x86: {  	s1 =	rddreg [dreg:$0x1];
	p0 =	sne.s32 s2, $0x0  }
0x87: {  	s3 =	rddreg [dreg:$0x2];
	[bflag:$0x3] =	sbarrier.arrive $0xFFFF;
	s2 =	simm.s32 @!p0 $0x1C03  }
0x88: {  	[timem:s3], [sflag:s2] =	dma.local @!p0 [hbm:s0], s1  }
0x89: {  	s0 =	simm.s32 @!p0 $0x3  }
0x8a: {  	_ =	swait.ge @!p0 [sflag:s0], s1  }
0x8b: {  	s1 =	ssub.s32 @!p0 $0x0, s1;
	[sflag:s0] =	ssyncset.done @!p0 $0x0  }
0x8c: {  	[sflag:s0] =	ssyncadd.s32 @!p0 s1  }
0x8d: {  	[bflag:$0x3] =	sbarrier.arrive $0xFFFF  }
0x8e: {  	_ =	shalt  }

// kernel: kernel.24.cloned.1.call-start
scs
__scs_entry_jumppad:
0x0: {  	(pc) =	sbr.rel $0x88, $3  }
0x1: {  	(tag) =	ssettag $0x0;
	lr =	simm.s32 $0x1  }
0x2: {  	[smem:$0x3F95] =	sst lr;
	_ =	strace $0xD0000000  }
0x3: {  	_ = 	snop  }
0x4: {  	_ = 	snop  }
0x5: {  	_ = 	snop  }
0x6: {  	_ = 	snop  }
0x7: {  	_ = 	snop  }
__scs_overlays_trampoline_lowered:
0x8: {  	[smem:$0x3FA4] =	sst s0  }
0x9: {  	[smem:$0x3FA5] =	sst s1  }
0xa: {  	[smem:$0x3FA6] =	sst s2  }
0xb: {  	[smem:$0x3FA7] =	sst s3  }
0xc: {  	[smem:$0x3FA8] =	sst s4  }
0xd: {  	[smem:$0x3FA9] =	sst s5  }
0xe: {  	[smem:$0x3FAA] =	sst s6  }
0xf: {  	[smem:$0x3FAB] =	sst s7  }
0x10: {  	[smem:$0x3FAC] =	sst s8  }
0x11: {  	[smem:$0x3FAD] =	sst s9;
	s0 =	simm.s32 @!p0 $0x0  }
0x12: {  	s1 =	sld [smem:$0x3F93];
	s0 =	simm.s32 @p0 $0x1  }
0x13: {  	[smem:$0x3FAE] =	sst s0;
	s0 =	simm.s32 @!p1 $0x0  }
0x14: {  	s2 =	sld [smem:$0x3F92];
	s0 =	simm.s32 @p1 $0x1  }
0x15: {  	[smem:$0x3FAF] =	sst s0;
	s0 =	simm.s32 @!p2 $0x0  }
0x16: {  	s3 =	sld [smem:$0x3FDB];
	s0 =	simm.s32 @p2 $0x1  }
0x17: {  	s4 =	simm.s32 $0x1BF5;
	[smem:$0x3FB1] =	sst s0  }
0x18: {  	s0 =	sld [smem:$0x3F94];
	_ =	swait.ge [sflag:s4], $0x0  }
0x19: {  	s7 =	sld [smem:$0x3F95]  }
0x1a: {  	s8 =	sadd.s32 $0xFFFFE003, lr  }
0x1b: {  	s9 =	sadd.s32 $0xFFFFFEF7, lr;
	s5 =	simm.s32 $0xFFFFFFFF;
	p2 =	slt.u32 s8, $0xFFFFF086  }
0x1c: {  	p1 =	slt.u32 s9, $0xF7A;
	s5 =	simm.s32 @!p2 $0x0  }
0x1d: {  	s5 =	simm.s32 @p1 $0x1;
	p0 =	seq.s32 s7, s2  }
0x1e: {  	s7 =	smul.u32 @!p0 $0xF7A, s2;
	p2 =	seq.s32 @!p0 s5, $0x0  }
0x1f: {  	s9 =	smul.u32 $0xF7A, s1;
	s8 =	simm.s32 @!p0 $0x1BF5;
	p2 =	por !p2, p0  }
0x20: {  	[sflag:s8] =	ssyncset.s32 @!p0 $0xFFFFF086;
	s6 =	sadd.s32 @!p0 s3, s7;
	s7 =	simm.s32 @!p0 $0x108  }
0x21: {  	s3 =	sadd.s32 s3, s9;
	s6 =	sadd.s32 @!p0 $0x88, s6;
	s7 =	simm.s32 @p2 $0x1082  }
0x22: {  	[simem:s7], [sflag:s8] =	dma.local @!p0 [hbm:s6], $0xF7A  }
0x23: {  	s9 =	sor.u32 $0xD0000000, s2;
	s6 =	simm.s32 $0x108;
	_ =	swait.ge @!p0 [sflag:s8], $0x0  }
0x24: {  	s3 =	sadd.s32 $0x88, s3;
	s6 =	simm.s32 @!p1 $0x1082;
	[sflag:s4] =	ssyncset.s32 $0xFFFFF086  }
0x25: {  	[simem:s6], [sflag:s4] =	dma.local [hbm:s3], $0xF7A  }
0x26: {  	[smem:$0x3F95] =	sst s1;
	(tag) =	ssettag s2;
	_ =	strace s9  }
0x27: {  	s1 =	sld [smem:$0x3FA5]  }
0x28: {  	s2 =	sld [smem:$0x3FA6]  }
0x29: {  	s4 =	sld [smem:$0x3FA8]  }
0x2a: {  	p0 =	seq.s32 s5, $0x0;
	s5 =	sld [smem:$0x3FA9]  }
0x2b: {  	s6 =	sld [smem:$0x3FAA]  }
0x2c: {  	s7 =	sld [smem:$0x3FAB]  }
0x2d: {  	s3 =	simm.s32 $0x108;
	s8 =	sld [smem:$0x3FAC]  }
0x2e: {  	s3 =	simm.s32 @!p0 $0x1082;
	s9 =	sld [smem:$0x3FAD]  }
0x2f: {  	lr =	sadd.s32 s0, s3;
	s0 =	sld [smem:$0x3FA4]  }
0x30: {  	s3 =	sld [smem:$0x3FA7]  }
0x31: {  	[smem:$0x3FB0] =	sst s10  }
0x32: {  	s10 =	sld [smem:$0x3FAE];
	_ =	sdelay $0x3  }
0x33: {  	p0 =	seq.s32 s10, $0x1;
	s10 =	sld [smem:$0x3FB0];
	_ =	sdelay $0x3  }
0x34: {  	[smem:$0x3FB0] =	sst s10  }
0x35: {  	s10 =	sld [smem:$0x3FAF];
	_ =	sdelay $0x3  }
0x36: {  	p1 =	seq.s32 s10, $0x1;
	s10 =	sld [smem:$0x3FB0];
	_ =	sdelay $0x3  }
0x37: {  	[smem:$0x3FB0] =	sst s10  }
0x38: {  	s10 =	sld [smem:$0x3FB1]  }
0x39: {  	_ = 	snop;
	(pc) =	sbr.ind lr, $3  }
0x3a: {  	_ = 	snop  }
0x3b: {  	_ = 	snop  }
0x3c: {  	p2 =	seq.s32 s10, $0x1;
	s10 =	sld [smem:$0x3FB0]  }
0x3d: {  	_ =	shalt  }
0x3e: {  	_ =	shalt  }
0x3f: {  	_ =	shalt  }
0x40: {  	_ =	shalt  }
0x41: {  	_ =	shalt  }
0x42: {  	_ =	shalt  }
0x43: {  	_ =	shalt  }
0x44: {  	_ =	shalt  }
0x45: {  	_ =	shalt  }
0x46: {  	_ =	shalt  }
0x47: {  	_ =	shalt  }
0x48: {  	_ =	shalt  }
0x49: {  	_ =	shalt  }
0x4a: {  	_ =	shalt  }
0x4b: {  	_ =	shalt  }
0x4c: {  	_ =	shalt  }
0x4d: {  	_ =	shalt  }
0x4e: {  	_ =	shalt  }
0x4f: {  	_ =	shalt  }
0x50: {  	_ =	shalt  }
0x51: {  	_ =	shalt  }
0x52: {  	_ =	shalt  }
0x53: {  	_ =	shalt  }
0x54: {  	_ =	shalt  }
0x55: {  	_ =	shalt  }
0x56: {  	_ =	shalt  }
0x57: {  	_ =	shalt  }
0x58: {  	_ =	shalt  }
0x59: {  	_ =	shalt  }
0x5a: {  	_ =	shalt  }
0x5b: {  	_ =	shalt  }
0x5c: {  	_ =	shalt  }
0x5d: {  	_ =	shalt  }
0x5e: {  	_ =	shalt  }
0x5f: {  	_ =	shalt  }
0x60: {  	_ =	shalt  }
0x61: {  	_ =	shalt  }
0x62: {  	_ =	shalt  }
0x63: {  	_ =	shalt  }
0x64: {  	_ =	shalt  }
0x65: {  	_ =	shalt  }
0x66: {  	_ =	shalt  }
0x67: {  	_ =	shalt  }
0x68: {  	_ =	shalt  }
0x69: {  	_ =	shalt  }
0x6a: {  	_ =	shalt  }
0x6b: {  	_ =	shalt  }
0x6c: {  	_ =	shalt  }
0x6d: {  	_ =	shalt  }
0x6e: {  	_ =	shalt  }
0x6f: {  	_ =	shalt  }
0x70: {  	_ =	shalt  }
0x71: {  	_ =	shalt  }
0x72: {  	_ =	shalt  }
0x73: {  	_ =	shalt  }
0x74: {  	_ =	shalt  }
0x75: {  	_ =	shalt  }
0x76: {  	_ =	shalt  }
0x77: {  	_ =	shalt  }
0x78: {  	_ =	shalt  }
0x79: {  	_ =	shalt  }
0x7a: {  	_ =	shalt  }
0x7b: {  	_ =	shalt  }
0x7c: {  	_ =	shalt  }
0x7d: {  	_ =	shalt  }
0x7e: {  	_ =	shalt  }
0x7f: {  	_ =	shalt  }
0x80: {  	_ =	shalt  }
0x81: {  	_ =	shalt  }
0x82: {  	_ =	shalt  }
0x83: {  	_ =	shalt  }
0x84: {  	_ =	shalt  }
0x85: {  	_ =	shalt  }
0x86: {  	_ =	shalt  }
0x87: {  	_ =	shalt  }
.Lfunc_end0:
.L_simem_size_0:
called_computation.3_lowered:
.L_overlay_start_0:
0x88: {  	s2 =	sld [smem:$0x3FD9]  }
0x89: {  	s3 =	sld [smem:$0x3FFE];
	_ =	sdelay $0x1  }
0x8a: {  	s1 =	srdreg.scid  }
0x8b: {  	s0 =	sand.u32 $0x1, s1  }
0x8c: {  	s17 =	sshll.u32 s0, $0xA;
	s2 =	sadd.s32 s3, s2  }
0x8d: {  	s2 =	sadd.s32 s2, s17  }
0x8e: {  	[smem:$0x3FBC] =	sst s2  }
0x8f: {  	_ = 	snop  }
0x90: {  	s2 =	sld [smem:$0x3FD0];
	(tm) =	ssettm $0x1  }
0x91: {  	s18 =	sld [smem:$0x3FFB];
	_ =	sdelay $0x3  }
0x92: {  	_ =	strace s18  }
0x93: {  	s3 =	sld [smem:$0x3FFC];
	_ =	sdelay $0x3  }
0x94: {  	_ =	strace s3  }
0x95: {  	s3 =	sld [smem:$0x3FFD];
	_ =	sdelay $0x3  }
0x96: {  	_ =	strace s3  }
0x97: {  	_ =	strace $0x8FFFFFFF  }
0x98: {  	s19 =	sld [smem:$0x3FDB];
	_ =	sdelay $0x1  }
0x99: {  	s4 =	simm.s32 $_scs_section_size  }
0x9a: {  	s5 =	simm.s32 $_size__tile_overlayer_lowered;
	s6 =	simm.s32 $_tile_overlayer_lowered  }
0x9b: {  	s22 =	simm.s32 $0x1BFF;
	s21 =	sshll.u32 s6, $0x1;
	s3 =	sadd.s32 s4, s19  }
0x9c: {  	s7 =	simm.s32 $0x0;
	s20 =	sshll.u32 s5, $0x1;
	s5 =	sadd.s32 s21, s3  }
0x9d: {  	[timem:s7], [sflag:s22] =	dma.local [hbm:s5], s20  }
0x9e: {  	_ =	swait.ge [sflag:s22], s20  }
0x9f: {  	s4 =	ssub.s32 $0x0, s20;
	[sflag:s22] =	ssyncset.done $0x0  }
0xa0: {  	[sflag:s22] =	ssyncadd.s32 s4;
	_ =	sdelay $0x1  }
0xa1: {  	s23 =	simm.s32 $0x1B8B  }
0xa2: {  	_ =	swait.ge [sflag:s23], $0x1  }
0xa3: {  	[sflag:s23] =	ssyncset.done $0x0  }
0xa4: {  	s25 =	simm.s32 $0x1B8E;
	s24 =	sld [smem:$0x3FFE];
	[sflag:s23] =	ssyncadd.s32 $0xFFFFFFFF  }
0xa5: {  	s26 =	simm.s32 $execute0_lowered;
	[smem:$0x3FD2] =	sst s25  }
0xa6: {  	s5 =	sshll.u32 s26, $0x1;
	_ =	strace $0x8000004F;
	[dreg:$0x1] =	wrdreg $0xFFFFFFFF  }
0xa7: {  	s28 =	simm.s32 $_size_execute0_lowered;
	s3 =	sadd.s32 s3, s5;
	[dreg:$0x0] =	wrdreg $0x0  }
0xa8: {  	s5 =	sshll.u32 s28, $0x1;
	[dreg:$0x2] =	wrdreg s3  }
0xa9: {  	[dreg:$0x3] =	wrdreg s5  }
0xaa: {  	[dreg:$0x4] =	wrdreg $0xC0  }
0xab: {  	_ =	task [dreg:s7], $0x5FFFF  }
0xac: {  	[dreg:$0x1] =	wrdreg $0xFFFFFFFF  }
0xad: {  	[dreg:$0x0] =	wrdreg $0x60  }
0xae: {  	[dreg:$0x2] =	wrdreg s2  }
0xaf: {  	[dreg:$0x3] =	wrdreg s24  }
0xb0: {  	[dreg:$0x4] =	wrdreg $0xA8000  }
0xb1: {  	[dreg:$0x5] =	wrdreg $0x9  }
0xb2: {  	_ =	task.clear_ibuf [dreg:s7], $0x6FFFF;
	_ =	strace $0x9000004F  }
0xb3: {  	s29 =	simm.s32 $0x9;
	_ =	strace $0x80000051  }
0xb4: {  	_ =	swait.ge [sflag:s29], $0x1  }
0xb5: {  	[sflag:s29] =	ssyncadd.s32 $0xFFFFFFFF  }
0xb6: {  	_ =	strace $0x90000051  }
0xb7: {  	_ =	sfence  }
0xb8: {  	s30 =	sld [smem:$0x0];
	_ =	sdelay $0x2  }
0xb9: {  	s31 =	sshll.u32 s1, $0xD;
	s1 =	sshrl.u32 s1, $0x2  }
0xba: {  	s3 =	sand.u32 $0x4000, s31;
	s1 =	sadd.s32 s1, s30  }
0xbb: {  	s0 =	sor.u32 s3, s0;
	s1 =	sshll.u32 s1, $0x11  }
0xbc: {  	s0 =	sor.u32 s1, s0  }
0xbd: {  	s0 =	sadd.s32 $0x8F2B, s0  }
0xbe: {  	[sflag:s0] =	ssyncadd.remote.s32 $0x1  }
0xbf: {  	_ =	sfence.sel $0xFFFF  }
0xc0: {  	[dreg:$0x0] =	wrdreg $0xFFFFFFFF;
	(pc) =	sbr.abs _section_cstart, $3  }
0xc1: {  	[dreg:$0x1] =	wrdreg $0xFFFFFFFF  }
0xc2: {  	_ =	task.clear_ibuf [dreg:s7], $0x2FFFF;
	_ =	strace $0x9FFFFFFF  }
0xc3: {  	(tm) =	ssettm $0x7FFFFFFF  }
tec
execute0_lowered:
.L_overlay_start_1:
0x0: {  	(tag) =	ssettag $0x1  }
0x1: {  	s10 =	rddreg [dreg:$0x0]  }
0x2: {  	s4 =	rddreg [dreg:$0x1]  }
0x3: {  	s1 =	rddreg [dreg:$0x2];
	s3 =	simm.s32 $0x0;
	s2 =	srdreg.scid  }
0x4: {  	s0 =	stileid.u32;
	s20 =	simm.s32 $0x2;
	s21 =	simm.s32 $0x2780  }
0x5: {  	s22 =	simm.s32 $0x6800;
	s23 =	simm.s32 $0x0;
	s7 =	smul.u32 $0x13800, s0  }
0x6: {  	[smem:$0x7FF] =	sst s3;
	s5 =	sand.u32 $0x1, s2;
	s8 =	smul.u32 $0x4E000, s0  }
0x7: {  	s11 =	sadd.s32 $0x3200, s4;
	s12 =	sadd.s32 $0x8200, s4;
	s31 =	smul.u32 $0x2800, s0  }
0x8: {  	s14 =	sadd.s32 $0xD200, s4;
	s30 =	sshll.u32 s0, $0x6;
	s9 =	smul.u32 $0x500, s0  }
0x9: {  	p0 =	sne.s32 s0, $0xF;
	s6 =	smul.u32 $0x138800, s5;
	s26 =	ssub.s32 $0x2, s5  }
0xa: {  	_ =	strace $0x80000050;
	s5 =	sor.u32 $0x1C03, s30;
	s29 =	sshrl.u32 s26, $0x1  }
0xb: {  	s8 =	sshrl.u32 s8, $0x2;
	s19 =	sshrl.u32 s31, $0x3;
	s28 =	sadd.s32 s7, s6  }
0xc: {  	s15 =	ssub.s32 s26, s29;
	s16 =	sadd.s32 s8, s1;
	s17 =	sshrl.u32 s6, $0x3  }
0xd: {  	s6 =	sadd.s32 $0x138000, s1;
	s8 =	sadd.s32 s11, s9;
	s9 =	sadd.s32 s12, s9  }
0xe: {  	s19 =	sadd.s32 $0x280, s19;
	s13 =	sshrl.u32 s28, $0x3;
	s18 =	sadd.s32 $0x27000, s17  }
0xf: {  	s11 =	sadd.s32 s11, s19;
	s12 =	sadd.s32 s12, s19;
	s15 =	smax.u32 s15, $0x1  }
0x10: {  	s16 =	sshrl.u32 s16, $0x3;
	s19 =	simm.s32 $0x80;
	s4 =	sadd.s32 s10, s13  }
0x11: {  	s7 =	sadd.s32 s10, s18;
	s10 =	sadd.s32 s10, s17;
	s13 =	sadd.s32 s14, s13  }
0x12: {  	s14 =	sadd.s32 s14, s18;
	s17 =	simm.s32 $0x3;
	s18 =	simm.s32 $0x2800  }
.LBB2_1:
0x13: {  	[spmem:s16], [sflag:s5] =	dma.local [hbm:s4], $0x2700  }
0x14: {  	_ =	swait.ge [sflag:s17], $0x2700  }
0x15: {  	[sflag:s17] =	ssyncset.done $0x0  }
0x16: {  	s24 =	sshrl.u32 @!p0 s6, $0x3;
	s25 =	simm.s32 @!p0 $0x3;
	[sflag:s17] =	ssyncadd.s32 $0xFFFFD900  }
0x17: {  	[spmem:s24], [sflag:s5] =	dma.local @!p0 [hbm:s7], $0x100  }
0x18: {  	_ =	swait.ge @!p0 [sflag:s25], $0x100  }
0x19: {  	[sflag:s25] =	ssyncset.done @!p0 $0x0  }
0x1a: {  	[sflag:s25] =	ssyncadd.s32 @!p0 $0xFFFFFF00  }
0x1b: {  	[bflag:$0x0] =	sbarrier.arrive $0xFFFF  }
0x1c: {  	[tilespmem:s3], [sflag:$0x3] =	stream.linear.gather [hbm4b:s8+s3], $0x1400, $0x38;
	[tilespmem:$0x1E100] =	vst v63  }
0x1d: {  	_ =	swait.ge [sflag:s17], $0x1400  }
0x1e: {  	[sflag:s17] =	ssyncset.done $0x0  }
0x1f: {  	s2 =	simm.s32 $0x1400;
	[sflag:s17] =	ssyncadd.s32 $0xFFFFEC00  }
0x20: {  	[tilespmem:s2], [sflag:$0x3] =	stream.linear.gather [hbm4b:s9+s3], $0x1400, $0x38;
	[tilespmem:$0x1E100] =	vst v63  }
0x21: {  	s26 =	simm.s32 $0x1;
	_ =	swait.ge [sflag:s17], $0x1400  }
0x22: {  	s28 =	simm.s32 $0x0;
	s26 =	sand.u32 $0x1, s26;
	[sflag:s17] =	ssyncset.done $0x0  }
0x23: {  	s28 =	sand.u32 $0x1, s28;
	s29 =	sshll.u32 s26, $0xE;
	[sflag:s17] =	ssyncadd.s32 $0xFFFFEC00  }
0x24: {  	[tilespmem:s18], [sflag:$0x1] =	stream.indirect.gather [hbm4b:s10+s19], $0x80, s3, s19, $0xb8;
	[tilespmem:$0x1E100] =	vst v63  }
0x25: {  	s26 =	sadd.s32 $0x1, s26;
	s30 =	sadd.s32 $0x1, s28;
	s29 =	sor.u32 $0x2800, s29  }
0x26: {  	[tilespmem:s29], [sflag:s26] =	stream.indirect.gather [hbm4b:s10+s19], $0x80, s19, s19, $0xb8;
	[tilespmem:$0x1E100] =	vst v63  }
0x27: {  	s31 =	sshll.u32 s28, $0xE;
	_ =	swait.ge [sflag:s30], $0x4000  }
0x28: {  	s28 =	simm.s32 $0x2;
	s25 =	simm.s32 $0x1480;
	[sflag:s30] =	ssyncset.done $0x0  }
0x29: {  	s26 =	sor.u32 $0x2800, s31;
	s29 =	simm.s32 $0x3;
	[sflag:s30] =	ssyncadd.s32 $0xFFFFC000  }
0x2a: {  	[spmem:s1] =	stream.indirect.scatter.add.f32 [tilespmem:s26], [sflag:$0x3], $0x80, s2, s19, $0xb8;
	[tilespmem:$0x1E100] =	vst v63  }
0x2b: {  	s30 =	sand.u32 $0x1, s28;
	s26 =	simm.s32 $0x100;
	_ =	swait.ge [sflag:s17], $0x4000  }
.LBB2_2:
0x2c: {  	s31 =	sadd.s32 $0xFFFFFFFF, s28;
	s0 =	sshll.u32 s30, $0xE  }
0x2d: {  	[sflag:s17] =	ssyncset.done $0x0;
	s28 =	smov.u32 s29;
	s30 =	sadd.s32 $0x1, s30  }
0x2e: {  	p1 =	sne.s32 s29, $0x27;
	s0 =	sor.u32 $0x2800, s0;
	s31 =	sand.u32 $0x1, s31  }
0x2f: {  	s2 =	sadd.s32 $0x1, s31;
	s31 =	sshll.u32 s31, $0xE;
	[sflag:s17] =	ssyncadd.s32 $0xFFFFC000  }
0x30: {  	[tilespmem:s0], [sflag:s30] =	stream.indirect.gather [hbm4b:s10+s19], $0x80, s26, s19, $0xb8;
	[tilespmem:$0x1E100] =	vst v63  }
.Ltmp0:
0x31: {  	s0 =	sadd.s32 $0x1, s29;
	_ =	swait.ge [sflag:s2], $0x4000;
	(pc) =	sbr.rel @p1 .LBB2_2-.Ltmp0, $4  }
0x32: {  	s29 =	sor.u32 $0x2800, s31;
	[sflag:s2] =	ssyncset.done $0x0  }
0x33: {  	s26 =	sadd.s32 $0x80, s26;
	s30 =	sand.u32 $0x1, s28;
	[sflag:s2] =	ssyncadd.s32 $0xFFFFC000  }
0x34: {  	[spmem:s1] =	stream.indirect.scatter.add.f32 [tilespmem:s29], [sflag:$0x3], $0x80, s25, s19, $0xb8;
	[tilespmem:$0x1E100] =	vst v63  }
0x35: {  	s25 =	sadd.s32 $0x80, s25;
	s29 =	smov.u32 s0;
	_ =	swait.ge [sflag:s17], $0x4000  }
0x36: {  	s0 =	sadd.s32 $0xFFFFFFFF, s28;
	s2 =	sshll.u32 s30, $0xE  }
0x37: {  	[sflag:s17] =	ssyncset.done $0x0;
	s28 =	sadd.s32 $0x1, s30;
	s0 =	sand.u32 $0x1, s0  }
0x38: {  	s2 =	sor.u32 $0x2800, s2;
	[sflag:s17] =	ssyncadd.s32 $0xFFFFC000;
	s29 =	sadd.s32 $0x1, s0  }
0x39: {  	[tilespmem:s2], [sflag:s28] =	stream.indirect.gather [hbm4b:s10+s19], $0x80, s26, s19, $0xb8;
	[tilespmem:$0x1E100] =	vst v63  }
0x3a: {  	_ =	swait.ge [sflag:s29], $0x4000  }
0x3b: {  	s0 =	sshll.u32 s0, $0xE;
	[sflag:s29] =	ssyncset.done $0x0  }
0x3c: {  	s0 =	sor.u32 $0x2800, s0;
	[sflag:s29] =	ssyncadd.s32 $0xFFFFC000  }
0x3d: {  	[spmem:s1] =	stream.indirect.scatter.add.f32 [tilespmem:s0], [sflag:$0x3], $0x80, s25, s19, $0xb8;
	[tilespmem:$0x1E100] =	vst v63  }
0x3e: {  	_ =	swait.ge [sflag:s17], $0x4000  }
0x3f: {  	[sflag:s17] =	ssyncset.done $0x0  }
0x40: {  	[sflag:s17] =	ssyncadd.s32 $0xFFFFC000  }
0x41: {  	_ =	swait.ge [sflag:s20], $0x4000  }
0x42: {  	[sflag:s20] =	ssyncset.done $0x0  }
0x43: {  	s0 =	simm.s32 $0x80;
	[sflag:s20] =	ssyncadd.s32 $0xFFFFC000  }
0x44: {  	[spmem:s1] =	stream.indirect.scatter.add.f32 [tilespmem:s22], [sflag:$0x3], $0x80, s21, s0, $0xb8;
	[tilespmem:$0x1E100] =	vst v63  }
0x45: {  	_ =	swait.ge [sflag:s17], $0x4000  }
0x46: {  	[sflag:s17] =	ssyncset.done $0x0  }
0x47: {  	[sflag:s17] =	ssyncadd.s32 $0xFFFFC000  }
0x48: {  	[tilespmem:s3], [sflag:$0x3] =	stream.linear.gather [hbm4b:s11+s3], $0x1400, $0x38;
	[tilespmem:$0x1E100] =	vst v63  }
0x49: {  	_ =	swait.ge [sflag:s17], $0x1400  }
0x4a: {  	[sflag:s17] =	ssyncset.done $0x0  }
0x4b: {  	s2 =	simm.s32 $0x1400;
	[sflag:s17] =	ssyncadd.s32 $0xFFFFEC00  }
0x4c: {  	[tilespmem:s2], [sflag:$0x3] =	stream.linear.gather [hbm4b:s12+s3], $0x1400, $0x38;
	[tilespmem:$0x1E100] =	vst v63  }
0x4d: {  	s26 =	simm.s32 $0x1;
	_ =	swait.ge [sflag:s17], $0x1400  }
0x4e: {  	s31 =	simm.s32 $0x0;
	s25 =	sand.u32 $0x1, s26;
	[sflag:s17] =	ssyncset.done $0x0  }
0x4f: {  	s26 =	sand.u32 $0x1, s31;
	s28 =	sshll.u32 s25, $0xE;
	[sflag:s17] =	ssyncadd.s32 $0xFFFFEC00  }
0x50: {  	[tilespmem:s18], [sflag:$0x1] =	stream.indirect.gather [hbm4b:s10+s0], $0x80, s3, s0, $0xb8;
	[tilespmem:$0x1E100] =	vst v63  }
0x51: {  	s25 =	sadd.s32 $0x1, s25;
	s29 =	sadd.s32 $0x1, s26;
	s28 =	sor.u32 $0x2800, s28  }
0x52: {  	[tilespmem:s28], [sflag:s25] =	stream.indirect.gather [hbm4b:s10+s19], $0x80, s0, s19, $0xb8;
	[tilespmem:$0x1E100] =	vst v63  }
0x53: {  	s31 =	sshll.u32 s26, $0xE;
	_ =	swait.ge [sflag:s29], $0x4000  }
0x54: {  	s26 =	simm.s32 $0x100;
	s0 =	sor.u32 $0x2800, s31;
	[sflag:s29] =	ssyncset.done $0x0  }
0x55: {  	s28 =	simm.s32 $0x2;
	s25 =	simm.s32 $0x1480;
	[sflag:s29] =	ssyncadd.s32 $0xFFFFC000  }
0x56: {  	[spmem:s1] =	stream.indirect.scatter.add.f32 [tilespmem:s0], [sflag:$0x3], $0x80, s2, s19, $0xb8;
	[tilespmem:$0x1E100] =	vst v63  }
0x57: {  	s30 =	sand.u32 $0x1, s28;
	s29 =	simm.s32 $0x3;
	_ =	swait.ge [sflag:s17], $0x4000  }
.LBB2_4:
0x58: {  	s0 =	sadd.s32 $0xFFFFFFFF, s28;
	s2 =	sshll.u32 s30, $0xE  }
0x59: {  	[sflag:s17] =	ssyncset.done $0x0;
	s28 =	smov.u32 s29;
	s30 =	sadd.s32 $0x1, s30  }
0x5a: {  	p1 =	sne.s32 s29, $0x27;
	s2 =	sor.u32 $0x2800, s2;
	s0 =	sand.u32 $0x1, s0  }
0x5b: {  	s31 =	sadd.s32 $0x1, s0;
	s0 =	sshll.u32 s0, $0xE;
	[sflag:s17] =	ssyncadd.s32 $0xFFFFC000  }
0x5c: {  	[tilespmem:s2], [sflag:s30] =	stream.indirect.gather [hbm4b:s10+s19], $0x80, s26, s19, $0xb8;
	[tilespmem:$0x1E100] =	vst v63  }
.Ltmp1:
0x5d: {  	s2 =	sadd.s32 $0x1, s29;
	_ =	swait.ge [sflag:s31], $0x4000;
	(pc) =	sbr.rel @p1 .LBB2_4-.Ltmp1, $4  }
0x5e: {  	s0 =	sor.u32 $0x2800, s0;
	[sflag:s31] =	ssyncset.done $0x0  }
0x5f: {  	s26 =	sadd.s32 $0x80, s26;
	s30 =	sand.u32 $0x1, s28;
	[sflag:s31] =	ssyncadd.s32 $0xFFFFC000  }
0x60: {  	[spmem:s1] =	stream.indirect.scatter.add.f32 [tilespmem:s0], [sflag:$0x3], $0x80, s25, s19, $0xb8;
	[tilespmem:$0x1E100] =	vst v63  }
0x61: {  	s29 =	smov.u32 s2;
	s25 =	sadd.s32 $0x80, s25;
	_ =	swait.ge [sflag:s17], $0x4000  }
0x62: {  	s0 =	sadd.s32 $0xFFFFFFFF, s28;
	s2 =	sshll.u32 s30, $0xE  }
0x63: {  	[sflag:s17] =	ssyncset.done $0x0;
	s31 =	sadd.s32 $0x1, s30;
	s0 =	sand.u32 $0x1, s0  }
0x64: {  	s2 =	sor.u32 $0x2800, s2;
	[sflag:s17] =	ssyncadd.s32 $0xFFFFC000;
	s29 =	sadd.s32 $0x1, s0  }
0x65: {  	[tilespmem:s2], [sflag:s31] =	stream.indirect.gather [hbm4b:s10+s19], $0x80, s26, s19, $0xb8;
	[tilespmem:$0x1E100] =	vst v63  }
0x66: {  	_ =	swait.ge [sflag:s29], $0x4000  }
0x67: {  	s0 =	sshll.u32 s0, $0xE;
	[sflag:s29] =	ssyncset.done $0x0  }
0x68: {  	s0 =	sor.u32 $0x2800, s0;
	[sflag:s29] =	ssyncadd.s32 $0xFFFFC000  }
0x69: {  	[spmem:s1] =	stream.indirect.scatter.add.f32 [tilespmem:s0], [sflag:$0x3], $0x80, s25, s19, $0xb8;
	[tilespmem:$0x1E100] =	vst v63  }
0x6a: {  	_ =	swait.ge [sflag:s17], $0x4000  }
0x6b: {  	[sflag:s17] =	ssyncset.done $0x0  }
0x6c: {  	[sflag:s17] =	ssyncadd.s32 $0xFFFFC000  }
0x6d: {  	_ =	swait.ge [sflag:s20], $0x4000  }
0x6e: {  	[sflag:s20] =	ssyncset.done $0x0  }
0x6f: {  	[sflag:s20] =	ssyncadd.s32 $0xFFFFC000  }
0x70: {  	[spmem:s1] =	stream.indirect.scatter.add.f32 [tilespmem:s22], [sflag:$0x3], $0x80, s21, s19, $0xb8;
	[tilespmem:$0x1E100] =	vst v63  }
0x71: {  	_ =	swait.ge [sflag:s17], $0x4000  }
0x72: {  	[sflag:s17] =	ssyncset.done $0x0  }
0x73: {  	[sflag:s17] =	ssyncadd.s32 $0xFFFFC000  }
0x74: {  	[bflag:$0x0] =	sbarrier.arrive $0xFFFF  }
0x75: {  	[hbm:s13], [sflag:s5] =	dma.local [spmem:s16], $0x2700  }
0x76: {  	s23 =	sadd.s32 $0x1, s23;
	_ =	swait.ge [sflag:s17], $0x2700  }
0x77: {  	p1 =	sne.s32 s23, s15;
	[sflag:s17] =	ssyncset.done $0x0  }
.Ltmp2:
0x78: {  	s0 =	simm.s32 @!p0 $0x3;
	[sflag:s17] =	ssyncadd.s32 $0xFFFFD900;
	(pc) =	sbr.rel @p1 .LBB2_1-.Ltmp2, $4  }
0x79: {  	[hbm:s14], [sflag:s5] =	dma.local @!p0 [spmem:s24], $0x100  }
0x7a: {  	_ =	swait.ge @!p0 [sflag:s0], $0x100  }
0x7b: {  	[sflag:s0] =	ssyncset.done @!p0 $0x0  }
0x7c: {  	[sflag:s0] =	ssyncadd.s32 @!p0 $0xFFFFFF00  }
0x7d: {  	_ =	sfence.sel $0x180000  }
0x7e: {  	[bflag:$0x0] =	sbarrier.arrive $0xFFFF  }
0x7f: {  	_ =	strace $0x90000050  }
0x80: {  	s0 =	stileid.u32;
	[bflag:$0x2] =	sbarrier.arrive $0xFFFF  }
0x81: {  	p0 =	sne.s32 s0, $0x0;
	s0 =	rddreg [dreg:$0x3]  }
0x82: {  	s0 =	sadd.s32 @!p0 $0x100000, s0  }
0x83: {  	[sflag:s0] =	ssyncadd.tile.s32 @!p0 $0x1;
	_ =	shalt  }
.Lfunc_end2:
_tile_overlayer_lowered:
.L_overlay_start_2:
0x84: {  	(tag) =	ssettag $0x2  }
0x85: {  	s0 =	rddreg [dreg:$0x0];
	s2 =	stileid.u32  }
0x86: {  	s1 =	rddreg [dreg:$0x1];
	p0 =	sne.s32 s2, $0x0  }
0x87: {  	s3 =	rddreg [dreg:$0x2];
	[bflag:$0x3] =	sbarrier.arrive $0xFFFF;
	s2 =	simm.s32 @!p0 $0x1C03  }
0x88: {  	[timem:s3], [sflag:s2] =	dma.local @!p0 [hbm:s0], s1  }
0x89: {  	s0 =	simm.s32 @!p0 $0x3  }
0x8a: {  	_ =	swait.ge @!p0 [sflag:s0], s1  }
0x8b: {  	s1 =	ssub.s32 @!p0 $0x0, s1;
	[sflag:s0] =	ssyncset.done @!p0 $0x0  }
0x8c: {  	[sflag:s0] =	ssyncadd.s32 @!p0 s1  }
0x8d: {  	[bflag:$0x3] =	sbarrier.arrive $0xFFFF  }
0x8e: {  	_ =	shalt  }

// kernel: kernel.27.cloned.1.call-start
scs
__scs_entry_jumppad:
0x0: {  	(pc) =	sbr.rel $0x88, $3  }
0x1: {  	(tag) =	ssettag $0x0;
	lr =	simm.s32 $0x1  }
0x2: {  	[smem:$0x3F95] =	sst lr;
	_ =	strace $0xD0000000  }
0x3: {  	_ = 	snop  }
0x4: {  	_ = 	snop  }
0x5: {  	_ = 	snop  }
0x6: {  	_ = 	snop  }
0x7: {  	_ = 	snop  }
__scs_overlays_trampoline_lowered:
0x8: {  	[smem:$0x3FA4] =	sst s0  }
0x9: {  	[smem:$0x3FA5] =	sst s1  }
0xa: {  	[smem:$0x3FA6] =	sst s2  }
0xb: {  	[smem:$0x3FA7] =	sst s3  }
0xc: {  	[smem:$0x3FA8] =	sst s4  }
0xd: {  	[smem:$0x3FA9] =	sst s5  }
0xe: {  	[smem:$0x3FAA] =	sst s6  }
0xf: {  	[smem:$0x3FAB] =	sst s7  }
0x10: {  	[smem:$0x3FAC] =	sst s8  }
0x11: {  	[smem:$0x3FAD] =	sst s9;
	s0 =	simm.s32 @!p0 $0x0  }
0x12: {  	s1 =	sld [smem:$0x3F93];
	s0 =	simm.s32 @p0 $0x1  }
0x13: {  	[smem:$0x3FAE] =	sst s0;
	s0 =	simm.s32 @!p1 $0x0  }
0x14: {  	s2 =	sld [smem:$0x3F92];
	s0 =	simm.s32 @p1 $0x1  }
0x15: {  	[smem:$0x3FAF] =	sst s0;
	s0 =	simm.s32 @!p2 $0x0  }
0x16: {  	s3 =	sld [smem:$0x3FDB];
	s0 =	simm.s32 @p2 $0x1  }
0x17: {  	s4 =	simm.s32 $0x1BF5;
	[smem:$0x3FB1] =	sst s0  }
0x18: {  	s0 =	sld [smem:$0x3F94];
	_ =	swait.ge [sflag:s4], $0x0  }
0x19: {  	s7 =	sld [smem:$0x3F95]  }
0x1a: {  	s8 =	sadd.s32 $0xFFFFE003, lr  }
0x1b: {  	s9 =	sadd.s32 $0xFFFFFEF7, lr;
	s5 =	simm.s32 $0xFFFFFFFF;
	p2 =	slt.u32 s8, $0xFFFFF086  }
0x1c: {  	p1 =	slt.u32 s9, $0xF7A;
	s5 =	simm.s32 @!p2 $0x0  }
0x1d: {  	s5 =	simm.s32 @p1 $0x1;
	p0 =	seq.s32 s7, s2  }
0x1e: {  	s7 =	smul.u32 @!p0 $0xF7A, s2;
	p2 =	seq.s32 @!p0 s5, $0x0  }
0x1f: {  	s9 =	smul.u32 $0xF7A, s1;
	s8 =	simm.s32 @!p0 $0x1BF5;
	p2 =	por !p2, p0  }
0x20: {  	[sflag:s8] =	ssyncset.s32 @!p0 $0xFFFFF086;
	s6 =	sadd.s32 @!p0 s3, s7;
	s7 =	simm.s32 @!p0 $0x108  }
0x21: {  	s3 =	sadd.s32 s3, s9;
	s6 =	sadd.s32 @!p0 $0x88, s6;
	s7 =	simm.s32 @p2 $0x1082  }
0x22: {  	[simem:s7], [sflag:s8] =	dma.local @!p0 [hbm:s6], $0xF7A  }
0x23: {  	s9 =	sor.u32 $0xD0000000, s2;
	s6 =	simm.s32 $0x108;
	_ =	swait.ge @!p0 [sflag:s8], $0x0  }
0x24: {  	s3 =	sadd.s32 $0x88, s3;
	s6 =	simm.s32 @!p1 $0x1082;
	[sflag:s4] =	ssyncset.s32 $0xFFFFF086  }
0x25: {  	[simem:s6], [sflag:s4] =	dma.local [hbm:s3], $0xF7A  }
0x26: {  	[smem:$0x3F95] =	sst s1;
	(tag) =	ssettag s2;
	_ =	strace s9  }
0x27: {  	s1 =	sld [smem:$0x3FA5]  }
0x28: {  	s2 =	sld [smem:$0x3FA6]  }
0x29: {  	s4 =	sld [smem:$0x3FA8]  }
0x2a: {  	p0 =	seq.s32 s5, $0x0;
	s5 =	sld [smem:$0x3FA9]  }
0x2b: {  	s6 =	sld [smem:$0x3FAA]  }
0x2c: {  	s7 =	sld [smem:$0x3FAB]  }
0x2d: {  	s3 =	simm.s32 $0x108;
	s8 =	sld [smem:$0x3FAC]  }
0x2e: {  	s3 =	simm.s32 @!p0 $0x1082;
	s9 =	sld [smem:$0x3FAD]  }
0x2f: {  	lr =	sadd.s32 s0, s3;
	s0 =	sld [smem:$0x3FA4]  }
0x30: {  	s3 =	sld [smem:$0x3FA7]  }
0x31: {  	[smem:$0x3FB0] =	sst s10  }
0x32: {  	s10 =	sld [smem:$0x3FAE];
	_ =	sdelay $0x3  }
0x33: {  	p0 =	seq.s32 s10, $0x1;
	s10 =	sld [smem:$0x3FB0];
	_ =	sdelay $0x3  }
0x34: {  	[smem:$0x3FB0] =	sst s10  }
0x35: {  	s10 =	sld [smem:$0x3FAF];
	_ =	sdelay $0x3  }
0x36: {  	p1 =	seq.s32 s10, $0x1;
	s10 =	sld [smem:$0x3FB0];
	_ =	sdelay $0x3  }
0x37: {  	[smem:$0x3FB0] =	sst s10  }
0x38: {  	s10 =	sld [smem:$0x3FB1]  }
0x39: {  	_ = 	snop;
	(pc) =	sbr.ind lr, $3  }
0x3a: {  	_ = 	snop  }
0x3b: {  	_ = 	snop  }
0x3c: {  	p2 =	seq.s32 s10, $0x1;
	s10 =	sld [smem:$0x3FB0]  }
0x3d: {  	_ =	shalt  }
0x3e: {  	_ =	shalt  }
0x3f: {  	_ =	shalt  }
0x40: {  	_ =	shalt  }
0x41: {  	_ =	shalt  }
0x42: {  	_ =	shalt  }
0x43: {  	_ =	shalt  }
0x44: {  	_ =	shalt  }
0x45: {  	_ =	shalt  }
0x46: {  	_ =	shalt  }
0x47: {  	_ =	shalt  }
0x48: {  	_ =	shalt  }
0x49: {  	_ =	shalt  }
0x4a: {  	_ =	shalt  }
0x4b: {  	_ =	shalt  }
0x4c: {  	_ =	shalt  }
0x4d: {  	_ =	shalt  }
0x4e: {  	_ =	shalt  }
0x4f: {  	_ =	shalt  }
0x50: {  	_ =	shalt  }
0x51: {  	_ =	shalt  }
0x52: {  	_ =	shalt  }
0x53: {  	_ =	shalt  }
0x54: {  	_ =	shalt  }
0x55: {  	_ =	shalt  }
0x56: {  	_ =	shalt  }
0x57: {  	_ =	shalt  }
0x58: {  	_ =	shalt  }
0x59: {  	_ =	shalt  }
0x5a: {  	_ =	shalt  }
0x5b: {  	_ =	shalt  }
0x5c: {  	_ =	shalt  }
0x5d: {  	_ =	shalt  }
0x5e: {  	_ =	shalt  }
0x5f: {  	_ =	shalt  }
0x60: {  	_ =	shalt  }
0x61: {  	_ =	shalt  }
0x62: {  	_ =	shalt  }
0x63: {  	_ =	shalt  }
0x64: {  	_ =	shalt  }
0x65: {  	_ =	shalt  }
0x66: {  	_ =	shalt  }
0x67: {  	_ =	shalt  }
0x68: {  	_ =	shalt  }
0x69: {  	_ =	shalt  }
0x6a: {  	_ =	shalt  }
0x6b: {  	_ =	shalt  }
0x6c: {  	_ =	shalt  }
0x6d: {  	_ =	shalt  }
0x6e: {  	_ =	shalt  }
0x6f: {  	_ =	shalt  }
0x70: {  	_ =	shalt  }
0x71: {  	_ =	shalt  }
0x72: {  	_ =	shalt  }
0x73: {  	_ =	shalt  }
0x74: {  	_ =	shalt  }
0x75: {  	_ =	shalt  }
0x76: {  	_ =	shalt  }
0x77: {  	_ =	shalt  }
0x78: {  	_ =	shalt  }
0x79: {  	_ =	shalt  }
0x7a: {  	_ =	shalt  }
0x7b: {  	_ =	shalt  }
0x7c: {  	_ =	shalt  }
0x7d: {  	_ =	shalt  }
0x7e: {  	_ =	shalt  }
0x7f: {  	_ =	shalt  }
0x80: {  	_ =	shalt  }
0x81: {  	_ =	shalt  }
0x82: {  	_ =	shalt  }
0x83: {  	_ =	shalt  }
0x84: {  	_ =	shalt  }
0x85: {  	_ =	shalt  }
0x86: {  	_ =	shalt  }
0x87: {  	_ =	shalt  }
.Lfunc_end0:
.L_simem_size_0:
called_computation.4_lowered:
.L_overlay_start_0:
0x88: {  	s2 =	sld [smem:$0x3FD9]  }
0x89: {  	s3 =	sld [smem:$0x3FFE];
	_ =	sdelay $0x1  }
0x8a: {  	s1 =	srdreg.scid  }
0x8b: {  	s0 =	sand.u32 $0x1, s1  }
0x8c: {  	s17 =	sshll.u32 s0, $0xA;
	s2 =	sadd.s32 s3, s2  }
0x8d: {  	s2 =	sadd.s32 s2, s17  }
0x8e: {  	[smem:$0x3FBC] =	sst s2  }
0x8f: {  	_ = 	snop  }
0x90: {  	s2 =	sld [smem:$0x3FD0];
	(tm) =	ssettm $0x1  }
0x91: {  	s18 =	sld [smem:$0x3FFB];
	_ =	sdelay $0x3  }
0x92: {  	_ =	strace s18  }
0x93: {  	s3 =	sld [smem:$0x3FFC];
	_ =	sdelay $0x3  }
0x94: {  	_ =	strace s3  }
0x95: {  	s3 =	sld [smem:$0x3FFD];
	_ =	sdelay $0x3  }
0x96: {  	_ =	strace s3  }
0x97: {  	_ =	strace $0x8FFFFFFF  }
0x98: {  	s19 =	sld [smem:$0x3FDB];
	_ =	sdelay $0x1  }
0x99: {  	s4 =	simm.s32 $_scs_section_size  }
0x9a: {  	s5 =	simm.s32 $_size__tile_overlayer_lowered;
	s6 =	simm.s32 $_tile_overlayer_lowered  }
0x9b: {  	s22 =	simm.s32 $0x1BFF;
	s21 =	sshll.u32 s6, $0x1;
	s3 =	sadd.s32 s4, s19  }
0x9c: {  	s7 =	simm.s32 $0x0;
	s20 =	sshll.u32 s5, $0x1;
	s5 =	sadd.s32 s21, s3  }
0x9d: {  	[timem:s7], [sflag:s22] =	dma.local [hbm:s5], s20  }
0x9e: {  	_ =	swait.ge [sflag:s22], s20  }
0x9f: {  	s4 =	ssub.s32 $0x0, s20;
	[sflag:s22] =	ssyncset.done $0x0  }
0xa0: {  	[sflag:s22] =	ssyncadd.s32 s4;
	_ =	sdelay $0x1  }
0xa1: {  	s23 =	simm.s32 $0x1B8B  }
0xa2: {  	_ =	swait.ge [sflag:s23], $0x1  }
0xa3: {  	[sflag:s23] =	ssyncset.done $0x0  }
0xa4: {  	s25 =	simm.s32 $0x1B8E;
	s24 =	sld [smem:$0x3FFE];
	[sflag:s23] =	ssyncadd.s32 $0xFFFFFFFF  }
0xa5: {  	s26 =	simm.s32 $execute0_lowered;
	[smem:$0x3FD2] =	sst s25  }
0xa6: {  	s5 =	sshll.u32 s26, $0x1;
	_ =	strace $0x80000052;
	[dreg:$0x1] =	wrdreg $0xFFFFFFFF  }
0xa7: {  	s28 =	simm.s32 $_size_execute0_lowered;
	s3 =	sadd.s32 s3, s5;
	[dreg:$0x0] =	wrdreg $0x0  }
0xa8: {  	s5 =	sshll.u32 s28, $0x1;
	[dreg:$0x2] =	wrdreg s3  }
0xa9: {  	[dreg:$0x3] =	wrdreg s5  }
0xaa: {  	[dreg:$0x4] =	wrdreg $0xC0  }
0xab: {  	_ =	task [dreg:s7], $0x5FFFF  }
0xac: {  	[dreg:$0x1] =	wrdreg $0xFFFFFFFF  }
0xad: {  	[dreg:$0x0] =	wrdreg $0x60  }
0xae: {  	[dreg:$0x2] =	wrdreg s2  }
0xaf: {  	[dreg:$0x3] =	wrdreg s24  }
0xb0: {  	[dreg:$0x4] =	wrdreg $0xA8000  }
0xb1: {  	[dreg:$0x5] =	wrdreg $0x9  }
0xb2: {  	_ =	task.clear_ibuf [dreg:s7], $0x6FFFF;
	_ =	strace $0x90000052  }
0xb3: {  	s29 =	simm.s32 $0x9;
	_ =	strace $0x80000054  }
0xb4: {  	_ =	swait.ge [sflag:s29], $0x1  }
0xb5: {  	[sflag:s29] =	ssyncadd.s32 $0xFFFFFFFF  }
0xb6: {  	_ =	strace $0x90000054  }
0xb7: {  	_ =	sfence  }
0xb8: {  	s30 =	sld [smem:$0x0];
	_ =	sdelay $0x2  }
0xb9: {  	s31 =	sshll.u32 s1, $0xD;
	s1 =	sshrl.u32 s1, $0x2  }
0xba: {  	s3 =	sand.u32 $0x4000, s31;
	s1 =	sadd.s32 s1, s30  }
0xbb: {  	s0 =	sor.u32 s3, s0;
	s1 =	sshll.u32 s1, $0x11  }
0xbc: {  	s0 =	sor.u32 s1, s0  }
0xbd: {  	s0 =	sadd.s32 $0x8F2B, s0  }
0xbe: {  	[sflag:s0] =	ssyncadd.remote.s32 $0x1  }
0xbf: {  	_ =	sfence.sel $0xFFFF  }
0xc0: {  	[dreg:$0x0] =	wrdreg $0xFFFFFFFF;
	(pc) =	sbr.abs _section_cstart, $3  }
0xc1: {  	[dreg:$0x1] =	wrdreg $0xFFFFFFFF  }
0xc2: {  	_ =	task.clear_ibuf [dreg:s7], $0x2FFFF;
	_ =	strace $0x9FFFFFFF  }
0xc3: {  	(tm) =	ssettm $0x7FFFFFFF  }
tec
execute0_lowered:
.L_overlay_start_1:
0x0: {  	(tag) =	ssettag $0x1  }
0x1: {  	s10 =	rddreg [dreg:$0x0]  }
0x2: {  	s4 =	rddreg [dreg:$0x1]  }
0x3: {  	s1 =	rddreg [dreg:$0x2];
	s3 =	simm.s32 $0x0;
	s2 =	srdreg.scid  }
0x4: {  	s0 =	stileid.u32;
	s20 =	simm.s32 $0x2;
	s21 =	simm.s32 $0x2780  }
0x5: {  	s22 =	simm.s32 $0x6800;
	s23 =	simm.s32 $0x0;
	s7 =	smul.u32 $0x13800, s0  }
0x6: {  	[smem:$0x7FF] =	sst s3;
	s5 =	sand.u32 $0x1, s2;
	s8 =	smul.u32 $0x4E000, s0  }
0x7: {  	s11 =	sadd.s32 $0x3200, s4;
	s12 =	sadd.s32 $0x8200, s4;
	s31 =	smul.u32 $0x2800, s0  }
0x8: {  	s14 =	sadd.s32 $0xD200, s4;
	s30 =	sshll.u32 s0, $0x6;
	s9 =	smul.u32 $0x500, s0  }
0x9: {  	p0 =	sne.s32 s0, $0xF;
	s6 =	smul.u32 $0x138800, s5;
	s26 =	ssub.s32 $0x2, s5  }
0xa: {  	_ =	strace $0x80000053;
	s5 =	sor.u32 $0x1C03, s30;
	s29 =	sshrl.u32 s26, $0x1  }
0xb: {  	s8 =	sshrl.u32 s8, $0x2;
	s19 =	sshrl.u32 s31, $0x3;
	s28 =	sadd.s32 s7, s6  }
0xc: {  	s15 =	ssub.s32 s26, s29;
	s16 =	sadd.s32 s8, s1;
	s17 =	sshrl.u32 s6, $0x3  }
0xd: {  	s6 =	sadd.s32 $0x138000, s1;
	s8 =	sadd.s32 s11, s9;
	s9 =	sadd.s32 s12, s9  }
0xe: {  	s19 =	sadd.s32 $0x280, s19;
	s13 =	sshrl.u32 s28, $0x3;
	s18 =	sadd.s32 $0x27000, s17  }
0xf: {  	s11 =	sadd.s32 s11, s19;
	s12 =	sadd.s32 s12, s19;
	s15 =	smax.u32 s15, $0x1  }
0x10: {  	s16 =	sshrl.u32 s16, $0x3;
	s19 =	simm.s32 $0x80;
	s4 =	sadd.s32 s10, s13  }
0x11: {  	s7 =	sadd.s32 s10, s18;
	s10 =	sadd.s32 s10, s17;
	s13 =	sadd.s32 s14, s13  }
0x12: {  	s14 =	sadd.s32 s14, s18;
	s17 =	simm.s32 $0x3;
	s18 =	simm.s32 $0x2800  }
.LBB2_1:
0x13: {  	[spmem:s16], [sflag:s5] =	dma.local [hbm:s4], $0x2700  }
0x14: {  	_ =	swait.ge [sflag:s17], $0x2700  }
0x15: {  	[sflag:s17] =	ssyncset.done $0x0  }
0x16: {  	s24 =	sshrl.u32 @!p0 s6, $0x3;
	s25 =	simm.s32 @!p0 $0x3;
	[sflag:s17] =	ssyncadd.s32 $0xFFFFD900  }
0x17: {  	[spmem:s24], [sflag:s5] =	dma.local @!p0 [hbm:s7], $0x100  }
0x18: {  	_ =	swait.ge @!p0 [sflag:s25], $0x100  }
0x19: {  	[sflag:s25] =	ssyncset.done @!p0 $0x0  }
0x1a: {  	[sflag:s25] =	ssyncadd.s32 @!p0 $0xFFFFFF00  }
0x1b: {  	[bflag:$0x0] =	sbarrier.arrive $0xFFFF  }
0x1c: {  	[tilespmem:s3], [sflag:$0x3] =	stream.linear.gather [hbm4b:s8+s3], $0x1400, $0x38;
	[tilespmem:$0x1E100] =	vst v63  }
0x1d: {  	_ =	swait.ge [sflag:s17], $0x1400  }
0x1e: {  	[sflag:s17] =	ssyncset.done $0x0  }
0x1f: {  	s2 =	simm.s32 $0x1400;
	[sflag:s17] =	ssyncadd.s32 $0xFFFFEC00  }
0x20: {  	[tilespmem:s2], [sflag:$0x3] =	stream.linear.gather [hbm4b:s9+s3], $0x1400, $0x38;
	[tilespmem:$0x1E100] =	vst v63  }
0x21: {  	s26 =	simm.s32 $0x1;
	_ =	swait.ge [sflag:s17], $0x1400  }
0x22: {  	s28 =	simm.s32 $0x0;
	s26 =	sand.u32 $0x1, s26;
	[sflag:s17] =	ssyncset.done $0x0  }
0x23: {  	s28 =	sand.u32 $0x1, s28;
	s29 =	sshll.u32 s26, $0xE;
	[sflag:s17] =	ssyncadd.s32 $0xFFFFEC00  }
0x24: {  	[tilespmem:s18], [sflag:$0x1] =	stream.indirect.gather [hbm4b:s10+s19], $0x80, s3, s19, $0xb8;
	[tilespmem:$0x1E100] =	vst v63  }
0x25: {  	s26 =	sadd.s32 $0x1, s26;
	s30 =	sadd.s32 $0x1, s28;
	s29 =	sor.u32 $0x2800, s29  }
0x26: {  	[tilespmem:s29], [sflag:s26] =	stream.indirect.gather [hbm4b:s10+s19], $0x80, s19, s19, $0xb8;
	[tilespmem:$0x1E100] =	vst v63  }
0x27: {  	s31 =	sshll.u32 s28, $0xE;
	_ =	swait.ge [sflag:s30], $0x4000  }
0x28: {  	s28 =	simm.s32 $0x2;
	s25 =	simm.s32 $0x1480;
	[sflag:s30] =	ssyncset.done $0x0  }
0x29: {  	s26 =	sor.u32 $0x2800, s31;
	s29 =	simm.s32 $0x3;
	[sflag:s30] =	ssyncadd.s32 $0xFFFFC000  }
0x2a: {  	[spmem:s1] =	stream.indirect.scatter.add.f32 [tilespmem:s26], [sflag:$0x3], $0x80, s2, s19, $0xb8;
	[tilespmem:$0x1E100] =	vst v63  }
0x2b: {  	s30 =	sand.u32 $0x1, s28;
	s26 =	simm.s32 $0x100;
	_ =	swait.ge [sflag:s17], $0x4000  }
.LBB2_2:
0x2c: {  	s31 =	sadd.s32 $0xFFFFFFFF, s28;
	s0 =	sshll.u32 s30, $0xE  }
0x2d: {  	[sflag:s17] =	ssyncset.done $0x0;
	s28 =	smov.u32 s29;
	s30 =	sadd.s32 $0x1, s30  }
0x2e: {  	p1 =	sne.s32 s29, $0x27;
	s0 =	sor.u32 $0x2800, s0;
	s31 =	sand.u32 $0x1, s31  }
0x2f: {  	s2 =	sadd.s32 $0x1, s31;
	s31 =	sshll.u32 s31, $0xE;
	[sflag:s17] =	ssyncadd.s32 $0xFFFFC000  }
0x30: {  	[tilespmem:s0], [sflag:s30] =	stream.indirect.gather [hbm4b:s10+s19], $0x80, s26, s19, $0xb8;
	[tilespmem:$0x1E100] =	vst v63  }
.Ltmp0:
0x31: {  	s0 =	sadd.s32 $0x1, s29;
	_ =	swait.ge [sflag:s2], $0x4000;
	(pc) =	sbr.rel @p1 .LBB2_2-.Ltmp0, $4  }
0x32: {  	s29 =	sor.u32 $0x2800, s31;
	[sflag:s2] =	ssyncset.done $0x0  }
0x33: {  	s26 =	sadd.s32 $0x80, s26;
	s30 =	sand.u32 $0x1, s28;
	[sflag:s2] =	ssyncadd.s32 $0xFFFFC000  }
0x34: {  	[spmem:s1] =	stream.indirect.scatter.add.f32 [tilespmem:s29], [sflag:$0x3], $0x80, s25, s19, $0xb8;
	[tilespmem:$0x1E100] =	vst v63  }
0x35: {  	s25 =	sadd.s32 $0x80, s25;
	s29 =	smov.u32 s0;
	_ =	swait.ge [sflag:s17], $0x4000  }
0x36: {  	s0 =	sadd.s32 $0xFFFFFFFF, s28;
	s2 =	sshll.u32 s30, $0xE  }
0x37: {  	[sflag:s17] =	ssyncset.done $0x0;
	s28 =	sadd.s32 $0x1, s30;
	s0 =	sand.u32 $0x1, s0  }
0x38: {  	s2 =	sor.u32 $0x2800, s2;
	[sflag:s17] =	ssyncadd.s32 $0xFFFFC000;
	s29 =	sadd.s32 $0x1, s0  }
0x39: {  	[tilespmem:s2], [sflag:s28] =	stream.indirect.gather [hbm4b:s10+s19], $0x80, s26, s19, $0xb8;
	[tilespmem:$0x1E100] =	vst v63  }
0x3a: {  	_ =	swait.ge [sflag:s29], $0x4000  }
0x3b: {  	s0 =	sshll.u32 s0, $0xE;
	[sflag:s29] =	ssyncset.done $0x0  }
0x3c: {  	s0 =	sor.u32 $0x2800, s0;
	[sflag:s29] =	ssyncadd.s32 $0xFFFFC000  }
0x3d: {  	[spmem:s1] =	stream.indirect.scatter.add.f32 [tilespmem:s0], [sflag:$0x3], $0x80, s25, s19, $0xb8;
	[tilespmem:$0x1E100] =	vst v63  }
0x3e: {  	_ =	swait.ge [sflag:s17], $0x4000  }
0x3f: {  	[sflag:s17] =	ssyncset.done $0x0  }
0x40: {  	[sflag:s17] =	ssyncadd.s32 $0xFFFFC000  }
0x41: {  	_ =	swait.ge [sflag:s20], $0x4000  }
0x42: {  	[sflag:s20] =	ssyncset.done $0x0  }
0x43: {  	s0 =	simm.s32 $0x80;
	[sflag:s20] =	ssyncadd.s32 $0xFFFFC000  }
0x44: {  	[spmem:s1] =	stream.indirect.scatter.add.f32 [tilespmem:s22], [sflag:$0x3], $0x80, s21, s0, $0xb8;
	[tilespmem:$0x1E100] =	vst v63  }
0x45: {  	_ =	swait.ge [sflag:s17], $0x4000  }
0x46: {  	[sflag:s17] =	ssyncset.done $0x0  }
0x47: {  	[sflag:s17] =	ssyncadd.s32 $0xFFFFC000  }
0x48: {  	[tilespmem:s3], [sflag:$0x3] =	stream.linear.gather [hbm4b:s11+s3], $0x1400, $0x38;
	[tilespmem:$0x1E100] =	vst v63  }
0x49: {  	_ =	swait.ge [sflag:s17], $0x1400  }
0x4a: {  	[sflag:s17] =	ssyncset.done $0x0  }
0x4b: {  	s2 =	simm.s32 $0x1400;
	[sflag:s17] =	ssyncadd.s32 $0xFFFFEC00  }
0x4c: {  	[tilespmem:s2], [sflag:$0x3] =	stream.linear.gather [hbm4b:s12+s3], $0x1400, $0x38;
	[tilespmem:$0x1E100] =	vst v63  }
0x4d: {  	s26 =	simm.s32 $0x1;
	_ =	swait.ge [sflag:s17], $0x1400  }
0x4e: {  	s31 =	simm.s32 $0x0;
	s25 =	sand.u32 $0x1, s26;
	[sflag:s17] =	ssyncset.done $0x0  }
0x4f: {  	s26 =	sand.u32 $0x1, s31;
	s28 =	sshll.u32 s25, $0xE;
	[sflag:s17] =	ssyncadd.s32 $0xFFFFEC00  }
0x50: {  	[tilespmem:s18], [sflag:$0x1] =	stream.indirect.gather [hbm4b:s10+s0], $0x80, s3, s0, $0xb8;
	[tilespmem:$0x1E100] =	vst v63  }
0x51: {  	s25 =	sadd.s32 $0x1, s25;
	s29 =	sadd.s32 $0x1, s26;
	s28 =	sor.u32 $0x2800, s28  }
0x52: {  	[tilespmem:s28], [sflag:s25] =	stream.indirect.gather [hbm4b:s10+s19], $0x80, s0, s19, $0xb8;
	[tilespmem:$0x1E100] =	vst v63  }
0x53: {  	s31 =	sshll.u32 s26, $0xE;
	_ =	swait.ge [sflag:s29], $0x4000  }
0x54: {  	s26 =	simm.s32 $0x100;
	s0 =	sor.u32 $0x2800, s31;
	[sflag:s29] =	ssyncset.done $0x0  }
0x55: {  	s28 =	simm.s32 $0x2;
	s25 =	simm.s32 $0x1480;
	[sflag:s29] =	ssyncadd.s32 $0xFFFFC000  }
0x56: {  	[spmem:s1] =	stream.indirect.scatter.add.f32 [tilespmem:s0], [sflag:$0x3], $0x80, s2, s19, $0xb8;
	[tilespmem:$0x1E100] =	vst v63  }
0x57: {  	s30 =	sand.u32 $0x1, s28;
	s29 =	simm.s32 $0x3;
	_ =	swait.ge [sflag:s17], $0x4000  }
.LBB2_4:
0x58: {  	s0 =	sadd.s32 $0xFFFFFFFF, s28;
	s2 =	sshll.u32 s30, $0xE  }
0x59: {  	[sflag:s17] =	ssyncset.done $0x0;
	s28 =	smov.u32 s29;
	s30 =	sadd.s32 $0x1, s30  }
0x5a: {  	p1 =	sne.s32 s29, $0x27;
	s2 =	sor.u32 $0x2800, s2;
	s0 =	sand.u32 $0x1, s0  }
0x5b: {  	s31 =	sadd.s32 $0x1, s0;
	s0 =	sshll.u32 s0, $0xE;
	[sflag:s17] =	ssyncadd.s32 $0xFFFFC000  }
0x5c: {  	[tilespmem:s2], [sflag:s30] =	stream.indirect.gather [hbm4b:s10+s19], $0x80, s26, s19, $0xb8;
	[tilespmem:$0x1E100] =	vst v63  }
.Ltmp1:
0x5d: {  	s2 =	sadd.s32 $0x1, s29;
	_ =	swait.ge [sflag:s31], $0x4000;
	(pc) =	sbr.rel @p1 .LBB2_4-.Ltmp1, $4  }
0x5e: {  	s0 =	sor.u32 $0x2800, s0;
	[sflag:s31] =	ssyncset.done $0x0  }
0x5f: {  	s26 =	sadd.s32 $0x80, s26;
	s30 =	sand.u32 $0x1, s28;
	[sflag:s31] =	ssyncadd.s32 $0xFFFFC000  }
0x60: {  	[spmem:s1] =	stream.indirect.scatter.add.f32 [tilespmem:s0], [sflag:$0x3], $0x80, s25, s19, $0xb8;
	[tilespmem:$0x1E100] =	vst v63  }
0x61: {  	s29 =	smov.u32 s2;
	s25 =	sadd.s32 $0x80, s25;
	_ =	swait.ge [sflag:s17], $0x4000  }
0x62: {  	s0 =	sadd.s32 $0xFFFFFFFF, s28;
	s2 =	sshll.u32 s30, $0xE  }
0x63: {  	[sflag:s17] =	ssyncset.done $0x0;
	s31 =	sadd.s32 $0x1, s30;
	s0 =	sand.u32 $0x1, s0  }
0x64: {  	s2 =	sor.u32 $0x2800, s2;
	[sflag:s17] =	ssyncadd.s32 $0xFFFFC000;
	s29 =	sadd.s32 $0x1, s0  }
0x65: {  	[tilespmem:s2], [sflag:s31] =	stream.indirect.gather [hbm4b:s10+s19], $0x80, s26, s19, $0xb8;
	[tilespmem:$0x1E100] =	vst v63  }
0x66: {  	_ =	swait.ge [sflag:s29], $0x4000  }
0x67: {  	s0 =	sshll.u32 s0, $0xE;
	[sflag:s29] =	ssyncset.done $0x0  }
0x68: {  	s0 =	sor.u32 $0x2800, s0;
	[sflag:s29] =	ssyncadd.s32 $0xFFFFC000  }
0x69: {  	[spmem:s1] =	stream.indirect.scatter.add.f32 [tilespmem:s0], [sflag:$0x3], $0x80, s25, s19, $0xb8;
	[tilespmem:$0x1E100] =	vst v63  }
0x6a: {  	_ =	swait.ge [sflag:s17], $0x4000  }
0x6b: {  	[sflag:s17] =	ssyncset.done $0x0  }
0x6c: {  	[sflag:s17] =	ssyncadd.s32 $0xFFFFC000  }
0x6d: {  	_ =	swait.ge [sflag:s20], $0x4000  }
0x6e: {  	[sflag:s20] =	ssyncset.done $0x0  }
0x6f: {  	[sflag:s20] =	ssyncadd.s32 $0xFFFFC000  }
0x70: {  	[spmem:s1] =	stream.indirect.scatter.add.f32 [tilespmem:s22], [sflag:$0x3], $0x80, s21, s19, $0xb8;
	[tilespmem:$0x1E100] =	vst v63  }
0x71: {  	_ =	swait.ge [sflag:s17], $0x4000  }
0x72: {  	[sflag:s17] =	ssyncset.done $0x0  }
0x73: {  	[sflag:s17] =	ssyncadd.s32 $0xFFFFC000  }
0x74: {  	[bflag:$0x0] =	sbarrier.arrive $0xFFFF  }
0x75: {  	[hbm:s13], [sflag:s5] =	dma.local [spmem:s16], $0x2700  }
0x76: {  	s23 =	sadd.s32 $0x1, s23;
	_ =	swait.ge [sflag:s17], $0x2700  }
0x77: {  	p1 =	sne.s32 s23, s15;
	[sflag:s17] =	ssyncset.done $0x0  }
.Ltmp2:
0x78: {  	s0 =	simm.s32 @!p0 $0x3;
	[sflag:s17] =	ssyncadd.s32 $0xFFFFD900;
	(pc) =	sbr.rel @p1 .LBB2_1-.Ltmp2, $4  }
0x79: {  	[hbm:s14], [sflag:s5] =	dma.local @!p0 [spmem:s24], $0x100  }
0x7a: {  	_ =	swait.ge @!p0 [sflag:s0], $0x100  }
0x7b: {  	[sflag:s0] =	ssyncset.done @!p0 $0x0  }
0x7c: {  	[sflag:s0] =	ssyncadd.s32 @!p0 $0xFFFFFF00  }
0x7d: {  	_ =	sfence.sel $0x180000  }
0x7e: {  	[bflag:$0x0] =	sbarrier.arrive $0xFFFF  }
0x7f: {  	_ =	strace $0x90000053  }
0x80: {  	s0 =	stileid.u32;
	[bflag:$0x2] =	sbarrier.arrive $0xFFFF  }
0x81: {  	p0 =	sne.s32 s0, $0x0;
	s0 =	rddreg [dreg:$0x3]  }
0x82: {  	s0 =	sadd.s32 @!p0 $0x100000, s0  }
0x83: {  	[sflag:s0] =	ssyncadd.tile.s32 @!p0 $0x1;
	_ =	shalt  }
.Lfunc_end2:
_tile_overlayer_lowered:
.L_overlay_start_2:
0x84: {  	(tag) =	ssettag $0x2  }
0x85: {  	s0 =	rddreg [dreg:$0x0];
	s2 =	stileid.u32  }
0x86: {  	s1 =	rddreg [dreg:$0x1];
	p0 =	sne.s32 s2, $0x0  }
0x87: {  	s3 =	rddreg [dreg:$0x2];
	[bflag:$0x3] =	sbarrier.arrive $0xFFFF;
	s2 =	simm.s32 @!p0 $0x1C03  }
0x88: {  	[timem:s3], [sflag:s2] =	dma.local @!p0 [hbm:s0], s1  }
0x89: {  	s0 =	simm.s32 @!p0 $0x3  }
0x8a: {  	_ =	swait.ge @!p0 [sflag:s0], s1  }
0x8b: {  	s1 =	ssub.s32 @!p0 $0x0, s1;
	[sflag:s0] =	ssyncset.done @!p0 $0x0  }
0x8c: {  	[sflag:s0] =	ssyncadd.s32 @!p0 s1  }
0x8d: {  	[bflag:$0x3] =	sbarrier.arrive $0xFFFF  }
0x8e: {  	_ =	shalt  }

</sc_bundles>
